<compile_context>
chip_gen: v7x
topology: tpu7x:2x2x1
jax: 0.10.2.dev20260603
libtpu: 0.0.44.dev20260713+nightly
codegen_flags: <defaults>
</compile_context>

<pallas_src>
import functools

import jax
import jax.numpy as jnp
from jax import lax
from jax.experimental import pallas as pl
from jax.experimental.pallas import tpu as pltpu
from jax.experimental.pallas import tpu_sc as plsc

N = 10000
NP = 10240
E = 320000
EP = 327680
D = 128
NC = 2
NS = 16
CH = 80
NB = 4
EPT = EP // (NC * NS)
NCH = EPT // CH
RPT = NP // NS
ZR = 128

_mesh = plsc.VectorSubcoreMesh(core_axis_name="c", subcore_axis_name="s")


def _fill_1d(ref, n, val, dtype):
    def body(i, _):
        ref[pl.ds(i * 16, 16)] = jnp.full((16,), val, dtype)
        return 0
    lax.fori_loop(0, n // 16, body, 0)


def _fill_2d(ref, rows, cols, val, dtype):
    def body(r, _):
        for j in range(cols // 16):
            ref[r, pl.ds(j * 16, 16)] = jnp.full((16,), val, dtype)
        return 0
    lax.fori_loop(0, rows, body, 0)


_DIB = 8
_DSB = 4


@functools.partial(
    pl.kernel,
    out_type=jax.ShapeDtypeStruct((NC, NP), jnp.float32),
    mesh=_mesh,
    scratch_types=[
        pltpu.VMEM_SHARED((NP,), jnp.float32),
        pltpu.VMEM((CH,), jnp.float32),
        pltpu.VMEM((RPT,), jnp.float32),
    ]
    + [pltpu.VMEM((CH,), jnp.int32)] * _DIB
    + [pltpu.SemaphoreType.DMA] * (_DIB + _DSB),
)
def _deg_kernel(dst, out, acc, ones_buf, zbuf, *rest):
    idx_bufs = rest[:_DIB]
    isems = rest[_DIB:2 * _DIB]
    ssems = rest[2 * _DIB:]
    c = lax.axis_index("c")
    s = lax.axis_index("s")
    _fill_1d(ones_buf, CH, 1.0, jnp.float32)
    _fill_1d(zbuf, RPT, 0.0, jnp.float32)
    zoff = pl.multiple_of(s * RPT, 8)
    pltpu.sync_copy(zbuf, acc.at[pl.ds(zoff, RPT)])
    plsc.subcore_barrier()
    nch = EPT // CH
    tile_base = (c * NS + s) * EPT

    def _fire_idx(k, jj):
        bb = pl.multiple_of(tile_base + k * CH, 8)
        pltpu.async_copy(dst.at[pl.ds(bb, CH)], idx_bufs[jj], isems[jj])

    def _drain_idx(jj):
        pltpu.make_async_copy(dst.at[pl.ds(0, CH)], idx_bufs[jj], isems[jj]).wait()

    def _drain_sc(r):
        pltpu.make_async_copy(out.at[0, pl.ds(0, CH)], ones_buf, ssems[r]).wait()

    for j in range(_DSB):
        _fire_idx(j, j)

    def outer(gi, _):
        k0 = gi * _DIB
        for jj in range(_DIB):
            k = k0 + jj
            r = jj % _DSB
            _drain_idx(jj)

            @pl.when(k >= _DSB)
            def _():
                _drain_sc(r)

            @pl.when(k + _DSB < nch)
            def _():
                _fire_idx(k + _DSB, (jj + _DSB) % _DIB)

            pltpu.async_copy(ones_buf, acc.at[idx_bufs[jj]], ssems[r], add=True)
        return 0

    lax.fori_loop(0, nch // _DIB, outer, 0)
    for r in range(_DSB):
        _drain_sc(r)
    plsc.subcore_barrier()
    pltpu.sync_copy(acc.at[pl.ds(zoff, RPT)], out.at[c, pl.ds(zoff, RPT)])


IB = 2 * NB
PF = NB


@functools.partial(
    pl.kernel,
    out_type=jax.ShapeDtypeStruct((NC, NP, D), jnp.float32),
    mesh=_mesh,
    scratch_types=[
        pltpu.VMEM_SHARED((NP, D), jnp.float32),
    ]
    + [pltpu.VMEM((CH,), jnp.int32)] * IB
    + [pltpu.VMEM((CH,), jnp.int32)] * IB
    + [pltpu.VMEM((CH, D), jnp.float32)] * NB
    + [pltpu.SemaphoreType.DMA] * (IB + 2 * NB),
)
def _agg_kernel(g, src, dst, out, sh_acc, *rest):
    src_bufs = rest[:IB]
    dst_bufs = rest[IB:2 * IB]
    rows_bufs = rest[2 * IB:2 * IB + NB]
    isems = rest[2 * IB + NB:2 * IB + NB + IB]
    gsems = rest[2 * IB + NB + IB:2 * IB + NB + IB + NB]
    ssems = rest[2 * IB + NB + IB + NB:]
    c = lax.axis_index("c")
    s = lax.axis_index("s")
    _fill_2d(rows_bufs[0], CH, D, 0.0, jnp.float32)
    row0 = s * RPT
    zds = [pltpu.async_copy(rows_bufs[0],
                            sh_acc.at[pl.ds(row0 + z * CH, CH), :],
                            ssems[z % NB]) for z in range(RPT // CH)]
    for d in zds:
        d.wait()
    plsc.subcore_barrier()

    tile_base = (c * NS + s) * EPT

    def _fire_idx(k, jj):
        bb = pl.multiple_of(tile_base + k * CH, 8)
        pltpu.async_copy(src.at[pl.ds(bb, CH)], src_bufs[jj], isems[jj])
        pltpu.async_copy(dst.at[pl.ds(bb, CH)], dst_bufs[jj], isems[jj])

    def _drain_idx(jj):
        pltpu.make_async_copy(src.at[pl.ds(0, CH)], src_bufs[jj], isems[jj]).wait()
        pltpu.make_async_copy(dst.at[pl.ds(0, CH)], dst_bufs[jj], isems[jj]).wait()

    def _drain_rows(sems, r):
        pltpu.make_async_copy(g.at[pl.ds(0, CH), :], rows_bufs[r], sems[r]).wait()

    for j in range(PF):
        _fire_idx(j, j)

    LAG = 3

    def outer(gi, _):
        k0 = gi * IB
        for jj in range(IB):
            k = k0 + jj
            r = jj % NB
            _drain_idx(jj)

            @pl.when(k >= NB)
            def _():
                _drain_rows(ssems, r)

            @pl.when(k + PF < NCH)
            def _():
                _fire_idx(k + PF, (jj + PF) % IB)

            pltpu.async_copy(g.at[src_bufs[jj]], rows_bufs[r], gsems[r])

            @pl.when(k >= LAG)
            def _():
                rp = (jj + NB - LAG) % NB
                _drain_rows(gsems, rp)
                pltpu.async_copy(rows_bufs[rp],
                                 sh_acc.at[dst_bufs[(jj + IB - LAG) % IB]],
                                 ssems[rp], add=True)
        return 0

    lax.fori_loop(0, NCH // IB, outer, 0)
    for k in range(NCH, NCH + LAG):
        rp = (k - LAG) % NB
        _drain_rows(gsems, rp)
        pltpu.async_copy(rows_bufs[rp], sh_acc.at[dst_bufs[(k - LAG) % IB]],
                         ssems[rp], add=True)
    for r in range(NB):
        _drain_rows(ssems, r)
    plsc.subcore_barrier()
    pltpu.sync_copy(sh_acc.at[pl.ds(row0, RPT), :], out.at[c, pl.ds(row0, RPT), :])


def _tc_first_body(x_ref, w_ref, degp_ref, g_ref, dinv_ref):
    deg = degp_ref[0] + degp_ref[1] + 1.0
    dinv = lax.rsqrt(deg)
    h = jnp.dot(x_ref[...], w_ref[...], preferred_element_type=jnp.float32)
    g_ref[:N] = h * dinv[:N]
    g_ref[N:] = jnp.zeros((NP - N, D), jnp.float32)
    dinv_ref[...] = dinv


def _tc_mid_body(a_ref, g_ref, dinv_ref, w_ref, b_ref, og_ref):
    dinv = dinv_ref[...]
    agg = a_ref[0, :N] + a_ref[1, :N] + g_ref[:N]
    f = jnp.maximum(dinv[:N] * agg + b_ref[...], 0.0)
    h = jnp.dot(f, w_ref[...], preferred_element_type=jnp.float32)
    og_ref[:N] = h * dinv[:N]
    og_ref[N:] = jnp.zeros((NP - N, D), jnp.float32)


def _tc_last_body(a_ref, g_ref, dinv_ref, b_ref, o_ref):
    dinv = dinv_ref[...]
    agg = a_ref[0, :N] + a_ref[1, :N] + g_ref[:N]
    o_ref[...] = dinv[:N] * agg + b_ref[...]


_tc_first = pl.pallas_call(
    _tc_first_body,
    out_shape=[
        jax.ShapeDtypeStruct((NP, D), jnp.float32),
        jax.ShapeDtypeStruct((NP, 1), jnp.float32),
    ],
)

_tc_mid = pl.pallas_call(
    _tc_mid_body,
    out_shape=jax.ShapeDtypeStruct((NP, D), jnp.float32),
)

_tc_last = pl.pallas_call(
    _tc_last_body,
    out_shape=jax.ShapeDtypeStruct((N, D), jnp.float32),
)


def kernel(x, edge_index, W1, b1, W2, b2, W3, b3):
    pad = N + (jnp.arange(EP - E, dtype=jnp.int32) % (NP - N))
    src = jnp.concatenate([edge_index[0], pad])
    dst = jnp.concatenate([edge_index[1], pad])
    degp = _deg_kernel(dst)[:, :, None]
    g1, dinv = _tc_first(x, W1, degp)
    a1 = _agg_kernel(g1, src, dst)
    g2 = _tc_mid(a1, g1, dinv, W2, b1.reshape(1, D))
    a2 = _agg_kernel(g2, src, dst)
    g3 = _tc_mid(a2, g2, dinv, W3, b2.reshape(1, D))
    a3 = _agg_kernel(g3, src, dst)
    return _tc_last(a3, g3, dinv, b3.reshape(1, D))

# --- scband reference (transcript-rebuilt; emitter-appended) ---
"""Pipeline reference for scband-configurable-gcn-75746043232585 (READ-ONLY COPY).

The authoritative reference and input builder live on the scoring server;
editing this copy changes nothing except your own understanding.
"""

import jax, jax.numpy as jnp
import numpy as np


def gcn_layer(x, edge_index, W, b):
    # PyG GCNConv semantics: add self-loops, symmetric degree normalization,
    # linear transform, scatter-add aggregation, bias.
    N = x.shape[0]
    loop = jnp.arange(N, dtype=edge_index.dtype)
    src = jnp.concatenate([edge_index[0], loop])
    dst = jnp.concatenate([edge_index[1], loop])
    ones = jnp.ones(src.shape[0], dtype=x.dtype)
    deg = jnp.zeros((N,), dtype=x.dtype).at[dst].add(ones)
    dinv = jnp.where(deg > 0, jax.lax.rsqrt(jnp.maximum(deg, 1e-12)), 0.0)
    norm = dinv[src] * dinv[dst]
    h = x @ W
    msg = jnp.take(h, src, axis=0) * norm[:, None]
    out = jnp.zeros((N, W.shape[1]), dtype=x.dtype).at[dst].add(msg)
    return out + b


def setup_inputs(seed: int = 0) -> dict:
    key = jax.random.key(seed)
    ks = jax.random.split(key, 8)
    N, E, d = 10000, 320000, 128
    x = jax.random.normal(ks[0], (N, d), dtype=jnp.float32)
    edge_index = jax.random.randint(ks[1], (2, E), 0, N, dtype=jnp.int32)
    scale = 1.0 / np.sqrt(d)
    W1 = jax.random.normal(ks[2], (d, 128), dtype=jnp.float32) * scale
    b1 = jnp.zeros((128,), dtype=jnp.float32)
    W2 = jax.random.normal(ks[3], (128, 128), dtype=jnp.float32) * scale
    b2 = jnp.zeros((128,), dtype=jnp.float32)
    W3 = jax.random.normal(ks[4], (128, 128), dtype=jnp.float32) * scale
    b3 = jnp.zeros((128,), dtype=jnp.float32)
    return {"x": x, "edge_index": edge_index, "W1": W1, "b1": b1, "W2": W2, "b2": b2, "W3": W3, "b3": b3}


def reference(x, edge_index, W1, b1, W2, b2, W3, b3):
    # layer 0 (in -> hidden0)
    h = gcn_layer(x, edge_index, W1, b1)
    h = jax.nn.relu(h)
    # layer 1 (hidden0 -> hidden1)
    h = gcn_layer(h, edge_index, W2, b2)
    h = jax.nn.relu(h)
    # layer 2 (hidden1 -> out), no activation on last layer
    h = gcn_layer(h, edge_index, W3, b3)
    return h

if __name__ == "__main__":
    import jax
    _d = setup_inputs()
    print(jax.jit(kernel)(*tuple(_d.values())))

</pallas_src>

<mosaic_0001>
#map = affine_map<(d0, d1) -> (0)>
#map1 = affine_map<(d0, d1) -> (0, 0)>
module attributes {stable_mosaic.version = 14 : i64} {
  func.func @_deg_kernel(%arg0: i32, %arg1: i32, %arg2: memref<327680xi32, #tpu.memory_space<hbm>>, %arg3: memref<2x10240xf32, #tpu.memory_space<hbm>>, %arg4: memref<10240xf32, #tpu.memory_space<vmem_shared>>, %arg5: memref<80xf32, #tpu.memory_space<vmem>>, %arg6: memref<640xf32, #tpu.memory_space<vmem>>, %arg7: memref<80xi32, #tpu.memory_space<vmem>>, %arg8: memref<80xi32, #tpu.memory_space<vmem>>, %arg9: memref<80xi32, #tpu.memory_space<vmem>>, %arg10: memref<80xi32, #tpu.memory_space<vmem>>, %arg11: memref<80xi32, #tpu.memory_space<vmem>>, %arg12: memref<80xi32, #tpu.memory_space<vmem>>, %arg13: memref<80xi32, #tpu.memory_space<vmem>>, %arg14: memref<80xi32, #tpu.memory_space<vmem>>, %arg15: memref<!tpu.dma_semaphore, #tpu.memory_space<semaphore_mem>>, %arg16: memref<!tpu.dma_semaphore, #tpu.memory_space<semaphore_mem>>, %arg17: memref<!tpu.dma_semaphore, #tpu.memory_space<semaphore_mem>>, %arg18: memref<!tpu.dma_semaphore, #tpu.memory_space<semaphore_mem>>, %arg19: memref<!tpu.dma_semaphore, #tpu.memory_space<semaphore_mem>>, %arg20: memref<!tpu.dma_semaphore, #tpu.memory_space<semaphore_mem>>, %arg21: memref<!tpu.dma_semaphore, #tpu.memory_space<semaphore_mem>>, %arg22: memref<!tpu.dma_semaphore, #tpu.memory_space<semaphore_mem>>, %arg23: memref<!tpu.dma_semaphore, #tpu.memory_space<semaphore_mem>>, %arg24: memref<!tpu.dma_semaphore, #tpu.memory_space<semaphore_mem>>, %arg25: memref<!tpu.dma_semaphore, #tpu.memory_space<semaphore_mem>>, %arg26: memref<!tpu.dma_semaphore, #tpu.memory_space<semaphore_mem>>) attributes {dimension_semantics = [#tpu.dimension_semantics<core_parallel>, #tpu.dimension_semantics<subcore_parallel>], iteration_bounds = array<i64: 2, 16>, scalar_prefetch = 0 : i64, scratch_operands = 23 : i64, tpu.core_type = #tpu.core_type<sc_vector_subcore>, window_params = [{transform_indices = #map}, {transform_indices = #map1}]} {
    %scan3A = arith.constant 0 : i32
    %scan3A_0 = arith.constant 0 : i32
    %scan3A_1 = arith.constant 5 : i32
    %scan3A_2 = arith.addi %scan3A_0, %scan3A_1 : i32
    %scan3A_3 = arith.constant 1 : i32
    %scan3A_4 = scf.for %scan3A_72 = %scan3A_0 to %scan3A_2 step %scan3A_3 iter_args(%scan3A_73 = %scan3A) -> (i32)  : i32 {
      %broadcast_in_dim3A = arith.constant 1.000000e+00 : f32
      %broadcast_in_dim3A_74 = vector.broadcast %broadcast_in_dim3A : f32 to vector<16xf32>
      %mul3A_75 = arith.constant 16 : i32
      %mul3A_76 = arith.muli %scan3A_72, %mul3A_75 : i32
      %swap3A = arith.index_cast %mul3A_76 : i32 to index
      %swap3A_77 = tpu.vector_load %arg5[%swap3A] {strides = array<i32>} : memref<80xf32, #tpu.memory_space<vmem>>, vector<16xf32>,
      %swap3A_78 = vector.shape_cast %swap3A_77 : vector<16xf32> to vector<16xf32>
      %swap3A_79 = vector.shape_cast %broadcast_in_dim3A_74 : vector<16xf32> to vector<16xf32>
      tpu.vector_store %arg5[%swap3A], %swap3A_79 {strides = array<i32>} : memref<80xf32, #tpu.memory_space<vmem>>, vector<16xf32>,
      %scan3A_80 = arith.constant 0 : i32
      scf.yield %scan3A_80 : i32
    }
    %scan3A_5 = arith.constant 5 : i32
    %scan3A_6 = arith.constant 0 : i32
    %scan3A_7 = arith.constant 0 : i32
    %scan3A_8 = arith.constant 40 : i32
    %scan3A_9 = arith.addi %scan3A_7, %scan3A_8 : i32
    %scan3A_10 = arith.constant 1 : i32
    %scan3A_11 = scf.for %scan3A_72 = %scan3A_7 to %scan3A_9 step %scan3A_10 iter_args(%scan3A_73 = %scan3A_6) -> (i32)  : i32 {
      %broadcast_in_dim3A = arith.constant 0.000000e+00 : f32
      %broadcast_in_dim3A_74 = vector.broadcast %broadcast_in_dim3A : f32 to vector<16xf32>
      %mul3A_75 = arith.constant 16 : i32
      %mul3A_76 = arith.muli %scan3A_72, %mul3A_75 : i32
      %swap3A = arith.index_cast %mul3A_76 : i32 to index
      %swap3A_77 = tpu.vector_load %arg6[%swap3A] {strides = array<i32>} : memref<640xf32, #tpu.memory_space<vmem>>, vector<16xf32>,
      %swap3A_78 = vector.shape_cast %swap3A_77 : vector<16xf32> to vector<16xf32>
      %swap3A_79 = vector.shape_cast %broadcast_in_dim3A_74 : vector<16xf32> to vector<16xf32>
      tpu.vector_store %arg6[%swap3A], %swap3A_79 {strides = array<i32>} : memref<640xf32, #tpu.memory_space<vmem>>, vector<16xf32>,
      %scan3A_80 = arith.constant 0 : i32
      scf.yield %scan3A_80 : i32
    }
    %scan3A_12 = arith.constant 40 : i32
    %mul3A = arith.constant 640 : i32
    %mul3A_13 = arith.muli %arg1, %mul3A : i32
    %multiple_of3A = tpu.assume_multiple %mul3A_13, 8 : i32
    "tpu.region"() ({
      %run_scoped3A = tpu.sem_alloc : memref<!tpu.dma_semaphore, #tpu.memory_space<semaphore_mem>>
      %dma_start3A_72 = tpu.memref_slice %arg4[%multiple_of3A] : memref<10240xf32, #tpu.memory_space<vmem_shared>> -> memref<640xf32, #tpu.memory_space<vmem_shared>>
      %dma_start3A_73 = tpu.memref_slice %arg4[%multiple_of3A] : memref<10240xf32, #tpu.memory_space<vmem_shared>> -> memref<640xf32, #tpu.memory_space<vmem_shared>>
      tpu.enqueue_dma source(%arg6 : memref<640xf32, #tpu.memory_space<vmem>>) target(%dma_start3A_73 : memref<640xf32, #tpu.memory_space<vmem_shared>>) target_semaphore(%run_scoped3A : memref<!tpu.dma_semaphore, #tpu.memory_space<semaphore_mem>>)
      %dma_wait3A_74 = tpu.memref_slice %arg4[%multiple_of3A] : memref<10240xf32, #tpu.memory_space<vmem_shared>> -> memref<640xf32, #tpu.memory_space<vmem_shared>>
      %dma_wait3A_75 = tpu.memref_slice %arg4[%multiple_of3A] : memref<10240xf32, #tpu.memory_space<vmem_shared>> -> memref<640xf32, #tpu.memory_space<vmem_shared>>
      tpu.wait_dma2 semaphore(%run_scoped3A : memref<!tpu.dma_semaphore, #tpu.memory_space<semaphore_mem>>) src(%arg6 : memref<640xf32, #tpu.memory_space<vmem>>) dst(%dma_wait3A_75 : memref<640xf32, #tpu.memory_space<vmem_shared>>)
      tpu.yield
    }) : () -> ()
    %barrier3A = arith.constant 0 : index
    tpu.barrier barrier_id(%barrier3A)
    %mul3A_14 = arith.constant 16 : i32
    %mul3A_15 = arith.muli %arg0, %mul3A_14 : i32
    %add3A = arith.addi %mul3A_15, %arg1 : i32
    %mul3A_16 = arith.constant 10240 : i32
    %mul3A_17 = arith.muli %add3A, %mul3A_16 : i32
    %add3A_18 = arith.constant 0 : i32
    %add3A_19 = arith.addi %mul3A_17, %add3A_18 : i32
    %multiple_of3A_20 = tpu.assume_multiple %add3A_19, 8 : i32
    %dma_start3A = tpu.memref_slice %arg2[%multiple_of3A_20] : memref<327680xi32, #tpu.memory_space<hbm>> -> memref<80xi32, #tpu.memory_space<hbm>>
    %dma_start3A_21 = tpu.memref_slice %arg2[%multiple_of3A_20] : memref<327680xi32, #tpu.memory_space<hbm>> -> memref<80xi32, #tpu.memory_space<hbm>>
    tpu.enqueue_dma source(%dma_start3A_21 : memref<80xi32, #tpu.memory_space<hbm>>) target(%arg7 : memref<80xi32, #tpu.memory_space<vmem>>) target_semaphore(%arg15 : memref<!tpu.dma_semaphore, #tpu.memory_space<semaphore_mem>>)
    %add3A_22 = arith.constant 80 : i32
    %add3A_23 = arith.addi %mul3A_17, %add3A_22 : i32
    %multiple_of3A_24 = tpu.assume_multiple %add3A_23, 8 : i32
    %dma_start3A_25 = tpu.memref_slice %arg2[%multiple_of3A_24] : memref<327680xi32, #tpu.memory_space<hbm>> -> memref<80xi32, #tpu.memory_space<hbm>>
    %dma_start3A_26 = tpu.memref_slice %arg2[%multiple_of3A_24] : memref<327680xi32, #tpu.memory_space<hbm>> -> memref<80xi32, #tpu.memory_space<hbm>>
    tpu.enqueue_dma source(%dma_start3A_26 : memref<80xi32, #tpu.memory_space<hbm>>) target(%arg8 : memref<80xi32, #tpu.memory_space<vmem>>) target_semaphore(%arg16 : memref<!tpu.dma_semaphore, #tpu.memory_space<semaphore_mem>>)
    %add3A_27 = arith.constant 160 : i32
    %add3A_28 = arith.addi %mul3A_17, %add3A_27 : i32
    %multiple_of3A_29 = tpu.assume_multiple %add3A_28, 8 : i32
    %dma_start3A_30 = tpu.memref_slice %arg2[%multiple_of3A_29] : memref<327680xi32, #tpu.memory_space<hbm>> -> memref<80xi32, #tpu.memory_space<hbm>>
    %dma_start3A_31 = tpu.memref_slice %arg2[%multiple_of3A_29] : memref<327680xi32, #tpu.memory_space<hbm>> -> memref<80xi32, #tpu.memory_space<hbm>>
    tpu.enqueue_dma source(%dma_start3A_31 : memref<80xi32, #tpu.memory_space<hbm>>) target(%arg9 : memref<80xi32, #tpu.memory_space<vmem>>) target_semaphore(%arg17 : memref<!tpu.dma_semaphore, #tpu.memory_space<semaphore_mem>>)
    %add3A_32 = arith.constant 240 : i32
    %add3A_33 = arith.addi %mul3A_17, %add3A_32 : i32
    %multiple_of3A_34 = tpu.assume_multiple %add3A_33, 8 : i32
    %dma_start3A_35 = tpu.memref_slice %arg2[%multiple_of3A_34] : memref<327680xi32, #tpu.memory_space<hbm>> -> memref<80xi32, #tpu.memory_space<hbm>>
    %dma_start3A_36 = tpu.memref_slice %arg2[%multiple_of3A_34] : memref<327680xi32, #tpu.memory_space<hbm>> -> memref<80xi32, #tpu.memory_space<hbm>>
    tpu.enqueue_dma source(%dma_start3A_36 : memref<80xi32, #tpu.memory_space<hbm>>) target(%arg10 : memref<80xi32, #tpu.memory_space<vmem>>) target_semaphore(%arg18 : memref<!tpu.dma_semaphore, #tpu.memory_space<semaphore_mem>>)
    %scan3A_37 = arith.constant 0 : i32
    %scan3A_38 = arith.constant 0 : i32
    %scan3A_39 = arith.constant 16 : i32
    %scan3A_40 = arith.addi %scan3A_38, %scan3A_39 : i32
    %scan3A_41 = arith.constant 1 : i32
    %scan3A_42 = scf.for %scan3A_72 = %scan3A_38 to %scan3A_40 step %scan3A_41 iter_args(%scan3A_73 = %scan3A_37) -> (i32)  : i32 {
      %mul3A_74 = arith.constant 8 : i32
      %mul3A_75 = arith.muli %scan3A_72, %mul3A_74 : i32
      %add3A_76 = arith.constant 0 : i32
      %add3A_77 = arith.addi %mul3A_75, %add3A_76 : i32
      %dma_wait3A_78 = arith.constant 0 : i32
      %dma_wait3A_79 = tpu.memref_slice %arg2[%dma_wait3A_78] : memref<327680xi32, #tpu.memory_space<hbm>> -> memref<80xi32, #tpu.memory_space<hbm>>
      %dma_wait3A_80 = arith.constant 0 : i32
      %dma_wait3A_81 = tpu.memref_slice %arg2[%dma_wait3A_80] : memref<327680xi32, #tpu.memory_space<hbm>> -> memref<80xi32, #tpu.memory_space<hbm>>
      tpu.wait_dma2 semaphore(%arg15 : memref<!tpu.dma_semaphore, #tpu.memory_space<semaphore_mem>>) src(%dma_wait3A_81 : memref<80xi32, #tpu.memory_space<hbm>>) dst(%arg7 : memref<80xi32, #tpu.memory_space<vmem>>)
      %ge3A = arith.constant 4 : i32
      %ge3A_82 = arith.cmpi sge, %add3A_77, %ge3A : i32
      %convert_element_type3A = arith.extui %ge3A_82 : i1 to i32
      %cond3A = arith.constant 0 : i32
      %cond3A_83 = arith.cmpi ne, %convert_element_type3A, %cond3A : i32
      scf.if %cond3A_83 {
        %dma_wait3A_233 = arith.constant 0 : i32
        %dma_wait3A_234 = arith.constant 0 : i32
        %dma_wait3A_235 = tpu.memref_slice %arg3[%dma_wait3A_233, %dma_wait3A_234] : memref<2x10240xf32, #tpu.memory_space<hbm>> -> memref<1x80xf32, #tpu.memory_space<hbm>>
        %dma_wait3A_236 = tpu.memref_squeeze %dma_wait3A_235 : memref<1x80xf32, #tpu.memory_space<hbm>> -> memref<80xf32, #tpu.memory_space<hbm>>
        %dma_wait3A_237 = arith.constant 0 : i32
        %dma_wait3A_238 = tpu.memref_slice %arg3[%dma_wait3A_233, %dma_wait3A_237] : memref<2x10240xf32, #tpu.memory_space<hbm>> -> memref<1x80xf32, #tpu.memory_space<hbm>>
        %dma_wait3A_239 = tpu.memref_squeeze %dma_wait3A_238 : memref<1x80xf32, #tpu.memory_space<hbm>> -> memref<80xf32, #tpu.memory_space<hbm>>
        tpu.wait_dma2 semaphore(%arg23 : memref<!tpu.dma_semaphore, #tpu.memory_space<semaphore_mem>>) src(%dma_wait3A_239 : memref<80xf32, #tpu.memory_space<hbm>>) dst(%arg5 : memref<80xf32, #tpu.memory_space<vmem>>)
      } else {
      }
      %add3A_84 = arith.constant 4 : i32
      %add3A_85 = arith.addi %add3A_77, %add3A_84 : i32
      %lt3A = arith.constant 128 : i32
      %lt3A_86 = arith.cmpi slt, %add3A_85, %lt3A : i32
      %convert_element_type3A_87 = arith.extui %lt3A_86 : i1 to i32
      %cond3A_88 = arith.constant 0 : i32
      %cond3A_89 = arith.cmpi ne, %convert_element_type3A_87, %cond3A_88 : i32
      scf.if %cond3A_89 {
        %add3A_233 = arith.constant 4 : i32
        %add3A_234 = arith.addi %add3A_77, %add3A_233 : i32
        %mul3A_235 = arith.constant 80 : i32
        %mul3A_236 = arith.muli %add3A_234, %mul3A_235 : i32
        %add3A_237 = arith.addi %mul3A_17, %mul3A_236 : i32
        %multiple_of3A_238 = tpu.assume_multiple %add3A_237, 8 : i32
        %dma_start3A_239 = tpu.memref_slice %arg2[%multiple_of3A_238] : memref<327680xi32, #tpu.memory_space<hbm>> -> memref<80xi32, #tpu.memory_space<hbm>>
        %dma_start3A_240 = tpu.memref_slice %arg2[%multiple_of3A_238] : memref<327680xi32, #tpu.memory_space<hbm>> -> memref<80xi32, #tpu.memory_space<hbm>>
        tpu.enqueue_dma source(%dma_start3A_240 : memref<80xi32, #tpu.memory_space<hbm>>) target(%arg11 : memref<80xi32, #tpu.memory_space<vmem>>) target_semaphore(%arg19 : memref<!tpu.dma_semaphore, #tpu.memory_space<semaphore_mem>>)
      } else {
      }
      %dma_start3A_90 = arith.constant 0 : i32
      %dma_start3A_91 = tpu.memref_slice %arg4[%dma_start3A_90] : memref<10240xf32, #tpu.memory_space<vmem_shared>> -> memref<10240xf32, #tpu.memory_space<vmem_shared>>
      tpu.enqueue_indirect_dma source(%arg5 : memref<80xf32, #tpu.memory_space<vmem>>) target(%dma_start3A_91 : memref<10240xf32, #tpu.memory_space<vmem_shared>>) offsets(%arg7 : memref<80xi32, #tpu.memory_space<vmem>>) semaphore(%arg23 : memref<!tpu.dma_semaphore, #tpu.memory_space<semaphore_mem>>) {add = true}
      %add3A_92 = arith.constant 1 : i32
      %add3A_93 = arith.addi %mul3A_75, %add3A_92 : i32
      %dma_wait3A_94 = arith.constant 0 : i32
      %dma_wait3A_95 = tpu.memref_slice %arg2[%dma_wait3A_94] : memref<327680xi32, #tpu.memory_space<hbm>> -> memref<80xi32, #tpu.memory_space<hbm>>
      %dma_wait3A_96 = arith.constant 0 : i32
      %dma_wait3A_97 = tpu.memref_slice %arg2[%dma_wait3A_96] : memref<327680xi32, #tpu.memory_space<hbm>> -> memref<80xi32, #tpu.memory_space<hbm>>
      tpu.wait_dma2 semaphore(%arg16 : memref<!tpu.dma_semaphore, #tpu.memory_space<semaphore_mem>>) src(%dma_wait3A_97 : memref<80xi32, #tpu.memory_space<hbm>>) dst(%arg8 : memref<80xi32, #tpu.memory_space<vmem>>)
      %ge3A_98 = arith.constant 4 : i32
      %ge3A_99 = arith.cmpi sge, %add3A_93, %ge3A_98 : i32
      %convert_element_type3A_100 = arith.extui %ge3A_99 : i1 to i32
      %cond3A_101 = arith.constant 0 : i32
      %cond3A_102 = arith.cmpi ne, %convert_element_type3A_100, %cond3A_101 : i32
      scf.if %cond3A_102 {
        %dma_wait3A_233 = arith.constant 0 : i32
        %dma_wait3A_234 = arith.constant 0 : i32
        %dma_wait3A_235 = tpu.memref_slice %arg3[%dma_wait3A_233, %dma_wait3A_234] : memref<2x10240xf32, #tpu.memory_space<hbm>> -> memref<1x80xf32, #tpu.memory_space<hbm>>
        %dma_wait3A_236 = tpu.memref_squeeze %dma_wait3A_235 : memref<1x80xf32, #tpu.memory_space<hbm>> -> memref<80xf32, #tpu.memory_space<hbm>>
        %dma_wait3A_237 = arith.constant 0 : i32
        %dma_wait3A_238 = tpu.memref_slice %arg3[%dma_wait3A_233, %dma_wait3A_237] : memref<2x10240xf32, #tpu.memory_space<hbm>> -> memref<1x80xf32, #tpu.memory_space<hbm>>
        %dma_wait3A_239 = tpu.memref_squeeze %dma_wait3A_238 : memref<1x80xf32, #tpu.memory_space<hbm>> -> memref<80xf32, #tpu.memory_space<hbm>>
        tpu.wait_dma2 semaphore(%arg24 : memref<!tpu.dma_semaphore, #tpu.memory_space<semaphore_mem>>) src(%dma_wait3A_239 : memref<80xf32, #tpu.memory_space<hbm>>) dst(%arg5 : memref<80xf32, #tpu.memory_space<vmem>>)
      } else {
      }
      %add3A_103 = arith.constant 4 : i32
      %add3A_104 = arith.addi %add3A_93, %add3A_103 : i32
      %lt3A_105 = arith.constant 128 : i32
      %lt3A_106 = arith.cmpi slt, %add3A_104, %lt3A_105 : i32
      %convert_element_type3A_107 = arith.extui %lt3A_106 : i1 to i32
      %cond3A_108 = arith.constant 0 : i32
      %cond3A_109 = arith.cmpi ne, %convert_element_type3A_107, %cond3A_108 : i32
      scf.if %cond3A_109 {
        %add3A_233 = arith.constant 4 : i32
        %add3A_234 = arith.addi %add3A_93, %add3A_233 : i32
        %mul3A_235 = arith.constant 80 : i32
        %mul3A_236 = arith.muli %add3A_234, %mul3A_235 : i32
        %add3A_237 = arith.addi %mul3A_17, %mul3A_236 : i32
        %multiple_of3A_238 = tpu.assume_multiple %add3A_237, 8 : i32
        %dma_start3A_239 = tpu.memref_slice %arg2[%multiple_of3A_238] : memref<327680xi32, #tpu.memory_space<hbm>> -> memref<80xi32, #tpu.memory_space<hbm>>
        %dma_start3A_240 = tpu.memref_slice %arg2[%multiple_of3A_238] : memref<327680xi32, #tpu.memory_space<hbm>> -> memref<80xi32, #tpu.memory_space<hbm>>
        tpu.enqueue_dma source(%dma_start3A_240 : memref<80xi32, #tpu.memory_space<hbm>>) target(%arg12 : memref<80xi32, #tpu.memory_space<vmem>>) target_semaphore(%arg20 : memref<!tpu.dma_semaphore, #tpu.memory_space<semaphore_mem>>)
      } else {
      }
      %dma_start3A_110 = arith.constant 0 : i32
      %dma_start3A_111 = tpu.memref_slice %arg4[%dma_start3A_110] : memref<10240xf32, #tpu.memory_space<vmem_shared>> -> memref<10240xf32, #tpu.memory_space<vmem_shared>>
      tpu.enqueue_indirect_dma source(%arg5 : memref<80xf32, #tpu.memory_space<vmem>>) target(%dma_start3A_111 : memref<10240xf32, #tpu.memory_space<vmem_shared>>) offsets(%arg8 : memref<80xi32, #tpu.memory_space<vmem>>) semaphore(%arg24 : memref<!tpu.dma_semaphore, #tpu.memory_space<semaphore_mem>>) {add = true}
      %add3A_112 = arith.constant 2 : i32
      %add3A_113 = arith.addi %mul3A_75, %add3A_112 : i32
      %dma_wait3A_114 = arith.constant 0 : i32
      %dma_wait3A_115 = tpu.memref_slice %arg2[%dma_wait3A_114] : memref<327680xi32, #tpu.memory_space<hbm>> -> memref<80xi32, #tpu.memory_space<hbm>>
      %dma_wait3A_116 = arith.constant 0 : i32
      %dma_wait3A_117 = tpu.memref_slice %arg2[%dma_wait3A_116] : memref<327680xi32, #tpu.memory_space<hbm>> -> memref<80xi32, #tpu.memory_space<hbm>>
      tpu.wait_dma2 semaphore(%arg17 : memref<!tpu.dma_semaphore, #tpu.memory_space<semaphore_mem>>) src(%dma_wait3A_117 : memref<80xi32, #tpu.memory_space<hbm>>) dst(%arg9 : memref<80xi32, #tpu.memory_space<vmem>>)
      %ge3A_118 = arith.constant 4 : i32
      %ge3A_119 = arith.cmpi sge, %add3A_113, %ge3A_118 : i32
      %convert_element_type3A_120 = arith.extui %ge3A_119 : i1 to i32
      %cond3A_121 = arith.constant 0 : i32
      %cond3A_122 = arith.cmpi ne, %convert_element_type3A_120, %cond3A_121 : i32
      scf.if %cond3A_122 {
        %dma_wait3A_233 = arith.constant 0 : i32
        %dma_wait3A_234 = arith.constant 0 : i32
        %dma_wait3A_235 = tpu.memref_slice %arg3[%dma_wait3A_233, %dma_wait3A_234] : memref<2x10240xf32, #tpu.memory_space<hbm>> -> memref<1x80xf32, #tpu.memory_space<hbm>>
        %dma_wait3A_236 = tpu.memref_squeeze %dma_wait3A_235 : memref<1x80xf32, #tpu.memory_space<hbm>> -> memref<80xf32, #tpu.memory_space<hbm>>
        %dma_wait3A_237 = arith.constant 0 : i32
        %dma_wait3A_238 = tpu.memref_slice %arg3[%dma_wait3A_233, %dma_wait3A_237] : memref<2x10240xf32, #tpu.memory_space<hbm>> -> memref<1x80xf32, #tpu.memory_space<hbm>>
        %dma_wait3A_239 = tpu.memref_squeeze %dma_wait3A_238 : memref<1x80xf32, #tpu.memory_space<hbm>> -> memref<80xf32, #tpu.memory_space<hbm>>
        tpu.wait_dma2 semaphore(%arg25 : memref<!tpu.dma_semaphore, #tpu.memory_space<semaphore_mem>>) src(%dma_wait3A_239 : memref<80xf32, #tpu.memory_space<hbm>>) dst(%arg5 : memref<80xf32, #tpu.memory_space<vmem>>)
      } else {
      }
      %add3A_123 = arith.constant 4 : i32
      %add3A_124 = arith.addi %add3A_113, %add3A_123 : i32
      %lt3A_125 = arith.constant 128 : i32
      %lt3A_126 = arith.cmpi slt, %add3A_124, %lt3A_125 : i32
      %convert_element_type3A_127 = arith.extui %lt3A_126 : i1 to i32
      %cond3A_128 = arith.constant 0 : i32
      %cond3A_129 = arith.cmpi ne, %convert_element_type3A_127, %cond3A_128 : i32
      scf.if %cond3A_129 {
        %add3A_233 = arith.constant 4 : i32
        %add3A_234 = arith.addi %add3A_113, %add3A_233 : i32
        %mul3A_235 = arith.constant 80 : i32
        %mul3A_236 = arith.muli %add3A_234, %mul3A_235 : i32
        %add3A_237 = arith.addi %mul3A_17, %mul3A_236 : i32
        %multiple_of3A_238 = tpu.assume_multiple %add3A_237, 8 : i32
        %dma_start3A_239 = tpu.memref_slice %arg2[%multiple_of3A_238] : memref<327680xi32, #tpu.memory_space<hbm>> -> memref<80xi32, #tpu.memory_space<hbm>>
        %dma_start3A_240 = tpu.memref_slice %arg2[%multiple_of3A_238] : memref<327680xi32, #tpu.memory_space<hbm>> -> memref<80xi32, #tpu.memory_space<hbm>>
        tpu.enqueue_dma source(%dma_start3A_240 : memref<80xi32, #tpu.memory_space<hbm>>) target(%arg13 : memref<80xi32, #tpu.memory_space<vmem>>) target_semaphore(%arg21 : memref<!tpu.dma_semaphore, #tpu.memory_space<semaphore_mem>>)
      } else {
      }
      %dma_start3A_130 = arith.constant 0 : i32
      %dma_start3A_131 = tpu.memref_slice %arg4[%dma_start3A_130] : memref<10240xf32, #tpu.memory_space<vmem_shared>> -> memref<10240xf32, #tpu.memory_space<vmem_shared>>
      tpu.enqueue_indirect_dma source(%arg5 : memref<80xf32, #tpu.memory_space<vmem>>) target(%dma_start3A_131 : memref<10240xf32, #tpu.memory_space<vmem_shared>>) offsets(%arg9 : memref<80xi32, #tpu.memory_space<vmem>>) semaphore(%arg25 : memref<!tpu.dma_semaphore, #tpu.memory_space<semaphore_mem>>) {add = true}
      %add3A_132 = arith.constant 3 : i32
      %add3A_133 = arith.addi %mul3A_75, %add3A_132 : i32
      %dma_wait3A_134 = arith.constant 0 : i32
      %dma_wait3A_135 = tpu.memref_slice %arg2[%dma_wait3A_134] : memref<327680xi32, #tpu.memory_space<hbm>> -> memref<80xi32, #tpu.memory_space<hbm>>
      %dma_wait3A_136 = arith.constant 0 : i32
      %dma_wait3A_137 = tpu.memref_slice %arg2[%dma_wait3A_136] : memref<327680xi32, #tpu.memory_space<hbm>> -> memref<80xi32, #tpu.memory_space<hbm>>
      tpu.wait_dma2 semaphore(%arg18 : memref<!tpu.dma_semaphore, #tpu.memory_space<semaphore_mem>>) src(%dma_wait3A_137 : memref<80xi32, #tpu.memory_space<hbm>>) dst(%arg10 : memref<80xi32, #tpu.memory_space<vmem>>)
      %ge3A_138 = arith.constant 4 : i32
      %ge3A_139 = arith.cmpi sge, %add3A_133, %ge3A_138 : i32
      %convert_element_type3A_140 = arith.extui %ge3A_139 : i1 to i32
      %cond3A_141 = arith.constant 0 : i32
      %cond3A_142 = arith.cmpi ne, %convert_element_type3A_140, %cond3A_141 : i32
      scf.if %cond3A_142 {
        %dma_wait3A_233 = arith.constant 0 : i32
        %dma_wait3A_234 = arith.constant 0 : i32
        %dma_wait3A_235 = tpu.memref_slice %arg3[%dma_wait3A_233, %dma_wait3A_234] : memref<2x10240xf32, #tpu.memory_space<hbm>> -> memref<1x80xf32, #tpu.memory_space<hbm>>
        %dma_wait3A_236 = tpu.memref_squeeze %dma_wait3A_235 : memref<1x80xf32, #tpu.memory_space<hbm>> -> memref<80xf32, #tpu.memory_space<hbm>>
        %dma_wait3A_237 = arith.constant 0 : i32
        %dma_wait3A_238 = tpu.memref_slice %arg3[%dma_wait3A_233, %dma_wait3A_237] : memref<2x10240xf32, #tpu.memory_space<hbm>> -> memref<1x80xf32, #tpu.memory_space<hbm>>
        %dma_wait3A_239 = tpu.memref_squeeze %dma_wait3A_238 : memref<1x80xf32, #tpu.memory_space<hbm>> -> memref<80xf32, #tpu.memory_space<hbm>>
        tpu.wait_dma2 semaphore(%arg26 : memref<!tpu.dma_semaphore, #tpu.memory_space<semaphore_mem>>) src(%dma_wait3A_239 : memref<80xf32, #tpu.memory_space<hbm>>) dst(%arg5 : memref<80xf32, #tpu.memory_space<vmem>>)
      } else {
      }
      %add3A_143 = arith.constant 4 : i32
      %add3A_144 = arith.addi %add3A_133, %add3A_143 : i32
      %lt3A_145 = arith.constant 128 : i32
      %lt3A_146 = arith.cmpi slt, %add3A_144, %lt3A_145 : i32
      %convert_element_type3A_147 = arith.extui %lt3A_146 : i1 to i32
      %cond3A_148 = arith.constant 0 : i32
      %cond3A_149 = arith.cmpi ne, %convert_element_type3A_147, %cond3A_148 : i32
      scf.if %cond3A_149 {
        %add3A_233 = arith.constant 4 : i32
        %add3A_234 = arith.addi %add3A_133, %add3A_233 : i32
        %mul3A_235 = arith.constant 80 : i32
        %mul3A_236 = arith.muli %add3A_234, %mul3A_235 : i32
        %add3A_237 = arith.addi %mul3A_17, %mul3A_236 : i32
        %multiple_of3A_238 = tpu.assume_multiple %add3A_237, 8 : i32
        %dma_start3A_239 = tpu.memref_slice %arg2[%multiple_of3A_238] : memref<327680xi32, #tpu.memory_space<hbm>> -> memref<80xi32, #tpu.memory_space<hbm>>
        %dma_start3A_240 = tpu.memref_slice %arg2[%multiple_of3A_238] : memref<327680xi32, #tpu.memory_space<hbm>> -> memref<80xi32, #tpu.memory_space<hbm>>
        tpu.enqueue_dma source(%dma_start3A_240 : memref<80xi32, #tpu.memory_space<hbm>>) target(%arg14 : memref<80xi32, #tpu.memory_space<vmem>>) target_semaphore(%arg22 : memref<!tpu.dma_semaphore, #tpu.memory_space<semaphore_mem>>)
      } else {
      }
      %dma_start3A_150 = arith.constant 0 : i32
      %dma_start3A_151 = tpu.memref_slice %arg4[%dma_start3A_150] : memref<10240xf32, #tpu.memory_space<vmem_shared>> -> memref<10240xf32, #tpu.memory_space<vmem_shared>>
      tpu.enqueue_indirect_dma source(%arg5 : memref<80xf32, #tpu.memory_space<vmem>>) target(%dma_start3A_151 : memref<10240xf32, #tpu.memory_space<vmem_shared>>) offsets(%arg10 : memref<80xi32, #tpu.memory_space<vmem>>) semaphore(%arg26 : memref<!tpu.dma_semaphore, #tpu.memory_space<semaphore_mem>>) {add = true}
      %add3A_152 = arith.constant 4 : i32
      %add3A_153 = arith.addi %mul3A_75, %add3A_152 : i32
      %dma_wait3A_154 = arith.constant 0 : i32
      %dma_wait3A_155 = tpu.memref_slice %arg2[%dma_wait3A_154] : memref<327680xi32, #tpu.memory_space<hbm>> -> memref<80xi32, #tpu.memory_space<hbm>>
      %dma_wait3A_156 = arith.constant 0 : i32
      %dma_wait3A_157 = tpu.memref_slice %arg2[%dma_wait3A_156] : memref<327680xi32, #tpu.memory_space<hbm>> -> memref<80xi32, #tpu.memory_space<hbm>>
      tpu.wait_dma2 semaphore(%arg19 : memref<!tpu.dma_semaphore, #tpu.memory_space<semaphore_mem>>) src(%dma_wait3A_157 : memref<80xi32, #tpu.memory_space<hbm>>) dst(%arg11 : memref<80xi32, #tpu.memory_space<vmem>>)
      %ge3A_158 = arith.constant 4 : i32
      %ge3A_159 = arith.cmpi sge, %add3A_153, %ge3A_158 : i32
      %convert_element_type3A_160 = arith.extui %ge3A_159 : i1 to i32
      %cond3A_161 = arith.constant 0 : i32
      %cond3A_162 = arith.cmpi ne, %convert_element_type3A_160, %cond3A_161 : i32
      scf.if %cond3A_162 {
        %dma_wait3A_233 = arith.constant 0 : i32
        %dma_wait3A_234 = arith.constant 0 : i32
        %dma_wait3A_235 = tpu.memref_slice %arg3[%dma_wait3A_233, %dma_wait3A_234] : memref<2x10240xf32, #tpu.memory_space<hbm>> -> memref<1x80xf32, #tpu.memory_space<hbm>>
        %dma_wait3A_236 = tpu.memref_squeeze %dma_wait3A_235 : memref<1x80xf32, #tpu.memory_space<hbm>> -> memref<80xf32, #tpu.memory_space<hbm>>
        %dma_wait3A_237 = arith.constant 0 : i32
        %dma_wait3A_238 = tpu.memref_slice %arg3[%dma_wait3A_233, %dma_wait3A_237] : memref<2x10240xf32, #tpu.memory_space<hbm>> -> memref<1x80xf32, #tpu.memory_space<hbm>>
        %dma_wait3A_239 = tpu.memref_squeeze %dma_wait3A_238 : memref<1x80xf32, #tpu.memory_space<hbm>> -> memref<80xf32, #tpu.memory_space<hbm>>
        tpu.wait_dma2 semaphore(%arg23 : memref<!tpu.dma_semaphore, #tpu.memory_space<semaphore_mem>>) src(%dma_wait3A_239 : memref<80xf32, #tpu.memory_space<hbm>>) dst(%arg5 : memref<80xf32, #tpu.memory_space<vmem>>)
      } else {
      }
      %add3A_163 = arith.constant 4 : i32
      %add3A_164 = arith.addi %add3A_153, %add3A_163 : i32
      %lt3A_165 = arith.constant 128 : i32
      %lt3A_166 = arith.cmpi slt, %add3A_164, %lt3A_165 : i32
      %convert_element_type3A_167 = arith.extui %lt3A_166 : i1 to i32
      %cond3A_168 = arith.constant 0 : i32
      %cond3A_169 = arith.cmpi ne, %convert_element_type3A_167, %cond3A_168 : i32
      scf.if %cond3A_169 {
        %add3A_233 = arith.constant 4 : i32
        %add3A_234 = arith.addi %add3A_153, %add3A_233 : i32
        %mul3A_235 = arith.constant 80 : i32
        %mul3A_236 = arith.muli %add3A_234, %mul3A_235 : i32
        %add3A_237 = arith.addi %mul3A_17, %mul3A_236 : i32
        %multiple_of3A_238 = tpu.assume_multiple %add3A_237, 8 : i32
        %dma_start3A_239 = tpu.memref_slice %arg2[%multiple_of3A_238] : memref<327680xi32, #tpu.memory_space<hbm>> -> memref<80xi32, #tpu.memory_space<hbm>>
        %dma_start3A_240 = tpu.memref_slice %arg2[%multiple_of3A_238] : memref<327680xi32, #tpu.memory_space<hbm>> -> memref<80xi32, #tpu.memory_space<hbm>>
        tpu.enqueue_dma source(%dma_start3A_240 : memref<80xi32, #tpu.memory_space<hbm>>) target(%arg7 : memref<80xi32, #tpu.memory_space<vmem>>) target_semaphore(%arg15 : memref<!tpu.dma_semaphore, #tpu.memory_space<semaphore_mem>>)
      } else {
      }
      %dma_start3A_170 = arith.constant 0 : i32
      %dma_start3A_171 = tpu.memref_slice %arg4[%dma_start3A_170] : memref<10240xf32, #tpu.memory_space<vmem_shared>> -> memref<10240xf32, #tpu.memory_space<vmem_shared>>
      tpu.enqueue_indirect_dma source(%arg5 : memref<80xf32, #tpu.memory_space<vmem>>) target(%dma_start3A_171 : memref<10240xf32, #tpu.memory_space<vmem_shared>>) offsets(%arg11 : memref<80xi32, #tpu.memory_space<vmem>>) semaphore(%arg23 : memref<!tpu.dma_semaphore, #tpu.memory_space<semaphore_mem>>) {add = true}
      %add3A_172 = arith.constant 5 : i32
      %add3A_173 = arith.addi %mul3A_75, %add3A_172 : i32
      %dma_wait3A_174 = arith.constant 0 : i32
      %dma_wait3A_175 = tpu.memref_slice %arg2[%dma_wait3A_174] : memref<327680xi32, #tpu.memory_space<hbm>> -> memref<80xi32, #tpu.memory_space<hbm>>
      %dma_wait3A_176 = arith.constant 0 : i32
      %dma_wait3A_177 = tpu.memref_slice %arg2[%dma_wait3A_176] : memref<327680xi32, #tpu.memory_space<hbm>> -> memref<80xi32, #tpu.memory_space<hbm>>
      tpu.wait_dma2 semaphore(%arg20 : memref<!tpu.dma_semaphore, #tpu.memory_space<semaphore_mem>>) src(%dma_wait3A_177 : memref<80xi32, #tpu.memory_space<hbm>>) dst(%arg12 : memref<80xi32, #tpu.memory_space<vmem>>)
      %ge3A_178 = arith.constant 4 : i32
      %ge3A_179 = arith.cmpi sge, %add3A_173, %ge3A_178 : i32
      %convert_element_type3A_180 = arith.extui %ge3A_179 : i1 to i32
      %cond3A_181 = arith.constant 0 : i32
      %cond3A_182 = arith.cmpi ne, %convert_element_type3A_180, %cond3A_181 : i32
      scf.if %cond3A_182 {
        %dma_wait3A_233 = arith.constant 0 : i32
        %dma_wait3A_234 = arith.constant 0 : i32
        %dma_wait3A_235 = tpu.memref_slice %arg3[%dma_wait3A_233, %dma_wait3A_234] : memref<2x10240xf32, #tpu.memory_space<hbm>> -> memref<1x80xf32, #tpu.memory_space<hbm>>
        %dma_wait3A_236 = tpu.memref_squeeze %dma_wait3A_235 : memref<1x80xf32, #tpu.memory_space<hbm>> -> memref<80xf32, #tpu.memory_space<hbm>>
        %dma_wait3A_237 = arith.constant 0 : i32
        %dma_wait3A_238 = tpu.memref_slice %arg3[%dma_wait3A_233, %dma_wait3A_237] : memref<2x10240xf32, #tpu.memory_space<hbm>> -> memref<1x80xf32, #tpu.memory_space<hbm>>
        %dma_wait3A_239 = tpu.memref_squeeze %dma_wait3A_238 : memref<1x80xf32, #tpu.memory_space<hbm>> -> memref<80xf32, #tpu.memory_space<hbm>>
        tpu.wait_dma2 semaphore(%arg24 : memref<!tpu.dma_semaphore, #tpu.memory_space<semaphore_mem>>) src(%dma_wait3A_239 : memref<80xf32, #tpu.memory_space<hbm>>) dst(%arg5 : memref<80xf32, #tpu.memory_space<vmem>>)
      } else {
      }
      %add3A_183 = arith.constant 4 : i32
      %add3A_184 = arith.addi %add3A_173, %add3A_183 : i32
      %lt3A_185 = arith.constant 128 : i32
      %lt3A_186 = arith.cmpi slt, %add3A_184, %lt3A_185 : i32
      %convert_element_type3A_187 = arith.extui %lt3A_186 : i1 to i32
      %cond3A_188 = arith.constant 0 : i32
      %cond3A_189 = arith.cmpi ne, %convert_element_type3A_187, %cond3A_188 : i32
      scf.if %cond3A_189 {
        %add3A_233 = arith.constant 4 : i32
        %add3A_234 = arith.addi %add3A_173, %add3A_233 : i32
        %mul3A_235 = arith.constant 80 : i32
        %mul3A_236 = arith.muli %add3A_234, %mul3A_235 : i32
        %add3A_237 = arith.addi %mul3A_17, %mul3A_236 : i32
        %multiple_of3A_238 = tpu.assume_multiple %add3A_237, 8 : i32
        %dma_start3A_239 = tpu.memref_slice %arg2[%multiple_of3A_238] : memref<327680xi32, #tpu.memory_space<hbm>> -> memref<80xi32, #tpu.memory_space<hbm>>
        %dma_start3A_240 = tpu.memref_slice %arg2[%multiple_of3A_238] : memref<327680xi32, #tpu.memory_space<hbm>> -> memref<80xi32, #tpu.memory_space<hbm>>
        tpu.enqueue_dma source(%dma_start3A_240 : memref<80xi32, #tpu.memory_space<hbm>>) target(%arg8 : memref<80xi32, #tpu.memory_space<vmem>>) target_semaphore(%arg16 : memref<!tpu.dma_semaphore, #tpu.memory_space<semaphore_mem>>)
      } else {
      }
      %dma_start3A_190 = arith.constant 0 : i32
      %dma_start3A_191 = tpu.memref_slice %arg4[%dma_start3A_190] : memref<10240xf32, #tpu.memory_space<vmem_shared>> -> memref<10240xf32, #tpu.memory_space<vmem_shared>>
      tpu.enqueue_indirect_dma source(%arg5 : memref<80xf32, #tpu.memory_space<vmem>>) target(%dma_start3A_191 : memref<10240xf32, #tpu.memory_space<vmem_shared>>) offsets(%arg12 : memref<80xi32, #tpu.memory_space<vmem>>) semaphore(%arg24 : memref<!tpu.dma_semaphore, #tpu.memory_space<semaphore_mem>>) {add = true}
      %add3A_192 = arith.constant 6 : i32
      %add3A_193 = arith.addi %mul3A_75, %add3A_192 : i32
      %dma_wait3A_194 = arith.constant 0 : i32
      %dma_wait3A_195 = tpu.memref_slice %arg2[%dma_wait3A_194] : memref<327680xi32, #tpu.memory_space<hbm>> -> memref<80xi32, #tpu.memory_space<hbm>>
      %dma_wait3A_196 = arith.constant 0 : i32
      %dma_wait3A_197 = tpu.memref_slice %arg2[%dma_wait3A_196] : memref<327680xi32, #tpu.memory_space<hbm>> -> memref<80xi32, #tpu.memory_space<hbm>>
      tpu.wait_dma2 semaphore(%arg21 : memref<!tpu.dma_semaphore, #tpu.memory_space<semaphore_mem>>) src(%dma_wait3A_197 : memref<80xi32, #tpu.memory_space<hbm>>) dst(%arg13 : memref<80xi32, #tpu.memory_space<vmem>>)
      %ge3A_198 = arith.constant 4 : i32
      %ge3A_199 = arith.cmpi sge, %add3A_193, %ge3A_198 : i32
      %convert_element_type3A_200 = arith.extui %ge3A_199 : i1 to i32
      %cond3A_201 = arith.constant 0 : i32
      %cond3A_202 = arith.cmpi ne, %convert_element_type3A_200, %cond3A_201 : i32
      scf.if %cond3A_202 {
        %dma_wait3A_233 = arith.constant 0 : i32
        %dma_wait3A_234 = arith.constant 0 : i32
        %dma_wait3A_235 = tpu.memref_slice %arg3[%dma_wait3A_233, %dma_wait3A_234] : memref<2x10240xf32, #tpu.memory_space<hbm>> -> memref<1x80xf32, #tpu.memory_space<hbm>>
        %dma_wait3A_236 = tpu.memref_squeeze %dma_wait3A_235 : memref<1x80xf32, #tpu.memory_space<hbm>> -> memref<80xf32, #tpu.memory_space<hbm>>
        %dma_wait3A_237 = arith.constant 0 : i32
        %dma_wait3A_238 = tpu.memref_slice %arg3[%dma_wait3A_233, %dma_wait3A_237] : memref<2x10240xf32, #tpu.memory_space<hbm>> -> memref<1x80xf32, #tpu.memory_space<hbm>>
        %dma_wait3A_239 = tpu.memref_squeeze %dma_wait3A_238 : memref<1x80xf32, #tpu.memory_space<hbm>> -> memref<80xf32, #tpu.memory_space<hbm>>
        tpu.wait_dma2 semaphore(%arg25 : memref<!tpu.dma_semaphore, #tpu.memory_space<semaphore_mem>>) src(%dma_wait3A_239 : memref<80xf32, #tpu.memory_space<hbm>>) dst(%arg5 : memref<80xf32, #tpu.memory_space<vmem>>)
      } else {
      }
      %add3A_203 = arith.constant 4 : i32
      %add3A_204 = arith.addi %add3A_193, %add3A_203 : i32
      %lt3A_205 = arith.constant 128 : i32
      %lt3A_206 = arith.cmpi slt, %add3A_204, %lt3A_205 : i32
      %convert_element_type3A_207 = arith.extui %lt3A_206 : i1 to i32
      %cond3A_208 = arith.constant 0 : i32
      %cond3A_209 = arith.cmpi ne, %convert_element_type3A_207, %cond3A_208 : i32
      scf.if %cond3A_209 {
        %add3A_233 = arith.constant 4 : i32
        %add3A_234 = arith.addi %add3A_193, %add3A_233 : i32
        %mul3A_235 = arith.constant 80 : i32
        %mul3A_236 = arith.muli %add3A_234, %mul3A_235 : i32
        %add3A_237 = arith.addi %mul3A_17, %mul3A_236 : i32
        %multiple_of3A_238 = tpu.assume_multiple %add3A_237, 8 : i32
        %dma_start3A_239 = tpu.memref_slice %arg2[%multiple_of3A_238] : memref<327680xi32, #tpu.memory_space<hbm>> -> memref<80xi32, #tpu.memory_space<hbm>>
        %dma_start3A_240 = tpu.memref_slice %arg2[%multiple_of3A_238] : memref<327680xi32, #tpu.memory_space<hbm>> -> memref<80xi32, #tpu.memory_space<hbm>>
        tpu.enqueue_dma source(%dma_start3A_240 : memref<80xi32, #tpu.memory_space<hbm>>) target(%arg9 : memref<80xi32, #tpu.memory_space<vmem>>) target_semaphore(%arg17 : memref<!tpu.dma_semaphore, #tpu.memory_space<semaphore_mem>>)
      } else {
      }
      %dma_start3A_210 = arith.constant 0 : i32
      %dma_start3A_211 = tpu.memref_slice %arg4[%dma_start3A_210] : memref<10240xf32, #tpu.memory_space<vmem_shared>> -> memref<10240xf32, #tpu.memory_space<vmem_shared>>
      tpu.enqueue_indirect_dma source(%arg5 : memref<80xf32, #tpu.memory_space<vmem>>) target(%dma_start3A_211 : memref<10240xf32, #tpu.memory_space<vmem_shared>>) offsets(%arg13 : memref<80xi32, #tpu.memory_space<vmem>>) semaphore(%arg25 : memref<!tpu.dma_semaphore, #tpu.memory_space<semaphore_mem>>) {add = true}
      %add3A_212 = arith.constant 7 : i32
      %add3A_213 = arith.addi %mul3A_75, %add3A_212 : i32
      %dma_wait3A_214 = arith.constant 0 : i32
      %dma_wait3A_215 = tpu.memref_slice %arg2[%dma_wait3A_214] : memref<327680xi32, #tpu.memory_space<hbm>> -> memref<80xi32, #tpu.memory_space<hbm>>
      %dma_wait3A_216 = arith.constant 0 : i32
      %dma_wait3A_217 = tpu.memref_slice %arg2[%dma_wait3A_216] : memref<327680xi32, #tpu.memory_space<hbm>> -> memref<80xi32, #tpu.memory_space<hbm>>
      tpu.wait_dma2 semaphore(%arg22 : memref<!tpu.dma_semaphore, #tpu.memory_space<semaphore_mem>>) src(%dma_wait3A_217 : memref<80xi32, #tpu.memory_space<hbm>>) dst(%arg14 : memref<80xi32, #tpu.memory_space<vmem>>)
      %ge3A_218 = arith.constant 4 : i32
      %ge3A_219 = arith.cmpi sge, %add3A_213, %ge3A_218 : i32
      %convert_element_type3A_220 = arith.extui %ge3A_219 : i1 to i32
      %cond3A_221 = arith.constant 0 : i32
      %cond3A_222 = arith.cmpi ne, %convert_element_type3A_220, %cond3A_221 : i32
      scf.if %cond3A_222 {
        %dma_wait3A_233 = arith.constant 0 : i32
        %dma_wait3A_234 = arith.constant 0 : i32
        %dma_wait3A_235 = tpu.memref_slice %arg3[%dma_wait3A_233, %dma_wait3A_234] : memref<2x10240xf32, #tpu.memory_space<hbm>> -> memref<1x80xf32, #tpu.memory_space<hbm>>
        %dma_wait3A_236 = tpu.memref_squeeze %dma_wait3A_235 : memref<1x80xf32, #tpu.memory_space<hbm>> -> memref<80xf32, #tpu.memory_space<hbm>>
        %dma_wait3A_237 = arith.constant 0 : i32
        %dma_wait3A_238 = tpu.memref_slice %arg3[%dma_wait3A_233, %dma_wait3A_237] : memref<2x10240xf32, #tpu.memory_space<hbm>> -> memref<1x80xf32, #tpu.memory_space<hbm>>
        %dma_wait3A_239 = tpu.memref_squeeze %dma_wait3A_238 : memref<1x80xf32, #tpu.memory_space<hbm>> -> memref<80xf32, #tpu.memory_space<hbm>>
        tpu.wait_dma2 semaphore(%arg26 : memref<!tpu.dma_semaphore, #tpu.memory_space<semaphore_mem>>) src(%dma_wait3A_239 : memref<80xf32, #tpu.memory_space<hbm>>) dst(%arg5 : memref<80xf32, #tpu.memory_space<vmem>>)
      } else {
      }
      %add3A_223 = arith.constant 4 : i32
      %add3A_224 = arith.addi %add3A_213, %add3A_223 : i32
      %lt3A_225 = arith.constant 128 : i32
      %lt3A_226 = arith.cmpi slt, %add3A_224, %lt3A_225 : i32
      %convert_element_type3A_227 = arith.extui %lt3A_226 : i1 to i32
      %cond3A_228 = arith.constant 0 : i32
      %cond3A_229 = arith.cmpi ne, %convert_element_type3A_227, %cond3A_228 : i32
      scf.if %cond3A_229 {
        %add3A_233 = arith.constant 4 : i32
        %add3A_234 = arith.addi %add3A_213, %add3A_233 : i32
        %mul3A_235 = arith.constant 80 : i32
        %mul3A_236 = arith.muli %add3A_234, %mul3A_235 : i32
        %add3A_237 = arith.addi %mul3A_17, %mul3A_236 : i32
        %multiple_of3A_238 = tpu.assume_multiple %add3A_237, 8 : i32
        %dma_start3A_239 = tpu.memref_slice %arg2[%multiple_of3A_238] : memref<327680xi32, #tpu.memory_space<hbm>> -> memref<80xi32, #tpu.memory_space<hbm>>
        %dma_start3A_240 = tpu.memref_slice %arg2[%multiple_of3A_238] : memref<327680xi32, #tpu.memory_space<hbm>> -> memref<80xi32, #tpu.memory_space<hbm>>
        tpu.enqueue_dma source(%dma_start3A_240 : memref<80xi32, #tpu.memory_space<hbm>>) target(%arg10 : memref<80xi32, #tpu.memory_space<vmem>>) target_semaphore(%arg18 : memref<!tpu.dma_semaphore, #tpu.memory_space<semaphore_mem>>)
      } else {
      }
      %dma_start3A_230 = arith.constant 0 : i32
      %dma_start3A_231 = tpu.memref_slice %arg4[%dma_start3A_230] : memref<10240xf32, #tpu.memory_space<vmem_shared>> -> memref<10240xf32, #tpu.memory_space<vmem_shared>>
      tpu.enqueue_indirect_dma source(%arg5 : memref<80xf32, #tpu.memory_space<vmem>>) target(%dma_start3A_231 : memref<10240xf32, #tpu.memory_space<vmem_shared>>) offsets(%arg14 : memref<80xi32, #tpu.memory_space<vmem>>) semaphore(%arg26 : memref<!tpu.dma_semaphore, #tpu.memory_space<semaphore_mem>>) {add = true}
      %scan3A_232 = arith.constant 0 : i32
      scf.yield %scan3A_232 : i32
    }
    %scan3A_43 = arith.constant 16 : i32
    %dma_wait3A = arith.constant 0 : i32
    %dma_wait3A_44 = arith.constant 0 : i32
    %dma_wait3A_45 = tpu.memref_slice %arg3[%dma_wait3A, %dma_wait3A_44] : memref<2x10240xf32, #tpu.memory_space<hbm>> -> memref<1x80xf32, #tpu.memory_space<hbm>>
    %dma_wait3A_46 = tpu.memref_squeeze %dma_wait3A_45 : memref<1x80xf32, #tpu.memory_space<hbm>> -> memref<80xf32, #tpu.memory_space<hbm>>
    %dma_wait3A_47 = arith.constant 0 : i32
    %dma_wait3A_48 = tpu.memref_slice %arg3[%dma_wait3A, %dma_wait3A_47] : memref<2x10240xf32, #tpu.memory_space<hbm>> -> memref<1x80xf32, #tpu.memory_space<hbm>>
    %dma_wait3A_49 = tpu.memref_squeeze %dma_wait3A_48 : memref<1x80xf32, #tpu.memory_space<hbm>> -> memref<80xf32, #tpu.memory_space<hbm>>
    tpu.wait_dma2 semaphore(%arg23 : memref<!tpu.dma_semaphore, #tpu.memory_space<semaphore_mem>>) src(%dma_wait3A_49 : memref<80xf32, #tpu.memory_space<hbm>>) dst(%arg5 : memref<80xf32, #tpu.memory_space<vmem>>)
    %dma_wait3A_50 = arith.constant 0 : i32
    %dma_wait3A_51 = arith.constant 0 : i32
    %dma_wait3A_52 = tpu.memref_slice %arg3[%dma_wait3A_50, %dma_wait3A_51] : memref<2x10240xf32, #tpu.memory_space<hbm>> -> memref<1x80xf32, #tpu.memory_space<hbm>>
    %dma_wait3A_53 = tpu.memref_squeeze %dma_wait3A_52 : memref<1x80xf32, #tpu.memory_space<hbm>> -> memref<80xf32, #tpu.memory_space<hbm>>
    %dma_wait3A_54 = arith.constant 0 : i32
    %dma_wait3A_55 = tpu.memref_slice %arg3[%dma_wait3A_50, %dma_wait3A_54] : memref<2x10240xf32, #tpu.memory_space<hbm>> -> memref<1x80xf32, #tpu.memory_space<hbm>>
    %dma_wait3A_56 = tpu.memref_squeeze %dma_wait3A_55 : memref<1x80xf32, #tpu.memory_space<hbm>> -> memref<80xf32, #tpu.memory_space<hbm>>
    tpu.wait_dma2 semaphore(%arg24 : memref<!tpu.dma_semaphore, #tpu.memory_space<semaphore_mem>>) src(%dma_wait3A_56 : memref<80xf32, #tpu.memory_space<hbm>>) dst(%arg5 : memref<80xf32, #tpu.memory_space<vmem>>)
    %dma_wait3A_57 = arith.constant 0 : i32
    %dma_wait3A_58 = arith.constant 0 : i32
    %dma_wait3A_59 = tpu.memref_slice %arg3[%dma_wait3A_57, %dma_wait3A_58] : memref<2x10240xf32, #tpu.memory_space<hbm>> -> memref<1x80xf32, #tpu.memory_space<hbm>>
    %dma_wait3A_60 = tpu.memref_squeeze %dma_wait3A_59 : memref<1x80xf32, #tpu.memory_space<hbm>> -> memref<80xf32, #tpu.memory_space<hbm>>
    %dma_wait3A_61 = arith.constant 0 : i32
    %dma_wait3A_62 = tpu.memref_slice %arg3[%dma_wait3A_57, %dma_wait3A_61] : memref<2x10240xf32, #tpu.memory_space<hbm>> -> memref<1x80xf32, #tpu.memory_space<hbm>>
    %dma_wait3A_63 = tpu.memref_squeeze %dma_wait3A_62 : memref<1x80xf32, #tpu.memory_space<hbm>> -> memref<80xf32, #tpu.memory_space<hbm>>
    tpu.wait_dma2 semaphore(%arg25 : memref<!tpu.dma_semaphore, #tpu.memory_space<semaphore_mem>>) src(%dma_wait3A_63 : memref<80xf32, #tpu.memory_space<hbm>>) dst(%arg5 : memref<80xf32, #tpu.memory_space<vmem>>)
    %dma_wait3A_64 = arith.constant 0 : i32
    %dma_wait3A_65 = arith.constant 0 : i32
    %dma_wait3A_66 = tpu.memref_slice %arg3[%dma_wait3A_64, %dma_wait3A_65] : memref<2x10240xf32, #tpu.memory_space<hbm>> -> memref<1x80xf32, #tpu.memory_space<hbm>>
    %dma_wait3A_67 = tpu.memref_squeeze %dma_wait3A_66 : memref<1x80xf32, #tpu.memory_space<hbm>> -> memref<80xf32, #tpu.memory_space<hbm>>
    %dma_wait3A_68 = arith.constant 0 : i32
    %dma_wait3A_69 = tpu.memref_slice %arg3[%dma_wait3A_64, %dma_wait3A_68] : memref<2x10240xf32, #tpu.memory_space<hbm>> -> memref<1x80xf32, #tpu.memory_space<hbm>>
    %dma_wait3A_70 = tpu.memref_squeeze %dma_wait3A_69 : memref<1x80xf32, #tpu.memory_space<hbm>> -> memref<80xf32, #tpu.memory_space<hbm>>
    tpu.wait_dma2 semaphore(%arg26 : memref<!tpu.dma_semaphore, #tpu.memory_space<semaphore_mem>>) src(%dma_wait3A_70 : memref<80xf32, #tpu.memory_space<hbm>>) dst(%arg5 : memref<80xf32, #tpu.memory_space<vmem>>)
    %barrier3A_71 = arith.constant 0 : index
    tpu.barrier barrier_id(%barrier3A_71)
    "tpu.region"() ({
      %run_scoped3A = tpu.sem_alloc : memref<!tpu.dma_semaphore, #tpu.memory_space<semaphore_mem>>
      %dma_start3A_72 = tpu.memref_slice %arg3[%arg0, %multiple_of3A] : memref<2x10240xf32, #tpu.memory_space<hbm>> -> memref<1x640xf32, #tpu.memory_space<hbm>>
      %dma_start3A_73 = tpu.memref_squeeze %dma_start3A_72 : memref<1x640xf32, #tpu.memory_space<hbm>> -> memref<640xf32, #tpu.memory_space<hbm>>
      %dma_start3A_74 = tpu.memref_slice %arg4[%multiple_of3A] : memref<10240xf32, #tpu.memory_space<vmem_shared>> -> memref<640xf32, #tpu.memory_space<vmem_shared>>
      tpu.enqueue_dma source(%dma_start3A_74 : memref<640xf32, #tpu.memory_space<vmem_shared>>) target(%dma_start3A_73 : memref<640xf32, #tpu.memory_space<hbm>>) target_semaphore(%run_scoped3A : memref<!tpu.dma_semaphore, #tpu.memory_space<semaphore_mem>>)
      %dma_wait3A_75 = tpu.memref_slice %arg3[%arg0, %multiple_of3A] : memref<2x10240xf32, #tpu.memory_space<hbm>> -> memref<1x640xf32, #tpu.memory_space<hbm>>
      %dma_wait3A_76 = tpu.memref_squeeze %dma_wait3A_75 : memref<1x640xf32, #tpu.memory_space<hbm>> -> memref<640xf32, #tpu.memory_space<hbm>>
      %dma_wait3A_77 = tpu.memref_slice %arg4[%multiple_of3A] : memref<10240xf32, #tpu.memory_space<vmem_shared>> -> memref<640xf32, #tpu.memory_space<vmem_shared>>
      tpu.wait_dma2 semaphore(%run_scoped3A : memref<!tpu.dma_semaphore, #tpu.memory_space<semaphore_mem>>) src(%dma_wait3A_77 : memref<640xf32, #tpu.memory_space<vmem_shared>>) dst(%dma_wait3A_76 : memref<640xf32, #tpu.memory_space<hbm>>)
      tpu.yield
    }) : () -> ()
    return
  }
}

#map = affine_map<(d0, d1) -> (0, 0)>
#map1 = affine_map<(d0, d1) -> (0)>
#map2 = affine_map<(d0, d1) -> (0, 0, 0)>
module attributes {stable_mosaic.version = 14 : i64} {
  func.func @_agg_kernel(%arg0: i32, %arg1: i32, %arg2: memref<10240x128xf32, #tpu.memory_space<hbm>>, %arg3: memref<327680xi32, #tpu.memory_space<hbm>>, %arg4: memref<327680xi32, #tpu.memory_space<hbm>>, %arg5: memref<2x10240x128xf32, #tpu.memory_space<hbm>>, %arg6: memref<10240x128xf32, #tpu.memory_space<vmem_shared>>, %arg7: memref<80xi32, #tpu.memory_space<vmem>>, %arg8: memref<80xi32, #tpu.memory_space<vmem>>, %arg9: memref<80xi32, #tpu.memory_space<vmem>>, %arg10: memref<80xi32, #tpu.memory_space<vmem>>, %arg11: memref<80xi32, #tpu.memory_space<vmem>>, %arg12: memref<80xi32, #tpu.memory_space<vmem>>, %arg13: memref<80xi32, #tpu.memory_space<vmem>>, %arg14: memref<80xi32, #tpu.memory_space<vmem>>, %arg15: memref<80xi32, #tpu.memory_space<vmem>>, %arg16: memref<80xi32, #tpu.memory_space<vmem>>, %arg17: memref<80xi32, #tpu.memory_space<vmem>>, %arg18: memref<80xi32, #tpu.memory_space<vmem>>, %arg19: memref<80xi32, #tpu.memory_space<vmem>>, %arg20: memref<80xi32, #tpu.memory_space<vmem>>, %arg21: memref<80xi32, #tpu.memory_space<vmem>>, %arg22: memref<80xi32, #tpu.memory_space<vmem>>, %arg23: memref<80x128xf32, #tpu.memory_space<vmem>>, %arg24: memref<80x128xf32, #tpu.memory_space<vmem>>, %arg25: memref<80x128xf32, #tpu.memory_space<vmem>>, %arg26: memref<80x128xf32, #tpu.memory_space<vmem>>, %arg27: memref<!tpu.dma_semaphore, #tpu.memory_space<semaphore_mem>>, %arg28: memref<!tpu.dma_semaphore, #tpu.memory_space<semaphore_mem>>, %arg29: memref<!tpu.dma_semaphore, #tpu.memory_space<semaphore_mem>>, %arg30: memref<!tpu.dma_semaphore, #tpu.memory_space<semaphore_mem>>, %arg31: memref<!tpu.dma_semaphore, #tpu.memory_space<semaphore_mem>>, %arg32: memref<!tpu.dma_semaphore, #tpu.memory_space<semaphore_mem>>, %arg33: memref<!tpu.dma_semaphore, #tpu.memory_space<semaphore_mem>>, %arg34: memref<!tpu.dma_semaphore, #tpu.memory_space<semaphore_mem>>, %arg35: memref<!tpu.dma_semaphore, #tpu.memory_space<semaphore_mem>>, %arg36: memref<!tpu.dma_semaphore, #tpu.memory_space<semaphore_mem>>, %arg37: memref<!tpu.dma_semaphore, #tpu.memory_space<semaphore_mem>>, %arg38: memref<!tpu.dma_semaphore, #tpu.memory_space<semaphore_mem>>, %arg39: memref<!tpu.dma_semaphore, #tpu.memory_space<semaphore_mem>>, %arg40: memref<!tpu.dma_semaphore, #tpu.memory_space<semaphore_mem>>, %arg41: memref<!tpu.dma_semaphore, #tpu.memory_space<semaphore_mem>>, %arg42: memref<!tpu.dma_semaphore, #tpu.memory_space<semaphore_mem>>) attributes {dimension_semantics = [#tpu.dimension_semantics<core_parallel>, #tpu.dimension_semantics<subcore_parallel>], iteration_bounds = array<i64: 2, 16>, scalar_prefetch = 0 : i64, scratch_operands = 37 : i64, tpu.core_type = #tpu.core_type<sc_vector_subcore>, window_params = [{transform_indices = #map}, {transform_indices = #map1}, {transform_indices = #map1}, {transform_indices = #map2}]} {
    %scan3A = arith.constant 0 : i32
    %scan3A_0 = arith.constant 0 : i32
    %scan3A_1 = arith.constant 80 : i32
    %scan3A_2 = arith.addi %scan3A_0, %scan3A_1 : i32
    %scan3A_3 = arith.constant 1 : i32
    %scan3A_4 = scf.for %scan3A_175 = %scan3A_0 to %scan3A_2 step %scan3A_3 iter_args(%scan3A_176 = %scan3A) -> (i32)  : i32 {
      %broadcast_in_dim3A = arith.constant 0.000000e+00 : f32
      %broadcast_in_dim3A_177 = vector.broadcast %broadcast_in_dim3A : f32 to vector<16xf32>
      %swap3A = arith.index_cast %scan3A_175 : i32 to index
      %swap3A_178 = arith.constant 0 : index
      %swap3A_179 = tpu.vector_load %arg23[%swap3A, %swap3A_178] {strides = array<i32>} : memref<80x128xf32, #tpu.memory_space<vmem>>, vector<1x16xf32>,
      %swap3A_180 = vector.shape_cast %swap3A_179 : vector<1x16xf32> to vector<16xf32>
      %swap3A_181 = vector.shape_cast %broadcast_in_dim3A_177 : vector<16xf32> to vector<1x16xf32>
      tpu.vector_store %arg23[%swap3A, %swap3A_178], %swap3A_181 {strides = array<i32>} : memref<80x128xf32, #tpu.memory_space<vmem>>, vector<1x16xf32>,
      %broadcast_in_dim3A_182 = arith.constant 0.000000e+00 : f32
      %broadcast_in_dim3A_183 = vector.broadcast %broadcast_in_dim3A_182 : f32 to vector<16xf32>
      %swap3A_184 = arith.index_cast %scan3A_175 : i32 to index
      %swap3A_185 = arith.constant 16 : index
      %swap3A_186 = tpu.vector_load %arg23[%swap3A_184, %swap3A_185] {strides = array<i32>} : memref<80x128xf32, #tpu.memory_space<vmem>>, vector<1x16xf32>,
      %swap3A_187 = vector.shape_cast %swap3A_186 : vector<1x16xf32> to vector<16xf32>
      %swap3A_188 = vector.shape_cast %broadcast_in_dim3A_183 : vector<16xf32> to vector<1x16xf32>
      tpu.vector_store %arg23[%swap3A_184, %swap3A_185], %swap3A_188 {strides = array<i32>} : memref<80x128xf32, #tpu.memory_space<vmem>>, vector<1x16xf32>,
      %broadcast_in_dim3A_189 = arith.constant 0.000000e+00 : f32
      %broadcast_in_dim3A_190 = vector.broadcast %broadcast_in_dim3A_189 : f32 to vector<16xf32>
      %swap3A_191 = arith.index_cast %scan3A_175 : i32 to index
      %swap3A_192 = arith.constant 32 : index
      %swap3A_193 = tpu.vector_load %arg23[%swap3A_191, %swap3A_192] {strides = array<i32>} : memref<80x128xf32, #tpu.memory_space<vmem>>, vector<1x16xf32>,
      %swap3A_194 = vector.shape_cast %swap3A_193 : vector<1x16xf32> to vector<16xf32>
      %swap3A_195 = vector.shape_cast %broadcast_in_dim3A_190 : vector<16xf32> to vector<1x16xf32>
      tpu.vector_store %arg23[%swap3A_191, %swap3A_192], %swap3A_195 {strides = array<i32>} : memref<80x128xf32, #tpu.memory_space<vmem>>, vector<1x16xf32>,
      %broadcast_in_dim3A_196 = arith.constant 0.000000e+00 : f32
      %broadcast_in_dim3A_197 = vector.broadcast %broadcast_in_dim3A_196 : f32 to vector<16xf32>
      %swap3A_198 = arith.index_cast %scan3A_175 : i32 to index
      %swap3A_199 = arith.constant 48 : index
      %swap3A_200 = tpu.vector_load %arg23[%swap3A_198, %swap3A_199] {strides = array<i32>} : memref<80x128xf32, #tpu.memory_space<vmem>>, vector<1x16xf32>,
      %swap3A_201 = vector.shape_cast %swap3A_200 : vector<1x16xf32> to vector<16xf32>
      %swap3A_202 = vector.shape_cast %broadcast_in_dim3A_197 : vector<16xf32> to vector<1x16xf32>
      tpu.vector_store %arg23[%swap3A_198, %swap3A_199], %swap3A_202 {strides = array<i32>} : memref<80x128xf32, #tpu.memory_space<vmem>>, vector<1x16xf32>,
      %broadcast_in_dim3A_203 = arith.constant 0.000000e+00 : f32
      %broadcast_in_dim3A_204 = vector.broadcast %broadcast_in_dim3A_203 : f32 to vector<16xf32>
      %swap3A_205 = arith.index_cast %scan3A_175 : i32 to index
      %swap3A_206 = arith.constant 64 : index
      %swap3A_207 = tpu.vector_load %arg23[%swap3A_205, %swap3A_206] {strides = array<i32>} : memref<80x128xf32, #tpu.memory_space<vmem>>, vector<1x16xf32>,
      %swap3A_208 = vector.shape_cast %swap3A_207 : vector<1x16xf32> to vector<16xf32>
      %swap3A_209 = vector.shape_cast %broadcast_in_dim3A_204 : vector<16xf32> to vector<1x16xf32>
      tpu.vector_store %arg23[%swap3A_205, %swap3A_206], %swap3A_209 {strides = array<i32>} : memref<80x128xf32, #tpu.memory_space<vmem>>, vector<1x16xf32>,
      %broadcast_in_dim3A_210 = arith.constant 0.000000e+00 : f32
      %broadcast_in_dim3A_211 = vector.broadcast %broadcast_in_dim3A_210 : f32 to vector<16xf32>
      %swap3A_212 = arith.index_cast %scan3A_175 : i32 to index
      %swap3A_213 = arith.constant 80 : index
      %swap3A_214 = tpu.vector_load %arg23[%swap3A_212, %swap3A_213] {strides = array<i32>} : memref<80x128xf32, #tpu.memory_space<vmem>>, vector<1x16xf32>,
      %swap3A_215 = vector.shape_cast %swap3A_214 : vector<1x16xf32> to vector<16xf32>
      %swap3A_216 = vector.shape_cast %broadcast_in_dim3A_211 : vector<16xf32> to vector<1x16xf32>
      tpu.vector_store %arg23[%swap3A_212, %swap3A_213], %swap3A_216 {strides = array<i32>} : memref<80x128xf32, #tpu.memory_space<vmem>>, vector<1x16xf32>,
      %broadcast_in_dim3A_217 = arith.constant 0.000000e+00 : f32
      %broadcast_in_dim3A_218 = vector.broadcast %broadcast_in_dim3A_217 : f32 to vector<16xf32>
      %swap3A_219 = arith.index_cast %scan3A_175 : i32 to index
      %swap3A_220 = arith.constant 96 : index
      %swap3A_221 = tpu.vector_load %arg23[%swap3A_219, %swap3A_220] {strides = array<i32>} : memref<80x128xf32, #tpu.memory_space<vmem>>, vector<1x16xf32>,
      %swap3A_222 = vector.shape_cast %swap3A_221 : vector<1x16xf32> to vector<16xf32>
      %swap3A_223 = vector.shape_cast %broadcast_in_dim3A_218 : vector<16xf32> to vector<1x16xf32>
      tpu.vector_store %arg23[%swap3A_219, %swap3A_220], %swap3A_223 {strides = array<i32>} : memref<80x128xf32, #tpu.memory_space<vmem>>, vector<1x16xf32>,
      %broadcast_in_dim3A_224 = arith.constant 0.000000e+00 : f32
      %broadcast_in_dim3A_225 = vector.broadcast %broadcast_in_dim3A_224 : f32 to vector<16xf32>
      %swap3A_226 = arith.index_cast %scan3A_175 : i32 to index
      %swap3A_227 = arith.constant 112 : index
      %swap3A_228 = tpu.vector_load %arg23[%swap3A_226, %swap3A_227] {strides = array<i32>} : memref<80x128xf32, #tpu.memory_space<vmem>>, vector<1x16xf32>,
      %swap3A_229 = vector.shape_cast %swap3A_228 : vector<1x16xf32> to vector<16xf32>
      %swap3A_230 = vector.shape_cast %broadcast_in_dim3A_225 : vector<16xf32> to vector<1x16xf32>
      tpu.vector_store %arg23[%swap3A_226, %swap3A_227], %swap3A_230 {strides = array<i32>} : memref<80x128xf32, #tpu.memory_space<vmem>>, vector<1x16xf32>,
      %scan3A_231 = arith.constant 0 : i32
      scf.yield %scan3A_231 : i32
    }
    %scan3A_5 = arith.constant 80 : i32
    %mul3A = arith.constant 640 : i32
    %mul3A_6 = arith.muli %arg1, %mul3A : i32
    %add3A = arith.constant 0 : i32
    %add3A_7 = arith.addi %mul3A_6, %add3A : i32
    %dma_start3A = arith.constant 0 : i32
    %dma_start3A_8 = tpu.memref_slice %arg6[%add3A_7, %dma_start3A] : memref<10240x128xf32, #tpu.memory_space<vmem_shared>> -> memref<80x128xf32, #tpu.memory_space<vmem_shared>>
    %dma_start3A_9 = arith.constant 0 : i32
    %dma_start3A_10 = tpu.memref_slice %arg6[%add3A_7, %dma_start3A_9] : memref<10240x128xf32, #tpu.memory_space<vmem_shared>> -> memref<80x128xf32, #tpu.memory_space<vmem_shared>>
    tpu.enqueue_dma source(%arg23 : memref<80x128xf32, #tpu.memory_space<vmem>>) target(%dma_start3A_10 : memref<80x128xf32, #tpu.memory_space<vmem_shared>>) target_semaphore(%arg39 : memref<!tpu.dma_semaphore, #tpu.memory_space<semaphore_mem>>)
    %add3A_11 = arith.constant 80 : i32
    %add3A_12 = arith.addi %mul3A_6, %add3A_11 : i32
    %dma_start3A_13 = arith.constant 0 : i32
    %dma_start3A_14 = tpu.memref_slice %arg6[%add3A_12, %dma_start3A_13] : memref<10240x128xf32, #tpu.memory_space<vmem_shared>> -> memref<80x128xf32, #tpu.memory_space<vmem_shared>>
    %dma_start3A_15 = arith.constant 0 : i32
    %dma_start3A_16 = tpu.memref_slice %arg6[%add3A_12, %dma_start3A_15] : memref<10240x128xf32, #tpu.memory_space<vmem_shared>> -> memref<80x128xf32, #tpu.memory_space<vmem_shared>>
    tpu.enqueue_dma source(%arg23 : memref<80x128xf32, #tpu.memory_space<vmem>>) target(%dma_start3A_16 : memref<80x128xf32, #tpu.memory_space<vmem_shared>>) target_semaphore(%arg40 : memref<!tpu.dma_semaphore, #tpu.memory_space<semaphore_mem>>)
    %add3A_17 = arith.constant 160 : i32
    %add3A_18 = arith.addi %mul3A_6, %add3A_17 : i32
    %dma_start3A_19 = arith.constant 0 : i32
    %dma_start3A_20 = tpu.memref_slice %arg6[%add3A_18, %dma_start3A_19] : memref<10240x128xf32, #tpu.memory_space<vmem_shared>> -> memref<80x128xf32, #tpu.memory_space<vmem_shared>>
    %dma_start3A_21 = arith.constant 0 : i32
    %dma_start3A_22 = tpu.memref_slice %arg6[%add3A_18, %dma_start3A_21] : memref<10240x128xf32, #tpu.memory_space<vmem_shared>> -> memref<80x128xf32, #tpu.memory_space<vmem_shared>>
    tpu.enqueue_dma source(%arg23 : memref<80x128xf32, #tpu.memory_space<vmem>>) target(%dma_start3A_22 : memref<80x128xf32, #tpu.memory_space<vmem_shared>>) target_semaphore(%arg41 : memref<!tpu.dma_semaphore, #tpu.memory_space<semaphore_mem>>)
    %add3A_23 = arith.constant 240 : i32
    %add3A_24 = arith.addi %mul3A_6, %add3A_23 : i32
    %dma_start3A_25 = arith.constant 0 : i32
    %dma_start3A_26 = tpu.memref_slice %arg6[%add3A_24, %dma_start3A_25] : memref<10240x128xf32, #tpu.memory_space<vmem_shared>> -> memref<80x128xf32, #tpu.memory_space<vmem_shared>>
    %dma_start3A_27 = arith.constant 0 : i32
    %dma_start3A_28 = tpu.memref_slice %arg6[%add3A_24, %dma_start3A_27] : memref<10240x128xf32, #tpu.memory_space<vmem_shared>> -> memref<80x128xf32, #tpu.memory_space<vmem_shared>>
    tpu.enqueue_dma source(%arg23 : memref<80x128xf32, #tpu.memory_space<vmem>>) target(%dma_start3A_28 : memref<80x128xf32, #tpu.memory_space<vmem_shared>>) target_semaphore(%arg42 : memref<!tpu.dma_semaphore, #tpu.memory_space<semaphore_mem>>)
    %add3A_29 = arith.constant 320 : i32
    %add3A_30 = arith.addi %mul3A_6, %add3A_29 : i32
    %dma_start3A_31 = arith.constant 0 : i32
    %dma_start3A_32 = tpu.memref_slice %arg6[%add3A_30, %dma_start3A_31] : memref<10240x128xf32, #tpu.memory_space<vmem_shared>> -> memref<80x128xf32, #tpu.memory_space<vmem_shared>>
    %dma_start3A_33 = arith.constant 0 : i32
    %dma_start3A_34 = tpu.memref_slice %arg6[%add3A_30, %dma_start3A_33] : memref<10240x128xf32, #tpu.memory_space<vmem_shared>> -> memref<80x128xf32, #tpu.memory_space<vmem_shared>>
    tpu.enqueue_dma source(%arg23 : memref<80x128xf32, #tpu.memory_space<vmem>>) target(%dma_start3A_34 : memref<80x128xf32, #tpu.memory_space<vmem_shared>>) target_semaphore(%arg39 : memref<!tpu.dma_semaphore, #tpu.memory_space<semaphore_mem>>)
    %add3A_35 = arith.constant 400 : i32
    %add3A_36 = arith.addi %mul3A_6, %add3A_35 : i32
    %dma_start3A_37 = arith.constant 0 : i32
    %dma_start3A_38 = tpu.memref_slice %arg6[%add3A_36, %dma_start3A_37] : memref<10240x128xf32, #tpu.memory_space<vmem_shared>> -> memref<80x128xf32, #tpu.memory_space<vmem_shared>>
    %dma_start3A_39 = arith.constant 0 : i32
    %dma_start3A_40 = tpu.memref_slice %arg6[%add3A_36, %dma_start3A_39] : memref<10240x128xf32, #tpu.memory_space<vmem_shared>> -> memref<80x128xf32, #tpu.memory_space<vmem_shared>>
    tpu.enqueue_dma source(%arg23 : memref<80x128xf32, #tpu.memory_space<vmem>>) target(%dma_start3A_40 : memref<80x128xf32, #tpu.memory_space<vmem_shared>>) target_semaphore(%arg40 : memref<!tpu.dma_semaphore, #tpu.memory_space<semaphore_mem>>)
    %add3A_41 = arith.constant 480 : i32
    %add3A_42 = arith.addi %mul3A_6, %add3A_41 : i32
    %dma_start3A_43 = arith.constant 0 : i32
    %dma_start3A_44 = tpu.memref_slice %arg6[%add3A_42, %dma_start3A_43] : memref<10240x128xf32, #tpu.memory_space<vmem_shared>> -> memref<80x128xf32, #tpu.memory_space<vmem_shared>>
    %dma_start3A_45 = arith.constant 0 : i32
    %dma_start3A_46 = tpu.memref_slice %arg6[%add3A_42, %dma_start3A_45] : memref<10240x128xf32, #tpu.memory_space<vmem_shared>> -> memref<80x128xf32, #tpu.memory_space<vmem_shared>>
    tpu.enqueue_dma source(%arg23 : memref<80x128xf32, #tpu.memory_space<vmem>>) target(%dma_start3A_46 : memref<80x128xf32, #tpu.memory_space<vmem_shared>>) target_semaphore(%arg41 : memref<!tpu.dma_semaphore, #tpu.memory_space<semaphore_mem>>)
    %add3A_47 = arith.constant 560 : i32
    %add3A_48 = arith.addi %mul3A_6, %add3A_47 : i32
    %dma_start3A_49 = arith.constant 0 : i32
    %dma_start3A_50 = tpu.memref_slice %arg6[%add3A_48, %dma_start3A_49] : memref<10240x128xf32, #tpu.memory_space<vmem_shared>> -> memref<80x128xf32, #tpu.memory_space<vmem_shared>>
    %dma_start3A_51 = arith.constant 0 : i32
    %dma_start3A_52 = tpu.memref_slice %arg6[%add3A_48, %dma_start3A_51] : memref<10240x128xf32, #tpu.memory_space<vmem_shared>> -> memref<80x128xf32, #tpu.memory_space<vmem_shared>>
    tpu.enqueue_dma source(%arg23 : memref<80x128xf32, #tpu.memory_space<vmem>>) target(%dma_start3A_52 : memref<80x128xf32, #tpu.memory_space<vmem_shared>>) target_semaphore(%arg42 : memref<!tpu.dma_semaphore, #tpu.memory_space<semaphore_mem>>)
    %dma_wait3A = arith.constant 0 : i32
    %dma_wait3A_53 = tpu.memref_slice %arg6[%add3A_7, %dma_wait3A] : memref<10240x128xf32, #tpu.memory_space<vmem_shared>> -> memref<80x128xf32, #tpu.memory_space<vmem_shared>>
    %dma_wait3A_54 = arith.constant 0 : i32
    %dma_wait3A_55 = tpu.memref_slice %arg6[%add3A_7, %dma_wait3A_54] : memref<10240x128xf32, #tpu.memory_space<vmem_shared>> -> memref<80x128xf32, #tpu.memory_space<vmem_shared>>
    tpu.wait_dma2 semaphore(%arg39 : memref<!tpu.dma_semaphore, #tpu.memory_space<semaphore_mem>>) src(%arg23 : memref<80x128xf32, #tpu.memory_space<vmem>>) dst(%dma_wait3A_55 : memref<80x128xf32, #tpu.memory_space<vmem_shared>>)
    %dma_wait3A_56 = arith.constant 0 : i32
    %dma_wait3A_57 = tpu.memref_slice %arg6[%add3A_12, %dma_wait3A_56] : memref<10240x128xf32, #tpu.memory_space<vmem_shared>> -> memref<80x128xf32, #tpu.memory_space<vmem_shared>>
    %dma_wait3A_58 = arith.constant 0 : i32
    %dma_wait3A_59 = tpu.memref_slice %arg6[%add3A_12, %dma_wait3A_58] : memref<10240x128xf32, #tpu.memory_space<vmem_shared>> -> memref<80x128xf32, #tpu.memory_space<vmem_shared>>
    tpu.wait_dma2 semaphore(%arg40 : memref<!tpu.dma_semaphore, #tpu.memory_space<semaphore_mem>>) src(%arg23 : memref<80x128xf32, #tpu.memory_space<vmem>>) dst(%dma_wait3A_59 : memref<80x128xf32, #tpu.memory_space<vmem_shared>>)
    %dma_wait3A_60 = arith.constant 0 : i32
    %dma_wait3A_61 = tpu.memref_slice %arg6[%add3A_18, %dma_wait3A_60] : memref<10240x128xf32, #tpu.memory_space<vmem_shared>> -> memref<80x128xf32, #tpu.memory_space<vmem_shared>>
    %dma_wait3A_62 = arith.constant 0 : i32
    %dma_wait3A_63 = tpu.memref_slice %arg6[%add3A_18, %dma_wait3A_62] : memref<10240x128xf32, #tpu.memory_space<vmem_shared>> -> memref<80x128xf32, #tpu.memory_space<vmem_shared>>
    tpu.wait_dma2 semaphore(%arg41 : memref<!tpu.dma_semaphore, #tpu.memory_space<semaphore_mem>>) src(%arg23 : memref<80x128xf32, #tpu.memory_space<vmem>>) dst(%dma_wait3A_63 : memref<80x128xf32, #tpu.memory_space<vmem_shared>>)
    %dma_wait3A_64 = arith.constant 0 : i32
    %dma_wait3A_65 = tpu.memref_slice %arg6[%add3A_24, %dma_wait3A_64] : memref<10240x128xf32, #tpu.memory_space<vmem_shared>> -> memref<80x128xf32, #tpu.memory_space<vmem_shared>>
    %dma_wait3A_66 = arith.constant 0 : i32
    %dma_wait3A_67 = tpu.memref_slice %arg6[%add3A_24, %dma_wait3A_66] : memref<10240x128xf32, #tpu.memory_space<vmem_shared>> -> memref<80x128xf32, #tpu.memory_space<vmem_shared>>
    tpu.wait_dma2 semaphore(%arg42 : memref<!tpu.dma_semaphore, #tpu.memory_space<semaphore_mem>>) src(%arg23 : memref<80x128xf32, #tpu.memory_space<vmem>>) dst(%dma_wait3A_67 : memref<80x128xf32, #tpu.memory_space<vmem_shared>>)
    %dma_wait3A_68 = arith.constant 0 : i32
    %dma_wait3A_69 = tpu.memref_slice %arg6[%add3A_30, %dma_wait3A_68] : memref<10240x128xf32, #tpu.memory_space<vmem_shared>> -> memref<80x128xf32, #tpu.memory_space<vmem_shared>>
    %dma_wait3A_70 = arith.constant 0 : i32
    %dma_wait3A_71 = tpu.memref_slice %arg6[%add3A_30, %dma_wait3A_70] : memref<10240x128xf32, #tpu.memory_space<vmem_shared>> -> memref<80x128xf32, #tpu.memory_space<vmem_shared>>
    tpu.wait_dma2 semaphore(%arg39 : memref<!tpu.dma_semaphore, #tpu.memory_space<semaphore_mem>>) src(%arg23 : memref<80x128xf32, #tpu.memory_space<vmem>>) dst(%dma_wait3A_71 : memref<80x128xf32, #tpu.memory_space<vmem_shared>>)
    %dma_wait3A_72 = arith.constant 0 : i32
    %dma_wait3A_73 = tpu.memref_slice %arg6[%add3A_36, %dma_wait3A_72] : memref<10240x128xf32, #tpu.memory_space<vmem_shared>> -> memref<80x128xf32, #tpu.memory_space<vmem_shared>>
    %dma_wait3A_74 = arith.constant 0 : i32
    %dma_wait3A_75 = tpu.memref_slice %arg6[%add3A_36, %dma_wait3A_74] : memref<10240x128xf32, #tpu.memory_space<vmem_shared>> -> memref<80x128xf32, #tpu.memory_space<vmem_shared>>
    tpu.wait_dma2 semaphore(%arg40 : memref<!tpu.dma_semaphore, #tpu.memory_space<semaphore_mem>>) src(%arg23 : memref<80x128xf32, #tpu.memory_space<vmem>>) dst(%dma_wait3A_75 : memref<80x128xf32, #tpu.memory_space<vmem_shared>>)
    %dma_wait3A_76 = arith.constant 0 : i32
    %dma_wait3A_77 = tpu.memref_slice %arg6[%add3A_42, %dma_wait3A_76] : memref<10240x128xf32, #tpu.memory_space<vmem_shared>> -> memref<80x128xf32, #tpu.memory_space<vmem_shared>>
    %dma_wait3A_78 = arith.constant 0 : i32
    %dma_wait3A_79 = tpu.memref_slice %arg6[%add3A_42, %dma_wait3A_78] : memref<10240x128xf32, #tpu.memory_space<vmem_shared>> -> memref<80x128xf32, #tpu.memory_space<vmem_shared>>
    tpu.wait_dma2 semaphore(%arg41 : memref<!tpu.dma_semaphore, #tpu.memory_space<semaphore_mem>>) src(%arg23 : memref<80x128xf32, #tpu.memory_space<vmem>>) dst(%dma_wait3A_79 : memref<80x128xf32, #tpu.memory_space<vmem_shared>>)
    %dma_wait3A_80 = arith.constant 0 : i32
    %dma_wait3A_81 = tpu.memref_slice %arg6[%add3A_48, %dma_wait3A_80] : memref<10240x128xf32, #tpu.memory_space<vmem_shared>> -> memref<80x128xf32, #tpu.memory_space<vmem_shared>>
    %dma_wait3A_82 = arith.constant 0 : i32
    %dma_wait3A_83 = tpu.memref_slice %arg6[%add3A_48, %dma_wait3A_82] : memref<10240x128xf32, #tpu.memory_space<vmem_shared>> -> memref<80x128xf32, #tpu.memory_space<vmem_shared>>
    tpu.wait_dma2 semaphore(%arg42 : memref<!tpu.dma_semaphore, #tpu.memory_space<semaphore_mem>>) src(%arg23 : memref<80x128xf32, #tpu.memory_space<vmem>>) dst(%dma_wait3A_83 : memref<80x128xf32, #tpu.memory_space<vmem_shared>>)
    %barrier3A = arith.constant 0 : index
    tpu.barrier barrier_id(%barrier3A)
    %mul3A_84 = arith.constant 16 : i32
    %mul3A_85 = arith.muli %arg0, %mul3A_84 : i32
    %add3A_86 = arith.addi %mul3A_85, %arg1 : i32
    %mul3A_87 = arith.constant 10240 : i32
    %mul3A_88 = arith.muli %add3A_86, %mul3A_87 : i32
    %add3A_89 = arith.constant 0 : i32
    %add3A_90 = arith.addi %mul3A_88, %add3A_89 : i32
    %multiple_of3A = tpu.assume_multiple %add3A_90, 8 : i32
    %dma_start3A_91 = tpu.memref_slice %arg3[%multiple_of3A] : memref<327680xi32, #tpu.memory_space<hbm>> -> memref<80xi32, #tpu.memory_space<hbm>>
    %dma_start3A_92 = tpu.memref_slice %arg3[%multiple_of3A] : memref<327680xi32, #tpu.memory_space<hbm>> -> memref<80xi32, #tpu.memory_space<hbm>>
    tpu.enqueue_dma source(%dma_start3A_92 : memref<80xi32, #tpu.memory_space<hbm>>) target(%arg7 : memref<80xi32, #tpu.memory_space<vmem>>) target_semaphore(%arg27 : memref<!tpu.dma_semaphore, #tpu.memory_space<semaphore_mem>>)
    %dma_start3A_93 = tpu.memref_slice %arg4[%multiple_of3A] : memref<327680xi32, #tpu.memory_space<hbm>> -> memref<80xi32, #tpu.memory_space<hbm>>
    %dma_start3A_94 = tpu.memref_slice %arg4[%multiple_of3A] : memref<327680xi32, #tpu.memory_space<hbm>> -> memref<80xi32, #tpu.memory_space<hbm>>
    tpu.enqueue_dma source(%dma_start3A_94 : memref<80xi32, #tpu.memory_space<hbm>>) target(%arg15 : memref<80xi32, #tpu.memory_space<vmem>>) target_semaphore(%arg27 : memref<!tpu.dma_semaphore, #tpu.memory_space<semaphore_mem>>)
    %add3A_95 = arith.constant 80 : i32
    %add3A_96 = arith.addi %mul3A_88, %add3A_95 : i32
    %multiple_of3A_97 = tpu.assume_multiple %add3A_96, 8 : i32
    %dma_start3A_98 = tpu.memref_slice %arg3[%multiple_of3A_97] : memref<327680xi32, #tpu.memory_space<hbm>> -> memref<80xi32, #tpu.memory_space<hbm>>
    %dma_start3A_99 = tpu.memref_slice %arg3[%multiple_of3A_97] : memref<327680xi32, #tpu.memory_space<hbm>> -> memref<80xi32, #tpu.memory_space<hbm>>
    tpu.enqueue_dma source(%dma_start3A_99 : memref<80xi32, #tpu.memory_space<hbm>>) target(%arg8 : memref<80xi32, #tpu.memory_space<vmem>>) target_semaphore(%arg28 : memref<!tpu.dma_semaphore, #tpu.memory_space<semaphore_mem>>)
    %dma_start3A_100 = tpu.memref_slice %arg4[%multiple_of3A_97] : memref<327680xi32, #tpu.memory_space<hbm>> -> memref<80xi32, #tpu.memory_space<hbm>>
    %dma_start3A_101 = tpu.memref_slice %arg4[%multiple_of3A_97] : memref<327680xi32, #tpu.memory_space<hbm>> -> memref<80xi32, #tpu.memory_space<hbm>>
    tpu.enqueue_dma source(%dma_start3A_101 : memref<80xi32, #tpu.memory_space<hbm>>) target(%arg16 : memref<80xi32, #tpu.memory_space<vmem>>) target_semaphore(%arg28 : memref<!tpu.dma_semaphore, #tpu.memory_space<semaphore_mem>>)
    %add3A_102 = arith.constant 160 : i32
    %add3A_103 = arith.addi %mul3A_88, %add3A_102 : i32
    %multiple_of3A_104 = tpu.assume_multiple %add3A_103, 8 : i32
    %dma_start3A_105 = tpu.memref_slice %arg3[%multiple_of3A_104] : memref<327680xi32, #tpu.memory_space<hbm>> -> memref<80xi32, #tpu.memory_space<hbm>>
    %dma_start3A_106 = tpu.memref_slice %arg3[%multiple_of3A_104] : memref<327680xi32, #tpu.memory_space<hbm>> -> memref<80xi32, #tpu.memory_space<hbm>>
    tpu.enqueue_dma source(%dma_start3A_106 : memref<80xi32, #tpu.memory_space<hbm>>) target(%arg9 : memref<80xi32, #tpu.memory_space<vmem>>) target_semaphore(%arg29 : memref<!tpu.dma_semaphore, #tpu.memory_space<semaphore_mem>>)
    %dma_start3A_107 = tpu.memref_slice %arg4[%multiple_of3A_104] : memref<327680xi32, #tpu.memory_space<hbm>> -> memref<80xi32, #tpu.memory_space<hbm>>
    %dma_start3A_108 = tpu.memref_slice %arg4[%multiple_of3A_104] : memref<327680xi32, #tpu.memory_space<hbm>> -> memref<80xi32, #tpu.memory_space<hbm>>
    tpu.enqueue_dma source(%dma_start3A_108 : memref<80xi32, #tpu.memory_space<hbm>>) target(%arg17 : memref<80xi32, #tpu.memory_space<vmem>>) target_semaphore(%arg29 : memref<!tpu.dma_semaphore, #tpu.memory_space<semaphore_mem>>)
    %add3A_109 = arith.constant 240 : i32
    %add3A_110 = arith.addi %mul3A_88, %add3A_109 : i32
    %multiple_of3A_111 = tpu.assume_multiple %add3A_110, 8 : i32
    %dma_start3A_112 = tpu.memref_slice %arg3[%multiple_of3A_111] : memref<327680xi32, #tpu.memory_space<hbm>> -> memref<80xi32, #tpu.memory_space<hbm>>
    %dma_start3A_113 = tpu.memref_slice %arg3[%multiple_of3A_111] : memref<327680xi32, #tpu.memory_space<hbm>> -> memref<80xi32, #tpu.memory_space<hbm>>
    tpu.enqueue_dma source(%dma_start3A_113 : memref<80xi32, #tpu.memory_space<hbm>>) target(%arg10 : memref<80xi32, #tpu.memory_space<vmem>>) target_semaphore(%arg30 : memref<!tpu.dma_semaphore, #tpu.memory_space<semaphore_mem>>)
    %dma_start3A_114 = tpu.memref_slice %arg4[%multiple_of3A_111] : memref<327680xi32, #tpu.memory_space<hbm>> -> memref<80xi32, #tpu.memory_space<hbm>>
    %dma_start3A_115 = tpu.memref_slice %arg4[%multiple_of3A_111] : memref<327680xi32, #tpu.memory_space<hbm>> -> memref<80xi32, #tpu.memory_space<hbm>>
    tpu.enqueue_dma source(%dma_start3A_115 : memref<80xi32, #tpu.memory_space<hbm>>) target(%arg18 : memref<80xi32, #tpu.memory_space<vmem>>) target_semaphore(%arg30 : memref<!tpu.dma_semaphore, #tpu.memory_space<semaphore_mem>>)
    %scan3A_116 = arith.constant 0 : i32
    %scan3A_117 = arith.constant 0 : i32
    %scan3A_118 = arith.constant 16 : i32
    %scan3A_119 = arith.addi %scan3A_117, %scan3A_118 : i32
    %scan3A_120 = arith.constant 1 : i32
    %scan3A_121 = scf.for %scan3A_175 = %scan3A_117 to %scan3A_119 step %scan3A_120 iter_args(%scan3A_176 = %scan3A_116) -> (i32)  : i32 {
      %mul3A_177 = arith.constant 8 : i32
      %mul3A_178 = arith.muli %scan3A_175, %mul3A_177 : i32
      %add3A_179 = arith.constant 0 : i32
      %add3A_180 = arith.addi %mul3A_178, %add3A_179 : i32
      %dma_wait3A_181 = arith.constant 0 : i32
      %dma_wait3A_182 = tpu.memref_slice %arg3[%dma_wait3A_181] : memref<327680xi32, #tpu.memory_space<hbm>> -> memref<80xi32, #tpu.memory_space<hbm>>
      %dma_wait3A_183 = arith.constant 0 : i32
      %dma_wait3A_184 = tpu.memref_slice %arg3[%dma_wait3A_183] : memref<327680xi32, #tpu.memory_space<hbm>> -> memref<80xi32, #tpu.memory_space<hbm>>
      tpu.wait_dma2 semaphore(%arg27 : memref<!tpu.dma_semaphore, #tpu.memory_space<semaphore_mem>>) src(%dma_wait3A_184 : memref<80xi32, #tpu.memory_space<hbm>>) dst(%arg7 : memref<80xi32, #tpu.memory_space<vmem>>)
      %dma_wait3A_185 = arith.constant 0 : i32
      %dma_wait3A_186 = tpu.memref_slice %arg4[%dma_wait3A_185] : memref<327680xi32, #tpu.memory_space<hbm>> -> memref<80xi32, #tpu.memory_space<hbm>>
      %dma_wait3A_187 = arith.constant 0 : i32
      %dma_wait3A_188 = tpu.memref_slice %arg4[%dma_wait3A_187] : memref<327680xi32, #tpu.memory_space<hbm>> -> memref<80xi32, #tpu.memory_space<hbm>>
      tpu.wait_dma2 semaphore(%arg27 : memref<!tpu.dma_semaphore, #tpu.memory_space<semaphore_mem>>) src(%dma_wait3A_188 : memref<80xi32, #tpu.memory_space<hbm>>) dst(%arg15 : memref<80xi32, #tpu.memory_space<vmem>>)
      %ge3A = arith.constant 4 : i32
      %ge3A_189 = arith.cmpi sge, %add3A_180, %ge3A : i32
      %convert_element_type3A = arith.extui %ge3A_189 : i1 to i32
      %cond3A = arith.constant 0 : i32
      %cond3A_190 = arith.cmpi ne, %convert_element_type3A, %cond3A : i32
      scf.if %cond3A_190 {
        %dma_wait3A_416 = arith.constant 0 : i32
        %dma_wait3A_417 = arith.constant 0 : i32
        %dma_wait3A_418 = tpu.memref_slice %arg2[%dma_wait3A_416, %dma_wait3A_417] : memref<10240x128xf32, #tpu.memory_space<hbm>> -> memref<80x128xf32, #tpu.memory_space<hbm>>
        %dma_wait3A_419 = arith.constant 0 : i32
        %dma_wait3A_420 = arith.constant 0 : i32
        %dma_wait3A_421 = tpu.memref_slice %arg2[%dma_wait3A_419, %dma_wait3A_420] : memref<10240x128xf32, #tpu.memory_space<hbm>> -> memref<80x128xf32, #tpu.memory_space<hbm>>
        tpu.wait_dma2 semaphore(%arg39 : memref<!tpu.dma_semaphore, #tpu.memory_space<semaphore_mem>>) src(%dma_wait3A_421 : memref<80x128xf32, #tpu.memory_space<hbm>>) dst(%arg23 : memref<80x128xf32, #tpu.memory_space<vmem>>)
      } else {
      }
      %add3A_191 = arith.constant 4 : i32
      %add3A_192 = arith.addi %add3A_180, %add3A_191 : i32
      %lt3A = arith.constant 128 : i32
      %lt3A_193 = arith.cmpi slt, %add3A_192, %lt3A : i32
      %convert_element_type3A_194 = arith.extui %lt3A_193 : i1 to i32
      %cond3A_195 = arith.constant 0 : i32
      %cond3A_196 = arith.cmpi ne, %convert_element_type3A_194, %cond3A_195 : i32
      scf.if %cond3A_196 {
        %add3A_416 = arith.constant 4 : i32
        %add3A_417 = arith.addi %add3A_180, %add3A_416 : i32
        %mul3A_418 = arith.constant 80 : i32
        %mul3A_419 = arith.muli %add3A_417, %mul3A_418 : i32
        %add3A_420 = arith.addi %mul3A_88, %mul3A_419 : i32
        %multiple_of3A_421 = tpu.assume_multiple %add3A_420, 8 : i32
        %dma_start3A_422 = tpu.memref_slice %arg3[%multiple_of3A_421] : memref<327680xi32, #tpu.memory_space<hbm>> -> memref<80xi32, #tpu.memory_space<hbm>>
        %dma_start3A_423 = tpu.memref_slice %arg3[%multiple_of3A_421] : memref<327680xi32, #tpu.memory_space<hbm>> -> memref<80xi32, #tpu.memory_space<hbm>>
        tpu.enqueue_dma source(%dma_start3A_423 : memref<80xi32, #tpu.memory_space<hbm>>) target(%arg11 : memref<80xi32, #tpu.memory_space<vmem>>) target_semaphore(%arg31 : memref<!tpu.dma_semaphore, #tpu.memory_space<semaphore_mem>>)
        %dma_start3A_424 = tpu.memref_slice %arg4[%multiple_of3A_421] : memref<327680xi32, #tpu.memory_space<hbm>> -> memref<80xi32, #tpu.memory_space<hbm>>
        %dma_start3A_425 = tpu.memref_slice %arg4[%multiple_of3A_421] : memref<327680xi32, #tpu.memory_space<hbm>> -> memref<80xi32, #tpu.memory_space<hbm>>
        tpu.enqueue_dma source(%dma_start3A_425 : memref<80xi32, #tpu.memory_space<hbm>>) target(%arg19 : memref<80xi32, #tpu.memory_space<vmem>>) target_semaphore(%arg31 : memref<!tpu.dma_semaphore, #tpu.memory_space<semaphore_mem>>)
      } else {
      }
      %dma_start3A_197 = arith.constant 0 : i32
      %dma_start3A_198 = arith.constant 0 : i32
      %dma_start3A_199 = tpu.memref_slice %arg2[%dma_start3A_197, %dma_start3A_198] : memref<10240x128xf32, #tpu.memory_space<hbm>> -> memref<10240x128xf32, #tpu.memory_space<hbm>>
      tpu.enqueue_indirect_dma source(%dma_start3A_199 : memref<10240x128xf32, #tpu.memory_space<hbm>>) target(%arg23 : memref<80x128xf32, #tpu.memory_space<vmem>>) offsets(%arg7 : memref<80xi32, #tpu.memory_space<vmem>>) semaphore(%arg35 : memref<!tpu.dma_semaphore, #tpu.memory_space<semaphore_mem>>)
      %ge3A_200 = arith.constant 3 : i32
      %ge3A_201 = arith.cmpi sge, %add3A_180, %ge3A_200 : i32
      %convert_element_type3A_202 = arith.extui %ge3A_201 : i1 to i32
      %cond3A_203 = arith.constant 0 : i32
      %cond3A_204 = arith.cmpi ne, %convert_element_type3A_202, %cond3A_203 : i32
      scf.if %cond3A_204 {
        %dma_wait3A_416 = arith.constant 0 : i32
        %dma_wait3A_417 = arith.constant 0 : i32
        %dma_wait3A_418 = tpu.memref_slice %arg2[%dma_wait3A_416, %dma_wait3A_417] : memref<10240x128xf32, #tpu.memory_space<hbm>> -> memref<80x128xf32, #tpu.memory_space<hbm>>
        %dma_wait3A_419 = arith.constant 0 : i32
        %dma_wait3A_420 = arith.constant 0 : i32
        %dma_wait3A_421 = tpu.memref_slice %arg2[%dma_wait3A_419, %dma_wait3A_420] : memref<10240x128xf32, #tpu.memory_space<hbm>> -> memref<80x128xf32, #tpu.memory_space<hbm>>
        tpu.wait_dma2 semaphore(%arg36 : memref<!tpu.dma_semaphore, #tpu.memory_space<semaphore_mem>>) src(%dma_wait3A_421 : memref<80x128xf32, #tpu.memory_space<hbm>>) dst(%arg24 : memref<80x128xf32, #tpu.memory_space<vmem>>)
        %dma_start3A_422 = arith.constant 0 : i32
        %dma_start3A_423 = arith.constant 0 : i32
        %dma_start3A_424 = tpu.memref_slice %arg6[%dma_start3A_422, %dma_start3A_423] : memref<10240x128xf32, #tpu.memory_space<vmem_shared>> -> memref<10240x128xf32, #tpu.memory_space<vmem_shared>>
        tpu.enqueue_indirect_dma source(%arg24 : memref<80x128xf32, #tpu.memory_space<vmem>>) target(%dma_start3A_424 : memref<10240x128xf32, #tpu.memory_space<vmem_shared>>) offsets(%arg20 : memref<80xi32, #tpu.memory_space<vmem>>) semaphore(%arg40 : memref<!tpu.dma_semaphore, #tpu.memory_space<semaphore_mem>>) {add = true}
      } else {
      }
      %add3A_205 = arith.constant 1 : i32
      %add3A_206 = arith.addi %mul3A_178, %add3A_205 : i32
      %dma_wait3A_207 = arith.constant 0 : i32
      %dma_wait3A_208 = tpu.memref_slice %arg3[%dma_wait3A_207] : memref<327680xi32, #tpu.memory_space<hbm>> -> memref<80xi32, #tpu.memory_space<hbm>>
      %dma_wait3A_209 = arith.constant 0 : i32
      %dma_wait3A_210 = tpu.memref_slice %arg3[%dma_wait3A_209] : memref<327680xi32, #tpu.memory_space<hbm>> -> memref<80xi32, #tpu.memory_space<hbm>>
      tpu.wait_dma2 semaphore(%arg28 : memref<!tpu.dma_semaphore, #tpu.memory_space<semaphore_mem>>) src(%dma_wait3A_210 : memref<80xi32, #tpu.memory_space<hbm>>) dst(%arg8 : memref<80xi32, #tpu.memory_space<vmem>>)
      %dma_wait3A_211 = arith.constant 0 : i32
      %dma_wait3A_212 = tpu.memref_slice %arg4[%dma_wait3A_211] : memref<327680xi32, #tpu.memory_space<hbm>> -> memref<80xi32, #tpu.memory_space<hbm>>
      %dma_wait3A_213 = arith.constant 0 : i32
      %dma_wait3A_214 = tpu.memref_slice %arg4[%dma_wait3A_213] : memref<327680xi32, #tpu.memory_space<hbm>> -> memref<80xi32, #tpu.memory_space<hbm>>
      tpu.wait_dma2 semaphore(%arg28 : memref<!tpu.dma_semaphore, #tpu.memory_space<semaphore_mem>>) src(%dma_wait3A_214 : memref<80xi32, #tpu.memory_space<hbm>>) dst(%arg16 : memref<80xi32, #tpu.memory_space<vmem>>)
      %ge3A_215 = arith.constant 4 : i32
      %ge3A_216 = arith.cmpi sge, %add3A_206, %ge3A_215 : i32
      %convert_element_type3A_217 = arith.extui %ge3A_216 : i1 to i32
      %cond3A_218 = arith.constant 0 : i32
      %cond3A_219 = arith.cmpi ne, %convert_element_type3A_217, %cond3A_218 : i32
      scf.if %cond3A_219 {
        %dma_wait3A_416 = arith.constant 0 : i32
        %dma_wait3A_417 = arith.constant 0 : i32
        %dma_wait3A_418 = tpu.memref_slice %arg2[%dma_wait3A_416, %dma_wait3A_417] : memref<10240x128xf32, #tpu.memory_space<hbm>> -> memref<80x128xf32, #tpu.memory_space<hbm>>
        %dma_wait3A_419 = arith.constant 0 : i32
        %dma_wait3A_420 = arith.constant 0 : i32
        %dma_wait3A_421 = tpu.memref_slice %arg2[%dma_wait3A_419, %dma_wait3A_420] : memref<10240x128xf32, #tpu.memory_space<hbm>> -> memref<80x128xf32, #tpu.memory_space<hbm>>
        tpu.wait_dma2 semaphore(%arg40 : memref<!tpu.dma_semaphore, #tpu.memory_space<semaphore_mem>>) src(%dma_wait3A_421 : memref<80x128xf32, #tpu.memory_space<hbm>>) dst(%arg24 : memref<80x128xf32, #tpu.memory_space<vmem>>)
      } else {
      }
      %add3A_220 = arith.constant 4 : i32
      %add3A_221 = arith.addi %add3A_206, %add3A_220 : i32
      %lt3A_222 = arith.constant 128 : i32
      %lt3A_223 = arith.cmpi slt, %add3A_221, %lt3A_222 : i32
      %convert_element_type3A_224 = arith.extui %lt3A_223 : i1 to i32
      %cond3A_225 = arith.constant 0 : i32
      %cond3A_226 = arith.cmpi ne, %convert_element_type3A_224, %cond3A_225 : i32
      scf.if %cond3A_226 {
        %add3A_416 = arith.constant 4 : i32
        %add3A_417 = arith.addi %add3A_206, %add3A_416 : i32
        %mul3A_418 = arith.constant 80 : i32
        %mul3A_419 = arith.muli %add3A_417, %mul3A_418 : i32
        %add3A_420 = arith.addi %mul3A_88, %mul3A_419 : i32
        %multiple_of3A_421 = tpu.assume_multiple %add3A_420, 8 : i32
        %dma_start3A_422 = tpu.memref_slice %arg3[%multiple_of3A_421] : memref<327680xi32, #tpu.memory_space<hbm>> -> memref<80xi32, #tpu.memory_space<hbm>>
        %dma_start3A_423 = tpu.memref_slice %arg3[%multiple_of3A_421] : memref<327680xi32, #tpu.memory_space<hbm>> -> memref<80xi32, #tpu.memory_space<hbm>>
        tpu.enqueue_dma source(%dma_start3A_423 : memref<80xi32, #tpu.memory_space<hbm>>) target(%arg12 : memref<80xi32, #tpu.memory_space<vmem>>) target_semaphore(%arg32 : memref<!tpu.dma_semaphore, #tpu.memory_space<semaphore_mem>>)
        %dma_start3A_424 = tpu.memref_slice %arg4[%multiple_of3A_421] : memref<327680xi32, #tpu.memory_space<hbm>> -> memref<80xi32, #tpu.memory_space<hbm>>
        %dma_start3A_425 = tpu.memref_slice %arg4[%multiple_of3A_421] : memref<327680xi32, #tpu.memory_space<hbm>> -> memref<80xi32, #tpu.memory_space<hbm>>
        tpu.enqueue_dma source(%dma_start3A_425 : memref<80xi32, #tpu.memory_space<hbm>>) target(%arg20 : memref<80xi32, #tpu.memory_space<vmem>>) target_semaphore(%arg32 : memref<!tpu.dma_semaphore, #tpu.memory_space<semaphore_mem>>)
      } else {
      }
      %dma_start3A_227 = arith.constant 0 : i32
      %dma_start3A_228 = arith.constant 0 : i32
      %dma_start3A_229 = tpu.memref_slice %arg2[%dma_start3A_227, %dma_start3A_228] : memref<10240x128xf32, #tpu.memory_space<hbm>> -> memref<10240x128xf32, #tpu.memory_space<hbm>>
      tpu.enqueue_indirect_dma source(%dma_start3A_229 : memref<10240x128xf32, #tpu.memory_space<hbm>>) target(%arg24 : memref<80x128xf32, #tpu.memory_space<vmem>>) offsets(%arg8 : memref<80xi32, #tpu.memory_space<vmem>>) semaphore(%arg36 : memref<!tpu.dma_semaphore, #tpu.memory_space<semaphore_mem>>)
      %ge3A_230 = arith.constant 3 : i32
      %ge3A_231 = arith.cmpi sge, %add3A_206, %ge3A_230 : i32
      %convert_element_type3A_232 = arith.extui %ge3A_231 : i1 to i32
      %cond3A_233 = arith.constant 0 : i32
      %cond3A_234 = arith.cmpi ne, %convert_element_type3A_232, %cond3A_233 : i32
      scf.if %cond3A_234 {
        %dma_wait3A_416 = arith.constant 0 : i32
        %dma_wait3A_417 = arith.constant 0 : i32
        %dma_wait3A_418 = tpu.memref_slice %arg2[%dma_wait3A_416, %dma_wait3A_417] : memref<10240x128xf32, #tpu.memory_space<hbm>> -> memref<80x128xf32, #tpu.memory_space<hbm>>
        %dma_wait3A_419 = arith.constant 0 : i32
        %dma_wait3A_420 = arith.constant 0 : i32
        %dma_wait3A_421 = tpu.memref_slice %arg2[%dma_wait3A_419, %dma_wait3A_420] : memref<10240x128xf32, #tpu.memory_space<hbm>> -> memref<80x128xf32, #tpu.memory_space<hbm>>
        tpu.wait_dma2 semaphore(%arg37 : memref<!tpu.dma_semaphore, #tpu.memory_space<semaphore_mem>>) src(%dma_wait3A_421 : memref<80x128xf32, #tpu.memory_space<hbm>>) dst(%arg25 : memref<80x128xf32, #tpu.memory_space<vmem>>)
        %dma_start3A_422 = arith.constant 0 : i32
        %dma_start3A_423 = arith.constant 0 : i32
        %dma_start3A_424 = tpu.memref_slice %arg6[%dma_start3A_422, %dma_start3A_423] : memref<10240x128xf32, #tpu.memory_space<vmem_shared>> -> memref<10240x128xf32, #tpu.memory_space<vmem_shared>>
        tpu.enqueue_indirect_dma source(%arg25 : memref<80x128xf32, #tpu.memory_space<vmem>>) target(%dma_start3A_424 : memref<10240x128xf32, #tpu.memory_space<vmem_shared>>) offsets(%arg21 : memref<80xi32, #tpu.memory_space<vmem>>) semaphore(%arg41 : memref<!tpu.dma_semaphore, #tpu.memory_space<semaphore_mem>>) {add = true}
      } else {
      }
      %add3A_235 = arith.constant 2 : i32
      %add3A_236 = arith.addi %mul3A_178, %add3A_235 : i32
      %dma_wait3A_237 = arith.constant 0 : i32
      %dma_wait3A_238 = tpu.memref_slice %arg3[%dma_wait3A_237] : memref<327680xi32, #tpu.memory_space<hbm>> -> memref<80xi32, #tpu.memory_space<hbm>>
      %dma_wait3A_239 = arith.constant 0 : i32
      %dma_wait3A_240 = tpu.memref_slice %arg3[%dma_wait3A_239] : memref<327680xi32, #tpu.memory_space<hbm>> -> memref<80xi32, #tpu.memory_space<hbm>>
      tpu.wait_dma2 semaphore(%arg29 : memref<!tpu.dma_semaphore, #tpu.memory_space<semaphore_mem>>) src(%dma_wait3A_240 : memref<80xi32, #tpu.memory_space<hbm>>) dst(%arg9 : memref<80xi32, #tpu.memory_space<vmem>>)
      %dma_wait3A_241 = arith.constant 0 : i32
      %dma_wait3A_242 = tpu.memref_slice %arg4[%dma_wait3A_241] : memref<327680xi32, #tpu.memory_space<hbm>> -> memref<80xi32, #tpu.memory_space<hbm>>
      %dma_wait3A_243 = arith.constant 0 : i32
      %dma_wait3A_244 = tpu.memref_slice %arg4[%dma_wait3A_243] : memref<327680xi32, #tpu.memory_space<hbm>> -> memref<80xi32, #tpu.memory_space<hbm>>
      tpu.wait_dma2 semaphore(%arg29 : memref<!tpu.dma_semaphore, #tpu.memory_space<semaphore_mem>>) src(%dma_wait3A_244 : memref<80xi32, #tpu.memory_space<hbm>>) dst(%arg17 : memref<80xi32, #tpu.memory_space<vmem>>)
      %ge3A_245 = arith.constant 4 : i32
      %ge3A_246 = arith.cmpi sge, %add3A_236, %ge3A_245 : i32
      %convert_element_type3A_247 = arith.extui %ge3A_246 : i1 to i32
      %cond3A_248 = arith.constant 0 : i32
      %cond3A_249 = arith.cmpi ne, %convert_element_type3A_247, %cond3A_248 : i32
      scf.if %cond3A_249 {
        %dma_wait3A_416 = arith.constant 0 : i32
        %dma_wait3A_417 = arith.constant 0 : i32
        %dma_wait3A_418 = tpu.memref_slice %arg2[%dma_wait3A_416, %dma_wait3A_417] : memref<10240x128xf32, #tpu.memory_space<hbm>> -> memref<80x128xf32, #tpu.memory_space<hbm>>
        %dma_wait3A_419 = arith.constant 0 : i32
        %dma_wait3A_420 = arith.constant 0 : i32
        %dma_wait3A_421 = tpu.memref_slice %arg2[%dma_wait3A_419, %dma_wait3A_420] : memref<10240x128xf32, #tpu.memory_space<hbm>> -> memref<80x128xf32, #tpu.memory_space<hbm>>
        tpu.wait_dma2 semaphore(%arg41 : memref<!tpu.dma_semaphore, #tpu.memory_space<semaphore_mem>>) src(%dma_wait3A_421 : memref<80x128xf32, #tpu.memory_space<hbm>>) dst(%arg25 : memref<80x128xf32, #tpu.memory_space<vmem>>)
      } else {
      }
      %add3A_250 = arith.constant 4 : i32
      %add3A_251 = arith.addi %add3A_236, %add3A_250 : i32
      %lt3A_252 = arith.constant 128 : i32
      %lt3A_253 = arith.cmpi slt, %add3A_251, %lt3A_252 : i32
      %convert_element_type3A_254 = arith.extui %lt3A_253 : i1 to i32
      %cond3A_255 = arith.constant 0 : i32
      %cond3A_256 = arith.cmpi ne, %convert_element_type3A_254, %cond3A_255 : i32
      scf.if %cond3A_256 {
        %add3A_416 = arith.constant 4 : i32
        %add3A_417 = arith.addi %add3A_236, %add3A_416 : i32
        %mul3A_418 = arith.constant 80 : i32
        %mul3A_419 = arith.muli %add3A_417, %mul3A_418 : i32
        %add3A_420 = arith.addi %mul3A_88, %mul3A_419 : i32
        %multiple_of3A_421 = tpu.assume_multiple %add3A_420, 8 : i32
        %dma_start3A_422 = tpu.memref_slice %arg3[%multiple_of3A_421] : memref<327680xi32, #tpu.memory_space<hbm>> -> memref<80xi32, #tpu.memory_space<hbm>>
        %dma_start3A_423 = tpu.memref_slice %arg3[%multiple_of3A_421] : memref<327680xi32, #tpu.memory_space<hbm>> -> memref<80xi32, #tpu.memory_space<hbm>>
        tpu.enqueue_dma source(%dma_start3A_423 : memref<80xi32, #tpu.memory_space<hbm>>) target(%arg13 : memref<80xi32, #tpu.memory_space<vmem>>) target_semaphore(%arg33 : memref<!tpu.dma_semaphore, #tpu.memory_space<semaphore_mem>>)
        %dma_start3A_424 = tpu.memref_slice %arg4[%multiple_of3A_421] : memref<327680xi32, #tpu.memory_space<hbm>> -> memref<80xi32, #tpu.memory_space<hbm>>
        %dma_start3A_425 = tpu.memref_slice %arg4[%multiple_of3A_421] : memref<327680xi32, #tpu.memory_space<hbm>> -> memref<80xi32, #tpu.memory_space<hbm>>
        tpu.enqueue_dma source(%dma_start3A_425 : memref<80xi32, #tpu.memory_space<hbm>>) target(%arg21 : memref<80xi32, #tpu.memory_space<vmem>>) target_semaphore(%arg33 : memref<!tpu.dma_semaphore, #tpu.memory_space<semaphore_mem>>)
      } else {
      }
      %dma_start3A_257 = arith.constant 0 : i32
      %dma_start3A_258 = arith.constant 0 : i32
      %dma_start3A_259 = tpu.memref_slice %arg2[%dma_start3A_257, %dma_start3A_258] : memref<10240x128xf32, #tpu.memory_space<hbm>> -> memref<10240x128xf32, #tpu.memory_space<hbm>>
      tpu.enqueue_indirect_dma source(%dma_start3A_259 : memref<10240x128xf32, #tpu.memory_space<hbm>>) target(%arg25 : memref<80x128xf32, #tpu.memory_space<vmem>>) offsets(%arg9 : memref<80xi32, #tpu.memory_space<vmem>>) semaphore(%arg37 : memref<!tpu.dma_semaphore, #tpu.memory_space<semaphore_mem>>)
      %ge3A_260 = arith.constant 3 : i32
      %ge3A_261 = arith.cmpi sge, %add3A_236, %ge3A_260 : i32
      %convert_element_type3A_262 = arith.extui %ge3A_261 : i1 to i32
      %cond3A_263 = arith.constant 0 : i32
      %cond3A_264 = arith.cmpi ne, %convert_element_type3A_262, %cond3A_263 : i32
      scf.if %cond3A_264 {
        %dma_wait3A_416 = arith.constant 0 : i32
        %dma_wait3A_417 = arith.constant 0 : i32
        %dma_wait3A_418 = tpu.memref_slice %arg2[%dma_wait3A_416, %dma_wait3A_417] : memref<10240x128xf32, #tpu.memory_space<hbm>> -> memref<80x128xf32, #tpu.memory_space<hbm>>
        %dma_wait3A_419 = arith.constant 0 : i32
        %dma_wait3A_420 = arith.constant 0 : i32
        %dma_wait3A_421 = tpu.memref_slice %arg2[%dma_wait3A_419, %dma_wait3A_420] : memref<10240x128xf32, #tpu.memory_space<hbm>> -> memref<80x128xf32, #tpu.memory_space<hbm>>
        tpu.wait_dma2 semaphore(%arg38 : memref<!tpu.dma_semaphore, #tpu.memory_space<semaphore_mem>>) src(%dma_wait3A_421 : memref<80x128xf32, #tpu.memory_space<hbm>>) dst(%arg26 : memref<80x128xf32, #tpu.memory_space<vmem>>)
        %dma_start3A_422 = arith.constant 0 : i32
        %dma_start3A_423 = arith.constant 0 : i32
        %dma_start3A_424 = tpu.memref_slice %arg6[%dma_start3A_422, %dma_start3A_423] : memref<10240x128xf32, #tpu.memory_space<vmem_shared>> -> memref<10240x128xf32, #tpu.memory_space<vmem_shared>>
        tpu.enqueue_indirect_dma source(%arg26 : memref<80x128xf32, #tpu.memory_space<vmem>>) target(%dma_start3A_424 : memref<10240x128xf32, #tpu.memory_space<vmem_shared>>) offsets(%arg22 : memref<80xi32, #tpu.memory_space<vmem>>) semaphore(%arg42 : memref<!tpu.dma_semaphore, #tpu.memory_space<semaphore_mem>>) {add = true}
      } else {
      }
      %add3A_265 = arith.constant 3 : i32
      %add3A_266 = arith.addi %mul3A_178, %add3A_265 : i32
      %dma_wait3A_267 = arith.constant 0 : i32
      %dma_wait3A_268 = tpu.memref_slice %arg3[%dma_wait3A_267] : memref<327680xi32, #tpu.memory_space<hbm>> -> memref<80xi32, #tpu.memory_space<hbm>>
      %dma_wait3A_269 = arith.constant 0 : i32
      %dma_wait3A_270 = tpu.memref_slice %arg3[%dma_wait3A_269] : memref<327680xi32, #tpu.memory_space<hbm>> -> memref<80xi32, #tpu.memory_space<hbm>>
      tpu.wait_dma2 semaphore(%arg30 : memref<!tpu.dma_semaphore, #tpu.memory_space<semaphore_mem>>) src(%dma_wait3A_270 : memref<80xi32, #tpu.memory_space<hbm>>) dst(%arg10 : memref<80xi32, #tpu.memory_space<vmem>>)
      %dma_wait3A_271 = arith.constant 0 : i32
      %dma_wait3A_272 = tpu.memref_slice %arg4[%dma_wait3A_271] : memref<327680xi32, #tpu.memory_space<hbm>> -> memref<80xi32, #tpu.memory_space<hbm>>
      %dma_wait3A_273 = arith.constant 0 : i32
      %dma_wait3A_274 = tpu.memref_slice %arg4[%dma_wait3A_273] : memref<327680xi32, #tpu.memory_space<hbm>> -> memref<80xi32, #tpu.memory_space<hbm>>
      tpu.wait_dma2 semaphore(%arg30 : memref<!tpu.dma_semaphore, #tpu.memory_space<semaphore_mem>>) src(%dma_wait3A_274 : memref<80xi32, #tpu.memory_space<hbm>>) dst(%arg18 : memref<80xi32, #tpu.memory_space<vmem>>)
      %ge3A_275 = arith.constant 4 : i32
      %ge3A_276 = arith.cmpi sge, %add3A_266, %ge3A_275 : i32
      %convert_element_type3A_277 = arith.extui %ge3A_276 : i1 to i32
      %cond3A_278 = arith.constant 0 : i32
      %cond3A_279 = arith.cmpi ne, %convert_element_type3A_277, %cond3A_278 : i32
      scf.if %cond3A_279 {
        %dma_wait3A_416 = arith.constant 0 : i32
        %dma_wait3A_417 = arith.constant 0 : i32
        %dma_wait3A_418 = tpu.memref_slice %arg2[%dma_wait3A_416, %dma_wait3A_417] : memref<10240x128xf32, #tpu.memory_space<hbm>> -> memref<80x128xf32, #tpu.memory_space<hbm>>
        %dma_wait3A_419 = arith.constant 0 : i32
        %dma_wait3A_420 = arith.constant 0 : i32
        %dma_wait3A_421 = tpu.memref_slice %arg2[%dma_wait3A_419, %dma_wait3A_420] : memref<10240x128xf32, #tpu.memory_space<hbm>> -> memref<80x128xf32, #tpu.memory_space<hbm>>
        tpu.wait_dma2 semaphore(%arg42 : memref<!tpu.dma_semaphore, #tpu.memory_space<semaphore_mem>>) src(%dma_wait3A_421 : memref<80x128xf32, #tpu.memory_space<hbm>>) dst(%arg26 : memref<80x128xf32, #tpu.memory_space<vmem>>)
      } else {
      }
      %add3A_280 = arith.constant 4 : i32
      %add3A_281 = arith.addi %add3A_266, %add3A_280 : i32
      %lt3A_282 = arith.constant 128 : i32
      %lt3A_283 = arith.cmpi slt, %add3A_281, %lt3A_282 : i32
      %convert_element_type3A_284 = arith.extui %lt3A_283 : i1 to i32
      %cond3A_285 = arith.constant 0 : i32
      %cond3A_286 = arith.cmpi ne, %convert_element_type3A_284, %cond3A_285 : i32
      scf.if %cond3A_286 {
        %add3A_416 = arith.constant 4 : i32
        %add3A_417 = arith.addi %add3A_266, %add3A_416 : i32
        %mul3A_418 = arith.constant 80 : i32
        %mul3A_419 = arith.muli %add3A_417, %mul3A_418 : i32
        %add3A_420 = arith.addi %mul3A_88, %mul3A_419 : i32
        %multiple_of3A_421 = tpu.assume_multiple %add3A_420, 8 : i32
        %dma_start3A_422 = tpu.memref_slice %arg3[%multiple_of3A_421] : memref<327680xi32, #tpu.memory_space<hbm>> -> memref<80xi32, #tpu.memory_space<hbm>>
        %dma_start3A_423 = tpu.memref_slice %arg3[%multiple_of3A_421] : memref<327680xi32, #tpu.memory_space<hbm>> -> memref<80xi32, #tpu.memory_space<hbm>>
        tpu.enqueue_dma source(%dma_start3A_423 : memref<80xi32, #tpu.memory_space<hbm>>) target(%arg14 : memref<80xi32, #tpu.memory_space<vmem>>) target_semaphore(%arg34 : memref<!tpu.dma_semaphore, #tpu.memory_space<semaphore_mem>>)
        %dma_start3A_424 = tpu.memref_slice %arg4[%multiple_of3A_421] : memref<327680xi32, #tpu.memory_space<hbm>> -> memref<80xi32, #tpu.memory_space<hbm>>
        %dma_start3A_425 = tpu.memref_slice %arg4[%multiple_of3A_421] : memref<327680xi32, #tpu.memory_space<hbm>> -> memref<80xi32, #tpu.memory_space<hbm>>
        tpu.enqueue_dma source(%dma_start3A_425 : memref<80xi32, #tpu.memory_space<hbm>>) target(%arg22 : memref<80xi32, #tpu.memory_space<vmem>>) target_semaphore(%arg34 : memref<!tpu.dma_semaphore, #tpu.memory_space<semaphore_mem>>)
      } else {
      }
      %dma_start3A_287 = arith.constant 0 : i32
      %dma_start3A_288 = arith.constant 0 : i32
      %dma_start3A_289 = tpu.memref_slice %arg2[%dma_start3A_287, %dma_start3A_288] : memref<10240x128xf32, #tpu.memory_space<hbm>> -> memref<10240x128xf32, #tpu.memory_space<hbm>>
      tpu.enqueue_indirect_dma source(%dma_start3A_289 : memref<10240x128xf32, #tpu.memory_space<hbm>>) target(%arg26 : memref<80x128xf32, #tpu.memory_space<vmem>>) offsets(%arg10 : memref<80xi32, #tpu.memory_space<vmem>>) semaphore(%arg38 : memref<!tpu.dma_semaphore, #tpu.memory_space<semaphore_mem>>)
      %ge3A_290 = arith.constant 3 : i32
      %ge3A_291 = arith.cmpi sge, %add3A_266, %ge3A_290 : i32
      %convert_element_type3A_292 = arith.extui %ge3A_291 : i1 to i32
      %cond3A_293 = arith.constant 0 : i32
      %cond3A_294 = arith.cmpi ne, %convert_element_type3A_292, %cond3A_293 : i32
      scf.if %cond3A_294 {
        %dma_wait3A_416 = arith.constant 0 : i32
        %dma_wait3A_417 = arith.constant 0 : i32
        %dma_wait3A_418 = tpu.memref_slice %arg2[%dma_wait3A_416, %dma_wait3A_417] : memref<10240x128xf32, #tpu.memory_space<hbm>> -> memref<80x128xf32, #tpu.memory_space<hbm>>
        %dma_wait3A_419 = arith.constant 0 : i32
        %dma_wait3A_420 = arith.constant 0 : i32
        %dma_wait3A_421 = tpu.memref_slice %arg2[%dma_wait3A_419, %dma_wait3A_420] : memref<10240x128xf32, #tpu.memory_space<hbm>> -> memref<80x128xf32, #tpu.memory_space<hbm>>
        tpu.wait_dma2 semaphore(%arg35 : memref<!tpu.dma_semaphore, #tpu.memory_space<semaphore_mem>>) src(%dma_wait3A_421 : memref<80x128xf32, #tpu.memory_space<hbm>>) dst(%arg23 : memref<80x128xf32, #tpu.memory_space<vmem>>)
        %dma_start3A_422 = arith.constant 0 : i32
        %dma_start3A_423 = arith.constant 0 : i32
        %dma_start3A_424 = tpu.memref_slice %arg6[%dma_start3A_422, %dma_start3A_423] : memref<10240x128xf32, #tpu.memory_space<vmem_shared>> -> memref<10240x128xf32, #tpu.memory_space<vmem_shared>>
        tpu.enqueue_indirect_dma source(%arg23 : memref<80x128xf32, #tpu.memory_space<vmem>>) target(%dma_start3A_424 : memref<10240x128xf32, #tpu.memory_space<vmem_shared>>) offsets(%arg15 : memref<80xi32, #tpu.memory_space<vmem>>) semaphore(%arg39 : memref<!tpu.dma_semaphore, #tpu.memory_space<semaphore_mem>>) {add = true}
      } else {
      }
      %add3A_295 = arith.constant 4 : i32
      %add3A_296 = arith.addi %mul3A_178, %add3A_295 : i32
      %dma_wait3A_297 = arith.constant 0 : i32
      %dma_wait3A_298 = tpu.memref_slice %arg3[%dma_wait3A_297] : memref<327680xi32, #tpu.memory_space<hbm>> -> memref<80xi32, #tpu.memory_space<hbm>>
      %dma_wait3A_299 = arith.constant 0 : i32
      %dma_wait3A_300 = tpu.memref_slice %arg3[%dma_wait3A_299] : memref<327680xi32, #tpu.memory_space<hbm>> -> memref<80xi32, #tpu.memory_space<hbm>>
      tpu.wait_dma2 semaphore(%arg31 : memref<!tpu.dma_semaphore, #tpu.memory_space<semaphore_mem>>) src(%dma_wait3A_300 : memref<80xi32, #tpu.memory_space<hbm>>) dst(%arg11 : memref<80xi32, #tpu.memory_space<vmem>>)
      %dma_wait3A_301 = arith.constant 0 : i32
      %dma_wait3A_302 = tpu.memref_slice %arg4[%dma_wait3A_301] : memref<327680xi32, #tpu.memory_space<hbm>> -> memref<80xi32, #tpu.memory_space<hbm>>
      %dma_wait3A_303 = arith.constant 0 : i32
      %dma_wait3A_304 = tpu.memref_slice %arg4[%dma_wait3A_303] : memref<327680xi32, #tpu.memory_space<hbm>> -> memref<80xi32, #tpu.memory_space<hbm>>
      tpu.wait_dma2 semaphore(%arg31 : memref<!tpu.dma_semaphore, #tpu.memory_space<semaphore_mem>>) src(%dma_wait3A_304 : memref<80xi32, #tpu.memory_space<hbm>>) dst(%arg19 : memref<80xi32, #tpu.memory_space<vmem>>)
      %ge3A_305 = arith.constant 4 : i32
      %ge3A_306 = arith.cmpi sge, %add3A_296, %ge3A_305 : i32
      %convert_element_type3A_307 = arith.extui %ge3A_306 : i1 to i32
      %cond3A_308 = arith.constant 0 : i32
      %cond3A_309 = arith.cmpi ne, %convert_element_type3A_307, %cond3A_308 : i32
      scf.if %cond3A_309 {
        %dma_wait3A_416 = arith.constant 0 : i32
        %dma_wait3A_417 = arith.constant 0 : i32
        %dma_wait3A_418 = tpu.memref_slice %arg2[%dma_wait3A_416, %dma_wait3A_417] : memref<10240x128xf32, #tpu.memory_space<hbm>> -> memref<80x128xf32, #tpu.memory_space<hbm>>
        %dma_wait3A_419 = arith.constant 0 : i32
        %dma_wait3A_420 = arith.constant 0 : i32
        %dma_wait3A_421 = tpu.memref_slice %arg2[%dma_wait3A_419, %dma_wait3A_420] : memref<10240x128xf32, #tpu.memory_space<hbm>> -> memref<80x128xf32, #tpu.memory_space<hbm>>
        tpu.wait_dma2 semaphore(%arg39 : memref<!tpu.dma_semaphore, #tpu.memory_space<semaphore_mem>>) src(%dma_wait3A_421 : memref<80x128xf32, #tpu.memory_space<hbm>>) dst(%arg23 : memref<80x128xf32, #tpu.memory_space<vmem>>)
      } else {
      }
      %add3A_310 = arith.constant 4 : i32
      %add3A_311 = arith.addi %add3A_296, %add3A_310 : i32
      %lt3A_312 = arith.constant 128 : i32
      %lt3A_313 = arith.cmpi slt, %add3A_311, %lt3A_312 : i32
      %convert_element_type3A_314 = arith.extui %lt3A_313 : i1 to i32
      %cond3A_315 = arith.constant 0 : i32
      %cond3A_316 = arith.cmpi ne, %convert_element_type3A_314, %cond3A_315 : i32
      scf.if %cond3A_316 {
        %add3A_416 = arith.constant 4 : i32
        %add3A_417 = arith.addi %add3A_296, %add3A_416 : i32
        %mul3A_418 = arith.constant 80 : i32
        %mul3A_419 = arith.muli %add3A_417, %mul3A_418 : i32
        %add3A_420 = arith.addi %mul3A_88, %mul3A_419 : i32
        %multiple_of3A_421 = tpu.assume_multiple %add3A_420, 8 : i32
        %dma_start3A_422 = tpu.memref_slice %arg3[%multiple_of3A_421] : memref<327680xi32, #tpu.memory_space<hbm>> -> memref<80xi32, #tpu.memory_space<hbm>>
        %dma_start3A_423 = tpu.memref_slice %arg3[%multiple_of3A_421] : memref<327680xi32, #tpu.memory_space<hbm>> -> memref<80xi32, #tpu.memory_space<hbm>>
        tpu.enqueue_dma source(%dma_start3A_423 : memref<80xi32, #tpu.memory_space<hbm>>) target(%arg7 : memref<80xi32, #tpu.memory_space<vmem>>) target_semaphore(%arg27 : memref<!tpu.dma_semaphore, #tpu.memory_space<semaphore_mem>>)
        %dma_start3A_424 = tpu.memref_slice %arg4[%multiple_of3A_421] : memref<327680xi32, #tpu.memory_space<hbm>> -> memref<80xi32, #tpu.memory_space<hbm>>
        %dma_start3A_425 = tpu.memref_slice %arg4[%multiple_of3A_421] : memref<327680xi32, #tpu.memory_space<hbm>> -> memref<80xi32, #tpu.memory_space<hbm>>
        tpu.enqueue_dma source(%dma_start3A_425 : memref<80xi32, #tpu.memory_space<hbm>>) target(%arg15 : memref<80xi32, #tpu.memory_space<vmem>>) target_semaphore(%arg27 : memref<!tpu.dma_semaphore, #tpu.memory_space<semaphore_mem>>)
      } else {
      }
      %dma_start3A_317 = arith.constant 0 : i32
      %dma_start3A_318 = arith.constant 0 : i32
      %dma_start3A_319 = tpu.memref_slice %arg2[%dma_start3A_317, %dma_start3A_318] : memref<10240x128xf32, #tpu.memory_space<hbm>> -> memref<10240x128xf32, #tpu.memory_space<hbm>>
      tpu.enqueue_indirect_dma source(%dma_start3A_319 : memref<10240x128xf32, #tpu.memory_space<hbm>>) target(%arg23 : memref<80x128xf32, #tpu.memory_space<vmem>>) offsets(%arg11 : memref<80xi32, #tpu.memory_space<vmem>>) semaphore(%arg35 : memref<!tpu.dma_semaphore, #tpu.memory_space<semaphore_mem>>)
      %ge3A_320 = arith.constant 3 : i32
      %ge3A_321 = arith.cmpi sge, %add3A_296, %ge3A_320 : i32
      %convert_element_type3A_322 = arith.extui %ge3A_321 : i1 to i32
      %cond3A_323 = arith.constant 0 : i32
      %cond3A_324 = arith.cmpi ne, %convert_element_type3A_322, %cond3A_323 : i32
      scf.if %cond3A_324 {
        %dma_wait3A_416 = arith.constant 0 : i32
        %dma_wait3A_417 = arith.constant 0 : i32
        %dma_wait3A_418 = tpu.memref_slice %arg2[%dma_wait3A_416, %dma_wait3A_417] : memref<10240x128xf32, #tpu.memory_space<hbm>> -> memref<80x128xf32, #tpu.memory_space<hbm>>
        %dma_wait3A_419 = arith.constant 0 : i32
        %dma_wait3A_420 = arith.constant 0 : i32
        %dma_wait3A_421 = tpu.memref_slice %arg2[%dma_wait3A_419, %dma_wait3A_420] : memref<10240x128xf32, #tpu.memory_space<hbm>> -> memref<80x128xf32, #tpu.memory_space<hbm>>
        tpu.wait_dma2 semaphore(%arg36 : memref<!tpu.dma_semaphore, #tpu.memory_space<semaphore_mem>>) src(%dma_wait3A_421 : memref<80x128xf32, #tpu.memory_space<hbm>>) dst(%arg24 : memref<80x128xf32, #tpu.memory_space<vmem>>)
        %dma_start3A_422 = arith.constant 0 : i32
        %dma_start3A_423 = arith.constant 0 : i32
        %dma_start3A_424 = tpu.memref_slice %arg6[%dma_start3A_422, %dma_start3A_423] : memref<10240x128xf32, #tpu.memory_space<vmem_shared>> -> memref<10240x128xf32, #tpu.memory_space<vmem_shared>>
        tpu.enqueue_indirect_dma source(%arg24 : memref<80x128xf32, #tpu.memory_space<vmem>>) target(%dma_start3A_424 : memref<10240x128xf32, #tpu.memory_space<vmem_shared>>) offsets(%arg16 : memref<80xi32, #tpu.memory_space<vmem>>) semaphore(%arg40 : memref<!tpu.dma_semaphore, #tpu.memory_space<semaphore_mem>>) {add = true}
      } else {
      }
      %add3A_325 = arith.constant 5 : i32
      %add3A_326 = arith.addi %mul3A_178, %add3A_325 : i32
      %dma_wait3A_327 = arith.constant 0 : i32
      %dma_wait3A_328 = tpu.memref_slice %arg3[%dma_wait3A_327] : memref<327680xi32, #tpu.memory_space<hbm>> -> memref<80xi32, #tpu.memory_space<hbm>>
      %dma_wait3A_329 = arith.constant 0 : i32
      %dma_wait3A_330 = tpu.memref_slice %arg3[%dma_wait3A_329] : memref<327680xi32, #tpu.memory_space<hbm>> -> memref<80xi32, #tpu.memory_space<hbm>>
      tpu.wait_dma2 semaphore(%arg32 : memref<!tpu.dma_semaphore, #tpu.memory_space<semaphore_mem>>) src(%dma_wait3A_330 : memref<80xi32, #tpu.memory_space<hbm>>) dst(%arg12 : memref<80xi32, #tpu.memory_space<vmem>>)
      %dma_wait3A_331 = arith.constant 0 : i32
      %dma_wait3A_332 = tpu.memref_slice %arg4[%dma_wait3A_331] : memref<327680xi32, #tpu.memory_space<hbm>> -> memref<80xi32, #tpu.memory_space<hbm>>
      %dma_wait3A_333 = arith.constant 0 : i32
      %dma_wait3A_334 = tpu.memref_slice %arg4[%dma_wait3A_333] : memref<327680xi32, #tpu.memory_space<hbm>> -> memref<80xi32, #tpu.memory_space<hbm>>
      tpu.wait_dma2 semaphore(%arg32 : memref<!tpu.dma_semaphore, #tpu.memory_space<semaphore_mem>>) src(%dma_wait3A_334 : memref<80xi32, #tpu.memory_space<hbm>>) dst(%arg20 : memref<80xi32, #tpu.memory_space<vmem>>)
      %ge3A_335 = arith.constant 4 : i32
      %ge3A_336 = arith.cmpi sge, %add3A_326, %ge3A_335 : i32
      %convert_element_type3A_337 = arith.extui %ge3A_336 : i1 to i32
      %cond3A_338 = arith.constant 0 : i32
      %cond3A_339 = arith.cmpi ne, %convert_element_type3A_337, %cond3A_338 : i32
      scf.if %cond3A_339 {
        %dma_wait3A_416 = arith.constant 0 : i32
        %dma_wait3A_417 = arith.constant 0 : i32
        %dma_wait3A_418 = tpu.memref_slice %arg2[%dma_wait3A_416, %dma_wait3A_417] : memref<10240x128xf32, #tpu.memory_space<hbm>> -> memref<80x128xf32, #tpu.memory_space<hbm>>
        %dma_wait3A_419 = arith.constant 0 : i32
        %dma_wait3A_420 = arith.constant 0 : i32
        %dma_wait3A_421 = tpu.memref_slice %arg2[%dma_wait3A_419, %dma_wait3A_420] : memref<10240x128xf32, #tpu.memory_space<hbm>> -> memref<80x128xf32, #tpu.memory_space<hbm>>
        tpu.wait_dma2 semaphore(%arg40 : memref<!tpu.dma_semaphore, #tpu.memory_space<semaphore_mem>>) src(%dma_wait3A_421 : memref<80x128xf32, #tpu.memory_space<hbm>>) dst(%arg24 : memref<80x128xf32, #tpu.memory_space<vmem>>)
      } else {
      }
      %add3A_340 = arith.constant 4 : i32
      %add3A_341 = arith.addi %add3A_326, %add3A_340 : i32
      %lt3A_342 = arith.constant 128 : i32
      %lt3A_343 = arith.cmpi slt, %add3A_341, %lt3A_342 : i32
      %convert_element_type3A_344 = arith.extui %lt3A_343 : i1 to i32
      %cond3A_345 = arith.constant 0 : i32
      %cond3A_346 = arith.cmpi ne, %convert_element_type3A_344, %cond3A_345 : i32
      scf.if %cond3A_346 {
        %add3A_416 = arith.constant 4 : i32
        %add3A_417 = arith.addi %add3A_326, %add3A_416 : i32
        %mul3A_418 = arith.constant 80 : i32
        %mul3A_419 = arith.muli %add3A_417, %mul3A_418 : i32
        %add3A_420 = arith.addi %mul3A_88, %mul3A_419 : i32
        %multiple_of3A_421 = tpu.assume_multiple %add3A_420, 8 : i32
        %dma_start3A_422 = tpu.memref_slice %arg3[%multiple_of3A_421] : memref<327680xi32, #tpu.memory_space<hbm>> -> memref<80xi32, #tpu.memory_space<hbm>>
        %dma_start3A_423 = tpu.memref_slice %arg3[%multiple_of3A_421] : memref<327680xi32, #tpu.memory_space<hbm>> -> memref<80xi32, #tpu.memory_space<hbm>>
        tpu.enqueue_dma source(%dma_start3A_423 : memref<80xi32, #tpu.memory_space<hbm>>) target(%arg8 : memref<80xi32, #tpu.memory_space<vmem>>) target_semaphore(%arg28 : memref<!tpu.dma_semaphore, #tpu.memory_space<semaphore_mem>>)
        %dma_start3A_424 = tpu.memref_slice %arg4[%multiple_of3A_421] : memref<327680xi32, #tpu.memory_space<hbm>> -> memref<80xi32, #tpu.memory_space<hbm>>
        %dma_start3A_425 = tpu.memref_slice %arg4[%multiple_of3A_421] : memref<327680xi32, #tpu.memory_space<hbm>> -> memref<80xi32, #tpu.memory_space<hbm>>
        tpu.enqueue_dma source(%dma_start3A_425 : memref<80xi32, #tpu.memory_space<hbm>>) target(%arg16 : memref<80xi32, #tpu.memory_space<vmem>>) target_semaphore(%arg28 : memref<!tpu.dma_semaphore, #tpu.memory_space<semaphore_mem>>)
      } else {
      }
      %dma_start3A_347 = arith.constant 0 : i32
      %dma_start3A_348 = arith.constant 0 : i32
      %dma_start3A_349 = tpu.memref_slice %arg2[%dma_start3A_347, %dma_start3A_348] : memref<10240x128xf32, #tpu.memory_space<hbm>> -> memref<10240x128xf32, #tpu.memory_space<hbm>>
      tpu.enqueue_indirect_dma source(%dma_start3A_349 : memref<10240x128xf32, #tpu.memory_space<hbm>>) target(%arg24 : memref<80x128xf32, #tpu.memory_space<vmem>>) offsets(%arg12 : memref<80xi32, #tpu.memory_space<vmem>>) semaphore(%arg36 : memref<!tpu.dma_semaphore, #tpu.memory_space<semaphore_mem>>)
      %ge3A_350 = arith.constant 3 : i32
      %ge3A_351 = arith.cmpi sge, %add3A_326, %ge3A_350 : i32
      %convert_element_type3A_352 = arith.extui %ge3A_351 : i1 to i32
      %cond3A_353 = arith.constant 0 : i32
      %cond3A_354 = arith.cmpi ne, %convert_element_type3A_352, %cond3A_353 : i32
      scf.if %cond3A_354 {
        %dma_wait3A_416 = arith.constant 0 : i32
        %dma_wait3A_417 = arith.constant 0 : i32
        %dma_wait3A_418 = tpu.memref_slice %arg2[%dma_wait3A_416, %dma_wait3A_417] : memref<10240x128xf32, #tpu.memory_space<hbm>> -> memref<80x128xf32, #tpu.memory_space<hbm>>
        %dma_wait3A_419 = arith.constant 0 : i32
        %dma_wait3A_420 = arith.constant 0 : i32
        %dma_wait3A_421 = tpu.memref_slice %arg2[%dma_wait3A_419, %dma_wait3A_420] : memref<10240x128xf32, #tpu.memory_space<hbm>> -> memref<80x128xf32, #tpu.memory_space<hbm>>
        tpu.wait_dma2 semaphore(%arg37 : memref<!tpu.dma_semaphore, #tpu.memory_space<semaphore_mem>>) src(%dma_wait3A_421 : memref<80x128xf32, #tpu.memory_space<hbm>>) dst(%arg25 : memref<80x128xf32, #tpu.memory_space<vmem>>)
        %dma_start3A_422 = arith.constant 0 : i32
        %dma_start3A_423 = arith.constant 0 : i32
        %dma_start3A_424 = tpu.memref_slice %arg6[%dma_start3A_422, %dma_start3A_423] : memref<10240x128xf32, #tpu.memory_space<vmem_shared>> -> memref<10240x128xf32, #tpu.memory_space<vmem_shared>>
        tpu.enqueue_indirect_dma source(%arg25 : memref<80x128xf32, #tpu.memory_space<vmem>>) target(%dma_start3A_424 : memref<10240x128xf32, #tpu.memory_space<vmem_shared>>) offsets(%arg17 : memref<80xi32, #tpu.memory_space<vmem>>) semaphore(%arg41 : memref<!tpu.dma_semaphore, #tpu.memory_space<semaphore_mem>>) {add = true}
      } else {
      }
      %add3A_355 = arith.constant 6 : i32
      %add3A_356 = arith.addi %mul3A_178, %add3A_355 : i32
      %dma_wait3A_357 = arith.constant 0 : i32
      %dma_wait3A_358 = tpu.memref_slice %arg3[%dma_wait3A_357] : memref<327680xi32, #tpu.memory_space<hbm>> -> memref<80xi32, #tpu.memory_space<hbm>>
      %dma_wait3A_359 = arith.constant 0 : i32
      %dma_wait3A_360 = tpu.memref_slice %arg3[%dma_wait3A_359] : memref<327680xi32, #tpu.memory_space<hbm>> -> memref<80xi32, #tpu.memory_space<hbm>>
      tpu.wait_dma2 semaphore(%arg33 : memref<!tpu.dma_semaphore, #tpu.memory_space<semaphore_mem>>) src(%dma_wait3A_360 : memref<80xi32, #tpu.memory_space<hbm>>) dst(%arg13 : memref<80xi32, #tpu.memory_space<vmem>>)
      %dma_wait3A_361 = arith.constant 0 : i32
      %dma_wait3A_362 = tpu.memref_slice %arg4[%dma_wait3A_361] : memref<327680xi32, #tpu.memory_space<hbm>> -> memref<80xi32, #tpu.memory_space<hbm>>
      %dma_wait3A_363 = arith.constant 0 : i32
      %dma_wait3A_364 = tpu.memref_slice %arg4[%dma_wait3A_363] : memref<327680xi32, #tpu.memory_space<hbm>> -> memref<80xi32, #tpu.memory_space<hbm>>
      tpu.wait_dma2 semaphore(%arg33 : memref<!tpu.dma_semaphore, #tpu.memory_space<semaphore_mem>>) src(%dma_wait3A_364 : memref<80xi32, #tpu.memory_space<hbm>>) dst(%arg21 : memref<80xi32, #tpu.memory_space<vmem>>)
      %ge3A_365 = arith.constant 4 : i32
      %ge3A_366 = arith.cmpi sge, %add3A_356, %ge3A_365 : i32
      %convert_element_type3A_367 = arith.extui %ge3A_366 : i1 to i32
      %cond3A_368 = arith.constant 0 : i32
      %cond3A_369 = arith.cmpi ne, %convert_element_type3A_367, %cond3A_368 : i32
      scf.if %cond3A_369 {
        %dma_wait3A_416 = arith.constant 0 : i32
        %dma_wait3A_417 = arith.constant 0 : i32
        %dma_wait3A_418 = tpu.memref_slice %arg2[%dma_wait3A_416, %dma_wait3A_417] : memref<10240x128xf32, #tpu.memory_space<hbm>> -> memref<80x128xf32, #tpu.memory_space<hbm>>
        %dma_wait3A_419 = arith.constant 0 : i32
        %dma_wait3A_420 = arith.constant 0 : i32
        %dma_wait3A_421 = tpu.memref_slice %arg2[%dma_wait3A_419, %dma_wait3A_420] : memref<10240x128xf32, #tpu.memory_space<hbm>> -> memref<80x128xf32, #tpu.memory_space<hbm>>
        tpu.wait_dma2 semaphore(%arg41 : memref<!tpu.dma_semaphore, #tpu.memory_space<semaphore_mem>>) src(%dma_wait3A_421 : memref<80x128xf32, #tpu.memory_space<hbm>>) dst(%arg25 : memref<80x128xf32, #tpu.memory_space<vmem>>)
      } else {
      }
      %add3A_370 = arith.constant 4 : i32
      %add3A_371 = arith.addi %add3A_356, %add3A_370 : i32
      %lt3A_372 = arith.constant 128 : i32
      %lt3A_373 = arith.cmpi slt, %add3A_371, %lt3A_372 : i32
      %convert_element_type3A_374 = arith.extui %lt3A_373 : i1 to i32
      %cond3A_375 = arith.constant 0 : i32
      %cond3A_376 = arith.cmpi ne, %convert_element_type3A_374, %cond3A_375 : i32
      scf.if %cond3A_376 {
        %add3A_416 = arith.constant 4 : i32
        %add3A_417 = arith.addi %add3A_356, %add3A_416 : i32
        %mul3A_418 = arith.constant 80 : i32
        %mul3A_419 = arith.muli %add3A_417, %mul3A_418 : i32
        %add3A_420 = arith.addi %mul3A_88, %mul3A_419 : i32
        %multiple_of3A_421 = tpu.assume_multiple %add3A_420, 8 : i32
        %dma_start3A_422 = tpu.memref_slice %arg3[%multiple_of3A_421] : memref<327680xi32, #tpu.memory_space<hbm>> -> memref<80xi32, #tpu.memory_space<hbm>>
        %dma_start3A_423 = tpu.memref_slice %arg3[%multiple_of3A_421] : memref<327680xi32, #tpu.memory_space<hbm>> -> memref<80xi32, #tpu.memory_space<hbm>>
        tpu.enqueue_dma source(%dma_start3A_423 : memref<80xi32, #tpu.memory_space<hbm>>) target(%arg9 : memref<80xi32, #tpu.memory_space<vmem>>) target_semaphore(%arg29 : memref<!tpu.dma_semaphore, #tpu.memory_space<semaphore_mem>>)
        %dma_start3A_424 = tpu.memref_slice %arg4[%multiple_of3A_421] : memref<327680xi32, #tpu.memory_space<hbm>> -> memref<80xi32, #tpu.memory_space<hbm>>
        %dma_start3A_425 = tpu.memref_slice %arg4[%multiple_of3A_421] : memref<327680xi32, #tpu.memory_space<hbm>> -> memref<80xi32, #tpu.memory_space<hbm>>
        tpu.enqueue_dma source(%dma_start3A_425 : memref<80xi32, #tpu.memory_space<hbm>>) target(%arg17 : memref<80xi32, #tpu.memory_space<vmem>>) target_semaphore(%arg29 : memref<!tpu.dma_semaphore, #tpu.memory_space<semaphore_mem>>)
      } else {
      }
      %dma_start3A_377 = arith.constant 0 : i32
      %dma_start3A_378 = arith.constant 0 : i32
      %dma_start3A_379 = tpu.memref_slice %arg2[%dma_start3A_377, %dma_start3A_378] : memref<10240x128xf32, #tpu.memory_space<hbm>> -> memref<10240x128xf32, #tpu.memory_space<hbm>>
      tpu.enqueue_indirect_dma source(%dma_start3A_379 : memref<10240x128xf32, #tpu.memory_space<hbm>>) target(%arg25 : memref<80x128xf32, #tpu.memory_space<vmem>>) offsets(%arg13 : memref<80xi32, #tpu.memory_space<vmem>>) semaphore(%arg37 : memref<!tpu.dma_semaphore, #tpu.memory_space<semaphore_mem>>)
      %ge3A_380 = arith.constant 3 : i32
      %ge3A_381 = arith.cmpi sge, %add3A_356, %ge3A_380 : i32
      %convert_element_type3A_382 = arith.extui %ge3A_381 : i1 to i32
      %cond3A_383 = arith.constant 0 : i32
      %cond3A_384 = arith.cmpi ne, %convert_element_type3A_382, %cond3A_383 : i32
      scf.if %cond3A_384 {
        %dma_wait3A_416 = arith.constant 0 : i32
        %dma_wait3A_417 = arith.constant 0 : i32
        %dma_wait3A_418 = tpu.memref_slice %arg2[%dma_wait3A_416, %dma_wait3A_417] : memref<10240x128xf32, #tpu.memory_space<hbm>> -> memref<80x128xf32, #tpu.memory_space<hbm>>
        %dma_wait3A_419 = arith.constant 0 : i32
        %dma_wait3A_420 = arith.constant 0 : i32
        %dma_wait3A_421 = tpu.memref_slice %arg2[%dma_wait3A_419, %dma_wait3A_420] : memref<10240x128xf32, #tpu.memory_space<hbm>> -> memref<80x128xf32, #tpu.memory_space<hbm>>
        tpu.wait_dma2 semaphore(%arg38 : memref<!tpu.dma_semaphore, #tpu.memory_space<semaphore_mem>>) src(%dma_wait3A_421 : memref<80x128xf32, #tpu.memory_space<hbm>>) dst(%arg26 : memref<80x128xf32, #tpu.memory_space<vmem>>)
        %dma_start3A_422 = arith.constant 0 : i32
        %dma_start3A_423 = arith.constant 0 : i32
        %dma_start3A_424 = tpu.memref_slice %arg6[%dma_start3A_422, %dma_start3A_423] : memref<10240x128xf32, #tpu.memory_space<vmem_shared>> -> memref<10240x128xf32, #tpu.memory_space<vmem_shared>>
        tpu.enqueue_indirect_dma source(%arg26 : memref<80x128xf32, #tpu.memory_space<vmem>>) target(%dma_start3A_424 : memref<10240x128xf32, #tpu.memory_space<vmem_shared>>) offsets(%arg18 : memref<80xi32, #tpu.memory_space<vmem>>) semaphore(%arg42 : memref<!tpu.dma_semaphore, #tpu.memory_space<semaphore_mem>>) {add = true}
      } else {
      }
      %add3A_385 = arith.constant 7 : i32
      %add3A_386 = arith.addi %mul3A_178, %add3A_385 : i32
      %dma_wait3A_387 = arith.constant 0 : i32
      %dma_wait3A_388 = tpu.memref_slice %arg3[%dma_wait3A_387] : memref<327680xi32, #tpu.memory_space<hbm>> -> memref<80xi32, #tpu.memory_space<hbm>>
      %dma_wait3A_389 = arith.constant 0 : i32
      %dma_wait3A_390 = tpu.memref_slice %arg3[%dma_wait3A_389] : memref<327680xi32, #tpu.memory_space<hbm>> -> memref<80xi32, #tpu.memory_space<hbm>>
      tpu.wait_dma2 semaphore(%arg34 : memref<!tpu.dma_semaphore, #tpu.memory_space<semaphore_mem>>) src(%dma_wait3A_390 : memref<80xi32, #tpu.memory_space<hbm>>) dst(%arg14 : memref<80xi32, #tpu.memory_space<vmem>>)
      %dma_wait3A_391 = arith.constant 0 : i32
      %dma_wait3A_392 = tpu.memref_slice %arg4[%dma_wait3A_391] : memref<327680xi32, #tpu.memory_space<hbm>> -> memref<80xi32, #tpu.memory_space<hbm>>
      %dma_wait3A_393 = arith.constant 0 : i32
      %dma_wait3A_394 = tpu.memref_slice %arg4[%dma_wait3A_393] : memref<327680xi32, #tpu.memory_space<hbm>> -> memref<80xi32, #tpu.memory_space<hbm>>
      tpu.wait_dma2 semaphore(%arg34 : memref<!tpu.dma_semaphore, #tpu.memory_space<semaphore_mem>>) src(%dma_wait3A_394 : memref<80xi32, #tpu.memory_space<hbm>>) dst(%arg22 : memref<80xi32, #tpu.memory_space<vmem>>)
      %ge3A_395 = arith.constant 4 : i32
      %ge3A_396 = arith.cmpi sge, %add3A_386, %ge3A_395 : i32
      %convert_element_type3A_397 = arith.extui %ge3A_396 : i1 to i32
      %cond3A_398 = arith.constant 0 : i32
      %cond3A_399 = arith.cmpi ne, %convert_element_type3A_397, %cond3A_398 : i32
      scf.if %cond3A_399 {
        %dma_wait3A_416 = arith.constant 0 : i32
        %dma_wait3A_417 = arith.constant 0 : i32
        %dma_wait3A_418 = tpu.memref_slice %arg2[%dma_wait3A_416, %dma_wait3A_417] : memref<10240x128xf32, #tpu.memory_space<hbm>> -> memref<80x128xf32, #tpu.memory_space<hbm>>
        %dma_wait3A_419 = arith.constant 0 : i32
        %dma_wait3A_420 = arith.constant 0 : i32
        %dma_wait3A_421 = tpu.memref_slice %arg2[%dma_wait3A_419, %dma_wait3A_420] : memref<10240x128xf32, #tpu.memory_space<hbm>> -> memref<80x128xf32, #tpu.memory_space<hbm>>
        tpu.wait_dma2 semaphore(%arg42 : memref<!tpu.dma_semaphore, #tpu.memory_space<semaphore_mem>>) src(%dma_wait3A_421 : memref<80x128xf32, #tpu.memory_space<hbm>>) dst(%arg26 : memref<80x128xf32, #tpu.memory_space<vmem>>)
      } else {
      }
      %add3A_400 = arith.constant 4 : i32
      %add3A_401 = arith.addi %add3A_386, %add3A_400 : i32
      %lt3A_402 = arith.constant 128 : i32
      %lt3A_403 = arith.cmpi slt, %add3A_401, %lt3A_402 : i32
      %convert_element_type3A_404 = arith.extui %lt3A_403 : i1 to i32
      %cond3A_405 = arith.constant 0 : i32
      %cond3A_406 = arith.cmpi ne, %convert_element_type3A_404, %cond3A_405 : i32
      scf.if %cond3A_406 {
        %add3A_416 = arith.constant 4 : i32
        %add3A_417 = arith.addi %add3A_386, %add3A_416 : i32
        %mul3A_418 = arith.constant 80 : i32
        %mul3A_419 = arith.muli %add3A_417, %mul3A_418 : i32
        %add3A_420 = arith.addi %mul3A_88, %mul3A_419 : i32
        %multiple_of3A_421 = tpu.assume_multiple %add3A_420, 8 : i32
        %dma_start3A_422 = tpu.memref_slice %arg3[%multiple_of3A_421] : memref<327680xi32, #tpu.memory_space<hbm>> -> memref<80xi32, #tpu.memory_space<hbm>>
        %dma_start3A_423 = tpu.memref_slice %arg3[%multiple_of3A_421] : memref<327680xi32, #tpu.memory_space<hbm>> -> memref<80xi32, #tpu.memory_space<hbm>>
        tpu.enqueue_dma source(%dma_start3A_423 : memref<80xi32, #tpu.memory_space<hbm>>) target(%arg10 : memref<80xi32, #tpu.memory_space<vmem>>) target_semaphore(%arg30 : memref<!tpu.dma_semaphore, #tpu.memory_space<semaphore_mem>>)
        %dma_start3A_424 = tpu.memref_slice %arg4[%multiple_of3A_421] : memref<327680xi32, #tpu.memory_space<hbm>> -> memref<80xi32, #tpu.memory_space<hbm>>
        %dma_start3A_425 = tpu.memref_slice %arg4[%multiple_of3A_421] : memref<327680xi32, #tpu.memory_space<hbm>> -> memref<80xi32, #tpu.memory_space<hbm>>
        tpu.enqueue_dma source(%dma_start3A_425 : memref<80xi32, #tpu.memory_space<hbm>>) target(%arg18 : memref<80xi32, #tpu.memory_space<vmem>>) target_semaphore(%arg30 : memref<!tpu.dma_semaphore, #tpu.memory_space<semaphore_mem>>)
      } else {
      }
      %dma_start3A_407 = arith.constant 0 : i32
      %dma_start3A_408 = arith.constant 0 : i32
      %dma_start3A_409 = tpu.memref_slice %arg2[%dma_start3A_407, %dma_start3A_408] : memref<10240x128xf32, #tpu.memory_space<hbm>> -> memref<10240x128xf32, #tpu.memory_space<hbm>>
      tpu.enqueue_indirect_dma source(%dma_start3A_409 : memref<10240x128xf32, #tpu.memory_space<hbm>>) target(%arg26 : memref<80x128xf32, #tpu.memory_space<vmem>>) offsets(%arg14 : memref<80xi32, #tpu.memory_space<vmem>>) semaphore(%arg38 : memref<!tpu.dma_semaphore, #tpu.memory_space<semaphore_mem>>)
      %ge3A_410 = arith.constant 3 : i32
      %ge3A_411 = arith.cmpi sge, %add3A_386, %ge3A_410 : i32
      %convert_element_type3A_412 = arith.extui %ge3A_411 : i1 to i32
      %cond3A_413 = arith.constant 0 : i32
      %cond3A_414 = arith.cmpi ne, %convert_element_type3A_412, %cond3A_413 : i32
      scf.if %cond3A_414 {
        %dma_wait3A_416 = arith.constant 0 : i32
        %dma_wait3A_417 = arith.constant 0 : i32
        %dma_wait3A_418 = tpu.memref_slice %arg2[%dma_wait3A_416, %dma_wait3A_417] : memref<10240x128xf32, #tpu.memory_space<hbm>> -> memref<80x128xf32, #tpu.memory_space<hbm>>
        %dma_wait3A_419 = arith.constant 0 : i32
        %dma_wait3A_420 = arith.constant 0 : i32
        %dma_wait3A_421 = tpu.memref_slice %arg2[%dma_wait3A_419, %dma_wait3A_420] : memref<10240x128xf32, #tpu.memory_space<hbm>> -> memref<80x128xf32, #tpu.memory_space<hbm>>
        tpu.wait_dma2 semaphore(%arg35 : memref<!tpu.dma_semaphore, #tpu.memory_space<semaphore_mem>>) src(%dma_wait3A_421 : memref<80x128xf32, #tpu.memory_space<hbm>>) dst(%arg23 : memref<80x128xf32, #tpu.memory_space<vmem>>)
        %dma_start3A_422 = arith.constant 0 : i32
        %dma_start3A_423 = arith.constant 0 : i32
        %dma_start3A_424 = tpu.memref_slice %arg6[%dma_start3A_422, %dma_start3A_423] : memref<10240x128xf32, #tpu.memory_space<vmem_shared>> -> memref<10240x128xf32, #tpu.memory_space<vmem_shared>>
        tpu.enqueue_indirect_dma source(%arg23 : memref<80x128xf32, #tpu.memory_space<vmem>>) target(%dma_start3A_424 : memref<10240x128xf32, #tpu.memory_space<vmem_shared>>) offsets(%arg19 : memref<80xi32, #tpu.memory_space<vmem>>) semaphore(%arg39 : memref<!tpu.dma_semaphore, #tpu.memory_space<semaphore_mem>>) {add = true}
      } else {
      }
      %scan3A_415 = arith.constant 0 : i32
      scf.yield %scan3A_415 : i32
    }
    %scan3A_122 = arith.constant 16 : i32
    %dma_wait3A_123 = arith.constant 0 : i32
    %dma_wait3A_124 = arith.constant 0 : i32
    %dma_wait3A_125 = tpu.memref_slice %arg2[%dma_wait3A_123, %dma_wait3A_124] : memref<10240x128xf32, #tpu.memory_space<hbm>> -> memref<80x128xf32, #tpu.memory_space<hbm>>
    %dma_wait3A_126 = arith.constant 0 : i32
    %dma_wait3A_127 = arith.constant 0 : i32
    %dma_wait3A_128 = tpu.memref_slice %arg2[%dma_wait3A_126, %dma_wait3A_127] : memref<10240x128xf32, #tpu.memory_space<hbm>> -> memref<80x128xf32, #tpu.memory_space<hbm>>
    tpu.wait_dma2 semaphore(%arg36 : memref<!tpu.dma_semaphore, #tpu.memory_space<semaphore_mem>>) src(%dma_wait3A_128 : memref<80x128xf32, #tpu.memory_space<hbm>>) dst(%arg24 : memref<80x128xf32, #tpu.memory_space<vmem>>)
    %dma_start3A_129 = arith.constant 0 : i32
    %dma_start3A_130 = arith.constant 0 : i32
    %dma_start3A_131 = tpu.memref_slice %arg6[%dma_start3A_129, %dma_start3A_130] : memref<10240x128xf32, #tpu.memory_space<vmem_shared>> -> memref<10240x128xf32, #tpu.memory_space<vmem_shared>>
    tpu.enqueue_indirect_dma source(%arg24 : memref<80x128xf32, #tpu.memory_space<vmem>>) target(%dma_start3A_131 : memref<10240x128xf32, #tpu.memory_space<vmem_shared>>) offsets(%arg20 : memref<80xi32, #tpu.memory_space<vmem>>) semaphore(%arg40 : memref<!tpu.dma_semaphore, #tpu.memory_space<semaphore_mem>>) {add = true}
    %dma_wait3A_132 = arith.constant 0 : i32
    %dma_wait3A_133 = arith.constant 0 : i32
    %dma_wait3A_134 = tpu.memref_slice %arg2[%dma_wait3A_132, %dma_wait3A_133] : memref<10240x128xf32, #tpu.memory_space<hbm>> -> memref<80x128xf32, #tpu.memory_space<hbm>>
    %dma_wait3A_135 = arith.constant 0 : i32
    %dma_wait3A_136 = arith.constant 0 : i32
    %dma_wait3A_137 = tpu.memref_slice %arg2[%dma_wait3A_135, %dma_wait3A_136] : memref<10240x128xf32, #tpu.memory_space<hbm>> -> memref<80x128xf32, #tpu.memory_space<hbm>>
    tpu.wait_dma2 semaphore(%arg37 : memref<!tpu.dma_semaphore, #tpu.memory_space<semaphore_mem>>) src(%dma_wait3A_137 : memref<80x128xf32, #tpu.memory_space<hbm>>) dst(%arg25 : memref<80x128xf32, #tpu.memory_space<vmem>>)
    %dma_start3A_138 = arith.constant 0 : i32
    %dma_start3A_139 = arith.constant 0 : i32
    %dma_start3A_140 = tpu.memref_slice %arg6[%dma_start3A_138, %dma_start3A_139] : memref<10240x128xf32, #tpu.memory_space<vmem_shared>> -> memref<10240x128xf32, #tpu.memory_space<vmem_shared>>
    tpu.enqueue_indirect_dma source(%arg25 : memref<80x128xf32, #tpu.memory_space<vmem>>) target(%dma_start3A_140 : memref<10240x128xf32, #tpu.memory_space<vmem_shared>>) offsets(%arg21 : memref<80xi32, #tpu.memory_space<vmem>>) semaphore(%arg41 : memref<!tpu.dma_semaphore, #tpu.memory_space<semaphore_mem>>) {add = true}
    %dma_wait3A_141 = arith.constant 0 : i32
    %dma_wait3A_142 = arith.constant 0 : i32
    %dma_wait3A_143 = tpu.memref_slice %arg2[%dma_wait3A_141, %dma_wait3A_142] : memref<10240x128xf32, #tpu.memory_space<hbm>> -> memref<80x128xf32, #tpu.memory_space<hbm>>
    %dma_wait3A_144 = arith.constant 0 : i32
    %dma_wait3A_145 = arith.constant 0 : i32
    %dma_wait3A_146 = tpu.memref_slice %arg2[%dma_wait3A_144, %dma_wait3A_145] : memref<10240x128xf32, #tpu.memory_space<hbm>> -> memref<80x128xf32, #tpu.memory_space<hbm>>
    tpu.wait_dma2 semaphore(%arg38 : memref<!tpu.dma_semaphore, #tpu.memory_space<semaphore_mem>>) src(%dma_wait3A_146 : memref<80x128xf32, #tpu.memory_space<hbm>>) dst(%arg26 : memref<80x128xf32, #tpu.memory_space<vmem>>)
    %dma_start3A_147 = arith.constant 0 : i32
    %dma_start3A_148 = arith.constant 0 : i32
    %dma_start3A_149 = tpu.memref_slice %arg6[%dma_start3A_147, %dma_start3A_148] : memref<10240x128xf32, #tpu.memory_space<vmem_shared>> -> memref<10240x128xf32, #tpu.memory_space<vmem_shared>>
    tpu.enqueue_indirect_dma source(%arg26 : memref<80x128xf32, #tpu.memory_space<vmem>>) target(%dma_start3A_149 : memref<10240x128xf32, #tpu.memory_space<vmem_shared>>) offsets(%arg22 : memref<80xi32, #tpu.memory_space<vmem>>) semaphore(%arg42 : memref<!tpu.dma_semaphore, #tpu.memory_space<semaphore_mem>>) {add = true}
    %dma_wait3A_150 = arith.constant 0 : i32
    %dma_wait3A_151 = arith.constant 0 : i32
    %dma_wait3A_152 = tpu.memref_slice %arg2[%dma_wait3A_150, %dma_wait3A_151] : memref<10240x128xf32, #tpu.memory_space<hbm>> -> memref<80x128xf32, #tpu.memory_space<hbm>>
    %dma_wait3A_153 = arith.constant 0 : i32
    %dma_wait3A_154 = arith.constant 0 : i32
    %dma_wait3A_155 = tpu.memref_slice %arg2[%dma_wait3A_153, %dma_wait3A_154] : memref<10240x128xf32, #tpu.memory_space<hbm>> -> memref<80x128xf32, #tpu.memory_space<hbm>>
    tpu.wait_dma2 semaphore(%arg39 : memref<!tpu.dma_semaphore, #tpu.memory_space<semaphore_mem>>) src(%dma_wait3A_155 : memref<80x128xf32, #tpu.memory_space<hbm>>) dst(%arg23 : memref<80x128xf32, #tpu.memory_space<vmem>>)
    %dma_wait3A_156 = arith.constant 0 : i32
    %dma_wait3A_157 = arith.constant 0 : i32
    %dma_wait3A_158 = tpu.memref_slice %arg2[%dma_wait3A_156, %dma_wait3A_157] : memref<10240x128xf32, #tpu.memory_space<hbm>> -> memref<80x128xf32, #tpu.memory_space<hbm>>
    %dma_wait3A_159 = arith.constant 0 : i32
    %dma_wait3A_160 = arith.constant 0 : i32
    %dma_wait3A_161 = tpu.memref_slice %arg2[%dma_wait3A_159, %dma_wait3A_160] : memref<10240x128xf32, #tpu.memory_space<hbm>> -> memref<80x128xf32, #tpu.memory_space<hbm>>
    tpu.wait_dma2 semaphore(%arg40 : memref<!tpu.dma_semaphore, #tpu.memory_space<semaphore_mem>>) src(%dma_wait3A_161 : memref<80x128xf32, #tpu.memory_space<hbm>>) dst(%arg24 : memref<80x128xf32, #tpu.memory_space<vmem>>)
    %dma_wait3A_162 = arith.constant 0 : i32
    %dma_wait3A_163 = arith.constant 0 : i32
    %dma_wait3A_164 = tpu.memref_slice %arg2[%dma_wait3A_162, %dma_wait3A_163] : memref<10240x128xf32, #tpu.memory_space<hbm>> -> memref<80x128xf32, #tpu.memory_space<hbm>>
    %dma_wait3A_165 = arith.constant 0 : i32
    %dma_wait3A_166 = arith.constant 0 : i32
    %dma_wait3A_167 = tpu.memref_slice %arg2[%dma_wait3A_165, %dma_wait3A_166] : memref<10240x128xf32, #tpu.memory_space<hbm>> -> memref<80x128xf32, #tpu.memory_space<hbm>>
    tpu.wait_dma2 semaphore(%arg41 : memref<!tpu.dma_semaphore, #tpu.memory_space<semaphore_mem>>) src(%dma_wait3A_167 : memref<80x128xf32, #tpu.memory_space<hbm>>) dst(%arg25 : memref<80x128xf32, #tpu.memory_space<vmem>>)
    %dma_wait3A_168 = arith.constant 0 : i32
    %dma_wait3A_169 = arith.constant 0 : i32
    %dma_wait3A_170 = tpu.memref_slice %arg2[%dma_wait3A_168, %dma_wait3A_169] : memref<10240x128xf32, #tpu.memory_space<hbm>> -> memref<80x128xf32, #tpu.memory_space<hbm>>
    %dma_wait3A_171 = arith.constant 0 : i32
    %dma_wait3A_172 = arith.constant 0 : i32
    %dma_wait3A_173 = tpu.memref_slice %arg2[%dma_wait3A_171, %dma_wait3A_172] : memref<10240x128xf32, #tpu.memory_space<hbm>> -> memref<80x128xf32, #tpu.memory_space<hbm>>
    tpu.wait_dma2 semaphore(%arg42 : memref<!tpu.dma_semaphore, #tpu.memory_space<semaphore_mem>>) src(%dma_wait3A_173 : memref<80x128xf32, #tpu.memory_space<hbm>>) dst(%arg26 : memref<80x128xf32, #tpu.memory_space<vmem>>)
    %barrier3A_174 = arith.constant 0 : index
    tpu.barrier barrier_id(%barrier3A_174)
    "tpu.region"() ({
      %run_scoped3A = tpu.sem_alloc : memref<!tpu.dma_semaphore, #tpu.memory_space<semaphore_mem>>
      %dma_start3A_175 = arith.constant 0 : i32
      %dma_start3A_176 = tpu.memref_slice %arg5[%arg0, %mul3A_6, %dma_start3A_175] : memref<2x10240x128xf32, #tpu.memory_space<hbm>> -> memref<1x640x128xf32, #tpu.memory_space<hbm>>
      %dma_start3A_177 = tpu.memref_squeeze %dma_start3A_176 : memref<1x640x128xf32, #tpu.memory_space<hbm>> -> memref<640x128xf32, #tpu.memory_space<hbm>>
      %dma_start3A_178 = arith.constant 0 : i32
      %dma_start3A_179 = tpu.memref_slice %arg6[%mul3A_6, %dma_start3A_178] : memref<10240x128xf32, #tpu.memory_space<vmem_shared>> -> memref<640x128xf32, #tpu.memory_space<vmem_shared>>
      tpu.enqueue_dma source(%dma_start3A_179 : memref<640x128xf32, #tpu.memory_space<vmem_shared>>) target(%dma_start3A_177 : memref<640x128xf32, #tpu.memory_space<hbm>>) target_semaphore(%run_scoped3A : memref<!tpu.dma_semaphore, #tpu.memory_space<semaphore_mem>>)
      %dma_wait3A_180 = arith.constant 0 : i32
      %dma_wait3A_181 = tpu.memref_slice %arg5[%arg0, %mul3A_6, %dma_wait3A_180] : memref<2x10240x128xf32, #tpu.memory_space<hbm>> -> memref<1x640x128xf32, #tpu.memory_space<hbm>>
      %dma_wait3A_182 = tpu.memref_squeeze %dma_wait3A_181 : memref<1x640x128xf32, #tpu.memory_space<hbm>> -> memref<640x128xf32, #tpu.memory_space<hbm>>
      %dma_wait3A_183 = arith.constant 0 : i32
      %dma_wait3A_184 = tpu.memref_slice %arg6[%mul3A_6, %dma_wait3A_183] : memref<10240x128xf32, #tpu.memory_space<vmem_shared>> -> memref<640x128xf32, #tpu.memory_space<vmem_shared>>
      tpu.wait_dma2 semaphore(%run_scoped3A : memref<!tpu.dma_semaphore, #tpu.memory_space<semaphore_mem>>) src(%dma_wait3A_184 : memref<640x128xf32, #tpu.memory_space<vmem_shared>>) dst(%dma_wait3A_182 : memref<640x128xf32, #tpu.memory_space<hbm>>)
      tpu.yield
    }) : () -> ()
    return
  }
}

#map = affine_map<(d0, d1) -> (0, 0)>
#map1 = affine_map<(d0, d1) -> (0)>
#map2 = affine_map<(d0, d1) -> (0, 0, 0)>
module attributes {stable_mosaic.version = 14 : i64} {
  func.func @_agg_kernel(%arg0: i32, %arg1: i32, %arg2: memref<10240x128xf32, #tpu.memory_space<hbm>>, %arg3: memref<327680xi32, #tpu.memory_space<hbm>>, %arg4: memref<327680xi32, #tpu.memory_space<hbm>>, %arg5: memref<2x10240x128xf32, #tpu.memory_space<hbm>>, %arg6: memref<10240x128xf32, #tpu.memory_space<vmem_shared>>, %arg7: memref<80xi32, #tpu.memory_space<vmem>>, %arg8: memref<80xi32, #tpu.memory_space<vmem>>, %arg9: memref<80xi32, #tpu.memory_space<vmem>>, %arg10: memref<80xi32, #tpu.memory_space<vmem>>, %arg11: memref<80xi32, #tpu.memory_space<vmem>>, %arg12: memref<80xi32, #tpu.memory_space<vmem>>, %arg13: memref<80xi32, #tpu.memory_space<vmem>>, %arg14: memref<80xi32, #tpu.memory_space<vmem>>, %arg15: memref<80xi32, #tpu.memory_space<vmem>>, %arg16: memref<80xi32, #tpu.memory_space<vmem>>, %arg17: memref<80xi32, #tpu.memory_space<vmem>>, %arg18: memref<80xi32, #tpu.memory_space<vmem>>, %arg19: memref<80xi32, #tpu.memory_space<vmem>>, %arg20: memref<80xi32, #tpu.memory_space<vmem>>, %arg21: memref<80xi32, #tpu.memory_space<vmem>>, %arg22: memref<80xi32, #tpu.memory_space<vmem>>, %arg23: memref<80x128xf32, #tpu.memory_space<vmem>>, %arg24: memref<80x128xf32, #tpu.memory_space<vmem>>, %arg25: memref<80x128xf32, #tpu.memory_space<vmem>>, %arg26: memref<80x128xf32, #tpu.memory_space<vmem>>, %arg27: memref<!tpu.dma_semaphore, #tpu.memory_space<semaphore_mem>>, %arg28: memref<!tpu.dma_semaphore, #tpu.memory_space<semaphore_mem>>, %arg29: memref<!tpu.dma_semaphore, #tpu.memory_space<semaphore_mem>>, %arg30: memref<!tpu.dma_semaphore, #tpu.memory_space<semaphore_mem>>, %arg31: memref<!tpu.dma_semaphore, #tpu.memory_space<semaphore_mem>>, %arg32: memref<!tpu.dma_semaphore, #tpu.memory_space<semaphore_mem>>, %arg33: memref<!tpu.dma_semaphore, #tpu.memory_space<semaphore_mem>>, %arg34: memref<!tpu.dma_semaphore, #tpu.memory_space<semaphore_mem>>, %arg35: memref<!tpu.dma_semaphore, #tpu.memory_space<semaphore_mem>>, %arg36: memref<!tpu.dma_semaphore, #tpu.memory_space<semaphore_mem>>, %arg37: memref<!tpu.dma_semaphore, #tpu.memory_space<semaphore_mem>>, %arg38: memref<!tpu.dma_semaphore, #tpu.memory_space<semaphore_mem>>, %arg39: memref<!tpu.dma_semaphore, #tpu.memory_space<semaphore_mem>>, %arg40: memref<!tpu.dma_semaphore, #tpu.memory_space<semaphore_mem>>, %arg41: memref<!tpu.dma_semaphore, #tpu.memory_space<semaphore_mem>>, %arg42: memref<!tpu.dma_semaphore, #tpu.memory_space<semaphore_mem>>) attributes {dimension_semantics = [#tpu.dimension_semantics<core_parallel>, #tpu.dimension_semantics<subcore_parallel>], iteration_bounds = array<i64: 2, 16>, scalar_prefetch = 0 : i64, scratch_operands = 37 : i64, tpu.core_type = #tpu.core_type<sc_vector_subcore>, window_params = [{transform_indices = #map}, {transform_indices = #map1}, {transform_indices = #map1}, {transform_indices = #map2}]} {
    %scan3A = arith.constant 0 : i32
    %scan3A_0 = arith.constant 0 : i32
    %scan3A_1 = arith.constant 80 : i32
    %scan3A_2 = arith.addi %scan3A_0, %scan3A_1 : i32
    %scan3A_3 = arith.constant 1 : i32
    %scan3A_4 = scf.for %scan3A_175 = %scan3A_0 to %scan3A_2 step %scan3A_3 iter_args(%scan3A_176 = %scan3A) -> (i32)  : i32 {
      %broadcast_in_dim3A = arith.constant 0.000000e+00 : f32
      %broadcast_in_dim3A_177 = vector.broadcast %broadcast_in_dim3A : f32 to vector<16xf32>
      %swap3A = arith.index_cast %scan3A_175 : i32 to index
      %swap3A_178 = arith.constant 0 : index
      %swap3A_179 = tpu.vector_load %arg23[%swap3A, %swap3A_178] {strides = array<i32>} : memref<80x128xf32, #tpu.memory_space<vmem>>, vector<1x16xf32>,
      %swap3A_180 = vector.shape_cast %swap3A_179 : vector<1x16xf32> to vector<16xf32>
      %swap3A_181 = vector.shape_cast %broadcast_in_dim3A_177 : vector<16xf32> to vector<1x16xf32>
      tpu.vector_store %arg23[%swap3A, %swap3A_178], %swap3A_181 {strides = array<i32>} : memref<80x128xf32, #tpu.memory_space<vmem>>, vector<1x16xf32>,
      %broadcast_in_dim3A_182 = arith.constant 0.000000e+00 : f32
      %broadcast_in_dim3A_183 = vector.broadcast %broadcast_in_dim3A_182 : f32 to vector<16xf32>
      %swap3A_184 = arith.index_cast %scan3A_175 : i32 to index
      %swap3A_185 = arith.constant 16 : index
      %swap3A_186 = tpu.vector_load %arg23[%swap3A_184, %swap3A_185] {strides = array<i32>} : memref<80x128xf32, #tpu.memory_space<vmem>>, vector<1x16xf32>,
      %swap3A_187 = vector.shape_cast %swap3A_186 : vector<1x16xf32> to vector<16xf32>
      %swap3A_188 = vector.shape_cast %broadcast_in_dim3A_183 : vector<16xf32> to vector<1x16xf32>
      tpu.vector_store %arg23[%swap3A_184, %swap3A_185], %swap3A_188 {strides = array<i32>} : memref<80x128xf32, #tpu.memory_space<vmem>>, vector<1x16xf32>,
      %broadcast_in_dim3A_189 = arith.constant 0.000000e+00 : f32
      %broadcast_in_dim3A_190 = vector.broadcast %broadcast_in_dim3A_189 : f32 to vector<16xf32>
      %swap3A_191 = arith.index_cast %scan3A_175 : i32 to index
      %swap3A_192 = arith.constant 32 : index
      %swap3A_193 = tpu.vector_load %arg23[%swap3A_191, %swap3A_192] {strides = array<i32>} : memref<80x128xf32, #tpu.memory_space<vmem>>, vector<1x16xf32>,
      %swap3A_194 = vector.shape_cast %swap3A_193 : vector<1x16xf32> to vector<16xf32>
      %swap3A_195 = vector.shape_cast %broadcast_in_dim3A_190 : vector<16xf32> to vector<1x16xf32>
      tpu.vector_store %arg23[%swap3A_191, %swap3A_192], %swap3A_195 {strides = array<i32>} : memref<80x128xf32, #tpu.memory_space<vmem>>, vector<1x16xf32>,
      %broadcast_in_dim3A_196 = arith.constant 0.000000e+00 : f32
      %broadcast_in_dim3A_197 = vector.broadcast %broadcast_in_dim3A_196 : f32 to vector<16xf32>
      %swap3A_198 = arith.index_cast %scan3A_175 : i32 to index
      %swap3A_199 = arith.constant 48 : index
      %swap3A_200 = tpu.vector_load %arg23[%swap3A_198, %swap3A_199] {strides = array<i32>} : memref<80x128xf32, #tpu.memory_space<vmem>>, vector<1x16xf32>,
      %swap3A_201 = vector.shape_cast %swap3A_200 : vector<1x16xf32> to vector<16xf32>
      %swap3A_202 = vector.shape_cast %broadcast_in_dim3A_197 : vector<16xf32> to vector<1x16xf32>
      tpu.vector_store %arg23[%swap3A_198, %swap3A_199], %swap3A_202 {strides = array<i32>} : memref<80x128xf32, #tpu.memory_space<vmem>>, vector<1x16xf32>,
      %broadcast_in_dim3A_203 = arith.constant 0.000000e+00 : f32
      %broadcast_in_dim3A_204 = vector.broadcast %broadcast_in_dim3A_203 : f32 to vector<16xf32>
      %swap3A_205 = arith.index_cast %scan3A_175 : i32 to index
      %swap3A_206 = arith.constant 64 : index
      %swap3A_207 = tpu.vector_load %arg23[%swap3A_205, %swap3A_206] {strides = array<i32>} : memref<80x128xf32, #tpu.memory_space<vmem>>, vector<1x16xf32>,
      %swap3A_208 = vector.shape_cast %swap3A_207 : vector<1x16xf32> to vector<16xf32>
      %swap3A_209 = vector.shape_cast %broadcast_in_dim3A_204 : vector<16xf32> to vector<1x16xf32>
      tpu.vector_store %arg23[%swap3A_205, %swap3A_206], %swap3A_209 {strides = array<i32>} : memref<80x128xf32, #tpu.memory_space<vmem>>, vector<1x16xf32>,
      %broadcast_in_dim3A_210 = arith.constant 0.000000e+00 : f32
      %broadcast_in_dim3A_211 = vector.broadcast %broadcast_in_dim3A_210 : f32 to vector<16xf32>
      %swap3A_212 = arith.index_cast %scan3A_175 : i32 to index
      %swap3A_213 = arith.constant 80 : index
      %swap3A_214 = tpu.vector_load %arg23[%swap3A_212, %swap3A_213] {strides = array<i32>} : memref<80x128xf32, #tpu.memory_space<vmem>>, vector<1x16xf32>,
      %swap3A_215 = vector.shape_cast %swap3A_214 : vector<1x16xf32> to vector<16xf32>
      %swap3A_216 = vector.shape_cast %broadcast_in_dim3A_211 : vector<16xf32> to vector<1x16xf32>
      tpu.vector_store %arg23[%swap3A_212, %swap3A_213], %swap3A_216 {strides = array<i32>} : memref<80x128xf32, #tpu.memory_space<vmem>>, vector<1x16xf32>,
      %broadcast_in_dim3A_217 = arith.constant 0.000000e+00 : f32
      %broadcast_in_dim3A_218 = vector.broadcast %broadcast_in_dim3A_217 : f32 to vector<16xf32>
      %swap3A_219 = arith.index_cast %scan3A_175 : i32 to index
      %swap3A_220 = arith.constant 96 : index
      %swap3A_221 = tpu.vector_load %arg23[%swap3A_219, %swap3A_220] {strides = array<i32>} : memref<80x128xf32, #tpu.memory_space<vmem>>, vector<1x16xf32>,
      %swap3A_222 = vector.shape_cast %swap3A_221 : vector<1x16xf32> to vector<16xf32>
      %swap3A_223 = vector.shape_cast %broadcast_in_dim3A_218 : vector<16xf32> to vector<1x16xf32>
      tpu.vector_store %arg23[%swap3A_219, %swap3A_220], %swap3A_223 {strides = array<i32>} : memref<80x128xf32, #tpu.memory_space<vmem>>, vector<1x16xf32>,
      %broadcast_in_dim3A_224 = arith.constant 0.000000e+00 : f32
      %broadcast_in_dim3A_225 = vector.broadcast %broadcast_in_dim3A_224 : f32 to vector<16xf32>
      %swap3A_226 = arith.index_cast %scan3A_175 : i32 to index
      %swap3A_227 = arith.constant 112 : index
      %swap3A_228 = tpu.vector_load %arg23[%swap3A_226, %swap3A_227] {strides = array<i32>} : memref<80x128xf32, #tpu.memory_space<vmem>>, vector<1x16xf32>,
      %swap3A_229 = vector.shape_cast %swap3A_228 : vector<1x16xf32> to vector<16xf32>
      %swap3A_230 = vector.shape_cast %broadcast_in_dim3A_225 : vector<16xf32> to vector<1x16xf32>
      tpu.vector_store %arg23[%swap3A_226, %swap3A_227], %swap3A_230 {strides = array<i32>} : memref<80x128xf32, #tpu.memory_space<vmem>>, vector<1x16xf32>,
      %scan3A_231 = arith.constant 0 : i32
      scf.yield %scan3A_231 : i32
    }
    %scan3A_5 = arith.constant 80 : i32
    %mul3A = arith.constant 640 : i32
    %mul3A_6 = arith.muli %arg1, %mul3A : i32
    %add3A = arith.constant 0 : i32
    %add3A_7 = arith.addi %mul3A_6, %add3A : i32
    %dma_start3A = arith.constant 0 : i32
    %dma_start3A_8 = tpu.memref_slice %arg6[%add3A_7, %dma_start3A] : memref<10240x128xf32, #tpu.memory_space<vmem_shared>> -> memref<80x128xf32, #tpu.memory_space<vmem_shared>>
    %dma_start3A_9 = arith.constant 0 : i32
    %dma_start3A_10 = tpu.memref_slice %arg6[%add3A_7, %dma_start3A_9] : memref<10240x128xf32, #tpu.memory_space<vmem_shared>> -> memref<80x128xf32, #tpu.memory_space<vmem_shared>>
    tpu.enqueue_dma source(%arg23 : memref<80x128xf32, #tpu.memory_space<vmem>>) target(%dma_start3A_10 : memref<80x128xf32, #tpu.memory_space<vmem_shared>>) target_semaphore(%arg39 : memref<!tpu.dma_semaphore, #tpu.memory_space<semaphore_mem>>)
    %add3A_11 = arith.constant 80 : i32
    %add3A_12 = arith.addi %mul3A_6, %add3A_11 : i32
    %dma_start3A_13 = arith.constant 0 : i32
    %dma_start3A_14 = tpu.memref_slice %arg6[%add3A_12, %dma_start3A_13] : memref<10240x128xf32, #tpu.memory_space<vmem_shared>> -> memref<80x128xf32, #tpu.memory_space<vmem_shared>>
    %dma_start3A_15 = arith.constant 0 : i32
    %dma_start3A_16 = tpu.memref_slice %arg6[%add3A_12, %dma_start3A_15] : memref<10240x128xf32, #tpu.memory_space<vmem_shared>> -> memref<80x128xf32, #tpu.memory_space<vmem_shared>>
    tpu.enqueue_dma source(%arg23 : memref<80x128xf32, #tpu.memory_space<vmem>>) target(%dma_start3A_16 : memref<80x128xf32, #tpu.memory_space<vmem_shared>>) target_semaphore(%arg40 : memref<!tpu.dma_semaphore, #tpu.memory_space<semaphore_mem>>)
    %add3A_17 = arith.constant 160 : i32
    %add3A_18 = arith.addi %mul3A_6, %add3A_17 : i32
    %dma_start3A_19 = arith.constant 0 : i32
    %dma_start3A_20 = tpu.memref_slice %arg6[%add3A_18, %dma_start3A_19] : memref<10240x128xf32, #tpu.memory_space<vmem_shared>> -> memref<80x128xf32, #tpu.memory_space<vmem_shared>>
    %dma_start3A_21 = arith.constant 0 : i32
    %dma_start3A_22 = tpu.memref_slice %arg6[%add3A_18, %dma_start3A_21] : memref<10240x128xf32, #tpu.memory_space<vmem_shared>> -> memref<80x128xf32, #tpu.memory_space<vmem_shared>>
    tpu.enqueue_dma source(%arg23 : memref<80x128xf32, #tpu.memory_space<vmem>>) target(%dma_start3A_22 : memref<80x128xf32, #tpu.memory_space<vmem_shared>>) target_semaphore(%arg41 : memref<!tpu.dma_semaphore, #tpu.memory_space<semaphore_mem>>)
    %add3A_23 = arith.constant 240 : i32
    %add3A_24 = arith.addi %mul3A_6, %add3A_23 : i32
    %dma_start3A_25 = arith.constant 0 : i32
    %dma_start3A_26 = tpu.memref_slice %arg6[%add3A_24, %dma_start3A_25] : memref<10240x128xf32, #tpu.memory_space<vmem_shared>> -> memref<80x128xf32, #tpu.memory_space<vmem_shared>>
    %dma_start3A_27 = arith.constant 0 : i32
    %dma_start3A_28 = tpu.memref_slice %arg6[%add3A_24, %dma_start3A_27] : memref<10240x128xf32, #tpu.memory_space<vmem_shared>> -> memref<80x128xf32, #tpu.memory_space<vmem_shared>>
    tpu.enqueue_dma source(%arg23 : memref<80x128xf32, #tpu.memory_space<vmem>>) target(%dma_start3A_28 : memref<80x128xf32, #tpu.memory_space<vmem_shared>>) target_semaphore(%arg42 : memref<!tpu.dma_semaphore, #tpu.memory_space<semaphore_mem>>)
    %add3A_29 = arith.constant 320 : i32
    %add3A_30 = arith.addi %mul3A_6, %add3A_29 : i32
    %dma_start3A_31 = arith.constant 0 : i32
    %dma_start3A_32 = tpu.memref_slice %arg6[%add3A_30, %dma_start3A_31] : memref<10240x128xf32, #tpu.memory_space<vmem_shared>> -> memref<80x128xf32, #tpu.memory_space<vmem_shared>>
    %dma_start3A_33 = arith.constant 0 : i32
    %dma_start3A_34 = tpu.memref_slice %arg6[%add3A_30, %dma_start3A_33] : memref<10240x128xf32, #tpu.memory_space<vmem_shared>> -> memref<80x128xf32, #tpu.memory_space<vmem_shared>>
    tpu.enqueue_dma source(%arg23 : memref<80x128xf32, #tpu.memory_space<vmem>>) target(%dma_start3A_34 : memref<80x128xf32, #tpu.memory_space<vmem_shared>>) target_semaphore(%arg39 : memref<!tpu.dma_semaphore, #tpu.memory_space<semaphore_mem>>)
    %add3A_35 = arith.constant 400 : i32
    %add3A_36 = arith.addi %mul3A_6, %add3A_35 : i32
    %dma_start3A_37 = arith.constant 0 : i32
    %dma_start3A_38 = tpu.memref_slice %arg6[%add3A_36, %dma_start3A_37] : memref<10240x128xf32, #tpu.memory_space<vmem_shared>> -> memref<80x128xf32, #tpu.memory_space<vmem_shared>>
    %dma_start3A_39 = arith.constant 0 : i32
    %dma_start3A_40 = tpu.memref_slice %arg6[%add3A_36, %dma_start3A_39] : memref<10240x128xf32, #tpu.memory_space<vmem_shared>> -> memref<80x128xf32, #tpu.memory_space<vmem_shared>>
    tpu.enqueue_dma source(%arg23 : memref<80x128xf32, #tpu.memory_space<vmem>>) target(%dma_start3A_40 : memref<80x128xf32, #tpu.memory_space<vmem_shared>>) target_semaphore(%arg40 : memref<!tpu.dma_semaphore, #tpu.memory_space<semaphore_mem>>)
    %add3A_41 = arith.constant 480 : i32
    %add3A_42 = arith.addi %mul3A_6, %add3A_41 : i32
    %dma_start3A_43 = arith.constant 0 : i32
    %dma_start3A_44 = tpu.memref_slice %arg6[%add3A_42, %dma_start3A_43] : memref<10240x128xf32, #tpu.memory_space<vmem_shared>> -> memref<80x128xf32, #tpu.memory_space<vmem_shared>>
    %dma_start3A_45 = arith.constant 0 : i32
    %dma_start3A_46 = tpu.memref_slice %arg6[%add3A_42, %dma_start3A_45] : memref<10240x128xf32, #tpu.memory_space<vmem_shared>> -> memref<80x128xf32, #tpu.memory_space<vmem_shared>>
    tpu.enqueue_dma source(%arg23 : memref<80x128xf32, #tpu.memory_space<vmem>>) target(%dma_start3A_46 : memref<80x128xf32, #tpu.memory_space<vmem_shared>>) target_semaphore(%arg41 : memref<!tpu.dma_semaphore, #tpu.memory_space<semaphore_mem>>)
    %add3A_47 = arith.constant 560 : i32
    %add3A_48 = arith.addi %mul3A_6, %add3A_47 : i32
    %dma_start3A_49 = arith.constant 0 : i32
    %dma_start3A_50 = tpu.memref_slice %arg6[%add3A_48, %dma_start3A_49] : memref<10240x128xf32, #tpu.memory_space<vmem_shared>> -> memref<80x128xf32, #tpu.memory_space<vmem_shared>>
    %dma_start3A_51 = arith.constant 0 : i32
    %dma_start3A_52 = tpu.memref_slice %arg6[%add3A_48, %dma_start3A_51] : memref<10240x128xf32, #tpu.memory_space<vmem_shared>> -> memref<80x128xf32, #tpu.memory_space<vmem_shared>>
    tpu.enqueue_dma source(%arg23 : memref<80x128xf32, #tpu.memory_space<vmem>>) target(%dma_start3A_52 : memref<80x128xf32, #tpu.memory_space<vmem_shared>>) target_semaphore(%arg42 : memref<!tpu.dma_semaphore, #tpu.memory_space<semaphore_mem>>)
    %dma_wait3A = arith.constant 0 : i32
    %dma_wait3A_53 = tpu.memref_slice %arg6[%add3A_7, %dma_wait3A] : memref<10240x128xf32, #tpu.memory_space<vmem_shared>> -> memref<80x128xf32, #tpu.memory_space<vmem_shared>>
    %dma_wait3A_54 = arith.constant 0 : i32
    %dma_wait3A_55 = tpu.memref_slice %arg6[%add3A_7, %dma_wait3A_54] : memref<10240x128xf32, #tpu.memory_space<vmem_shared>> -> memref<80x128xf32, #tpu.memory_space<vmem_shared>>
    tpu.wait_dma2 semaphore(%arg39 : memref<!tpu.dma_semaphore, #tpu.memory_space<semaphore_mem>>) src(%arg23 : memref<80x128xf32, #tpu.memory_space<vmem>>) dst(%dma_wait3A_55 : memref<80x128xf32, #tpu.memory_space<vmem_shared>>)
    %dma_wait3A_56 = arith.constant 0 : i32
    %dma_wait3A_57 = tpu.memref_slice %arg6[%add3A_12, %dma_wait3A_56] : memref<10240x128xf32, #tpu.memory_space<vmem_shared>> -> memref<80x128xf32, #tpu.memory_space<vmem_shared>>
    %dma_wait3A_58 = arith.constant 0 : i32
    %dma_wait3A_59 = tpu.memref_slice %arg6[%add3A_12, %dma_wait3A_58] : memref<10240x128xf32, #tpu.memory_space<vmem_shared>> -> memref<80x128xf32, #tpu.memory_space<vmem_shared>>
    tpu.wait_dma2 semaphore(%arg40 : memref<!tpu.dma_semaphore, #tpu.memory_space<semaphore_mem>>) src(%arg23 : memref<80x128xf32, #tpu.memory_space<vmem>>) dst(%dma_wait3A_59 : memref<80x128xf32, #tpu.memory_space<vmem_shared>>)
    %dma_wait3A_60 = arith.constant 0 : i32
    %dma_wait3A_61 = tpu.memref_slice %arg6[%add3A_18, %dma_wait3A_60] : memref<10240x128xf32, #tpu.memory_space<vmem_shared>> -> memref<80x128xf32, #tpu.memory_space<vmem_shared>>
    %dma_wait3A_62 = arith.constant 0 : i32
    %dma_wait3A_63 = tpu.memref_slice %arg6[%add3A_18, %dma_wait3A_62] : memref<10240x128xf32, #tpu.memory_space<vmem_shared>> -> memref<80x128xf32, #tpu.memory_space<vmem_shared>>
    tpu.wait_dma2 semaphore(%arg41 : memref<!tpu.dma_semaphore, #tpu.memory_space<semaphore_mem>>) src(%arg23 : memref<80x128xf32, #tpu.memory_space<vmem>>) dst(%dma_wait3A_63 : memref<80x128xf32, #tpu.memory_space<vmem_shared>>)
    %dma_wait3A_64 = arith.constant 0 : i32
    %dma_wait3A_65 = tpu.memref_slice %arg6[%add3A_24, %dma_wait3A_64] : memref<10240x128xf32, #tpu.memory_space<vmem_shared>> -> memref<80x128xf32, #tpu.memory_space<vmem_shared>>
    %dma_wait3A_66 = arith.constant 0 : i32
    %dma_wait3A_67 = tpu.memref_slice %arg6[%add3A_24, %dma_wait3A_66] : memref<10240x128xf32, #tpu.memory_space<vmem_shared>> -> memref<80x128xf32, #tpu.memory_space<vmem_shared>>
    tpu.wait_dma2 semaphore(%arg42 : memref<!tpu.dma_semaphore, #tpu.memory_space<semaphore_mem>>) src(%arg23 : memref<80x128xf32, #tpu.memory_space<vmem>>) dst(%dma_wait3A_67 : memref<80x128xf32, #tpu.memory_space<vmem_shared>>)
    %dma_wait3A_68 = arith.constant 0 : i32
    %dma_wait3A_69 = tpu.memref_slice %arg6[%add3A_30, %dma_wait3A_68] : memref<10240x128xf32, #tpu.memory_space<vmem_shared>> -> memref<80x128xf32, #tpu.memory_space<vmem_shared>>
    %dma_wait3A_70 = arith.constant 0 : i32
    %dma_wait3A_71 = tpu.memref_slice %arg6[%add3A_30, %dma_wait3A_70] : memref<10240x128xf32, #tpu.memory_space<vmem_shared>> -> memref<80x128xf32, #tpu.memory_space<vmem_shared>>
    tpu.wait_dma2 semaphore(%arg39 : memref<!tpu.dma_semaphore, #tpu.memory_space<semaphore_mem>>) src(%arg23 : memref<80x128xf32, #tpu.memory_space<vmem>>) dst(%dma_wait3A_71 : memref<80x128xf32, #tpu.memory_space<vmem_shared>>)
    %dma_wait3A_72 = arith.constant 0 : i32
    %dma_wait3A_73 = tpu.memref_slice %arg6[%add3A_36, %dma_wait3A_72] : memref<10240x128xf32, #tpu.memory_space<vmem_shared>> -> memref<80x128xf32, #tpu.memory_space<vmem_shared>>
    %dma_wait3A_74 = arith.constant 0 : i32
    %dma_wait3A_75 = tpu.memref_slice %arg6[%add3A_36, %dma_wait3A_74] : memref<10240x128xf32, #tpu.memory_space<vmem_shared>> -> memref<80x128xf32, #tpu.memory_space<vmem_shared>>
    tpu.wait_dma2 semaphore(%arg40 : memref<!tpu.dma_semaphore, #tpu.memory_space<semaphore_mem>>) src(%arg23 : memref<80x128xf32, #tpu.memory_space<vmem>>) dst(%dma_wait3A_75 : memref<80x128xf32, #tpu.memory_space<vmem_shared>>)
    %dma_wait3A_76 = arith.constant 0 : i32
    %dma_wait3A_77 = tpu.memref_slice %arg6[%add3A_42, %dma_wait3A_76] : memref<10240x128xf32, #tpu.memory_space<vmem_shared>> -> memref<80x128xf32, #tpu.memory_space<vmem_shared>>
    %dma_wait3A_78 = arith.constant 0 : i32
    %dma_wait3A_79 = tpu.memref_slice %arg6[%add3A_42, %dma_wait3A_78] : memref<10240x128xf32, #tpu.memory_space<vmem_shared>> -> memref<80x128xf32, #tpu.memory_space<vmem_shared>>
    tpu.wait_dma2 semaphore(%arg41 : memref<!tpu.dma_semaphore, #tpu.memory_space<semaphore_mem>>) src(%arg23 : memref<80x128xf32, #tpu.memory_space<vmem>>) dst(%dma_wait3A_79 : memref<80x128xf32, #tpu.memory_space<vmem_shared>>)
    %dma_wait3A_80 = arith.constant 0 : i32
    %dma_wait3A_81 = tpu.memref_slice %arg6[%add3A_48, %dma_wait3A_80] : memref<10240x128xf32, #tpu.memory_space<vmem_shared>> -> memref<80x128xf32, #tpu.memory_space<vmem_shared>>
    %dma_wait3A_82 = arith.constant 0 : i32
    %dma_wait3A_83 = tpu.memref_slice %arg6[%add3A_48, %dma_wait3A_82] : memref<10240x128xf32, #tpu.memory_space<vmem_shared>> -> memref<80x128xf32, #tpu.memory_space<vmem_shared>>
    tpu.wait_dma2 semaphore(%arg42 : memref<!tpu.dma_semaphore, #tpu.memory_space<semaphore_mem>>) src(%arg23 : memref<80x128xf32, #tpu.memory_space<vmem>>) dst(%dma_wait3A_83 : memref<80x128xf32, #tpu.memory_space<vmem_shared>>)
    %barrier3A = arith.constant 0 : index
    tpu.barrier barrier_id(%barrier3A)
    %mul3A_84 = arith.constant 16 : i32
    %mul3A_85 = arith.muli %arg0, %mul3A_84 : i32
    %add3A_86 = arith.addi %mul3A_85, %arg1 : i32
    %mul3A_87 = arith.constant 10240 : i32
    %mul3A_88 = arith.muli %add3A_86, %mul3A_87 : i32
    %add3A_89 = arith.constant 0 : i32
    %add3A_90 = arith.addi %mul3A_88, %add3A_89 : i32
    %multiple_of3A = tpu.assume_multiple %add3A_90, 8 : i32
    %dma_start3A_91 = tpu.memref_slice %arg3[%multiple_of3A] : memref<327680xi32, #tpu.memory_space<hbm>> -> memref<80xi32, #tpu.memory_space<hbm>>
    %dma_start3A_92 = tpu.memref_slice %arg3[%multiple_of3A] : memref<327680xi32, #tpu.memory_space<hbm>> -> memref<80xi32, #tpu.memory_space<hbm>>
    tpu.enqueue_dma source(%dma_start3A_92 : memref<80xi32, #tpu.memory_space<hbm>>) target(%arg7 : memref<80xi32, #tpu.memory_space<vmem>>) target_semaphore(%arg27 : memref<!tpu.dma_semaphore, #tpu.memory_space<semaphore_mem>>)
    %dma_start3A_93 = tpu.memref_slice %arg4[%multiple_of3A] : memref<327680xi32, #tpu.memory_space<hbm>> -> memref<80xi32, #tpu.memory_space<hbm>>
    %dma_start3A_94 = tpu.memref_slice %arg4[%multiple_of3A] : memref<327680xi32, #tpu.memory_space<hbm>> -> memref<80xi32, #tpu.memory_space<hbm>>
    tpu.enqueue_dma source(%dma_start3A_94 : memref<80xi32, #tpu.memory_space<hbm>>) target(%arg15 : memref<80xi32, #tpu.memory_space<vmem>>) target_semaphore(%arg27 : memref<!tpu.dma_semaphore, #tpu.memory_space<semaphore_mem>>)
    %add3A_95 = arith.constant 80 : i32
    %add3A_96 = arith.addi %mul3A_88, %add3A_95 : i32
    %multiple_of3A_97 = tpu.assume_multiple %add3A_96, 8 : i32
    %dma_start3A_98 = tpu.memref_slice %arg3[%multiple_of3A_97] : memref<327680xi32, #tpu.memory_space<hbm>> -> memref<80xi32, #tpu.memory_space<hbm>>
    %dma_start3A_99 = tpu.memref_slice %arg3[%multiple_of3A_97] : memref<327680xi32, #tpu.memory_space<hbm>> -> memref<80xi32, #tpu.memory_space<hbm>>
    tpu.enqueue_dma source(%dma_start3A_99 : memref<80xi32, #tpu.memory_space<hbm>>) target(%arg8 : memref<80xi32, #tpu.memory_space<vmem>>) target_semaphore(%arg28 : memref<!tpu.dma_semaphore, #tpu.memory_space<semaphore_mem>>)
    %dma_start3A_100 = tpu.memref_slice %arg4[%multiple_of3A_97] : memref<327680xi32, #tpu.memory_space<hbm>> -> memref<80xi32, #tpu.memory_space<hbm>>
    %dma_start3A_101 = tpu.memref_slice %arg4[%multiple_of3A_97] : memref<327680xi32, #tpu.memory_space<hbm>> -> memref<80xi32, #tpu.memory_space<hbm>>
    tpu.enqueue_dma source(%dma_start3A_101 : memref<80xi32, #tpu.memory_space<hbm>>) target(%arg16 : memref<80xi32, #tpu.memory_space<vmem>>) target_semaphore(%arg28 : memref<!tpu.dma_semaphore, #tpu.memory_space<semaphore_mem>>)
    %add3A_102 = arith.constant 160 : i32
    %add3A_103 = arith.addi %mul3A_88, %add3A_102 : i32
    %multiple_of3A_104 = tpu.assume_multiple %add3A_103, 8 : i32
    %dma_start3A_105 = tpu.memref_slice %arg3[%multiple_of3A_104] : memref<327680xi32, #tpu.memory_space<hbm>> -> memref<80xi32, #tpu.memory_space<hbm>>
    %dma_start3A_106 = tpu.memref_slice %arg3[%multiple_of3A_104] : memref<327680xi32, #tpu.memory_space<hbm>> -> memref<80xi32, #tpu.memory_space<hbm>>
    tpu.enqueue_dma source(%dma_start3A_106 : memref<80xi32, #tpu.memory_space<hbm>>) target(%arg9 : memref<80xi32, #tpu.memory_space<vmem>>) target_semaphore(%arg29 : memref<!tpu.dma_semaphore, #tpu.memory_space<semaphore_mem>>)
    %dma_start3A_107 = tpu.memref_slice %arg4[%multiple_of3A_104] : memref<327680xi32, #tpu.memory_space<hbm>> -> memref<80xi32, #tpu.memory_space<hbm>>
    %dma_start3A_108 = tpu.memref_slice %arg4[%multiple_of3A_104] : memref<327680xi32, #tpu.memory_space<hbm>> -> memref<80xi32, #tpu.memory_space<hbm>>
    tpu.enqueue_dma source(%dma_start3A_108 : memref<80xi32, #tpu.memory_space<hbm>>) target(%arg17 : memref<80xi32, #tpu.memory_space<vmem>>) target_semaphore(%arg29 : memref<!tpu.dma_semaphore, #tpu.memory_space<semaphore_mem>>)
    %add3A_109 = arith.constant 240 : i32
    %add3A_110 = arith.addi %mul3A_88, %add3A_109 : i32
    %multiple_of3A_111 = tpu.assume_multiple %add3A_110, 8 : i32
    %dma_start3A_112 = tpu.memref_slice %arg3[%multiple_of3A_111] : memref<327680xi32, #tpu.memory_space<hbm>> -> memref<80xi32, #tpu.memory_space<hbm>>
    %dma_start3A_113 = tpu.memref_slice %arg3[%multiple_of3A_111] : memref<327680xi32, #tpu.memory_space<hbm>> -> memref<80xi32, #tpu.memory_space<hbm>>
    tpu.enqueue_dma source(%dma_start3A_113 : memref<80xi32, #tpu.memory_space<hbm>>) target(%arg10 : memref<80xi32, #tpu.memory_space<vmem>>) target_semaphore(%arg30 : memref<!tpu.dma_semaphore, #tpu.memory_space<semaphore_mem>>)
    %dma_start3A_114 = tpu.memref_slice %arg4[%multiple_of3A_111] : memref<327680xi32, #tpu.memory_space<hbm>> -> memref<80xi32, #tpu.memory_space<hbm>>
    %dma_start3A_115 = tpu.memref_slice %arg4[%multiple_of3A_111] : memref<327680xi32, #tpu.memory_space<hbm>> -> memref<80xi32, #tpu.memory_space<hbm>>
    tpu.enqueue_dma source(%dma_start3A_115 : memref<80xi32, #tpu.memory_space<hbm>>) target(%arg18 : memref<80xi32, #tpu.memory_space<vmem>>) target_semaphore(%arg30 : memref<!tpu.dma_semaphore, #tpu.memory_space<semaphore_mem>>)
    %scan3A_116 = arith.constant 0 : i32
    %scan3A_117 = arith.constant 0 : i32
    %scan3A_118 = arith.constant 16 : i32
    %scan3A_119 = arith.addi %scan3A_117, %scan3A_118 : i32
    %scan3A_120 = arith.constant 1 : i32
    %scan3A_121 = scf.for %scan3A_175 = %scan3A_117 to %scan3A_119 step %scan3A_120 iter_args(%scan3A_176 = %scan3A_116) -> (i32)  : i32 {
      %mul3A_177 = arith.constant 8 : i32
      %mul3A_178 = arith.muli %scan3A_175, %mul3A_177 : i32
      %add3A_179 = arith.constant 0 : i32
      %add3A_180 = arith.addi %mul3A_178, %add3A_179 : i32
      %dma_wait3A_181 = arith.constant 0 : i32
      %dma_wait3A_182 = tpu.memref_slice %arg3[%dma_wait3A_181] : memref<327680xi32, #tpu.memory_space<hbm>> -> memref<80xi32, #tpu.memory_space<hbm>>
      %dma_wait3A_183 = arith.constant 0 : i32
      %dma_wait3A_184 = tpu.memref_slice %arg3[%dma_wait3A_183] : memref<327680xi32, #tpu.memory_space<hbm>> -> memref<80xi32, #tpu.memory_space<hbm>>
      tpu.wait_dma2 semaphore(%arg27 : memref<!tpu.dma_semaphore, #tpu.memory_space<semaphore_mem>>) src(%dma_wait3A_184 : memref<80xi32, #tpu.memory_space<hbm>>) dst(%arg7 : memref<80xi32, #tpu.memory_space<vmem>>)
      %dma_wait3A_185 = arith.constant 0 : i32
      %dma_wait3A_186 = tpu.memref_slice %arg4[%dma_wait3A_185] : memref<327680xi32, #tpu.memory_space<hbm>> -> memref<80xi32, #tpu.memory_space<hbm>>
      %dma_wait3A_187 = arith.constant 0 : i32
      %dma_wait3A_188 = tpu.memref_slice %arg4[%dma_wait3A_187] : memref<327680xi32, #tpu.memory_space<hbm>> -> memref<80xi32, #tpu.memory_space<hbm>>
      tpu.wait_dma2 semaphore(%arg27 : memref<!tpu.dma_semaphore, #tpu.memory_space<semaphore_mem>>) src(%dma_wait3A_188 : memref<80xi32, #tpu.memory_space<hbm>>) dst(%arg15 : memref<80xi32, #tpu.memory_space<vmem>>)
      %ge3A = arith.constant 4 : i32
      %ge3A_189 = arith.cmpi sge, %add3A_180, %ge3A : i32
      %convert_element_type3A = arith.extui %ge3A_189 : i1 to i32
      %cond3A = arith.constant 0 : i32
      %cond3A_190 = arith.cmpi ne, %convert_element_type3A, %cond3A : i32
      scf.if %cond3A_190 {
        %dma_wait3A_416 = arith.constant 0 : i32
        %dma_wait3A_417 = arith.constant 0 : i32
        %dma_wait3A_418 = tpu.memref_slice %arg2[%dma_wait3A_416, %dma_wait3A_417] : memref<10240x128xf32, #tpu.memory_space<hbm>> -> memref<80x128xf32, #tpu.memory_space<hbm>>
        %dma_wait3A_419 = arith.constant 0 : i32
        %dma_wait3A_420 = arith.constant 0 : i32
        %dma_wait3A_421 = tpu.memref_slice %arg2[%dma_wait3A_419, %dma_wait3A_420] : memref<10240x128xf32, #tpu.memory_space<hbm>> -> memref<80x128xf32, #tpu.memory_space<hbm>>
        tpu.wait_dma2 semaphore(%arg39 : memref<!tpu.dma_semaphore, #tpu.memory_space<semaphore_mem>>) src(%dma_wait3A_421 : memref<80x128xf32, #tpu.memory_space<hbm>>) dst(%arg23 : memref<80x128xf32, #tpu.memory_space<vmem>>)
      } else {
      }
      %add3A_191 = arith.constant 4 : i32
      %add3A_192 = arith.addi %add3A_180, %add3A_191 : i32
      %lt3A = arith.constant 128 : i32
      %lt3A_193 = arith.cmpi slt, %add3A_192, %lt3A : i32
      %convert_element_type3A_194 = arith.extui %lt3A_193 : i1 to i32
      %cond3A_195 = arith.constant 0 : i32
      %cond3A_196 = arith.cmpi ne, %convert_element_type3A_194, %cond3A_195 : i32
      scf.if %cond3A_196 {
        %add3A_416 = arith.constant 4 : i32
        %add3A_417 = arith.addi %add3A_180, %add3A_416 : i32
        %mul3A_418 = arith.constant 80 : i32
        %mul3A_419 = arith.muli %add3A_417, %mul3A_418 : i32
        %add3A_420 = arith.addi %mul3A_88, %mul3A_419 : i32
        %multiple_of3A_421 = tpu.assume_multiple %add3A_420, 8 : i32
        %dma_start3A_422 = tpu.memref_slice %arg3[%multiple_of3A_421] : memref<327680xi32, #tpu.memory_space<hbm>> -> memref<80xi32, #tpu.memory_space<hbm>>
        %dma_start3A_423 = tpu.memref_slice %arg3[%multiple_of3A_421] : memref<327680xi32, #tpu.memory_space<hbm>> -> memref<80xi32, #tpu.memory_space<hbm>>
        tpu.enqueue_dma source(%dma_start3A_423 : memref<80xi32, #tpu.memory_space<hbm>>) target(%arg11 : memref<80xi32, #tpu.memory_space<vmem>>) target_semaphore(%arg31 : memref<!tpu.dma_semaphore, #tpu.memory_space<semaphore_mem>>)
        %dma_start3A_424 = tpu.memref_slice %arg4[%multiple_of3A_421] : memref<327680xi32, #tpu.memory_space<hbm>> -> memref<80xi32, #tpu.memory_space<hbm>>
        %dma_start3A_425 = tpu.memref_slice %arg4[%multiple_of3A_421] : memref<327680xi32, #tpu.memory_space<hbm>> -> memref<80xi32, #tpu.memory_space<hbm>>
        tpu.enqueue_dma source(%dma_start3A_425 : memref<80xi32, #tpu.memory_space<hbm>>) target(%arg19 : memref<80xi32, #tpu.memory_space<vmem>>) target_semaphore(%arg31 : memref<!tpu.dma_semaphore, #tpu.memory_space<semaphore_mem>>)
      } else {
      }
      %dma_start3A_197 = arith.constant 0 : i32
      %dma_start3A_198 = arith.constant 0 : i32
      %dma_start3A_199 = tpu.memref_slice %arg2[%dma_start3A_197, %dma_start3A_198] : memref<10240x128xf32, #tpu.memory_space<hbm>> -> memref<10240x128xf32, #tpu.memory_space<hbm>>
      tpu.enqueue_indirect_dma source(%dma_start3A_199 : memref<10240x128xf32, #tpu.memory_space<hbm>>) target(%arg23 : memref<80x128xf32, #tpu.memory_space<vmem>>) offsets(%arg7 : memref<80xi32, #tpu.memory_space<vmem>>) semaphore(%arg35 : memref<!tpu.dma_semaphore, #tpu.memory_space<semaphore_mem>>)
      %ge3A_200 = arith.constant 3 : i32
      %ge3A_201 = arith.cmpi sge, %add3A_180, %ge3A_200 : i32
      %convert_element_type3A_202 = arith.extui %ge3A_201 : i1 to i32
      %cond3A_203 = arith.constant 0 : i32
      %cond3A_204 = arith.cmpi ne, %convert_element_type3A_202, %cond3A_203 : i32
      scf.if %cond3A_204 {
        %dma_wait3A_416 = arith.constant 0 : i32
        %dma_wait3A_417 = arith.constant 0 : i32
        %dma_wait3A_418 = tpu.memref_slice %arg2[%dma_wait3A_416, %dma_wait3A_417] : memref<10240x128xf32, #tpu.memory_space<hbm>> -> memref<80x128xf32, #tpu.memory_space<hbm>>
        %dma_wait3A_419 = arith.constant 0 : i32
        %dma_wait3A_420 = arith.constant 0 : i32
        %dma_wait3A_421 = tpu.memref_slice %arg2[%dma_wait3A_419, %dma_wait3A_420] : memref<10240x128xf32, #tpu.memory_space<hbm>> -> memref<80x128xf32, #tpu.memory_space<hbm>>
        tpu.wait_dma2 semaphore(%arg36 : memref<!tpu.dma_semaphore, #tpu.memory_space<semaphore_mem>>) src(%dma_wait3A_421 : memref<80x128xf32, #tpu.memory_space<hbm>>) dst(%arg24 : memref<80x128xf32, #tpu.memory_space<vmem>>)
        %dma_start3A_422 = arith.constant 0 : i32
        %dma_start3A_423 = arith.constant 0 : i32
        %dma_start3A_424 = tpu.memref_slice %arg6[%dma_start3A_422, %dma_start3A_423] : memref<10240x128xf32, #tpu.memory_space<vmem_shared>> -> memref<10240x128xf32, #tpu.memory_space<vmem_shared>>
        tpu.enqueue_indirect_dma source(%arg24 : memref<80x128xf32, #tpu.memory_space<vmem>>) target(%dma_start3A_424 : memref<10240x128xf32, #tpu.memory_space<vmem_shared>>) offsets(%arg20 : memref<80xi32, #tpu.memory_space<vmem>>) semaphore(%arg40 : memref<!tpu.dma_semaphore, #tpu.memory_space<semaphore_mem>>) {add = true}
      } else {
      }
      %add3A_205 = arith.constant 1 : i32
      %add3A_206 = arith.addi %mul3A_178, %add3A_205 : i32
      %dma_wait3A_207 = arith.constant 0 : i32
      %dma_wait3A_208 = tpu.memref_slice %arg3[%dma_wait3A_207] : memref<327680xi32, #tpu.memory_space<hbm>> -> memref<80xi32, #tpu.memory_space<hbm>>
      %dma_wait3A_209 = arith.constant 0 : i32
      %dma_wait3A_210 = tpu.memref_slice %arg3[%dma_wait3A_209] : memref<327680xi32, #tpu.memory_space<hbm>> -> memref<80xi32, #tpu.memory_space<hbm>>
      tpu.wait_dma2 semaphore(%arg28 : memref<!tpu.dma_semaphore, #tpu.memory_space<semaphore_mem>>) src(%dma_wait3A_210 : memref<80xi32, #tpu.memory_space<hbm>>) dst(%arg8 : memref<80xi32, #tpu.memory_space<vmem>>)
      %dma_wait3A_211 = arith.constant 0 : i32
      %dma_wait3A_212 = tpu.memref_slice %arg4[%dma_wait3A_211] : memref<327680xi32, #tpu.memory_space<hbm>> -> memref<80xi32, #tpu.memory_space<hbm>>
      %dma_wait3A_213 = arith.constant 0 : i32
      %dma_wait3A_214 = tpu.memref_slice %arg4[%dma_wait3A_213] : memref<327680xi32, #tpu.memory_space<hbm>> -> memref<80xi32, #tpu.memory_space<hbm>>
      tpu.wait_dma2 semaphore(%arg28 : memref<!tpu.dma_semaphore, #tpu.memory_space<semaphore_mem>>) src(%dma_wait3A_214 : memref<80xi32, #tpu.memory_space<hbm>>) dst(%arg16 : memref<80xi32, #tpu.memory_space<vmem>>)
      %ge3A_215 = arith.constant 4 : i32
      %ge3A_216 = arith.cmpi sge, %add3A_206, %ge3A_215 : i32
      %convert_element_type3A_217 = arith.extui %ge3A_216 : i1 to i32
      %cond3A_218 = arith.constant 0 : i32
      %cond3A_219 = arith.cmpi ne, %convert_element_type3A_217, %cond3A_218 : i32
      scf.if %cond3A_219 {
        %dma_wait3A_416 = arith.constant 0 : i32
        %dma_wait3A_417 = arith.constant 0 : i32
        %dma_wait3A_418 = tpu.memref_slice %arg2[%dma_wait3A_416, %dma_wait3A_417] : memref<10240x128xf32, #tpu.memory_space<hbm>> -> memref<80x128xf32, #tpu.memory_space<hbm>>
        %dma_wait3A_419 = arith.constant 0 : i32
        %dma_wait3A_420 = arith.constant 0 : i32
        %dma_wait3A_421 = tpu.memref_slice %arg2[%dma_wait3A_419, %dma_wait3A_420] : memref<10240x128xf32, #tpu.memory_space<hbm>> -> memref<80x128xf32, #tpu.memory_space<hbm>>
        tpu.wait_dma2 semaphore(%arg40 : memref<!tpu.dma_semaphore, #tpu.memory_space<semaphore_mem>>) src(%dma_wait3A_421 : memref<80x128xf32, #tpu.memory_space<hbm>>) dst(%arg24 : memref<80x128xf32, #tpu.memory_space<vmem>>)
      } else {
      }
      %add3A_220 = arith.constant 4 : i32
      %add3A_221 = arith.addi %add3A_206, %add3A_220 : i32
      %lt3A_222 = arith.constant 128 : i32
      %lt3A_223 = arith.cmpi slt, %add3A_221, %lt3A_222 : i32
      %convert_element_type3A_224 = arith.extui %lt3A_223 : i1 to i32
      %cond3A_225 = arith.constant 0 : i32
      %cond3A_226 = arith.cmpi ne, %convert_element_type3A_224, %cond3A_225 : i32
      scf.if %cond3A_226 {
        %add3A_416 = arith.constant 4 : i32
        %add3A_417 = arith.addi %add3A_206, %add3A_416 : i32
        %mul3A_418 = arith.constant 80 : i32
        %mul3A_419 = arith.muli %add3A_417, %mul3A_418 : i32
        %add3A_420 = arith.addi %mul3A_88, %mul3A_419 : i32
        %multiple_of3A_421 = tpu.assume_multiple %add3A_420, 8 : i32
        %dma_start3A_422 = tpu.memref_slice %arg3[%multiple_of3A_421] : memref<327680xi32, #tpu.memory_space<hbm>> -> memref<80xi32, #tpu.memory_space<hbm>>
        %dma_start3A_423 = tpu.memref_slice %arg3[%multiple_of3A_421] : memref<327680xi32, #tpu.memory_space<hbm>> -> memref<80xi32, #tpu.memory_space<hbm>>
        tpu.enqueue_dma source(%dma_start3A_423 : memref<80xi32, #tpu.memory_space<hbm>>) target(%arg12 : memref<80xi32, #tpu.memory_space<vmem>>) target_semaphore(%arg32 : memref<!tpu.dma_semaphore, #tpu.memory_space<semaphore_mem>>)
        %dma_start3A_424 = tpu.memref_slice %arg4[%multiple_of3A_421] : memref<327680xi32, #tpu.memory_space<hbm>> -> memref<80xi32, #tpu.memory_space<hbm>>
        %dma_start3A_425 = tpu.memref_slice %arg4[%multiple_of3A_421] : memref<327680xi32, #tpu.memory_space<hbm>> -> memref<80xi32, #tpu.memory_space<hbm>>
        tpu.enqueue_dma source(%dma_start3A_425 : memref<80xi32, #tpu.memory_space<hbm>>) target(%arg20 : memref<80xi32, #tpu.memory_space<vmem>>) target_semaphore(%arg32 : memref<!tpu.dma_semaphore, #tpu.memory_space<semaphore_mem>>)
      } else {
      }
      %dma_start3A_227 = arith.constant 0 : i32
      %dma_start3A_228 = arith.constant 0 : i32
      %dma_start3A_229 = tpu.memref_slice %arg2[%dma_start3A_227, %dma_start3A_228] : memref<10240x128xf32, #tpu.memory_space<hbm>> -> memref<10240x128xf32, #tpu.memory_space<hbm>>
      tpu.enqueue_indirect_dma source(%dma_start3A_229 : memref<10240x128xf32, #tpu.memory_space<hbm>>) target(%arg24 : memref<80x128xf32, #tpu.memory_space<vmem>>) offsets(%arg8 : memref<80xi32, #tpu.memory_space<vmem>>) semaphore(%arg36 : memref<!tpu.dma_semaphore, #tpu.memory_space<semaphore_mem>>)
      %ge3A_230 = arith.constant 3 : i32
      %ge3A_231 = arith.cmpi sge, %add3A_206, %ge3A_230 : i32
      %convert_element_type3A_232 = arith.extui %ge3A_231 : i1 to i32
      %cond3A_233 = arith.constant 0 : i32
      %cond3A_234 = arith.cmpi ne, %convert_element_type3A_232, %cond3A_233 : i32
      scf.if %cond3A_234 {
        %dma_wait3A_416 = arith.constant 0 : i32
        %dma_wait3A_417 = arith.constant 0 : i32
        %dma_wait3A_418 = tpu.memref_slice %arg2[%dma_wait3A_416, %dma_wait3A_417] : memref<10240x128xf32, #tpu.memory_space<hbm>> -> memref<80x128xf32, #tpu.memory_space<hbm>>
        %dma_wait3A_419 = arith.constant 0 : i32
        %dma_wait3A_420 = arith.constant 0 : i32
        %dma_wait3A_421 = tpu.memref_slice %arg2[%dma_wait3A_419, %dma_wait3A_420] : memref<10240x128xf32, #tpu.memory_space<hbm>> -> memref<80x128xf32, #tpu.memory_space<hbm>>
        tpu.wait_dma2 semaphore(%arg37 : memref<!tpu.dma_semaphore, #tpu.memory_space<semaphore_mem>>) src(%dma_wait3A_421 : memref<80x128xf32, #tpu.memory_space<hbm>>) dst(%arg25 : memref<80x128xf32, #tpu.memory_space<vmem>>)
        %dma_start3A_422 = arith.constant 0 : i32
        %dma_start3A_423 = arith.constant 0 : i32
        %dma_start3A_424 = tpu.memref_slice %arg6[%dma_start3A_422, %dma_start3A_423] : memref<10240x128xf32, #tpu.memory_space<vmem_shared>> -> memref<10240x128xf32, #tpu.memory_space<vmem_shared>>
        tpu.enqueue_indirect_dma source(%arg25 : memref<80x128xf32, #tpu.memory_space<vmem>>) target(%dma_start3A_424 : memref<10240x128xf32, #tpu.memory_space<vmem_shared>>) offsets(%arg21 : memref<80xi32, #tpu.memory_space<vmem>>) semaphore(%arg41 : memref<!tpu.dma_semaphore, #tpu.memory_space<semaphore_mem>>) {add = true}
      } else {
      }
      %add3A_235 = arith.constant 2 : i32
      %add3A_236 = arith.addi %mul3A_178, %add3A_235 : i32
      %dma_wait3A_237 = arith.constant 0 : i32
      %dma_wait3A_238 = tpu.memref_slice %arg3[%dma_wait3A_237] : memref<327680xi32, #tpu.memory_space<hbm>> -> memref<80xi32, #tpu.memory_space<hbm>>
      %dma_wait3A_239 = arith.constant 0 : i32
      %dma_wait3A_240 = tpu.memref_slice %arg3[%dma_wait3A_239] : memref<327680xi32, #tpu.memory_space<hbm>> -> memref<80xi32, #tpu.memory_space<hbm>>
      tpu.wait_dma2 semaphore(%arg29 : memref<!tpu.dma_semaphore, #tpu.memory_space<semaphore_mem>>) src(%dma_wait3A_240 : memref<80xi32, #tpu.memory_space<hbm>>) dst(%arg9 : memref<80xi32, #tpu.memory_space<vmem>>)
      %dma_wait3A_241 = arith.constant 0 : i32
      %dma_wait3A_242 = tpu.memref_slice %arg4[%dma_wait3A_241] : memref<327680xi32, #tpu.memory_space<hbm>> -> memref<80xi32, #tpu.memory_space<hbm>>
      %dma_wait3A_243 = arith.constant 0 : i32
      %dma_wait3A_244 = tpu.memref_slice %arg4[%dma_wait3A_243] : memref<327680xi32, #tpu.memory_space<hbm>> -> memref<80xi32, #tpu.memory_space<hbm>>
      tpu.wait_dma2 semaphore(%arg29 : memref<!tpu.dma_semaphore, #tpu.memory_space<semaphore_mem>>) src(%dma_wait3A_244 : memref<80xi32, #tpu.memory_space<hbm>>) dst(%arg17 : memref<80xi32, #tpu.memory_space<vmem>>)
      %ge3A_245 = arith.constant 4 : i32
      %ge3A_246 = arith.cmpi sge, %add3A_236, %ge3A_245 : i32
      %convert_element_type3A_247 = arith.extui %ge3A_246 : i1 to i32
      %cond3A_248 = arith.constant 0 : i32
      %cond3A_249 = arith.cmpi ne, %convert_element_type3A_247, %cond3A_248 : i32
      scf.if %cond3A_249 {
        %dma_wait3A_416 = arith.constant 0 : i32
        %dma_wait3A_417 = arith.constant 0 : i32
        %dma_wait3A_418 = tpu.memref_slice %arg2[%dma_wait3A_416, %dma_wait3A_417] : memref<10240x128xf32, #tpu.memory_space<hbm>> -> memref<80x128xf32, #tpu.memory_space<hbm>>
        %dma_wait3A_419 = arith.constant 0 : i32
        %dma_wait3A_420 = arith.constant 0 : i32
        %dma_wait3A_421 = tpu.memref_slice %arg2[%dma_wait3A_419, %dma_wait3A_420] : memref<10240x128xf32, #tpu.memory_space<hbm>> -> memref<80x128xf32, #tpu.memory_space<hbm>>
        tpu.wait_dma2 semaphore(%arg41 : memref<!tpu.dma_semaphore, #tpu.memory_space<semaphore_mem>>) src(%dma_wait3A_421 : memref<80x128xf32, #tpu.memory_space<hbm>>) dst(%arg25 : memref<80x128xf32, #tpu.memory_space<vmem>>)
      } else {
      }
      %add3A_250 = arith.constant 4 : i32
      %add3A_251 = arith.addi %add3A_236, %add3A_250 : i32
      %lt3A_252 = arith.constant 128 : i32
      %lt3A_253 = arith.cmpi slt, %add3A_251, %lt3A_252 : i32
      %convert_element_type3A_254 = arith.extui %lt3A_253 : i1 to i32
      %cond3A_255 = arith.constant 0 : i32
      %cond3A_256 = arith.cmpi ne, %convert_element_type3A_254, %cond3A_255 : i32
      scf.if %cond3A_256 {
        %add3A_416 = arith.constant 4 : i32
        %add3A_417 = arith.addi %add3A_236, %add3A_416 : i32
        %mul3A_418 = arith.constant 80 : i32
        %mul3A_419 = arith.muli %add3A_417, %mul3A_418 : i32
        %add3A_420 = arith.addi %mul3A_88, %mul3A_419 : i32
        %multiple_of3A_421 = tpu.assume_multiple %add3A_420, 8 : i32
        %dma_start3A_422 = tpu.memref_slice %arg3[%multiple_of3A_421] : memref<327680xi32, #tpu.memory_space<hbm>> -> memref<80xi32, #tpu.memory_space<hbm>>
        %dma_start3A_423 = tpu.memref_slice %arg3[%multiple_of3A_421] : memref<327680xi32, #tpu.memory_space<hbm>> -> memref<80xi32, #tpu.memory_space<hbm>>
        tpu.enqueue_dma source(%dma_start3A_423 : memref<80xi32, #tpu.memory_space<hbm>>) target(%arg13 : memref<80xi32, #tpu.memory_space<vmem>>) target_semaphore(%arg33 : memref<!tpu.dma_semaphore, #tpu.memory_space<semaphore_mem>>)
        %dma_start3A_424 = tpu.memref_slice %arg4[%multiple_of3A_421] : memref<327680xi32, #tpu.memory_space<hbm>> -> memref<80xi32, #tpu.memory_space<hbm>>
        %dma_start3A_425 = tpu.memref_slice %arg4[%multiple_of3A_421] : memref<327680xi32, #tpu.memory_space<hbm>> -> memref<80xi32, #tpu.memory_space<hbm>>
        tpu.enqueue_dma source(%dma_start3A_425 : memref<80xi32, #tpu.memory_space<hbm>>) target(%arg21 : memref<80xi32, #tpu.memory_space<vmem>>) target_semaphore(%arg33 : memref<!tpu.dma_semaphore, #tpu.memory_space<semaphore_mem>>)
      } else {
      }
      %dma_start3A_257 = arith.constant 0 : i32
      %dma_start3A_258 = arith.constant 0 : i32
      %dma_start3A_259 = tpu.memref_slice %arg2[%dma_start3A_257, %dma_start3A_258] : memref<10240x128xf32, #tpu.memory_space<hbm>> -> memref<10240x128xf32, #tpu.memory_space<hbm>>
      tpu.enqueue_indirect_dma source(%dma_start3A_259 : memref<10240x128xf32, #tpu.memory_space<hbm>>) target(%arg25 : memref<80x128xf32, #tpu.memory_space<vmem>>) offsets(%arg9 : memref<80xi32, #tpu.memory_space<vmem>>) semaphore(%arg37 : memref<!tpu.dma_semaphore, #tpu.memory_space<semaphore_mem>>)
      %ge3A_260 = arith.constant 3 : i32
      %ge3A_261 = arith.cmpi sge, %add3A_236, %ge3A_260 : i32
      %convert_element_type3A_262 = arith.extui %ge3A_261 : i1 to i32
      %cond3A_263 = arith.constant 0 : i32
      %cond3A_264 = arith.cmpi ne, %convert_element_type3A_262, %cond3A_263 : i32
      scf.if %cond3A_264 {
        %dma_wait3A_416 = arith.constant 0 : i32
        %dma_wait3A_417 = arith.constant 0 : i32
        %dma_wait3A_418 = tpu.memref_slice %arg2[%dma_wait3A_416, %dma_wait3A_417] : memref<10240x128xf32, #tpu.memory_space<hbm>> -> memref<80x128xf32, #tpu.memory_space<hbm>>
        %dma_wait3A_419 = arith.constant 0 : i32
        %dma_wait3A_420 = arith.constant 0 : i32
        %dma_wait3A_421 = tpu.memref_slice %arg2[%dma_wait3A_419, %dma_wait3A_420] : memref<10240x128xf32, #tpu.memory_space<hbm>> -> memref<80x128xf32, #tpu.memory_space<hbm>>
        tpu.wait_dma2 semaphore(%arg38 : memref<!tpu.dma_semaphore, #tpu.memory_space<semaphore_mem>>) src(%dma_wait3A_421 : memref<80x128xf32, #tpu.memory_space<hbm>>) dst(%arg26 : memref<80x128xf32, #tpu.memory_space<vmem>>)
        %dma_start3A_422 = arith.constant 0 : i32
        %dma_start3A_423 = arith.constant 0 : i32
        %dma_start3A_424 = tpu.memref_slice %arg6[%dma_start3A_422, %dma_start3A_423] : memref<10240x128xf32, #tpu.memory_space<vmem_shared>> -> memref<10240x128xf32, #tpu.memory_space<vmem_shared>>
        tpu.enqueue_indirect_dma source(%arg26 : memref<80x128xf32, #tpu.memory_space<vmem>>) target(%dma_start3A_424 : memref<10240x128xf32, #tpu.memory_space<vmem_shared>>) offsets(%arg22 : memref<80xi32, #tpu.memory_space<vmem>>) semaphore(%arg42 : memref<!tpu.dma_semaphore, #tpu.memory_space<semaphore_mem>>) {add = true}
      } else {
      }
      %add3A_265 = arith.constant 3 : i32
      %add3A_266 = arith.addi %mul3A_178, %add3A_265 : i32
      %dma_wait3A_267 = arith.constant 0 : i32
      %dma_wait3A_268 = tpu.memref_slice %arg3[%dma_wait3A_267] : memref<327680xi32, #tpu.memory_space<hbm>> -> memref<80xi32, #tpu.memory_space<hbm>>
      %dma_wait3A_269 = arith.constant 0 : i32
      %dma_wait3A_270 = tpu.memref_slice %arg3[%dma_wait3A_269] : memref<327680xi32, #tpu.memory_space<hbm>> -> memref<80xi32, #tpu.memory_space<hbm>>
      tpu.wait_dma2 semaphore(%arg30 : memref<!tpu.dma_semaphore, #tpu.memory_space<semaphore_mem>>) src(%dma_wait3A_270 : memref<80xi32, #tpu.memory_space<hbm>>) dst(%arg10 : memref<80xi32, #tpu.memory_space<vmem>>)
      %dma_wait3A_271 = arith.constant 0 : i32
      %dma_wait3A_272 = tpu.memref_slice %arg4[%dma_wait3A_271] : memref<327680xi32, #tpu.memory_space<hbm>> -> memref<80xi32, #tpu.memory_space<hbm>>
      %dma_wait3A_273 = arith.constant 0 : i32
      %dma_wait3A_274 = tpu.memref_slice %arg4[%dma_wait3A_273] : memref<327680xi32, #tpu.memory_space<hbm>> -> memref<80xi32, #tpu.memory_space<hbm>>
      tpu.wait_dma2 semaphore(%arg30 : memref<!tpu.dma_semaphore, #tpu.memory_space<semaphore_mem>>) src(%dma_wait3A_274 : memref<80xi32, #tpu.memory_space<hbm>>) dst(%arg18 : memref<80xi32, #tpu.memory_space<vmem>>)
      %ge3A_275 = arith.constant 4 : i32
      %ge3A_276 = arith.cmpi sge, %add3A_266, %ge3A_275 : i32
      %convert_element_type3A_277 = arith.extui %ge3A_276 : i1 to i32
      %cond3A_278 = arith.constant 0 : i32
      %cond3A_279 = arith.cmpi ne, %convert_element_type3A_277, %cond3A_278 : i32
      scf.if %cond3A_279 {
        %dma_wait3A_416 = arith.constant 0 : i32
        %dma_wait3A_417 = arith.constant 0 : i32
        %dma_wait3A_418 = tpu.memref_slice %arg2[%dma_wait3A_416, %dma_wait3A_417] : memref<10240x128xf32, #tpu.memory_space<hbm>> -> memref<80x128xf32, #tpu.memory_space<hbm>>
        %dma_wait3A_419 = arith.constant 0 : i32
        %dma_wait3A_420 = arith.constant 0 : i32
        %dma_wait3A_421 = tpu.memref_slice %arg2[%dma_wait3A_419, %dma_wait3A_420] : memref<10240x128xf32, #tpu.memory_space<hbm>> -> memref<80x128xf32, #tpu.memory_space<hbm>>
        tpu.wait_dma2 semaphore(%arg42 : memref<!tpu.dma_semaphore, #tpu.memory_space<semaphore_mem>>) src(%dma_wait3A_421 : memref<80x128xf32, #tpu.memory_space<hbm>>) dst(%arg26 : memref<80x128xf32, #tpu.memory_space<vmem>>)
      } else {
      }
      %add3A_280 = arith.constant 4 : i32
      %add3A_281 = arith.addi %add3A_266, %add3A_280 : i32
      %lt3A_282 = arith.constant 128 : i32
      %lt3A_283 = arith.cmpi slt, %add3A_281, %lt3A_282 : i32
      %convert_element_type3A_284 = arith.extui %lt3A_283 : i1 to i32
      %cond3A_285 = arith.constant 0 : i32
      %cond3A_286 = arith.cmpi ne, %convert_element_type3A_284, %cond3A_285 : i32
      scf.if %cond3A_286 {
        %add3A_416 = arith.constant 4 : i32
        %add3A_417 = arith.addi %add3A_266, %add3A_416 : i32
        %mul3A_418 = arith.constant 80 : i32
        %mul3A_419 = arith.muli %add3A_417, %mul3A_418 : i32
        %add3A_420 = arith.addi %mul3A_88, %mul3A_419 : i32
        %multiple_of3A_421 = tpu.assume_multiple %add3A_420, 8 : i32
        %dma_start3A_422 = tpu.memref_slice %arg3[%multiple_of3A_421] : memref<327680xi32, #tpu.memory_space<hbm>> -> memref<80xi32, #tpu.memory_space<hbm>>
        %dma_start3A_423 = tpu.memref_slice %arg3[%multiple_of3A_421] : memref<327680xi32, #tpu.memory_space<hbm>> -> memref<80xi32, #tpu.memory_space<hbm>>
        tpu.enqueue_dma source(%dma_start3A_423 : memref<80xi32, #tpu.memory_space<hbm>>) target(%arg14 : memref<80xi32, #tpu.memory_space<vmem>>) target_semaphore(%arg34 : memref<!tpu.dma_semaphore, #tpu.memory_space<semaphore_mem>>)
        %dma_start3A_424 = tpu.memref_slice %arg4[%multiple_of3A_421] : memref<327680xi32, #tpu.memory_space<hbm>> -> memref<80xi32, #tpu.memory_space<hbm>>
        %dma_start3A_425 = tpu.memref_slice %arg4[%multiple_of3A_421] : memref<327680xi32, #tpu.memory_space<hbm>> -> memref<80xi32, #tpu.memory_space<hbm>>
        tpu.enqueue_dma source(%dma_start3A_425 : memref<80xi32, #tpu.memory_space<hbm>>) target(%arg22 : memref<80xi32, #tpu.memory_space<vmem>>) target_semaphore(%arg34 : memref<!tpu.dma_semaphore, #tpu.memory_space<semaphore_mem>>)
      } else {
      }
      %dma_start3A_287 = arith.constant 0 : i32
      %dma_start3A_288 = arith.constant 0 : i32
      %dma_start3A_289 = tpu.memref_slice %arg2[%dma_start3A_287, %dma_start3A_288] : memref<10240x128xf32, #tpu.memory_space<hbm>> -> memref<10240x128xf32, #tpu.memory_space<hbm>>
      tpu.enqueue_indirect_dma source(%dma_start3A_289 : memref<10240x128xf32, #tpu.memory_space<hbm>>) target(%arg26 : memref<80x128xf32, #tpu.memory_space<vmem>>) offsets(%arg10 : memref<80xi32, #tpu.memory_space<vmem>>) semaphore(%arg38 : memref<!tpu.dma_semaphore, #tpu.memory_space<semaphore_mem>>)
      %ge3A_290 = arith.constant 3 : i32
      %ge3A_291 = arith.cmpi sge, %add3A_266, %ge3A_290 : i32
      %convert_element_type3A_292 = arith.extui %ge3A_291 : i1 to i32
      %cond3A_293 = arith.constant 0 : i32
      %cond3A_294 = arith.cmpi ne, %convert_element_type3A_292, %cond3A_293 : i32
      scf.if %cond3A_294 {
        %dma_wait3A_416 = arith.constant 0 : i32
        %dma_wait3A_417 = arith.constant 0 : i32
        %dma_wait3A_418 = tpu.memref_slice %arg2[%dma_wait3A_416, %dma_wait3A_417] : memref<10240x128xf32, #tpu.memory_space<hbm>> -> memref<80x128xf32, #tpu.memory_space<hbm>>
        %dma_wait3A_419 = arith.constant 0 : i32
        %dma_wait3A_420 = arith.constant 0 : i32
        %dma_wait3A_421 = tpu.memref_slice %arg2[%dma_wait3A_419, %dma_wait3A_420] : memref<10240x128xf32, #tpu.memory_space<hbm>> -> memref<80x128xf32, #tpu.memory_space<hbm>>
        tpu.wait_dma2 semaphore(%arg35 : memref<!tpu.dma_semaphore, #tpu.memory_space<semaphore_mem>>) src(%dma_wait3A_421 : memref<80x128xf32, #tpu.memory_space<hbm>>) dst(%arg23 : memref<80x128xf32, #tpu.memory_space<vmem>>)
        %dma_start3A_422 = arith.constant 0 : i32
        %dma_start3A_423 = arith.constant 0 : i32
        %dma_start3A_424 = tpu.memref_slice %arg6[%dma_start3A_422, %dma_start3A_423] : memref<10240x128xf32, #tpu.memory_space<vmem_shared>> -> memref<10240x128xf32, #tpu.memory_space<vmem_shared>>
        tpu.enqueue_indirect_dma source(%arg23 : memref<80x128xf32, #tpu.memory_space<vmem>>) target(%dma_start3A_424 : memref<10240x128xf32, #tpu.memory_space<vmem_shared>>) offsets(%arg15 : memref<80xi32, #tpu.memory_space<vmem>>) semaphore(%arg39 : memref<!tpu.dma_semaphore, #tpu.memory_space<semaphore_mem>>) {add = true}
      } else {
      }
      %add3A_295 = arith.constant 4 : i32
      %add3A_296 = arith.addi %mul3A_178, %add3A_295 : i32
      %dma_wait3A_297 = arith.constant 0 : i32
      %dma_wait3A_298 = tpu.memref_slice %arg3[%dma_wait3A_297] : memref<327680xi32, #tpu.memory_space<hbm>> -> memref<80xi32, #tpu.memory_space<hbm>>
      %dma_wait3A_299 = arith.constant 0 : i32
      %dma_wait3A_300 = tpu.memref_slice %arg3[%dma_wait3A_299] : memref<327680xi32, #tpu.memory_space<hbm>> -> memref<80xi32, #tpu.memory_space<hbm>>
      tpu.wait_dma2 semaphore(%arg31 : memref<!tpu.dma_semaphore, #tpu.memory_space<semaphore_mem>>) src(%dma_wait3A_300 : memref<80xi32, #tpu.memory_space<hbm>>) dst(%arg11 : memref<80xi32, #tpu.memory_space<vmem>>)
      %dma_wait3A_301 = arith.constant 0 : i32
      %dma_wait3A_302 = tpu.memref_slice %arg4[%dma_wait3A_301] : memref<327680xi32, #tpu.memory_space<hbm>> -> memref<80xi32, #tpu.memory_space<hbm>>
      %dma_wait3A_303 = arith.constant 0 : i32
      %dma_wait3A_304 = tpu.memref_slice %arg4[%dma_wait3A_303] : memref<327680xi32, #tpu.memory_space<hbm>> -> memref<80xi32, #tpu.memory_space<hbm>>
      tpu.wait_dma2 semaphore(%arg31 : memref<!tpu.dma_semaphore, #tpu.memory_space<semaphore_mem>>) src(%dma_wait3A_304 : memref<80xi32, #tpu.memory_space<hbm>>) dst(%arg19 : memref<80xi32, #tpu.memory_space<vmem>>)
      %ge3A_305 = arith.constant 4 : i32
      %ge3A_306 = arith.cmpi sge, %add3A_296, %ge3A_305 : i32
      %convert_element_type3A_307 = arith.extui %ge3A_306 : i1 to i32
      %cond3A_308 = arith.constant 0 : i32
      %cond3A_309 = arith.cmpi ne, %convert_element_type3A_307, %cond3A_308 : i32
      scf.if %cond3A_309 {
        %dma_wait3A_416 = arith.constant 0 : i32
        %dma_wait3A_417 = arith.constant 0 : i32
        %dma_wait3A_418 = tpu.memref_slice %arg2[%dma_wait3A_416, %dma_wait3A_417] : memref<10240x128xf32, #tpu.memory_space<hbm>> -> memref<80x128xf32, #tpu.memory_space<hbm>>
        %dma_wait3A_419 = arith.constant 0 : i32
        %dma_wait3A_420 = arith.constant 0 : i32
        %dma_wait3A_421 = tpu.memref_slice %arg2[%dma_wait3A_419, %dma_wait3A_420] : memref<10240x128xf32, #tpu.memory_space<hbm>> -> memref<80x128xf32, #tpu.memory_space<hbm>>
        tpu.wait_dma2 semaphore(%arg39 : memref<!tpu.dma_semaphore, #tpu.memory_space<semaphore_mem>>) src(%dma_wait3A_421 : memref<80x128xf32, #tpu.memory_space<hbm>>) dst(%arg23 : memref<80x128xf32, #tpu.memory_space<vmem>>)
      } else {
      }
      %add3A_310 = arith.constant 4 : i32
      %add3A_311 = arith.addi %add3A_296, %add3A_310 : i32
      %lt3A_312 = arith.constant 128 : i32
      %lt3A_313 = arith.cmpi slt, %add3A_311, %lt3A_312 : i32
      %convert_element_type3A_314 = arith.extui %lt3A_313 : i1 to i32
      %cond3A_315 = arith.constant 0 : i32
      %cond3A_316 = arith.cmpi ne, %convert_element_type3A_314, %cond3A_315 : i32
      scf.if %cond3A_316 {
        %add3A_416 = arith.constant 4 : i32
        %add3A_417 = arith.addi %add3A_296, %add3A_416 : i32
        %mul3A_418 = arith.constant 80 : i32
        %mul3A_419 = arith.muli %add3A_417, %mul3A_418 : i32
        %add3A_420 = arith.addi %mul3A_88, %mul3A_419 : i32
        %multiple_of3A_421 = tpu.assume_multiple %add3A_420, 8 : i32
        %dma_start3A_422 = tpu.memref_slice %arg3[%multiple_of3A_421] : memref<327680xi32, #tpu.memory_space<hbm>> -> memref<80xi32, #tpu.memory_space<hbm>>
        %dma_start3A_423 = tpu.memref_slice %arg3[%multiple_of3A_421] : memref<327680xi32, #tpu.memory_space<hbm>> -> memref<80xi32, #tpu.memory_space<hbm>>
        tpu.enqueue_dma source(%dma_start3A_423 : memref<80xi32, #tpu.memory_space<hbm>>) target(%arg7 : memref<80xi32, #tpu.memory_space<vmem>>) target_semaphore(%arg27 : memref<!tpu.dma_semaphore, #tpu.memory_space<semaphore_mem>>)
        %dma_start3A_424 = tpu.memref_slice %arg4[%multiple_of3A_421] : memref<327680xi32, #tpu.memory_space<hbm>> -> memref<80xi32, #tpu.memory_space<hbm>>
        %dma_start3A_425 = tpu.memref_slice %arg4[%multiple_of3A_421] : memref<327680xi32, #tpu.memory_space<hbm>> -> memref<80xi32, #tpu.memory_space<hbm>>
        tpu.enqueue_dma source(%dma_start3A_425 : memref<80xi32, #tpu.memory_space<hbm>>) target(%arg15 : memref<80xi32, #tpu.memory_space<vmem>>) target_semaphore(%arg27 : memref<!tpu.dma_semaphore, #tpu.memory_space<semaphore_mem>>)
      } else {
      }
      %dma_start3A_317 = arith.constant 0 : i32
      %dma_start3A_318 = arith.constant 0 : i32
      %dma_start3A_319 = tpu.memref_slice %arg2[%dma_start3A_317, %dma_start3A_318] : memref<10240x128xf32, #tpu.memory_space<hbm>> -> memref<10240x128xf32, #tpu.memory_space<hbm>>
      tpu.enqueue_indirect_dma source(%dma_start3A_319 : memref<10240x128xf32, #tpu.memory_space<hbm>>) target(%arg23 : memref<80x128xf32, #tpu.memory_space<vmem>>) offsets(%arg11 : memref<80xi32, #tpu.memory_space<vmem>>) semaphore(%arg35 : memref<!tpu.dma_semaphore, #tpu.memory_space<semaphore_mem>>)
      %ge3A_320 = arith.constant 3 : i32
      %ge3A_321 = arith.cmpi sge, %add3A_296, %ge3A_320 : i32
      %convert_element_type3A_322 = arith.extui %ge3A_321 : i1 to i32
      %cond3A_323 = arith.constant 0 : i32
      %cond3A_324 = arith.cmpi ne, %convert_element_type3A_322, %cond3A_323 : i32
      scf.if %cond3A_324 {
        %dma_wait3A_416 = arith.constant 0 : i32
        %dma_wait3A_417 = arith.constant 0 : i32
        %dma_wait3A_418 = tpu.memref_slice %arg2[%dma_wait3A_416, %dma_wait3A_417] : memref<10240x128xf32, #tpu.memory_space<hbm>> -> memref<80x128xf32, #tpu.memory_space<hbm>>
        %dma_wait3A_419 = arith.constant 0 : i32
        %dma_wait3A_420 = arith.constant 0 : i32
        %dma_wait3A_421 = tpu.memref_slice %arg2[%dma_wait3A_419, %dma_wait3A_420] : memref<10240x128xf32, #tpu.memory_space<hbm>> -> memref<80x128xf32, #tpu.memory_space<hbm>>
        tpu.wait_dma2 semaphore(%arg36 : memref<!tpu.dma_semaphore, #tpu.memory_space<semaphore_mem>>) src(%dma_wait3A_421 : memref<80x128xf32, #tpu.memory_space<hbm>>) dst(%arg24 : memref<80x128xf32, #tpu.memory_space<vmem>>)
        %dma_start3A_422 = arith.constant 0 : i32
        %dma_start3A_423 = arith.constant 0 : i32
        %dma_start3A_424 = tpu.memref_slice %arg6[%dma_start3A_422, %dma_start3A_423] : memref<10240x128xf32, #tpu.memory_space<vmem_shared>> -> memref<10240x128xf32, #tpu.memory_space<vmem_shared>>
        tpu.enqueue_indirect_dma source(%arg24 : memref<80x128xf32, #tpu.memory_space<vmem>>) target(%dma_start3A_424 : memref<10240x128xf32, #tpu.memory_space<vmem_shared>>) offsets(%arg16 : memref<80xi32, #tpu.memory_space<vmem>>) semaphore(%arg40 : memref<!tpu.dma_semaphore, #tpu.memory_space<semaphore_mem>>) {add = true}
      } else {
      }
      %add3A_325 = arith.constant 5 : i32
      %add3A_326 = arith.addi %mul3A_178, %add3A_325 : i32
      %dma_wait3A_327 = arith.constant 0 : i32
      %dma_wait3A_328 = tpu.memref_slice %arg3[%dma_wait3A_327] : memref<327680xi32, #tpu.memory_space<hbm>> -> memref<80xi32, #tpu.memory_space<hbm>>
      %dma_wait3A_329 = arith.constant 0 : i32
      %dma_wait3A_330 = tpu.memref_slice %arg3[%dma_wait3A_329] : memref<327680xi32, #tpu.memory_space<hbm>> -> memref<80xi32, #tpu.memory_space<hbm>>
      tpu.wait_dma2 semaphore(%arg32 : memref<!tpu.dma_semaphore, #tpu.memory_space<semaphore_mem>>) src(%dma_wait3A_330 : memref<80xi32, #tpu.memory_space<hbm>>) dst(%arg12 : memref<80xi32, #tpu.memory_space<vmem>>)
      %dma_wait3A_331 = arith.constant 0 : i32
      %dma_wait3A_332 = tpu.memref_slice %arg4[%dma_wait3A_331] : memref<327680xi32, #tpu.memory_space<hbm>> -> memref<80xi32, #tpu.memory_space<hbm>>
      %dma_wait3A_333 = arith.constant 0 : i32
      %dma_wait3A_334 = tpu.memref_slice %arg4[%dma_wait3A_333] : memref<327680xi32, #tpu.memory_space<hbm>> -> memref<80xi32, #tpu.memory_space<hbm>>
      tpu.wait_dma2 semaphore(%arg32 : memref<!tpu.dma_semaphore, #tpu.memory_space<semaphore_mem>>) src(%dma_wait3A_334 : memref<80xi32, #tpu.memory_space<hbm>>) dst(%arg20 : memref<80xi32, #tpu.memory_space<vmem>>)
      %ge3A_335 = arith.constant 4 : i32
      %ge3A_336 = arith.cmpi sge, %add3A_326, %ge3A_335 : i32
      %convert_element_type3A_337 = arith.extui %ge3A_336 : i1 to i32
      %cond3A_338 = arith.constant 0 : i32
      %cond3A_339 = arith.cmpi ne, %convert_element_type3A_337, %cond3A_338 : i32
      scf.if %cond3A_339 {
        %dma_wait3A_416 = arith.constant 0 : i32
        %dma_wait3A_417 = arith.constant 0 : i32
        %dma_wait3A_418 = tpu.memref_slice %arg2[%dma_wait3A_416, %dma_wait3A_417] : memref<10240x128xf32, #tpu.memory_space<hbm>> -> memref<80x128xf32, #tpu.memory_space<hbm>>
        %dma_wait3A_419 = arith.constant 0 : i32
        %dma_wait3A_420 = arith.constant 0 : i32
        %dma_wait3A_421 = tpu.memref_slice %arg2[%dma_wait3A_419, %dma_wait3A_420] : memref<10240x128xf32, #tpu.memory_space<hbm>> -> memref<80x128xf32, #tpu.memory_space<hbm>>
        tpu.wait_dma2 semaphore(%arg40 : memref<!tpu.dma_semaphore, #tpu.memory_space<semaphore_mem>>) src(%dma_wait3A_421 : memref<80x128xf32, #tpu.memory_space<hbm>>) dst(%arg24 : memref<80x128xf32, #tpu.memory_space<vmem>>)
      } else {
      }
      %add3A_340 = arith.constant 4 : i32
      %add3A_341 = arith.addi %add3A_326, %add3A_340 : i32
      %lt3A_342 = arith.constant 128 : i32
      %lt3A_343 = arith.cmpi slt, %add3A_341, %lt3A_342 : i32
      %convert_element_type3A_344 = arith.extui %lt3A_343 : i1 to i32
      %cond3A_345 = arith.constant 0 : i32
      %cond3A_346 = arith.cmpi ne, %convert_element_type3A_344, %cond3A_345 : i32
      scf.if %cond3A_346 {
        %add3A_416 = arith.constant 4 : i32
        %add3A_417 = arith.addi %add3A_326, %add3A_416 : i32
        %mul3A_418 = arith.constant 80 : i32
        %mul3A_419 = arith.muli %add3A_417, %mul3A_418 : i32
        %add3A_420 = arith.addi %mul3A_88, %mul3A_419 : i32
        %multiple_of3A_421 = tpu.assume_multiple %add3A_420, 8 : i32
        %dma_start3A_422 = tpu.memref_slice %arg3[%multiple_of3A_421] : memref<327680xi32, #tpu.memory_space<hbm>> -> memref<80xi32, #tpu.memory_space<hbm>>
        %dma_start3A_423 = tpu.memref_slice %arg3[%multiple_of3A_421] : memref<327680xi32, #tpu.memory_space<hbm>> -> memref<80xi32, #tpu.memory_space<hbm>>
        tpu.enqueue_dma source(%dma_start3A_423 : memref<80xi32, #tpu.memory_space<hbm>>) target(%arg8 : memref<80xi32, #tpu.memory_space<vmem>>) target_semaphore(%arg28 : memref<!tpu.dma_semaphore, #tpu.memory_space<semaphore_mem>>)
        %dma_start3A_424 = tpu.memref_slice %arg4[%multiple_of3A_421] : memref<327680xi32, #tpu.memory_space<hbm>> -> memref<80xi32, #tpu.memory_space<hbm>>
        %dma_start3A_425 = tpu.memref_slice %arg4[%multiple_of3A_421] : memref<327680xi32, #tpu.memory_space<hbm>> -> memref<80xi32, #tpu.memory_space<hbm>>
        tpu.enqueue_dma source(%dma_start3A_425 : memref<80xi32, #tpu.memory_space<hbm>>) target(%arg16 : memref<80xi32, #tpu.memory_space<vmem>>) target_semaphore(%arg28 : memref<!tpu.dma_semaphore, #tpu.memory_space<semaphore_mem>>)
      } else {
      }
      %dma_start3A_347 = arith.constant 0 : i32
      %dma_start3A_348 = arith.constant 0 : i32
      %dma_start3A_349 = tpu.memref_slice %arg2[%dma_start3A_347, %dma_start3A_348] : memref<10240x128xf32, #tpu.memory_space<hbm>> -> memref<10240x128xf32, #tpu.memory_space<hbm>>
      tpu.enqueue_indirect_dma source(%dma_start3A_349 : memref<10240x128xf32, #tpu.memory_space<hbm>>) target(%arg24 : memref<80x128xf32, #tpu.memory_space<vmem>>) offsets(%arg12 : memref<80xi32, #tpu.memory_space<vmem>>) semaphore(%arg36 : memref<!tpu.dma_semaphore, #tpu.memory_space<semaphore_mem>>)
      %ge3A_350 = arith.constant 3 : i32
      %ge3A_351 = arith.cmpi sge, %add3A_326, %ge3A_350 : i32
      %convert_element_type3A_352 = arith.extui %ge3A_351 : i1 to i32
      %cond3A_353 = arith.constant 0 : i32
      %cond3A_354 = arith.cmpi ne, %convert_element_type3A_352, %cond3A_353 : i32
      scf.if %cond3A_354 {
        %dma_wait3A_416 = arith.constant 0 : i32
        %dma_wait3A_417 = arith.constant 0 : i32
        %dma_wait3A_418 = tpu.memref_slice %arg2[%dma_wait3A_416, %dma_wait3A_417] : memref<10240x128xf32, #tpu.memory_space<hbm>> -> memref<80x128xf32, #tpu.memory_space<hbm>>
        %dma_wait3A_419 = arith.constant 0 : i32
        %dma_wait3A_420 = arith.constant 0 : i32
        %dma_wait3A_421 = tpu.memref_slice %arg2[%dma_wait3A_419, %dma_wait3A_420] : memref<10240x128xf32, #tpu.memory_space<hbm>> -> memref<80x128xf32, #tpu.memory_space<hbm>>
        tpu.wait_dma2 semaphore(%arg37 : memref<!tpu.dma_semaphore, #tpu.memory_space<semaphore_mem>>) src(%dma_wait3A_421 : memref<80x128xf32, #tpu.memory_space<hbm>>) dst(%arg25 : memref<80x128xf32, #tpu.memory_space<vmem>>)
        %dma_start3A_422 = arith.constant 0 : i32
        %dma_start3A_423 = arith.constant 0 : i32
        %dma_start3A_424 = tpu.memref_slice %arg6[%dma_start3A_422, %dma_start3A_423] : memref<10240x128xf32, #tpu.memory_space<vmem_shared>> -> memref<10240x128xf32, #tpu.memory_space<vmem_shared>>
        tpu.enqueue_indirect_dma source(%arg25 : memref<80x128xf32, #tpu.memory_space<vmem>>) target(%dma_start3A_424 : memref<10240x128xf32, #tpu.memory_space<vmem_shared>>) offsets(%arg17 : memref<80xi32, #tpu.memory_space<vmem>>) semaphore(%arg41 : memref<!tpu.dma_semaphore, #tpu.memory_space<semaphore_mem>>) {add = true}
      } else {
      }
      %add3A_355 = arith.constant 6 : i32
      %add3A_356 = arith.addi %mul3A_178, %add3A_355 : i32
      %dma_wait3A_357 = arith.constant 0 : i32
      %dma_wait3A_358 = tpu.memref_slice %arg3[%dma_wait3A_357] : memref<327680xi32, #tpu.memory_space<hbm>> -> memref<80xi32, #tpu.memory_space<hbm>>
      %dma_wait3A_359 = arith.constant 0 : i32
      %dma_wait3A_360 = tpu.memref_slice %arg3[%dma_wait3A_359] : memref<327680xi32, #tpu.memory_space<hbm>> -> memref<80xi32, #tpu.memory_space<hbm>>
      tpu.wait_dma2 semaphore(%arg33 : memref<!tpu.dma_semaphore, #tpu.memory_space<semaphore_mem>>) src(%dma_wait3A_360 : memref<80xi32, #tpu.memory_space<hbm>>) dst(%arg13 : memref<80xi32, #tpu.memory_space<vmem>>)
      %dma_wait3A_361 = arith.constant 0 : i32
      %dma_wait3A_362 = tpu.memref_slice %arg4[%dma_wait3A_361] : memref<327680xi32, #tpu.memory_space<hbm>> -> memref<80xi32, #tpu.memory_space<hbm>>
      %dma_wait3A_363 = arith.constant 0 : i32
      %dma_wait3A_364 = tpu.memref_slice %arg4[%dma_wait3A_363] : memref<327680xi32, #tpu.memory_space<hbm>> -> memref<80xi32, #tpu.memory_space<hbm>>
      tpu.wait_dma2 semaphore(%arg33 : memref<!tpu.dma_semaphore, #tpu.memory_space<semaphore_mem>>) src(%dma_wait3A_364 : memref<80xi32, #tpu.memory_space<hbm>>) dst(%arg21 : memref<80xi32, #tpu.memory_space<vmem>>)
      %ge3A_365 = arith.constant 4 : i32
      %ge3A_366 = arith.cmpi sge, %add3A_356, %ge3A_365 : i32
      %convert_element_type3A_367 = arith.extui %ge3A_366 : i1 to i32
      %cond3A_368 = arith.constant 0 : i32
      %cond3A_369 = arith.cmpi ne, %convert_element_type3A_367, %cond3A_368 : i32
      scf.if %cond3A_369 {
        %dma_wait3A_416 = arith.constant 0 : i32
        %dma_wait3A_417 = arith.constant 0 : i32
        %dma_wait3A_418 = tpu.memref_slice %arg2[%dma_wait3A_416, %dma_wait3A_417] : memref<10240x128xf32, #tpu.memory_space<hbm>> -> memref<80x128xf32, #tpu.memory_space<hbm>>
        %dma_wait3A_419 = arith.constant 0 : i32
        %dma_wait3A_420 = arith.constant 0 : i32
        %dma_wait3A_421 = tpu.memref_slice %arg2[%dma_wait3A_419, %dma_wait3A_420] : memref<10240x128xf32, #tpu.memory_space<hbm>> -> memref<80x128xf32, #tpu.memory_space<hbm>>
        tpu.wait_dma2 semaphore(%arg41 : memref<!tpu.dma_semaphore, #tpu.memory_space<semaphore_mem>>) src(%dma_wait3A_421 : memref<80x128xf32, #tpu.memory_space<hbm>>) dst(%arg25 : memref<80x128xf32, #tpu.memory_space<vmem>>)
      } else {
      }
      %add3A_370 = arith.constant 4 : i32
      %add3A_371 = arith.addi %add3A_356, %add3A_370 : i32
      %lt3A_372 = arith.constant 128 : i32
      %lt3A_373 = arith.cmpi slt, %add3A_371, %lt3A_372 : i32
      %convert_element_type3A_374 = arith.extui %lt3A_373 : i1 to i32
      %cond3A_375 = arith.constant 0 : i32
      %cond3A_376 = arith.cmpi ne, %convert_element_type3A_374, %cond3A_375 : i32
      scf.if %cond3A_376 {
        %add3A_416 = arith.constant 4 : i32
        %add3A_417 = arith.addi %add3A_356, %add3A_416 : i32
        %mul3A_418 = arith.constant 80 : i32
        %mul3A_419 = arith.muli %add3A_417, %mul3A_418 : i32
        %add3A_420 = arith.addi %mul3A_88, %mul3A_419 : i32
        %multiple_of3A_421 = tpu.assume_multiple %add3A_420, 8 : i32
        %dma_start3A_422 = tpu.memref_slice %arg3[%multiple_of3A_421] : memref<327680xi32, #tpu.memory_space<hbm>> -> memref<80xi32, #tpu.memory_space<hbm>>
        %dma_start3A_423 = tpu.memref_slice %arg3[%multiple_of3A_421] : memref<327680xi32, #tpu.memory_space<hbm>> -> memref<80xi32, #tpu.memory_space<hbm>>
        tpu.enqueue_dma source(%dma_start3A_423 : memref<80xi32, #tpu.memory_space<hbm>>) target(%arg9 : memref<80xi32, #tpu.memory_space<vmem>>) target_semaphore(%arg29 : memref<!tpu.dma_semaphore, #tpu.memory_space<semaphore_mem>>)
        %dma_start3A_424 = tpu.memref_slice %arg4[%multiple_of3A_421] : memref<327680xi32, #tpu.memory_space<hbm>> -> memref<80xi32, #tpu.memory_space<hbm>>
        %dma_start3A_425 = tpu.memref_slice %arg4[%multiple_of3A_421] : memref<327680xi32, #tpu.memory_space<hbm>> -> memref<80xi32, #tpu.memory_space<hbm>>
        tpu.enqueue_dma source(%dma_start3A_425 : memref<80xi32, #tpu.memory_space<hbm>>) target(%arg17 : memref<80xi32, #tpu.memory_space<vmem>>) target_semaphore(%arg29 : memref<!tpu.dma_semaphore, #tpu.memory_space<semaphore_mem>>)
      } else {
      }
      %dma_start3A_377 = arith.constant 0 : i32
      %dma_start3A_378 = arith.constant 0 : i32
      %dma_start3A_379 = tpu.memref_slice %arg2[%dma_start3A_377, %dma_start3A_378] : memref<10240x128xf32, #tpu.memory_space<hbm>> -> memref<10240x128xf32, #tpu.memory_space<hbm>>
      tpu.enqueue_indirect_dma source(%dma_start3A_379 : memref<10240x128xf32, #tpu.memory_space<hbm>>) target(%arg25 : memref<80x128xf32, #tpu.memory_space<vmem>>) offsets(%arg13 : memref<80xi32, #tpu.memory_space<vmem>>) semaphore(%arg37 : memref<!tpu.dma_semaphore, #tpu.memory_space<semaphore_mem>>)
      %ge3A_380 = arith.constant 3 : i32
      %ge3A_381 = arith.cmpi sge, %add3A_356, %ge3A_380 : i32
      %convert_element_type3A_382 = arith.extui %ge3A_381 : i1 to i32
      %cond3A_383 = arith.constant 0 : i32
      %cond3A_384 = arith.cmpi ne, %convert_element_type3A_382, %cond3A_383 : i32
      scf.if %cond3A_384 {
        %dma_wait3A_416 = arith.constant 0 : i32
        %dma_wait3A_417 = arith.constant 0 : i32
        %dma_wait3A_418 = tpu.memref_slice %arg2[%dma_wait3A_416, %dma_wait3A_417] : memref<10240x128xf32, #tpu.memory_space<hbm>> -> memref<80x128xf32, #tpu.memory_space<hbm>>
        %dma_wait3A_419 = arith.constant 0 : i32
        %dma_wait3A_420 = arith.constant 0 : i32
        %dma_wait3A_421 = tpu.memref_slice %arg2[%dma_wait3A_419, %dma_wait3A_420] : memref<10240x128xf32, #tpu.memory_space<hbm>> -> memref<80x128xf32, #tpu.memory_space<hbm>>
        tpu.wait_dma2 semaphore(%arg38 : memref<!tpu.dma_semaphore, #tpu.memory_space<semaphore_mem>>) src(%dma_wait3A_421 : memref<80x128xf32, #tpu.memory_space<hbm>>) dst(%arg26 : memref<80x128xf32, #tpu.memory_space<vmem>>)
        %dma_start3A_422 = arith.constant 0 : i32
        %dma_start3A_423 = arith.constant 0 : i32
        %dma_start3A_424 = tpu.memref_slice %arg6[%dma_start3A_422, %dma_start3A_423] : memref<10240x128xf32, #tpu.memory_space<vmem_shared>> -> memref<10240x128xf32, #tpu.memory_space<vmem_shared>>
        tpu.enqueue_indirect_dma source(%arg26 : memref<80x128xf32, #tpu.memory_space<vmem>>) target(%dma_start3A_424 : memref<10240x128xf32, #tpu.memory_space<vmem_shared>>) offsets(%arg18 : memref<80xi32, #tpu.memory_space<vmem>>) semaphore(%arg42 : memref<!tpu.dma_semaphore, #tpu.memory_space<semaphore_mem>>) {add = true}
      } else {
      }
      %add3A_385 = arith.constant 7 : i32
      %add3A_386 = arith.addi %mul3A_178, %add3A_385 : i32
      %dma_wait3A_387 = arith.constant 0 : i32
      %dma_wait3A_388 = tpu.memref_slice %arg3[%dma_wait3A_387] : memref<327680xi32, #tpu.memory_space<hbm>> -> memref<80xi32, #tpu.memory_space<hbm>>
      %dma_wait3A_389 = arith.constant 0 : i32
      %dma_wait3A_390 = tpu.memref_slice %arg3[%dma_wait3A_389] : memref<327680xi32, #tpu.memory_space<hbm>> -> memref<80xi32, #tpu.memory_space<hbm>>
      tpu.wait_dma2 semaphore(%arg34 : memref<!tpu.dma_semaphore, #tpu.memory_space<semaphore_mem>>) src(%dma_wait3A_390 : memref<80xi32, #tpu.memory_space<hbm>>) dst(%arg14 : memref<80xi32, #tpu.memory_space<vmem>>)
      %dma_wait3A_391 = arith.constant 0 : i32
      %dma_wait3A_392 = tpu.memref_slice %arg4[%dma_wait3A_391] : memref<327680xi32, #tpu.memory_space<hbm>> -> memref<80xi32, #tpu.memory_space<hbm>>
      %dma_wait3A_393 = arith.constant 0 : i32
      %dma_wait3A_394 = tpu.memref_slice %arg4[%dma_wait3A_393] : memref<327680xi32, #tpu.memory_space<hbm>> -> memref<80xi32, #tpu.memory_space<hbm>>
      tpu.wait_dma2 semaphore(%arg34 : memref<!tpu.dma_semaphore, #tpu.memory_space<semaphore_mem>>) src(%dma_wait3A_394 : memref<80xi32, #tpu.memory_space<hbm>>) dst(%arg22 : memref<80xi32, #tpu.memory_space<vmem>>)
      %ge3A_395 = arith.constant 4 : i32
      %ge3A_396 = arith.cmpi sge, %add3A_386, %ge3A_395 : i32
      %convert_element_type3A_397 = arith.extui %ge3A_396 : i1 to i32
      %cond3A_398 = arith.constant 0 : i32
      %cond3A_399 = arith.cmpi ne, %convert_element_type3A_397, %cond3A_398 : i32
      scf.if %cond3A_399 {
        %dma_wait3A_416 = arith.constant 0 : i32
        %dma_wait3A_417 = arith.constant 0 : i32
        %dma_wait3A_418 = tpu.memref_slice %arg2[%dma_wait3A_416, %dma_wait3A_417] : memref<10240x128xf32, #tpu.memory_space<hbm>> -> memref<80x128xf32, #tpu.memory_space<hbm>>
        %dma_wait3A_419 = arith.constant 0 : i32
        %dma_wait3A_420 = arith.constant 0 : i32
        %dma_wait3A_421 = tpu.memref_slice %arg2[%dma_wait3A_419, %dma_wait3A_420] : memref<10240x128xf32, #tpu.memory_space<hbm>> -> memref<80x128xf32, #tpu.memory_space<hbm>>
        tpu.wait_dma2 semaphore(%arg42 : memref<!tpu.dma_semaphore, #tpu.memory_space<semaphore_mem>>) src(%dma_wait3A_421 : memref<80x128xf32, #tpu.memory_space<hbm>>) dst(%arg26 : memref<80x128xf32, #tpu.memory_space<vmem>>)
      } else {
      }
      %add3A_400 = arith.constant 4 : i32
      %add3A_401 = arith.addi %add3A_386, %add3A_400 : i32
      %lt3A_402 = arith.constant 128 : i32
      %lt3A_403 = arith.cmpi slt, %add3A_401, %lt3A_402 : i32
      %convert_element_type3A_404 = arith.extui %lt3A_403 : i1 to i32
      %cond3A_405 = arith.constant 0 : i32
      %cond3A_406 = arith.cmpi ne, %convert_element_type3A_404, %cond3A_405 : i32
      scf.if %cond3A_406 {
        %add3A_416 = arith.constant 4 : i32
        %add3A_417 = arith.addi %add3A_386, %add3A_416 : i32
        %mul3A_418 = arith.constant 80 : i32
        %mul3A_419 = arith.muli %add3A_417, %mul3A_418 : i32
        %add3A_420 = arith.addi %mul3A_88, %mul3A_419 : i32
        %multiple_of3A_421 = tpu.assume_multiple %add3A_420, 8 : i32
        %dma_start3A_422 = tpu.memref_slice %arg3[%multiple_of3A_421] : memref<327680xi32, #tpu.memory_space<hbm>> -> memref<80xi32, #tpu.memory_space<hbm>>
        %dma_start3A_423 = tpu.memref_slice %arg3[%multiple_of3A_421] : memref<327680xi32, #tpu.memory_space<hbm>> -> memref<80xi32, #tpu.memory_space<hbm>>
        tpu.enqueue_dma source(%dma_start3A_423 : memref<80xi32, #tpu.memory_space<hbm>>) target(%arg10 : memref<80xi32, #tpu.memory_space<vmem>>) target_semaphore(%arg30 : memref<!tpu.dma_semaphore, #tpu.memory_space<semaphore_mem>>)
        %dma_start3A_424 = tpu.memref_slice %arg4[%multiple_of3A_421] : memref<327680xi32, #tpu.memory_space<hbm>> -> memref<80xi32, #tpu.memory_space<hbm>>
        %dma_start3A_425 = tpu.memref_slice %arg4[%multiple_of3A_421] : memref<327680xi32, #tpu.memory_space<hbm>> -> memref<80xi32, #tpu.memory_space<hbm>>
        tpu.enqueue_dma source(%dma_start3A_425 : memref<80xi32, #tpu.memory_space<hbm>>) target(%arg18 : memref<80xi32, #tpu.memory_space<vmem>>) target_semaphore(%arg30 : memref<!tpu.dma_semaphore, #tpu.memory_space<semaphore_mem>>)
      } else {
      }
      %dma_start3A_407 = arith.constant 0 : i32
      %dma_start3A_408 = arith.constant 0 : i32
      %dma_start3A_409 = tpu.memref_slice %arg2[%dma_start3A_407, %dma_start3A_408] : memref<10240x128xf32, #tpu.memory_space<hbm>> -> memref<10240x128xf32, #tpu.memory_space<hbm>>
      tpu.enqueue_indirect_dma source(%dma_start3A_409 : memref<10240x128xf32, #tpu.memory_space<hbm>>) target(%arg26 : memref<80x128xf32, #tpu.memory_space<vmem>>) offsets(%arg14 : memref<80xi32, #tpu.memory_space<vmem>>) semaphore(%arg38 : memref<!tpu.dma_semaphore, #tpu.memory_space<semaphore_mem>>)
      %ge3A_410 = arith.constant 3 : i32
      %ge3A_411 = arith.cmpi sge, %add3A_386, %ge3A_410 : i32
      %convert_element_type3A_412 = arith.extui %ge3A_411 : i1 to i32
      %cond3A_413 = arith.constant 0 : i32
      %cond3A_414 = arith.cmpi ne, %convert_element_type3A_412, %cond3A_413 : i32
      scf.if %cond3A_414 {
        %dma_wait3A_416 = arith.constant 0 : i32
        %dma_wait3A_417 = arith.constant 0 : i32
        %dma_wait3A_418 = tpu.memref_slice %arg2[%dma_wait3A_416, %dma_wait3A_417] : memref<10240x128xf32, #tpu.memory_space<hbm>> -> memref<80x128xf32, #tpu.memory_space<hbm>>
        %dma_wait3A_419 = arith.constant 0 : i32
        %dma_wait3A_420 = arith.constant 0 : i32
        %dma_wait3A_421 = tpu.memref_slice %arg2[%dma_wait3A_419, %dma_wait3A_420] : memref<10240x128xf32, #tpu.memory_space<hbm>> -> memref<80x128xf32, #tpu.memory_space<hbm>>
        tpu.wait_dma2 semaphore(%arg35 : memref<!tpu.dma_semaphore, #tpu.memory_space<semaphore_mem>>) src(%dma_wait3A_421 : memref<80x128xf32, #tpu.memory_space<hbm>>) dst(%arg23 : memref<80x128xf32, #tpu.memory_space<vmem>>)
        %dma_start3A_422 = arith.constant 0 : i32
        %dma_start3A_423 = arith.constant 0 : i32
        %dma_start3A_424 = tpu.memref_slice %arg6[%dma_start3A_422, %dma_start3A_423] : memref<10240x128xf32, #tpu.memory_space<vmem_shared>> -> memref<10240x128xf32, #tpu.memory_space<vmem_shared>>
        tpu.enqueue_indirect_dma source(%arg23 : memref<80x128xf32, #tpu.memory_space<vmem>>) target(%dma_start3A_424 : memref<10240x128xf32, #tpu.memory_space<vmem_shared>>) offsets(%arg19 : memref<80xi32, #tpu.memory_space<vmem>>) semaphore(%arg39 : memref<!tpu.dma_semaphore, #tpu.memory_space<semaphore_mem>>) {add = true}
      } else {
      }
      %scan3A_415 = arith.constant 0 : i32
      scf.yield %scan3A_415 : i32
    }
    %scan3A_122 = arith.constant 16 : i32
    %dma_wait3A_123 = arith.constant 0 : i32
    %dma_wait3A_124 = arith.constant 0 : i32
    %dma_wait3A_125 = tpu.memref_slice %arg2[%dma_wait3A_123, %dma_wait3A_124] : memref<10240x128xf32, #tpu.memory_space<hbm>> -> memref<80x128xf32, #tpu.memory_space<hbm>>
    %dma_wait3A_126 = arith.constant 0 : i32
    %dma_wait3A_127 = arith.constant 0 : i32
    %dma_wait3A_128 = tpu.memref_slice %arg2[%dma_wait3A_126, %dma_wait3A_127] : memref<10240x128xf32, #tpu.memory_space<hbm>> -> memref<80x128xf32, #tpu.memory_space<hbm>>
    tpu.wait_dma2 semaphore(%arg36 : memref<!tpu.dma_semaphore, #tpu.memory_space<semaphore_mem>>) src(%dma_wait3A_128 : memref<80x128xf32, #tpu.memory_space<hbm>>) dst(%arg24 : memref<80x128xf32, #tpu.memory_space<vmem>>)
    %dma_start3A_129 = arith.constant 0 : i32
    %dma_start3A_130 = arith.constant 0 : i32
    %dma_start3A_131 = tpu.memref_slice %arg6[%dma_start3A_129, %dma_start3A_130] : memref<10240x128xf32, #tpu.memory_space<vmem_shared>> -> memref<10240x128xf32, #tpu.memory_space<vmem_shared>>
    tpu.enqueue_indirect_dma source(%arg24 : memref<80x128xf32, #tpu.memory_space<vmem>>) target(%dma_start3A_131 : memref<10240x128xf32, #tpu.memory_space<vmem_shared>>) offsets(%arg20 : memref<80xi32, #tpu.memory_space<vmem>>) semaphore(%arg40 : memref<!tpu.dma_semaphore, #tpu.memory_space<semaphore_mem>>) {add = true}
    %dma_wait3A_132 = arith.constant 0 : i32
    %dma_wait3A_133 = arith.constant 0 : i32
    %dma_wait3A_134 = tpu.memref_slice %arg2[%dma_wait3A_132, %dma_wait3A_133] : memref<10240x128xf32, #tpu.memory_space<hbm>> -> memref<80x128xf32, #tpu.memory_space<hbm>>
    %dma_wait3A_135 = arith.constant 0 : i32
    %dma_wait3A_136 = arith.constant 0 : i32
    %dma_wait3A_137 = tpu.memref_slice %arg2[%dma_wait3A_135, %dma_wait3A_136] : memref<10240x128xf32, #tpu.memory_space<hbm>> -> memref<80x128xf32, #tpu.memory_space<hbm>>
    tpu.wait_dma2 semaphore(%arg37 : memref<!tpu.dma_semaphore, #tpu.memory_space<semaphore_mem>>) src(%dma_wait3A_137 : memref<80x128xf32, #tpu.memory_space<hbm>>) dst(%arg25 : memref<80x128xf32, #tpu.memory_space<vmem>>)
    %dma_start3A_138 = arith.constant 0 : i32
    %dma_start3A_139 = arith.constant 0 : i32
    %dma_start3A_140 = tpu.memref_slice %arg6[%dma_start3A_138, %dma_start3A_139] : memref<10240x128xf32, #tpu.memory_space<vmem_shared>> -> memref<10240x128xf32, #tpu.memory_space<vmem_shared>>
    tpu.enqueue_indirect_dma source(%arg25 : memref<80x128xf32, #tpu.memory_space<vmem>>) target(%dma_start3A_140 : memref<10240x128xf32, #tpu.memory_space<vmem_shared>>) offsets(%arg21 : memref<80xi32, #tpu.memory_space<vmem>>) semaphore(%arg41 : memref<!tpu.dma_semaphore, #tpu.memory_space<semaphore_mem>>) {add = true}
    %dma_wait3A_141 = arith.constant 0 : i32
    %dma_wait3A_142 = arith.constant 0 : i32
    %dma_wait3A_143 = tpu.memref_slice %arg2[%dma_wait3A_141, %dma_wait3A_142] : memref<10240x128xf32, #tpu.memory_space<hbm>> -> memref<80x128xf32, #tpu.memory_space<hbm>>
    %dma_wait3A_144 = arith.constant 0 : i32
    %dma_wait3A_145 = arith.constant 0 : i32
    %dma_wait3A_146 = tpu.memref_slice %arg2[%dma_wait3A_144, %dma_wait3A_145] : memref<10240x128xf32, #tpu.memory_space<hbm>> -> memref<80x128xf32, #tpu.memory_space<hbm>>
    tpu.wait_dma2 semaphore(%arg38 : memref<!tpu.dma_semaphore, #tpu.memory_space<semaphore_mem>>) src(%dma_wait3A_146 : memref<80x128xf32, #tpu.memory_space<hbm>>) dst(%arg26 : memref<80x128xf32, #tpu.memory_space<vmem>>)
    %dma_start3A_147 = arith.constant 0 : i32
    %dma_start3A_148 = arith.constant 0 : i32
    %dma_start3A_149 = tpu.memref_slice %arg6[%dma_start3A_147, %dma_start3A_148] : memref<10240x128xf32, #tpu.memory_space<vmem_shared>> -> memref<10240x128xf32, #tpu.memory_space<vmem_shared>>
    tpu.enqueue_indirect_dma source(%arg26 : memref<80x128xf32, #tpu.memory_space<vmem>>) target(%dma_start3A_149 : memref<10240x128xf32, #tpu.memory_space<vmem_shared>>) offsets(%arg22 : memref<80xi32, #tpu.memory_space<vmem>>) semaphore(%arg42 : memref<!tpu.dma_semaphore, #tpu.memory_space<semaphore_mem>>) {add = true}
    %dma_wait3A_150 = arith.constant 0 : i32
    %dma_wait3A_151 = arith.constant 0 : i32
    %dma_wait3A_152 = tpu.memref_slice %arg2[%dma_wait3A_150, %dma_wait3A_151] : memref<10240x128xf32, #tpu.memory_space<hbm>> -> memref<80x128xf32, #tpu.memory_space<hbm>>
    %dma_wait3A_153 = arith.constant 0 : i32
    %dma_wait3A_154 = arith.constant 0 : i32
    %dma_wait3A_155 = tpu.memref_slice %arg2[%dma_wait3A_153, %dma_wait3A_154] : memref<10240x128xf32, #tpu.memory_space<hbm>> -> memref<80x128xf32, #tpu.memory_space<hbm>>
    tpu.wait_dma2 semaphore(%arg39 : memref<!tpu.dma_semaphore, #tpu.memory_space<semaphore_mem>>) src(%dma_wait3A_155 : memref<80x128xf32, #tpu.memory_space<hbm>>) dst(%arg23 : memref<80x128xf32, #tpu.memory_space<vmem>>)
    %dma_wait3A_156 = arith.constant 0 : i32
    %dma_wait3A_157 = arith.constant 0 : i32
    %dma_wait3A_158 = tpu.memref_slice %arg2[%dma_wait3A_156, %dma_wait3A_157] : memref<10240x128xf32, #tpu.memory_space<hbm>> -> memref<80x128xf32, #tpu.memory_space<hbm>>
    %dma_wait3A_159 = arith.constant 0 : i32
    %dma_wait3A_160 = arith.constant 0 : i32
    %dma_wait3A_161 = tpu.memref_slice %arg2[%dma_wait3A_159, %dma_wait3A_160] : memref<10240x128xf32, #tpu.memory_space<hbm>> -> memref<80x128xf32, #tpu.memory_space<hbm>>
    tpu.wait_dma2 semaphore(%arg40 : memref<!tpu.dma_semaphore, #tpu.memory_space<semaphore_mem>>) src(%dma_wait3A_161 : memref<80x128xf32, #tpu.memory_space<hbm>>) dst(%arg24 : memref<80x128xf32, #tpu.memory_space<vmem>>)
    %dma_wait3A_162 = arith.constant 0 : i32
    %dma_wait3A_163 = arith.constant 0 : i32
    %dma_wait3A_164 = tpu.memref_slice %arg2[%dma_wait3A_162, %dma_wait3A_163] : memref<10240x128xf32, #tpu.memory_space<hbm>> -> memref<80x128xf32, #tpu.memory_space<hbm>>
    %dma_wait3A_165 = arith.constant 0 : i32
    %dma_wait3A_166 = arith.constant 0 : i32
    %dma_wait3A_167 = tpu.memref_slice %arg2[%dma_wait3A_165, %dma_wait3A_166] : memref<10240x128xf32, #tpu.memory_space<hbm>> -> memref<80x128xf32, #tpu.memory_space<hbm>>
    tpu.wait_dma2 semaphore(%arg41 : memref<!tpu.dma_semaphore, #tpu.memory_space<semaphore_mem>>) src(%dma_wait3A_167 : memref<80x128xf32, #tpu.memory_space<hbm>>) dst(%arg25 : memref<80x128xf32, #tpu.memory_space<vmem>>)
    %dma_wait3A_168 = arith.constant 0 : i32
    %dma_wait3A_169 = arith.constant 0 : i32
    %dma_wait3A_170 = tpu.memref_slice %arg2[%dma_wait3A_168, %dma_wait3A_169] : memref<10240x128xf32, #tpu.memory_space<hbm>> -> memref<80x128xf32, #tpu.memory_space<hbm>>
    %dma_wait3A_171 = arith.constant 0 : i32
    %dma_wait3A_172 = arith.constant 0 : i32
    %dma_wait3A_173 = tpu.memref_slice %arg2[%dma_wait3A_171, %dma_wait3A_172] : memref<10240x128xf32, #tpu.memory_space<hbm>> -> memref<80x128xf32, #tpu.memory_space<hbm>>
    tpu.wait_dma2 semaphore(%arg42 : memref<!tpu.dma_semaphore, #tpu.memory_space<semaphore_mem>>) src(%dma_wait3A_173 : memref<80x128xf32, #tpu.memory_space<hbm>>) dst(%arg26 : memref<80x128xf32, #tpu.memory_space<vmem>>)
    %barrier3A_174 = arith.constant 0 : index
    tpu.barrier barrier_id(%barrier3A_174)
    "tpu.region"() ({
      %run_scoped3A = tpu.sem_alloc : memref<!tpu.dma_semaphore, #tpu.memory_space<semaphore_mem>>
      %dma_start3A_175 = arith.constant 0 : i32
      %dma_start3A_176 = tpu.memref_slice %arg5[%arg0, %mul3A_6, %dma_start3A_175] : memref<2x10240x128xf32, #tpu.memory_space<hbm>> -> memref<1x640x128xf32, #tpu.memory_space<hbm>>
      %dma_start3A_177 = tpu.memref_squeeze %dma_start3A_176 : memref<1x640x128xf32, #tpu.memory_space<hbm>> -> memref<640x128xf32, #tpu.memory_space<hbm>>
      %dma_start3A_178 = arith.constant 0 : i32
      %dma_start3A_179 = tpu.memref_slice %arg6[%mul3A_6, %dma_start3A_178] : memref<10240x128xf32, #tpu.memory_space<vmem_shared>> -> memref<640x128xf32, #tpu.memory_space<vmem_shared>>
      tpu.enqueue_dma source(%dma_start3A_179 : memref<640x128xf32, #tpu.memory_space<vmem_shared>>) target(%dma_start3A_177 : memref<640x128xf32, #tpu.memory_space<hbm>>) target_semaphore(%run_scoped3A : memref<!tpu.dma_semaphore, #tpu.memory_space<semaphore_mem>>)
      %dma_wait3A_180 = arith.constant 0 : i32
      %dma_wait3A_181 = tpu.memref_slice %arg5[%arg0, %mul3A_6, %dma_wait3A_180] : memref<2x10240x128xf32, #tpu.memory_space<hbm>> -> memref<1x640x128xf32, #tpu.memory_space<hbm>>
      %dma_wait3A_182 = tpu.memref_squeeze %dma_wait3A_181 : memref<1x640x128xf32, #tpu.memory_space<hbm>> -> memref<640x128xf32, #tpu.memory_space<hbm>>
      %dma_wait3A_183 = arith.constant 0 : i32
      %dma_wait3A_184 = tpu.memref_slice %arg6[%mul3A_6, %dma_wait3A_183] : memref<10240x128xf32, #tpu.memory_space<vmem_shared>> -> memref<640x128xf32, #tpu.memory_space<vmem_shared>>
      tpu.wait_dma2 semaphore(%run_scoped3A : memref<!tpu.dma_semaphore, #tpu.memory_space<semaphore_mem>>) src(%dma_wait3A_184 : memref<640x128xf32, #tpu.memory_space<vmem_shared>>) dst(%dma_wait3A_182 : memref<640x128xf32, #tpu.memory_space<hbm>>)
      tpu.yield
    }) : () -> ()
    return
  }
}

#map = affine_map<(d0, d1) -> (0, 0)>
#map1 = affine_map<(d0, d1) -> (0)>
#map2 = affine_map<(d0, d1) -> (0, 0, 0)>
module attributes {stable_mosaic.version = 14 : i64} {
  func.func @_agg_kernel(%arg0: i32, %arg1: i32, %arg2: memref<10240x128xf32, #tpu.memory_space<hbm>>, %arg3: memref<327680xi32, #tpu.memory_space<hbm>>, %arg4: memref<327680xi32, #tpu.memory_space<hbm>>, %arg5: memref<2x10240x128xf32, #tpu.memory_space<hbm>>, %arg6: memref<10240x128xf32, #tpu.memory_space<vmem_shared>>, %arg7: memref<80xi32, #tpu.memory_space<vmem>>, %arg8: memref<80xi32, #tpu.memory_space<vmem>>, %arg9: memref<80xi32, #tpu.memory_space<vmem>>, %arg10: memref<80xi32, #tpu.memory_space<vmem>>, %arg11: memref<80xi32, #tpu.memory_space<vmem>>, %arg12: memref<80xi32, #tpu.memory_space<vmem>>, %arg13: memref<80xi32, #tpu.memory_space<vmem>>, %arg14: memref<80xi32, #tpu.memory_space<vmem>>, %arg15: memref<80xi32, #tpu.memory_space<vmem>>, %arg16: memref<80xi32, #tpu.memory_space<vmem>>, %arg17: memref<80xi32, #tpu.memory_space<vmem>>, %arg18: memref<80xi32, #tpu.memory_space<vmem>>, %arg19: memref<80xi32, #tpu.memory_space<vmem>>, %arg20: memref<80xi32, #tpu.memory_space<vmem>>, %arg21: memref<80xi32, #tpu.memory_space<vmem>>, %arg22: memref<80xi32, #tpu.memory_space<vmem>>, %arg23: memref<80x128xf32, #tpu.memory_space<vmem>>, %arg24: memref<80x128xf32, #tpu.memory_space<vmem>>, %arg25: memref<80x128xf32, #tpu.memory_space<vmem>>, %arg26: memref<80x128xf32, #tpu.memory_space<vmem>>, %arg27: memref<!tpu.dma_semaphore, #tpu.memory_space<semaphore_mem>>, %arg28: memref<!tpu.dma_semaphore, #tpu.memory_space<semaphore_mem>>, %arg29: memref<!tpu.dma_semaphore, #tpu.memory_space<semaphore_mem>>, %arg30: memref<!tpu.dma_semaphore, #tpu.memory_space<semaphore_mem>>, %arg31: memref<!tpu.dma_semaphore, #tpu.memory_space<semaphore_mem>>, %arg32: memref<!tpu.dma_semaphore, #tpu.memory_space<semaphore_mem>>, %arg33: memref<!tpu.dma_semaphore, #tpu.memory_space<semaphore_mem>>, %arg34: memref<!tpu.dma_semaphore, #tpu.memory_space<semaphore_mem>>, %arg35: memref<!tpu.dma_semaphore, #tpu.memory_space<semaphore_mem>>, %arg36: memref<!tpu.dma_semaphore, #tpu.memory_space<semaphore_mem>>, %arg37: memref<!tpu.dma_semaphore, #tpu.memory_space<semaphore_mem>>, %arg38: memref<!tpu.dma_semaphore, #tpu.memory_space<semaphore_mem>>, %arg39: memref<!tpu.dma_semaphore, #tpu.memory_space<semaphore_mem>>, %arg40: memref<!tpu.dma_semaphore, #tpu.memory_space<semaphore_mem>>, %arg41: memref<!tpu.dma_semaphore, #tpu.memory_space<semaphore_mem>>, %arg42: memref<!tpu.dma_semaphore, #tpu.memory_space<semaphore_mem>>) attributes {dimension_semantics = [#tpu.dimension_semantics<core_parallel>, #tpu.dimension_semantics<subcore_parallel>], iteration_bounds = array<i64: 2, 16>, scalar_prefetch = 0 : i64, scratch_operands = 37 : i64, tpu.core_type = #tpu.core_type<sc_vector_subcore>, window_params = [{transform_indices = #map}, {transform_indices = #map1}, {transform_indices = #map1}, {transform_indices = #map2}]} {
    %scan3A = arith.constant 0 : i32
    %scan3A_0 = arith.constant 0 : i32
    %scan3A_1 = arith.constant 80 : i32
    %scan3A_2 = arith.addi %scan3A_0, %scan3A_1 : i32
    %scan3A_3 = arith.constant 1 : i32
    %scan3A_4 = scf.for %scan3A_175 = %scan3A_0 to %scan3A_2 step %scan3A_3 iter_args(%scan3A_176 = %scan3A) -> (i32)  : i32 {
      %broadcast_in_dim3A = arith.constant 0.000000e+00 : f32
      %broadcast_in_dim3A_177 = vector.broadcast %broadcast_in_dim3A : f32 to vector<16xf32>
      %swap3A = arith.index_cast %scan3A_175 : i32 to index
      %swap3A_178 = arith.constant 0 : index
      %swap3A_179 = tpu.vector_load %arg23[%swap3A, %swap3A_178] {strides = array<i32>} : memref<80x128xf32, #tpu.memory_space<vmem>>, vector<1x16xf32>,
      %swap3A_180 = vector.shape_cast %swap3A_179 : vector<1x16xf32> to vector<16xf32>
      %swap3A_181 = vector.shape_cast %broadcast_in_dim3A_177 : vector<16xf32> to vector<1x16xf32>
      tpu.vector_store %arg23[%swap3A, %swap3A_178], %swap3A_181 {strides = array<i32>} : memref<80x128xf32, #tpu.memory_space<vmem>>, vector<1x16xf32>,
      %broadcast_in_dim3A_182 = arith.constant 0.000000e+00 : f32
      %broadcast_in_dim3A_183 = vector.broadcast %broadcast_in_dim3A_182 : f32 to vector<16xf32>
      %swap3A_184 = arith.index_cast %scan3A_175 : i32 to index
      %swap3A_185 = arith.constant 16 : index
      %swap3A_186 = tpu.vector_load %arg23[%swap3A_184, %swap3A_185] {strides = array<i32>} : memref<80x128xf32, #tpu.memory_space<vmem>>, vector<1x16xf32>,
      %swap3A_187 = vector.shape_cast %swap3A_186 : vector<1x16xf32> to vector<16xf32>
      %swap3A_188 = vector.shape_cast %broadcast_in_dim3A_183 : vector<16xf32> to vector<1x16xf32>
      tpu.vector_store %arg23[%swap3A_184, %swap3A_185], %swap3A_188 {strides = array<i32>} : memref<80x128xf32, #tpu.memory_space<vmem>>, vector<1x16xf32>,
      %broadcast_in_dim3A_189 = arith.constant 0.000000e+00 : f32
      %broadcast_in_dim3A_190 = vector.broadcast %broadcast_in_dim3A_189 : f32 to vector<16xf32>
      %swap3A_191 = arith.index_cast %scan3A_175 : i32 to index
      %swap3A_192 = arith.constant 32 : index
      %swap3A_193 = tpu.vector_load %arg23[%swap3A_191, %swap3A_192] {strides = array<i32>} : memref<80x128xf32, #tpu.memory_space<vmem>>, vector<1x16xf32>,
      %swap3A_194 = vector.shape_cast %swap3A_193 : vector<1x16xf32> to vector<16xf32>
      %swap3A_195 = vector.shape_cast %broadcast_in_dim3A_190 : vector<16xf32> to vector<1x16xf32>
      tpu.vector_store %arg23[%swap3A_191, %swap3A_192], %swap3A_195 {strides = array<i32>} : memref<80x128xf32, #tpu.memory_space<vmem>>, vector<1x16xf32>,
      %broadcast_in_dim3A_196 = arith.constant 0.000000e+00 : f32
      %broadcast_in_dim3A_197 = vector.broadcast %broadcast_in_dim3A_196 : f32 to vector<16xf32>
      %swap3A_198 = arith.index_cast %scan3A_175 : i32 to index
      %swap3A_199 = arith.constant 48 : index
      %swap3A_200 = tpu.vector_load %arg23[%swap3A_198, %swap3A_199] {strides = array<i32>} : memref<80x128xf32, #tpu.memory_space<vmem>>, vector<1x16xf32>,
      %swap3A_201 = vector.shape_cast %swap3A_200 : vector<1x16xf32> to vector<16xf32>
      %swap3A_202 = vector.shape_cast %broadcast_in_dim3A_197 : vector<16xf32> to vector<1x16xf32>
      tpu.vector_store %arg23[%swap3A_198, %swap3A_199], %swap3A_202 {strides = array<i32>} : memref<80x128xf32, #tpu.memory_space<vmem>>, vector<1x16xf32>,
      %broadcast_in_dim3A_203 = arith.constant 0.000000e+00 : f32
      %broadcast_in_dim3A_204 = vector.broadcast %broadcast_in_dim3A_203 : f32 to vector<16xf32>
      %swap3A_205 = arith.index_cast %scan3A_175 : i32 to index
      %swap3A_206 = arith.constant 64 : index
      %swap3A_207 = tpu.vector_load %arg23[%swap3A_205, %swap3A_206] {strides = array<i32>} : memref<80x128xf32, #tpu.memory_space<vmem>>, vector<1x16xf32>,
      %swap3A_208 = vector.shape_cast %swap3A_207 : vector<1x16xf32> to vector<16xf32>
      %swap3A_209 = vector.shape_cast %broadcast_in_dim3A_204 : vector<16xf32> to vector<1x16xf32>
      tpu.vector_store %arg23[%swap3A_205, %swap3A_206], %swap3A_209 {strides = array<i32>} : memref<80x128xf32, #tpu.memory_space<vmem>>, vector<1x16xf32>,
      %broadcast_in_dim3A_210 = arith.constant 0.000000e+00 : f32
      %broadcast_in_dim3A_211 = vector.broadcast %broadcast_in_dim3A_210 : f32 to vector<16xf32>
      %swap3A_212 = arith.index_cast %scan3A_175 : i32 to index
      %swap3A_213 = arith.constant 80 : index
      %swap3A_214 = tpu.vector_load %arg23[%swap3A_212, %swap3A_213] {strides = array<i32>} : memref<80x128xf32, #tpu.memory_space<vmem>>, vector<1x16xf32>,
      %swap3A_215 = vector.shape_cast %swap3A_214 : vector<1x16xf32> to vector<16xf32>
      %swap3A_216 = vector.shape_cast %broadcast_in_dim3A_211 : vector<16xf32> to vector<1x16xf32>
      tpu.vector_store %arg23[%swap3A_212, %swap3A_213], %swap3A_216 {strides = array<i32>} : memref<80x128xf32, #tpu.memory_space<vmem>>, vector<1x16xf32>,
      %broadcast_in_dim3A_217 = arith.constant 0.000000e+00 : f32
      %broadcast_in_dim3A_218 = vector.broadcast %broadcast_in_dim3A_217 : f32 to vector<16xf32>
      %swap3A_219 = arith.index_cast %scan3A_175 : i32 to index
      %swap3A_220 = arith.constant 96 : index
      %swap3A_221 = tpu.vector_load %arg23[%swap3A_219, %swap3A_220] {strides = array<i32>} : memref<80x128xf32, #tpu.memory_space<vmem>>, vector<1x16xf32>,
      %swap3A_222 = vector.shape_cast %swap3A_221 : vector<1x16xf32> to vector<16xf32>
      %swap3A_223 = vector.shape_cast %broadcast_in_dim3A_218 : vector<16xf32> to vector<1x16xf32>
      tpu.vector_store %arg23[%swap3A_219, %swap3A_220], %swap3A_223 {strides = array<i32>} : memref<80x128xf32, #tpu.memory_space<vmem>>, vector<1x16xf32>,
      %broadcast_in_dim3A_224 = arith.constant 0.000000e+00 : f32
      %broadcast_in_dim3A_225 = vector.broadcast %broadcast_in_dim3A_224 : f32 to vector<16xf32>
      %swap3A_226 = arith.index_cast %scan3A_175 : i32 to index
      %swap3A_227 = arith.constant 112 : index
      %swap3A_228 = tpu.vector_load %arg23[%swap3A_226, %swap3A_227] {strides = array<i32>} : memref<80x128xf32, #tpu.memory_space<vmem>>, vector<1x16xf32>,
      %swap3A_229 = vector.shape_cast %swap3A_228 : vector<1x16xf32> to vector<16xf32>
      %swap3A_230 = vector.shape_cast %broadcast_in_dim3A_225 : vector<16xf32> to vector<1x16xf32>
      tpu.vector_store %arg23[%swap3A_226, %swap3A_227], %swap3A_230 {strides = array<i32>} : memref<80x128xf32, #tpu.memory_space<vmem>>, vector<1x16xf32>,
      %scan3A_231 = arith.constant 0 : i32
      scf.yield %scan3A_231 : i32
    }
    %scan3A_5 = arith.constant 80 : i32
    %mul3A = arith.constant 640 : i32
    %mul3A_6 = arith.muli %arg1, %mul3A : i32
    %add3A = arith.constant 0 : i32
    %add3A_7 = arith.addi %mul3A_6, %add3A : i32
    %dma_start3A = arith.constant 0 : i32
    %dma_start3A_8 = tpu.memref_slice %arg6[%add3A_7, %dma_start3A] : memref<10240x128xf32, #tpu.memory_space<vmem_shared>> -> memref<80x128xf32, #tpu.memory_space<vmem_shared>>
    %dma_start3A_9 = arith.constant 0 : i32
    %dma_start3A_10 = tpu.memref_slice %arg6[%add3A_7, %dma_start3A_9] : memref<10240x128xf32, #tpu.memory_space<vmem_shared>> -> memref<80x128xf32, #tpu.memory_space<vmem_shared>>
    tpu.enqueue_dma source(%arg23 : memref<80x128xf32, #tpu.memory_space<vmem>>) target(%dma_start3A_10 : memref<80x128xf32, #tpu.memory_space<vmem_shared>>) target_semaphore(%arg39 : memref<!tpu.dma_semaphore, #tpu.memory_space<semaphore_mem>>)
    %add3A_11 = arith.constant 80 : i32
    %add3A_12 = arith.addi %mul3A_6, %add3A_11 : i32
    %dma_start3A_13 = arith.constant 0 : i32
    %dma_start3A_14 = tpu.memref_slice %arg6[%add3A_12, %dma_start3A_13] : memref<10240x128xf32, #tpu.memory_space<vmem_shared>> -> memref<80x128xf32, #tpu.memory_space<vmem_shared>>
    %dma_start3A_15 = arith.constant 0 : i32
    %dma_start3A_16 = tpu.memref_slice %arg6[%add3A_12, %dma_start3A_15] : memref<10240x128xf32, #tpu.memory_space<vmem_shared>> -> memref<80x128xf32, #tpu.memory_space<vmem_shared>>
    tpu.enqueue_dma source(%arg23 : memref<80x128xf32, #tpu.memory_space<vmem>>) target(%dma_start3A_16 : memref<80x128xf32, #tpu.memory_space<vmem_shared>>) target_semaphore(%arg40 : memref<!tpu.dma_semaphore, #tpu.memory_space<semaphore_mem>>)
    %add3A_17 = arith.constant 160 : i32
    %add3A_18 = arith.addi %mul3A_6, %add3A_17 : i32
    %dma_start3A_19 = arith.constant 0 : i32
    %dma_start3A_20 = tpu.memref_slice %arg6[%add3A_18, %dma_start3A_19] : memref<10240x128xf32, #tpu.memory_space<vmem_shared>> -> memref<80x128xf32, #tpu.memory_space<vmem_shared>>
    %dma_start3A_21 = arith.constant 0 : i32
    %dma_start3A_22 = tpu.memref_slice %arg6[%add3A_18, %dma_start3A_21] : memref<10240x128xf32, #tpu.memory_space<vmem_shared>> -> memref<80x128xf32, #tpu.memory_space<vmem_shared>>
    tpu.enqueue_dma source(%arg23 : memref<80x128xf32, #tpu.memory_space<vmem>>) target(%dma_start3A_22 : memref<80x128xf32, #tpu.memory_space<vmem_shared>>) target_semaphore(%arg41 : memref<!tpu.dma_semaphore, #tpu.memory_space<semaphore_mem>>)
    %add3A_23 = arith.constant 240 : i32
    %add3A_24 = arith.addi %mul3A_6, %add3A_23 : i32
    %dma_start3A_25 = arith.constant 0 : i32
    %dma_start3A_26 = tpu.memref_slice %arg6[%add3A_24, %dma_start3A_25] : memref<10240x128xf32, #tpu.memory_space<vmem_shared>> -> memref<80x128xf32, #tpu.memory_space<vmem_shared>>
    %dma_start3A_27 = arith.constant 0 : i32
    %dma_start3A_28 = tpu.memref_slice %arg6[%add3A_24, %dma_start3A_27] : memref<10240x128xf32, #tpu.memory_space<vmem_shared>> -> memref<80x128xf32, #tpu.memory_space<vmem_shared>>
    tpu.enqueue_dma source(%arg23 : memref<80x128xf32, #tpu.memory_space<vmem>>) target(%dma_start3A_28 : memref<80x128xf32, #tpu.memory_space<vmem_shared>>) target_semaphore(%arg42 : memref<!tpu.dma_semaphore, #tpu.memory_space<semaphore_mem>>)
    %add3A_29 = arith.constant 320 : i32
    %add3A_30 = arith.addi %mul3A_6, %add3A_29 : i32
    %dma_start3A_31 = arith.constant 0 : i32
    %dma_start3A_32 = tpu.memref_slice %arg6[%add3A_30, %dma_start3A_31] : memref<10240x128xf32, #tpu.memory_space<vmem_shared>> -> memref<80x128xf32, #tpu.memory_space<vmem_shared>>
    %dma_start3A_33 = arith.constant 0 : i32
    %dma_start3A_34 = tpu.memref_slice %arg6[%add3A_30, %dma_start3A_33] : memref<10240x128xf32, #tpu.memory_space<vmem_shared>> -> memref<80x128xf32, #tpu.memory_space<vmem_shared>>
    tpu.enqueue_dma source(%arg23 : memref<80x128xf32, #tpu.memory_space<vmem>>) target(%dma_start3A_34 : memref<80x128xf32, #tpu.memory_space<vmem_shared>>) target_semaphore(%arg39 : memref<!tpu.dma_semaphore, #tpu.memory_space<semaphore_mem>>)
    %add3A_35 = arith.constant 400 : i32
    %add3A_36 = arith.addi %mul3A_6, %add3A_35 : i32
    %dma_start3A_37 = arith.constant 0 : i32
    %dma_start3A_38 = tpu.memref_slice %arg6[%add3A_36, %dma_start3A_37] : memref<10240x128xf32, #tpu.memory_space<vmem_shared>> -> memref<80x128xf32, #tpu.memory_space<vmem_shared>>
    %dma_start3A_39 = arith.constant 0 : i32
    %dma_start3A_40 = tpu.memref_slice %arg6[%add3A_36, %dma_start3A_39] : memref<10240x128xf32, #tpu.memory_space<vmem_shared>> -> memref<80x128xf32, #tpu.memory_space<vmem_shared>>
    tpu.enqueue_dma source(%arg23 : memref<80x128xf32, #tpu.memory_space<vmem>>) target(%dma_start3A_40 : memref<80x128xf32, #tpu.memory_space<vmem_shared>>) target_semaphore(%arg40 : memref<!tpu.dma_semaphore, #tpu.memory_space<semaphore_mem>>)
    %add3A_41 = arith.constant 480 : i32
    %add3A_42 = arith.addi %mul3A_6, %add3A_41 : i32
    %dma_start3A_43 = arith.constant 0 : i32
    %dma_start3A_44 = tpu.memref_slice %arg6[%add3A_42, %dma_start3A_43] : memref<10240x128xf32, #tpu.memory_space<vmem_shared>> -> memref<80x128xf32, #tpu.memory_space<vmem_shared>>
    %dma_start3A_45 = arith.constant 0 : i32
    %dma_start3A_46 = tpu.memref_slice %arg6[%add3A_42, %dma_start3A_45] : memref<10240x128xf32, #tpu.memory_space<vmem_shared>> -> memref<80x128xf32, #tpu.memory_space<vmem_shared>>
    tpu.enqueue_dma source(%arg23 : memref<80x128xf32, #tpu.memory_space<vmem>>) target(%dma_start3A_46 : memref<80x128xf32, #tpu.memory_space<vmem_shared>>) target_semaphore(%arg41 : memref<!tpu.dma_semaphore, #tpu.memory_space<semaphore_mem>>)
    %add3A_47 = arith.constant 560 : i32
    %add3A_48 = arith.addi %mul3A_6, %add3A_47 : i32
    %dma_start3A_49 = arith.constant 0 : i32
    %dma_start3A_50 = tpu.memref_slice %arg6[%add3A_48, %dma_start3A_49] : memref<10240x128xf32, #tpu.memory_space<vmem_shared>> -> memref<80x128xf32, #tpu.memory_space<vmem_shared>>
    %dma_start3A_51 = arith.constant 0 : i32
    %dma_start3A_52 = tpu.memref_slice %arg6[%add3A_48, %dma_start3A_51] : memref<10240x128xf32, #tpu.memory_space<vmem_shared>> -> memref<80x128xf32, #tpu.memory_space<vmem_shared>>
    tpu.enqueue_dma source(%arg23 : memref<80x128xf32, #tpu.memory_space<vmem>>) target(%dma_start3A_52 : memref<80x128xf32, #tpu.memory_space<vmem_shared>>) target_semaphore(%arg42 : memref<!tpu.dma_semaphore, #tpu.memory_space<semaphore_mem>>)
    %dma_wait3A = arith.constant 0 : i32
    %dma_wait3A_53 = tpu.memref_slice %arg6[%add3A_7, %dma_wait3A] : memref<10240x128xf32, #tpu.memory_space<vmem_shared>> -> memref<80x128xf32, #tpu.memory_space<vmem_shared>>
    %dma_wait3A_54 = arith.constant 0 : i32
    %dma_wait3A_55 = tpu.memref_slice %arg6[%add3A_7, %dma_wait3A_54] : memref<10240x128xf32, #tpu.memory_space<vmem_shared>> -> memref<80x128xf32, #tpu.memory_space<vmem_shared>>
    tpu.wait_dma2 semaphore(%arg39 : memref<!tpu.dma_semaphore, #tpu.memory_space<semaphore_mem>>) src(%arg23 : memref<80x128xf32, #tpu.memory_space<vmem>>) dst(%dma_wait3A_55 : memref<80x128xf32, #tpu.memory_space<vmem_shared>>)
    %dma_wait3A_56 = arith.constant 0 : i32
    %dma_wait3A_57 = tpu.memref_slice %arg6[%add3A_12, %dma_wait3A_56] : memref<10240x128xf32, #tpu.memory_space<vmem_shared>> -> memref<80x128xf32, #tpu.memory_space<vmem_shared>>
    %dma_wait3A_58 = arith.constant 0 : i32
    %dma_wait3A_59 = tpu.memref_slice %arg6[%add3A_12, %dma_wait3A_58] : memref<10240x128xf32, #tpu.memory_space<vmem_shared>> -> memref<80x128xf32, #tpu.memory_space<vmem_shared>>
    tpu.wait_dma2 semaphore(%arg40 : memref<!tpu.dma_semaphore, #tpu.memory_space<semaphore_mem>>) src(%arg23 : memref<80x128xf32, #tpu.memory_space<vmem>>) dst(%dma_wait3A_59 : memref<80x128xf32, #tpu.memory_space<vmem_shared>>)
    %dma_wait3A_60 = arith.constant 0 : i32
    %dma_wait3A_61 = tpu.memref_slice %arg6[%add3A_18, %dma_wait3A_60] : memref<10240x128xf32, #tpu.memory_space<vmem_shared>> -> memref<80x128xf32, #tpu.memory_space<vmem_shared>>
    %dma_wait3A_62 = arith.constant 0 : i32
    %dma_wait3A_63 = tpu.memref_slice %arg6[%add3A_18, %dma_wait3A_62] : memref<10240x128xf32, #tpu.memory_space<vmem_shared>> -> memref<80x128xf32, #tpu.memory_space<vmem_shared>>
    tpu.wait_dma2 semaphore(%arg41 : memref<!tpu.dma_semaphore, #tpu.memory_space<semaphore_mem>>) src(%arg23 : memref<80x128xf32, #tpu.memory_space<vmem>>) dst(%dma_wait3A_63 : memref<80x128xf32, #tpu.memory_space<vmem_shared>>)
    %dma_wait3A_64 = arith.constant 0 : i32
    %dma_wait3A_65 = tpu.memref_slice %arg6[%add3A_24, %dma_wait3A_64] : memref<10240x128xf32, #tpu.memory_space<vmem_shared>> -> memref<80x128xf32, #tpu.memory_space<vmem_shared>>
    %dma_wait3A_66 = arith.constant 0 : i32
    %dma_wait3A_67 = tpu.memref_slice %arg6[%add3A_24, %dma_wait3A_66] : memref<10240x128xf32, #tpu.memory_space<vmem_shared>> -> memref<80x128xf32, #tpu.memory_space<vmem_shared>>
    tpu.wait_dma2 semaphore(%arg42 : memref<!tpu.dma_semaphore, #tpu.memory_space<semaphore_mem>>) src(%arg23 : memref<80x128xf32, #tpu.memory_space<vmem>>) dst(%dma_wait3A_67 : memref<80x128xf32, #tpu.memory_space<vmem_shared>>)
    %dma_wait3A_68 = arith.constant 0 : i32
    %dma_wait3A_69 = tpu.memref_slice %arg6[%add3A_30, %dma_wait3A_68] : memref<10240x128xf32, #tpu.memory_space<vmem_shared>> -> memref<80x128xf32, #tpu.memory_space<vmem_shared>>
    %dma_wait3A_70 = arith.constant 0 : i32
    %dma_wait3A_71 = tpu.memref_slice %arg6[%add3A_30, %dma_wait3A_70] : memref<10240x128xf32, #tpu.memory_space<vmem_shared>> -> memref<80x128xf32, #tpu.memory_space<vmem_shared>>
    tpu.wait_dma2 semaphore(%arg39 : memref<!tpu.dma_semaphore, #tpu.memory_space<semaphore_mem>>) src(%arg23 : memref<80x128xf32, #tpu.memory_space<vmem>>) dst(%dma_wait3A_71 : memref<80x128xf32, #tpu.memory_space<vmem_shared>>)
    %dma_wait3A_72 = arith.constant 0 : i32
    %dma_wait3A_73 = tpu.memref_slice %arg6[%add3A_36, %dma_wait3A_72] : memref<10240x128xf32, #tpu.memory_space<vmem_shared>> -> memref<80x128xf32, #tpu.memory_space<vmem_shared>>
    %dma_wait3A_74 = arith.constant 0 : i32
    %dma_wait3A_75 = tpu.memref_slice %arg6[%add3A_36, %dma_wait3A_74] : memref<10240x128xf32, #tpu.memory_space<vmem_shared>> -> memref<80x128xf32, #tpu.memory_space<vmem_shared>>
    tpu.wait_dma2 semaphore(%arg40 : memref<!tpu.dma_semaphore, #tpu.memory_space<semaphore_mem>>) src(%arg23 : memref<80x128xf32, #tpu.memory_space<vmem>>) dst(%dma_wait3A_75 : memref<80x128xf32, #tpu.memory_space<vmem_shared>>)
    %dma_wait3A_76 = arith.constant 0 : i32
    %dma_wait3A_77 = tpu.memref_slice %arg6[%add3A_42, %dma_wait3A_76] : memref<10240x128xf32, #tpu.memory_space<vmem_shared>> -> memref<80x128xf32, #tpu.memory_space<vmem_shared>>
    %dma_wait3A_78 = arith.constant 0 : i32
    %dma_wait3A_79 = tpu.memref_slice %arg6[%add3A_42, %dma_wait3A_78] : memref<10240x128xf32, #tpu.memory_space<vmem_shared>> -> memref<80x128xf32, #tpu.memory_space<vmem_shared>>
    tpu.wait_dma2 semaphore(%arg41 : memref<!tpu.dma_semaphore, #tpu.memory_space<semaphore_mem>>) src(%arg23 : memref<80x128xf32, #tpu.memory_space<vmem>>) dst(%dma_wait3A_79 : memref<80x128xf32, #tpu.memory_space<vmem_shared>>)
    %dma_wait3A_80 = arith.constant 0 : i32
    %dma_wait3A_81 = tpu.memref_slice %arg6[%add3A_48, %dma_wait3A_80] : memref<10240x128xf32, #tpu.memory_space<vmem_shared>> -> memref<80x128xf32, #tpu.memory_space<vmem_shared>>
    %dma_wait3A_82 = arith.constant 0 : i32
    %dma_wait3A_83 = tpu.memref_slice %arg6[%add3A_48, %dma_wait3A_82] : memref<10240x128xf32, #tpu.memory_space<vmem_shared>> -> memref<80x128xf32, #tpu.memory_space<vmem_shared>>
    tpu.wait_dma2 semaphore(%arg42 : memref<!tpu.dma_semaphore, #tpu.memory_space<semaphore_mem>>) src(%arg23 : memref<80x128xf32, #tpu.memory_space<vmem>>) dst(%dma_wait3A_83 : memref<80x128xf32, #tpu.memory_space<vmem_shared>>)
    %barrier3A = arith.constant 0 : index
    tpu.barrier barrier_id(%barrier3A)
    %mul3A_84 = arith.constant 16 : i32
    %mul3A_85 = arith.muli %arg0, %mul3A_84 : i32
    %add3A_86 = arith.addi %mul3A_85, %arg1 : i32
    %mul3A_87 = arith.constant 10240 : i32
    %mul3A_88 = arith.muli %add3A_86, %mul3A_87 : i32
    %add3A_89 = arith.constant 0 : i32
    %add3A_90 = arith.addi %mul3A_88, %add3A_89 : i32
    %multiple_of3A = tpu.assume_multiple %add3A_90, 8 : i32
    %dma_start3A_91 = tpu.memref_slice %arg3[%multiple_of3A] : memref<327680xi32, #tpu.memory_space<hbm>> -> memref<80xi32, #tpu.memory_space<hbm>>
    %dma_start3A_92 = tpu.memref_slice %arg3[%multiple_of3A] : memref<327680xi32, #tpu.memory_space<hbm>> -> memref<80xi32, #tpu.memory_space<hbm>>
    tpu.enqueue_dma source(%dma_start3A_92 : memref<80xi32, #tpu.memory_space<hbm>>) target(%arg7 : memref<80xi32, #tpu.memory_space<vmem>>) target_semaphore(%arg27 : memref<!tpu.dma_semaphore, #tpu.memory_space<semaphore_mem>>)
    %dma_start3A_93 = tpu.memref_slice %arg4[%multiple_of3A] : memref<327680xi32, #tpu.memory_space<hbm>> -> memref<80xi32, #tpu.memory_space<hbm>>
    %dma_start3A_94 = tpu.memref_slice %arg4[%multiple_of3A] : memref<327680xi32, #tpu.memory_space<hbm>> -> memref<80xi32, #tpu.memory_space<hbm>>
    tpu.enqueue_dma source(%dma_start3A_94 : memref<80xi32, #tpu.memory_space<hbm>>) target(%arg15 : memref<80xi32, #tpu.memory_space<vmem>>) target_semaphore(%arg27 : memref<!tpu.dma_semaphore, #tpu.memory_space<semaphore_mem>>)
    %add3A_95 = arith.constant 80 : i32
    %add3A_96 = arith.addi %mul3A_88, %add3A_95 : i32
    %multiple_of3A_97 = tpu.assume_multiple %add3A_96, 8 : i32
    %dma_start3A_98 = tpu.memref_slice %arg3[%multiple_of3A_97] : memref<327680xi32, #tpu.memory_space<hbm>> -> memref<80xi32, #tpu.memory_space<hbm>>
    %dma_start3A_99 = tpu.memref_slice %arg3[%multiple_of3A_97] : memref<327680xi32, #tpu.memory_space<hbm>> -> memref<80xi32, #tpu.memory_space<hbm>>
    tpu.enqueue_dma source(%dma_start3A_99 : memref<80xi32, #tpu.memory_space<hbm>>) target(%arg8 : memref<80xi32, #tpu.memory_space<vmem>>) target_semaphore(%arg28 : memref<!tpu.dma_semaphore, #tpu.memory_space<semaphore_mem>>)
    %dma_start3A_100 = tpu.memref_slice %arg4[%multiple_of3A_97] : memref<327680xi32, #tpu.memory_space<hbm>> -> memref<80xi32, #tpu.memory_space<hbm>>
    %dma_start3A_101 = tpu.memref_slice %arg4[%multiple_of3A_97] : memref<327680xi32, #tpu.memory_space<hbm>> -> memref<80xi32, #tpu.memory_space<hbm>>
    tpu.enqueue_dma source(%dma_start3A_101 : memref<80xi32, #tpu.memory_space<hbm>>) target(%arg16 : memref<80xi32, #tpu.memory_space<vmem>>) target_semaphore(%arg28 : memref<!tpu.dma_semaphore, #tpu.memory_space<semaphore_mem>>)
    %add3A_102 = arith.constant 160 : i32
    %add3A_103 = arith.addi %mul3A_88, %add3A_102 : i32
    %multiple_of3A_104 = tpu.assume_multiple %add3A_103, 8 : i32
    %dma_start3A_105 = tpu.memref_slice %arg3[%multiple_of3A_104] : memref<327680xi32, #tpu.memory_space<hbm>> -> memref<80xi32, #tpu.memory_space<hbm>>
    %dma_start3A_106 = tpu.memref_slice %arg3[%multiple_of3A_104] : memref<327680xi32, #tpu.memory_space<hbm>> -> memref<80xi32, #tpu.memory_space<hbm>>
    tpu.enqueue_dma source(%dma_start3A_106 : memref<80xi32, #tpu.memory_space<hbm>>) target(%arg9 : memref<80xi32, #tpu.memory_space<vmem>>) target_semaphore(%arg29 : memref<!tpu.dma_semaphore, #tpu.memory_space<semaphore_mem>>)
    %dma_start3A_107 = tpu.memref_slice %arg4[%multiple_of3A_104] : memref<327680xi32, #tpu.memory_space<hbm>> -> memref<80xi32, #tpu.memory_space<hbm>>
    %dma_start3A_108 = tpu.memref_slice %arg4[%multiple_of3A_104] : memref<327680xi32, #tpu.memory_space<hbm>> -> memref<80xi32, #tpu.memory_space<hbm>>
    tpu.enqueue_dma source(%dma_start3A_108 : memref<80xi32, #tpu.memory_space<hbm>>) target(%arg17 : memref<80xi32, #tpu.memory_space<vmem>>) target_semaphore(%arg29 : memref<!tpu.dma_semaphore, #tpu.memory_space<semaphore_mem>>)
    %add3A_109 = arith.constant 240 : i32
    %add3A_110 = arith.addi %mul3A_88, %add3A_109 : i32
    %multiple_of3A_111 = tpu.assume_multiple %add3A_110, 8 : i32
    %dma_start3A_112 = tpu.memref_slice %arg3[%multiple_of3A_111] : memref<327680xi32, #tpu.memory_space<hbm>> -> memref<80xi32, #tpu.memory_space<hbm>>
    %dma_start3A_113 = tpu.memref_slice %arg3[%multiple_of3A_111] : memref<327680xi32, #tpu.memory_space<hbm>> -> memref<80xi32, #tpu.memory_space<hbm>>
    tpu.enqueue_dma source(%dma_start3A_113 : memref<80xi32, #tpu.memory_space<hbm>>) target(%arg10 : memref<80xi32, #tpu.memory_space<vmem>>) target_semaphore(%arg30 : memref<!tpu.dma_semaphore, #tpu.memory_space<semaphore_mem>>)
    %dma_start3A_114 = tpu.memref_slice %arg4[%multiple_of3A_111] : memref<327680xi32, #tpu.memory_space<hbm>> -> memref<80xi32, #tpu.memory_space<hbm>>
    %dma_start3A_115 = tpu.memref_slice %arg4[%multiple_of3A_111] : memref<327680xi32, #tpu.memory_space<hbm>> -> memref<80xi32, #tpu.memory_space<hbm>>
    tpu.enqueue_dma source(%dma_start3A_115 : memref<80xi32, #tpu.memory_space<hbm>>) target(%arg18 : memref<80xi32, #tpu.memory_space<vmem>>) target_semaphore(%arg30 : memref<!tpu.dma_semaphore, #tpu.memory_space<semaphore_mem>>)
    %scan3A_116 = arith.constant 0 : i32
    %scan3A_117 = arith.constant 0 : i32
    %scan3A_118 = arith.constant 16 : i32
    %scan3A_119 = arith.addi %scan3A_117, %scan3A_118 : i32
    %scan3A_120 = arith.constant 1 : i32
    %scan3A_121 = scf.for %scan3A_175 = %scan3A_117 to %scan3A_119 step %scan3A_120 iter_args(%scan3A_176 = %scan3A_116) -> (i32)  : i32 {
      %mul3A_177 = arith.constant 8 : i32
      %mul3A_178 = arith.muli %scan3A_175, %mul3A_177 : i32
      %add3A_179 = arith.constant 0 : i32
      %add3A_180 = arith.addi %mul3A_178, %add3A_179 : i32
      %dma_wait3A_181 = arith.constant 0 : i32
      %dma_wait3A_182 = tpu.memref_slice %arg3[%dma_wait3A_181] : memref<327680xi32, #tpu.memory_space<hbm>> -> memref<80xi32, #tpu.memory_space<hbm>>
      %dma_wait3A_183 = arith.constant 0 : i32
      %dma_wait3A_184 = tpu.memref_slice %arg3[%dma_wait3A_183] : memref<327680xi32, #tpu.memory_space<hbm>> -> memref<80xi32, #tpu.memory_space<hbm>>
      tpu.wait_dma2 semaphore(%arg27 : memref<!tpu.dma_semaphore, #tpu.memory_space<semaphore_mem>>) src(%dma_wait3A_184 : memref<80xi32, #tpu.memory_space<hbm>>) dst(%arg7 : memref<80xi32, #tpu.memory_space<vmem>>)
      %dma_wait3A_185 = arith.constant 0 : i32
      %dma_wait3A_186 = tpu.memref_slice %arg4[%dma_wait3A_185] : memref<327680xi32, #tpu.memory_space<hbm>> -> memref<80xi32, #tpu.memory_space<hbm>>
      %dma_wait3A_187 = arith.constant 0 : i32
      %dma_wait3A_188 = tpu.memref_slice %arg4[%dma_wait3A_187] : memref<327680xi32, #tpu.memory_space<hbm>> -> memref<80xi32, #tpu.memory_space<hbm>>
      tpu.wait_dma2 semaphore(%arg27 : memref<!tpu.dma_semaphore, #tpu.memory_space<semaphore_mem>>) src(%dma_wait3A_188 : memref<80xi32, #tpu.memory_space<hbm>>) dst(%arg15 : memref<80xi32, #tpu.memory_space<vmem>>)
      %ge3A = arith.constant 4 : i32
      %ge3A_189 = arith.cmpi sge, %add3A_180, %ge3A : i32
      %convert_element_type3A = arith.extui %ge3A_189 : i1 to i32
      %cond3A = arith.constant 0 : i32
      %cond3A_190 = arith.cmpi ne, %convert_element_type3A, %cond3A : i32
      scf.if %cond3A_190 {
        %dma_wait3A_416 = arith.constant 0 : i32
        %dma_wait3A_417 = arith.constant 0 : i32
        %dma_wait3A_418 = tpu.memref_slice %arg2[%dma_wait3A_416, %dma_wait3A_417] : memref<10240x128xf32, #tpu.memory_space<hbm>> -> memref<80x128xf32, #tpu.memory_space<hbm>>
        %dma_wait3A_419 = arith.constant 0 : i32
        %dma_wait3A_420 = arith.constant 0 : i32
        %dma_wait3A_421 = tpu.memref_slice %arg2[%dma_wait3A_419, %dma_wait3A_420] : memref<10240x128xf32, #tpu.memory_space<hbm>> -> memref<80x128xf32, #tpu.memory_space<hbm>>
        tpu.wait_dma2 semaphore(%arg39 : memref<!tpu.dma_semaphore, #tpu.memory_space<semaphore_mem>>) src(%dma_wait3A_421 : memref<80x128xf32, #tpu.memory_space<hbm>>) dst(%arg23 : memref<80x128xf32, #tpu.memory_space<vmem>>)
      } else {
      }
      %add3A_191 = arith.constant 4 : i32
      %add3A_192 = arith.addi %add3A_180, %add3A_191 : i32
      %lt3A = arith.constant 128 : i32
      %lt3A_193 = arith.cmpi slt, %add3A_192, %lt3A : i32
      %convert_element_type3A_194 = arith.extui %lt3A_193 : i1 to i32
      %cond3A_195 = arith.constant 0 : i32
      %cond3A_196 = arith.cmpi ne, %convert_element_type3A_194, %cond3A_195 : i32
      scf.if %cond3A_196 {
        %add3A_416 = arith.constant 4 : i32
        %add3A_417 = arith.addi %add3A_180, %add3A_416 : i32
        %mul3A_418 = arith.constant 80 : i32
        %mul3A_419 = arith.muli %add3A_417, %mul3A_418 : i32
        %add3A_420 = arith.addi %mul3A_88, %mul3A_419 : i32
        %multiple_of3A_421 = tpu.assume_multiple %add3A_420, 8 : i32
        %dma_start3A_422 = tpu.memref_slice %arg3[%multiple_of3A_421] : memref<327680xi32, #tpu.memory_space<hbm>> -> memref<80xi32, #tpu.memory_space<hbm>>
        %dma_start3A_423 = tpu.memref_slice %arg3[%multiple_of3A_421] : memref<327680xi32, #tpu.memory_space<hbm>> -> memref<80xi32, #tpu.memory_space<hbm>>
        tpu.enqueue_dma source(%dma_start3A_423 : memref<80xi32, #tpu.memory_space<hbm>>) target(%arg11 : memref<80xi32, #tpu.memory_space<vmem>>) target_semaphore(%arg31 : memref<!tpu.dma_semaphore, #tpu.memory_space<semaphore_mem>>)
        %dma_start3A_424 = tpu.memref_slice %arg4[%multiple_of3A_421] : memref<327680xi32, #tpu.memory_space<hbm>> -> memref<80xi32, #tpu.memory_space<hbm>>
        %dma_start3A_425 = tpu.memref_slice %arg4[%multiple_of3A_421] : memref<327680xi32, #tpu.memory_space<hbm>> -> memref<80xi32, #tpu.memory_space<hbm>>
        tpu.enqueue_dma source(%dma_start3A_425 : memref<80xi32, #tpu.memory_space<hbm>>) target(%arg19 : memref<80xi32, #tpu.memory_space<vmem>>) target_semaphore(%arg31 : memref<!tpu.dma_semaphore, #tpu.memory_space<semaphore_mem>>)
      } else {
      }
      %dma_start3A_197 = arith.constant 0 : i32
      %dma_start3A_198 = arith.constant 0 : i32
      %dma_start3A_199 = tpu.memref_slice %arg2[%dma_start3A_197, %dma_start3A_198] : memref<10240x128xf32, #tpu.memory_space<hbm>> -> memref<10240x128xf32, #tpu.memory_space<hbm>>
      tpu.enqueue_indirect_dma source(%dma_start3A_199 : memref<10240x128xf32, #tpu.memory_space<hbm>>) target(%arg23 : memref<80x128xf32, #tpu.memory_space<vmem>>) offsets(%arg7 : memref<80xi32, #tpu.memory_space<vmem>>) semaphore(%arg35 : memref<!tpu.dma_semaphore, #tpu.memory_space<semaphore_mem>>)
      %ge3A_200 = arith.constant 3 : i32
      %ge3A_201 = arith.cmpi sge, %add3A_180, %ge3A_200 : i32
      %convert_element_type3A_202 = arith.extui %ge3A_201 : i1 to i32
      %cond3A_203 = arith.constant 0 : i32
      %cond3A_204 = arith.cmpi ne, %convert_element_type3A_202, %cond3A_203 : i32
      scf.if %cond3A_204 {
        %dma_wait3A_416 = arith.constant 0 : i32
        %dma_wait3A_417 = arith.constant 0 : i32
        %dma_wait3A_418 = tpu.memref_slice %arg2[%dma_wait3A_416, %dma_wait3A_417] : memref<10240x128xf32, #tpu.memory_space<hbm>> -> memref<80x128xf32, #tpu.memory_space<hbm>>
        %dma_wait3A_419 = arith.constant 0 : i32
        %dma_wait3A_420 = arith.constant 0 : i32
        %dma_wait3A_421 = tpu.memref_slice %arg2[%dma_wait3A_419, %dma_wait3A_420] : memref<10240x128xf32, #tpu.memory_space<hbm>> -> memref<80x128xf32, #tpu.memory_space<hbm>>
        tpu.wait_dma2 semaphore(%arg36 : memref<!tpu.dma_semaphore, #tpu.memory_space<semaphore_mem>>) src(%dma_wait3A_421 : memref<80x128xf32, #tpu.memory_space<hbm>>) dst(%arg24 : memref<80x128xf32, #tpu.memory_space<vmem>>)
        %dma_start3A_422 = arith.constant 0 : i32
        %dma_start3A_423 = arith.constant 0 : i32
        %dma_start3A_424 = tpu.memref_slice %arg6[%dma_start3A_422, %dma_start3A_423] : memref<10240x128xf32, #tpu.memory_space<vmem_shared>> -> memref<10240x128xf32, #tpu.memory_space<vmem_shared>>
        tpu.enqueue_indirect_dma source(%arg24 : memref<80x128xf32, #tpu.memory_space<vmem>>) target(%dma_start3A_424 : memref<10240x128xf32, #tpu.memory_space<vmem_shared>>) offsets(%arg20 : memref<80xi32, #tpu.memory_space<vmem>>) semaphore(%arg40 : memref<!tpu.dma_semaphore, #tpu.memory_space<semaphore_mem>>) {add = true}
      } else {
      }
      %add3A_205 = arith.constant 1 : i32
      %add3A_206 = arith.addi %mul3A_178, %add3A_205 : i32
      %dma_wait3A_207 = arith.constant 0 : i32
      %dma_wait3A_208 = tpu.memref_slice %arg3[%dma_wait3A_207] : memref<327680xi32, #tpu.memory_space<hbm>> -> memref<80xi32, #tpu.memory_space<hbm>>
      %dma_wait3A_209 = arith.constant 0 : i32
      %dma_wait3A_210 = tpu.memref_slice %arg3[%dma_wait3A_209] : memref<327680xi32, #tpu.memory_space<hbm>> -> memref<80xi32, #tpu.memory_space<hbm>>
      tpu.wait_dma2 semaphore(%arg28 : memref<!tpu.dma_semaphore, #tpu.memory_space<semaphore_mem>>) src(%dma_wait3A_210 : memref<80xi32, #tpu.memory_space<hbm>>) dst(%arg8 : memref<80xi32, #tpu.memory_space<vmem>>)
      %dma_wait3A_211 = arith.constant 0 : i32
      %dma_wait3A_212 = tpu.memref_slice %arg4[%dma_wait3A_211] : memref<327680xi32, #tpu.memory_space<hbm>> -> memref<80xi32, #tpu.memory_space<hbm>>
      %dma_wait3A_213 = arith.constant 0 : i32
      %dma_wait3A_214 = tpu.memref_slice %arg4[%dma_wait3A_213] : memref<327680xi32, #tpu.memory_space<hbm>> -> memref<80xi32, #tpu.memory_space<hbm>>
      tpu.wait_dma2 semaphore(%arg28 : memref<!tpu.dma_semaphore, #tpu.memory_space<semaphore_mem>>) src(%dma_wait3A_214 : memref<80xi32, #tpu.memory_space<hbm>>) dst(%arg16 : memref<80xi32, #tpu.memory_space<vmem>>)
      %ge3A_215 = arith.constant 4 : i32
      %ge3A_216 = arith.cmpi sge, %add3A_206, %ge3A_215 : i32
      %convert_element_type3A_217 = arith.extui %ge3A_216 : i1 to i32
      %cond3A_218 = arith.constant 0 : i32
      %cond3A_219 = arith.cmpi ne, %convert_element_type3A_217, %cond3A_218 : i32
      scf.if %cond3A_219 {
        %dma_wait3A_416 = arith.constant 0 : i32
        %dma_wait3A_417 = arith.constant 0 : i32
        %dma_wait3A_418 = tpu.memref_slice %arg2[%dma_wait3A_416, %dma_wait3A_417] : memref<10240x128xf32, #tpu.memory_space<hbm>> -> memref<80x128xf32, #tpu.memory_space<hbm>>
        %dma_wait3A_419 = arith.constant 0 : i32
        %dma_wait3A_420 = arith.constant 0 : i32
        %dma_wait3A_421 = tpu.memref_slice %arg2[%dma_wait3A_419, %dma_wait3A_420] : memref<10240x128xf32, #tpu.memory_space<hbm>> -> memref<80x128xf32, #tpu.memory_space<hbm>>
        tpu.wait_dma2 semaphore(%arg40 : memref<!tpu.dma_semaphore, #tpu.memory_space<semaphore_mem>>) src(%dma_wait3A_421 : memref<80x128xf32, #tpu.memory_space<hbm>>) dst(%arg24 : memref<80x128xf32, #tpu.memory_space<vmem>>)
      } else {
      }
      %add3A_220 = arith.constant 4 : i32
      %add3A_221 = arith.addi %add3A_206, %add3A_220 : i32
      %lt3A_222 = arith.constant 128 : i32
      %lt3A_223 = arith.cmpi slt, %add3A_221, %lt3A_222 : i32
      %convert_element_type3A_224 = arith.extui %lt3A_223 : i1 to i32
      %cond3A_225 = arith.constant 0 : i32
      %cond3A_226 = arith.cmpi ne, %convert_element_type3A_224, %cond3A_225 : i32
      scf.if %cond3A_226 {
        %add3A_416 = arith.constant 4 : i32
        %add3A_417 = arith.addi %add3A_206, %add3A_416 : i32
        %mul3A_418 = arith.constant 80 : i32
        %mul3A_419 = arith.muli %add3A_417, %mul3A_418 : i32
        %add3A_420 = arith.addi %mul3A_88, %mul3A_419 : i32
        %multiple_of3A_421 = tpu.assume_multiple %add3A_420, 8 : i32
        %dma_start3A_422 = tpu.memref_slice %arg3[%multiple_of3A_421] : memref<327680xi32, #tpu.memory_space<hbm>> -> memref<80xi32, #tpu.memory_space<hbm>>
        %dma_start3A_423 = tpu.memref_slice %arg3[%multiple_of3A_421] : memref<327680xi32, #tpu.memory_space<hbm>> -> memref<80xi32, #tpu.memory_space<hbm>>
        tpu.enqueue_dma source(%dma_start3A_423 : memref<80xi32, #tpu.memory_space<hbm>>) target(%arg12 : memref<80xi32, #tpu.memory_space<vmem>>) target_semaphore(%arg32 : memref<!tpu.dma_semaphore, #tpu.memory_space<semaphore_mem>>)
        %dma_start3A_424 = tpu.memref_slice %arg4[%multiple_of3A_421] : memref<327680xi32, #tpu.memory_space<hbm>> -> memref<80xi32, #tpu.memory_space<hbm>>
        %dma_start3A_425 = tpu.memref_slice %arg4[%multiple_of3A_421] : memref<327680xi32, #tpu.memory_space<hbm>> -> memref<80xi32, #tpu.memory_space<hbm>>
        tpu.enqueue_dma source(%dma_start3A_425 : memref<80xi32, #tpu.memory_space<hbm>>) target(%arg20 : memref<80xi32, #tpu.memory_space<vmem>>) target_semaphore(%arg32 : memref<!tpu.dma_semaphore, #tpu.memory_space<semaphore_mem>>)
      } else {
      }
      %dma_start3A_227 = arith.constant 0 : i32
      %dma_start3A_228 = arith.constant 0 : i32
      %dma_start3A_229 = tpu.memref_slice %arg2[%dma_start3A_227, %dma_start3A_228] : memref<10240x128xf32, #tpu.memory_space<hbm>> -> memref<10240x128xf32, #tpu.memory_space<hbm>>
      tpu.enqueue_indirect_dma source(%dma_start3A_229 : memref<10240x128xf32, #tpu.memory_space<hbm>>) target(%arg24 : memref<80x128xf32, #tpu.memory_space<vmem>>) offsets(%arg8 : memref<80xi32, #tpu.memory_space<vmem>>) semaphore(%arg36 : memref<!tpu.dma_semaphore, #tpu.memory_space<semaphore_mem>>)
      %ge3A_230 = arith.constant 3 : i32
      %ge3A_231 = arith.cmpi sge, %add3A_206, %ge3A_230 : i32
      %convert_element_type3A_232 = arith.extui %ge3A_231 : i1 to i32
      %cond3A_233 = arith.constant 0 : i32
      %cond3A_234 = arith.cmpi ne, %convert_element_type3A_232, %cond3A_233 : i32
      scf.if %cond3A_234 {
        %dma_wait3A_416 = arith.constant 0 : i32
        %dma_wait3A_417 = arith.constant 0 : i32
        %dma_wait3A_418 = tpu.memref_slice %arg2[%dma_wait3A_416, %dma_wait3A_417] : memref<10240x128xf32, #tpu.memory_space<hbm>> -> memref<80x128xf32, #tpu.memory_space<hbm>>
        %dma_wait3A_419 = arith.constant 0 : i32
        %dma_wait3A_420 = arith.constant 0 : i32
        %dma_wait3A_421 = tpu.memref_slice %arg2[%dma_wait3A_419, %dma_wait3A_420] : memref<10240x128xf32, #tpu.memory_space<hbm>> -> memref<80x128xf32, #tpu.memory_space<hbm>>
        tpu.wait_dma2 semaphore(%arg37 : memref<!tpu.dma_semaphore, #tpu.memory_space<semaphore_mem>>) src(%dma_wait3A_421 : memref<80x128xf32, #tpu.memory_space<hbm>>) dst(%arg25 : memref<80x128xf32, #tpu.memory_space<vmem>>)
        %dma_start3A_422 = arith.constant 0 : i32
        %dma_start3A_423 = arith.constant 0 : i32
        %dma_start3A_424 = tpu.memref_slice %arg6[%dma_start3A_422, %dma_start3A_423] : memref<10240x128xf32, #tpu.memory_space<vmem_shared>> -> memref<10240x128xf32, #tpu.memory_space<vmem_shared>>
        tpu.enqueue_indirect_dma source(%arg25 : memref<80x128xf32, #tpu.memory_space<vmem>>) target(%dma_start3A_424 : memref<10240x128xf32, #tpu.memory_space<vmem_shared>>) offsets(%arg21 : memref<80xi32, #tpu.memory_space<vmem>>) semaphore(%arg41 : memref<!tpu.dma_semaphore, #tpu.memory_space<semaphore_mem>>) {add = true}
      } else {
      }
      %add3A_235 = arith.constant 2 : i32
      %add3A_236 = arith.addi %mul3A_178, %add3A_235 : i32
      %dma_wait3A_237 = arith.constant 0 : i32
      %dma_wait3A_238 = tpu.memref_slice %arg3[%dma_wait3A_237] : memref<327680xi32, #tpu.memory_space<hbm>> -> memref<80xi32, #tpu.memory_space<hbm>>
      %dma_wait3A_239 = arith.constant 0 : i32
      %dma_wait3A_240 = tpu.memref_slice %arg3[%dma_wait3A_239] : memref<327680xi32, #tpu.memory_space<hbm>> -> memref<80xi32, #tpu.memory_space<hbm>>
      tpu.wait_dma2 semaphore(%arg29 : memref<!tpu.dma_semaphore, #tpu.memory_space<semaphore_mem>>) src(%dma_wait3A_240 : memref<80xi32, #tpu.memory_space<hbm>>) dst(%arg9 : memref<80xi32, #tpu.memory_space<vmem>>)
      %dma_wait3A_241 = arith.constant 0 : i32
      %dma_wait3A_242 = tpu.memref_slice %arg4[%dma_wait3A_241] : memref<327680xi32, #tpu.memory_space<hbm>> -> memref<80xi32, #tpu.memory_space<hbm>>
      %dma_wait3A_243 = arith.constant 0 : i32
      %dma_wait3A_244 = tpu.memref_slice %arg4[%dma_wait3A_243] : memref<327680xi32, #tpu.memory_space<hbm>> -> memref<80xi32, #tpu.memory_space<hbm>>
      tpu.wait_dma2 semaphore(%arg29 : memref<!tpu.dma_semaphore, #tpu.memory_space<semaphore_mem>>) src(%dma_wait3A_244 : memref<80xi32, #tpu.memory_space<hbm>>) dst(%arg17 : memref<80xi32, #tpu.memory_space<vmem>>)
      %ge3A_245 = arith.constant 4 : i32
      %ge3A_246 = arith.cmpi sge, %add3A_236, %ge3A_245 : i32
      %convert_element_type3A_247 = arith.extui %ge3A_246 : i1 to i32
      %cond3A_248 = arith.constant 0 : i32
      %cond3A_249 = arith.cmpi ne, %convert_element_type3A_247, %cond3A_248 : i32
      scf.if %cond3A_249 {
        %dma_wait3A_416 = arith.constant 0 : i32
        %dma_wait3A_417 = arith.constant 0 : i32
        %dma_wait3A_418 = tpu.memref_slice %arg2[%dma_wait3A_416, %dma_wait3A_417] : memref<10240x128xf32, #tpu.memory_space<hbm>> -> memref<80x128xf32, #tpu.memory_space<hbm>>
        %dma_wait3A_419 = arith.constant 0 : i32
        %dma_wait3A_420 = arith.constant 0 : i32
        %dma_wait3A_421 = tpu.memref_slice %arg2[%dma_wait3A_419, %dma_wait3A_420] : memref<10240x128xf32, #tpu.memory_space<hbm>> -> memref<80x128xf32, #tpu.memory_space<hbm>>
        tpu.wait_dma2 semaphore(%arg41 : memref<!tpu.dma_semaphore, #tpu.memory_space<semaphore_mem>>) src(%dma_wait3A_421 : memref<80x128xf32, #tpu.memory_space<hbm>>) dst(%arg25 : memref<80x128xf32, #tpu.memory_space<vmem>>)
      } else {
      }
      %add3A_250 = arith.constant 4 : i32
      %add3A_251 = arith.addi %add3A_236, %add3A_250 : i32
      %lt3A_252 = arith.constant 128 : i32
      %lt3A_253 = arith.cmpi slt, %add3A_251, %lt3A_252 : i32
      %convert_element_type3A_254 = arith.extui %lt3A_253 : i1 to i32
      %cond3A_255 = arith.constant 0 : i32
      %cond3A_256 = arith.cmpi ne, %convert_element_type3A_254, %cond3A_255 : i32
      scf.if %cond3A_256 {
        %add3A_416 = arith.constant 4 : i32
        %add3A_417 = arith.addi %add3A_236, %add3A_416 : i32
        %mul3A_418 = arith.constant 80 : i32
        %mul3A_419 = arith.muli %add3A_417, %mul3A_418 : i32
        %add3A_420 = arith.addi %mul3A_88, %mul3A_419 : i32
        %multiple_of3A_421 = tpu.assume_multiple %add3A_420, 8 : i32
        %dma_start3A_422 = tpu.memref_slice %arg3[%multiple_of3A_421] : memref<327680xi32, #tpu.memory_space<hbm>> -> memref<80xi32, #tpu.memory_space<hbm>>
        %dma_start3A_423 = tpu.memref_slice %arg3[%multiple_of3A_421] : memref<327680xi32, #tpu.memory_space<hbm>> -> memref<80xi32, #tpu.memory_space<hbm>>
        tpu.enqueue_dma source(%dma_start3A_423 : memref<80xi32, #tpu.memory_space<hbm>>) target(%arg13 : memref<80xi32, #tpu.memory_space<vmem>>) target_semaphore(%arg33 : memref<!tpu.dma_semaphore, #tpu.memory_space<semaphore_mem>>)
        %dma_start3A_424 = tpu.memref_slice %arg4[%multiple_of3A_421] : memref<327680xi32, #tpu.memory_space<hbm>> -> memref<80xi32, #tpu.memory_space<hbm>>
        %dma_start3A_425 = tpu.memref_slice %arg4[%multiple_of3A_421] : memref<327680xi32, #tpu.memory_space<hbm>> -> memref<80xi32, #tpu.memory_space<hbm>>
        tpu.enqueue_dma source(%dma_start3A_425 : memref<80xi32, #tpu.memory_space<hbm>>) target(%arg21 : memref<80xi32, #tpu.memory_space<vmem>>) target_semaphore(%arg33 : memref<!tpu.dma_semaphore, #tpu.memory_space<semaphore_mem>>)
      } else {
      }
      %dma_start3A_257 = arith.constant 0 : i32
      %dma_start3A_258 = arith.constant 0 : i32
      %dma_start3A_259 = tpu.memref_slice %arg2[%dma_start3A_257, %dma_start3A_258] : memref<10240x128xf32, #tpu.memory_space<hbm>> -> memref<10240x128xf32, #tpu.memory_space<hbm>>
      tpu.enqueue_indirect_dma source(%dma_start3A_259 : memref<10240x128xf32, #tpu.memory_space<hbm>>) target(%arg25 : memref<80x128xf32, #tpu.memory_space<vmem>>) offsets(%arg9 : memref<80xi32, #tpu.memory_space<vmem>>) semaphore(%arg37 : memref<!tpu.dma_semaphore, #tpu.memory_space<semaphore_mem>>)
      %ge3A_260 = arith.constant 3 : i32
      %ge3A_261 = arith.cmpi sge, %add3A_236, %ge3A_260 : i32
      %convert_element_type3A_262 = arith.extui %ge3A_261 : i1 to i32
      %cond3A_263 = arith.constant 0 : i32
      %cond3A_264 = arith.cmpi ne, %convert_element_type3A_262, %cond3A_263 : i32
      scf.if %cond3A_264 {
        %dma_wait3A_416 = arith.constant 0 : i32
        %dma_wait3A_417 = arith.constant 0 : i32
        %dma_wait3A_418 = tpu.memref_slice %arg2[%dma_wait3A_416, %dma_wait3A_417] : memref<10240x128xf32, #tpu.memory_space<hbm>> -> memref<80x128xf32, #tpu.memory_space<hbm>>
        %dma_wait3A_419 = arith.constant 0 : i32
        %dma_wait3A_420 = arith.constant 0 : i32
        %dma_wait3A_421 = tpu.memref_slice %arg2[%dma_wait3A_419, %dma_wait3A_420] : memref<10240x128xf32, #tpu.memory_space<hbm>> -> memref<80x128xf32, #tpu.memory_space<hbm>>
        tpu.wait_dma2 semaphore(%arg38 : memref<!tpu.dma_semaphore, #tpu.memory_space<semaphore_mem>>) src(%dma_wait3A_421 : memref<80x128xf32, #tpu.memory_space<hbm>>) dst(%arg26 : memref<80x128xf32, #tpu.memory_space<vmem>>)
        %dma_start3A_422 = arith.constant 0 : i32
        %dma_start3A_423 = arith.constant 0 : i32
        %dma_start3A_424 = tpu.memref_slice %arg6[%dma_start3A_422, %dma_start3A_423] : memref<10240x128xf32, #tpu.memory_space<vmem_shared>> -> memref<10240x128xf32, #tpu.memory_space<vmem_shared>>
        tpu.enqueue_indirect_dma source(%arg26 : memref<80x128xf32, #tpu.memory_space<vmem>>) target(%dma_start3A_424 : memref<10240x128xf32, #tpu.memory_space<vmem_shared>>) offsets(%arg22 : memref<80xi32, #tpu.memory_space<vmem>>) semaphore(%arg42 : memref<!tpu.dma_semaphore, #tpu.memory_space<semaphore_mem>>) {add = true}
      } else {
      }
      %add3A_265 = arith.constant 3 : i32
      %add3A_266 = arith.addi %mul3A_178, %add3A_265 : i32
      %dma_wait3A_267 = arith.constant 0 : i32
      %dma_wait3A_268 = tpu.memref_slice %arg3[%dma_wait3A_267] : memref<327680xi32, #tpu.memory_space<hbm>> -> memref<80xi32, #tpu.memory_space<hbm>>
      %dma_wait3A_269 = arith.constant 0 : i32
      %dma_wait3A_270 = tpu.memref_slice %arg3[%dma_wait3A_269] : memref<327680xi32, #tpu.memory_space<hbm>> -> memref<80xi32, #tpu.memory_space<hbm>>
      tpu.wait_dma2 semaphore(%arg30 : memref<!tpu.dma_semaphore, #tpu.memory_space<semaphore_mem>>) src(%dma_wait3A_270 : memref<80xi32, #tpu.memory_space<hbm>>) dst(%arg10 : memref<80xi32, #tpu.memory_space<vmem>>)
      %dma_wait3A_271 = arith.constant 0 : i32
      %dma_wait3A_272 = tpu.memref_slice %arg4[%dma_wait3A_271] : memref<327680xi32, #tpu.memory_space<hbm>> -> memref<80xi32, #tpu.memory_space<hbm>>
      %dma_wait3A_273 = arith.constant 0 : i32
      %dma_wait3A_274 = tpu.memref_slice %arg4[%dma_wait3A_273] : memref<327680xi32, #tpu.memory_space<hbm>> -> memref<80xi32, #tpu.memory_space<hbm>>
      tpu.wait_dma2 semaphore(%arg30 : memref<!tpu.dma_semaphore, #tpu.memory_space<semaphore_mem>>) src(%dma_wait3A_274 : memref<80xi32, #tpu.memory_space<hbm>>) dst(%arg18 : memref<80xi32, #tpu.memory_space<vmem>>)
      %ge3A_275 = arith.constant 4 : i32
      %ge3A_276 = arith.cmpi sge, %add3A_266, %ge3A_275 : i32
      %convert_element_type3A_277 = arith.extui %ge3A_276 : i1 to i32
      %cond3A_278 = arith.constant 0 : i32
      %cond3A_279 = arith.cmpi ne, %convert_element_type3A_277, %cond3A_278 : i32
      scf.if %cond3A_279 {
        %dma_wait3A_416 = arith.constant 0 : i32
        %dma_wait3A_417 = arith.constant 0 : i32
        %dma_wait3A_418 = tpu.memref_slice %arg2[%dma_wait3A_416, %dma_wait3A_417] : memref<10240x128xf32, #tpu.memory_space<hbm>> -> memref<80x128xf32, #tpu.memory_space<hbm>>
        %dma_wait3A_419 = arith.constant 0 : i32
        %dma_wait3A_420 = arith.constant 0 : i32
        %dma_wait3A_421 = tpu.memref_slice %arg2[%dma_wait3A_419, %dma_wait3A_420] : memref<10240x128xf32, #tpu.memory_space<hbm>> -> memref<80x128xf32, #tpu.memory_space<hbm>>
        tpu.wait_dma2 semaphore(%arg42 : memref<!tpu.dma_semaphore, #tpu.memory_space<semaphore_mem>>) src(%dma_wait3A_421 : memref<80x128xf32, #tpu.memory_space<hbm>>) dst(%arg26 : memref<80x128xf32, #tpu.memory_space<vmem>>)
      } else {
      }
      %add3A_280 = arith.constant 4 : i32
      %add3A_281 = arith.addi %add3A_266, %add3A_280 : i32
      %lt3A_282 = arith.constant 128 : i32
      %lt3A_283 = arith.cmpi slt, %add3A_281, %lt3A_282 : i32
      %convert_element_type3A_284 = arith.extui %lt3A_283 : i1 to i32
      %cond3A_285 = arith.constant 0 : i32
      %cond3A_286 = arith.cmpi ne, %convert_element_type3A_284, %cond3A_285 : i32
      scf.if %cond3A_286 {
        %add3A_416 = arith.constant 4 : i32
        %add3A_417 = arith.addi %add3A_266, %add3A_416 : i32
        %mul3A_418 = arith.constant 80 : i32
        %mul3A_419 = arith.muli %add3A_417, %mul3A_418 : i32
        %add3A_420 = arith.addi %mul3A_88, %mul3A_419 : i32
        %multiple_of3A_421 = tpu.assume_multiple %add3A_420, 8 : i32
        %dma_start3A_422 = tpu.memref_slice %arg3[%multiple_of3A_421] : memref<327680xi32, #tpu.memory_space<hbm>> -> memref<80xi32, #tpu.memory_space<hbm>>
        %dma_start3A_423 = tpu.memref_slice %arg3[%multiple_of3A_421] : memref<327680xi32, #tpu.memory_space<hbm>> -> memref<80xi32, #tpu.memory_space<hbm>>
        tpu.enqueue_dma source(%dma_start3A_423 : memref<80xi32, #tpu.memory_space<hbm>>) target(%arg14 : memref<80xi32, #tpu.memory_space<vmem>>) target_semaphore(%arg34 : memref<!tpu.dma_semaphore, #tpu.memory_space<semaphore_mem>>)
        %dma_start3A_424 = tpu.memref_slice %arg4[%multiple_of3A_421] : memref<327680xi32, #tpu.memory_space<hbm>> -> memref<80xi32, #tpu.memory_space<hbm>>
        %dma_start3A_425 = tpu.memref_slice %arg4[%multiple_of3A_421] : memref<327680xi32, #tpu.memory_space<hbm>> -> memref<80xi32, #tpu.memory_space<hbm>>
        tpu.enqueue_dma source(%dma_start3A_425 : memref<80xi32, #tpu.memory_space<hbm>>) target(%arg22 : memref<80xi32, #tpu.memory_space<vmem>>) target_semaphore(%arg34 : memref<!tpu.dma_semaphore, #tpu.memory_space<semaphore_mem>>)
      } else {
      }
      %dma_start3A_287 = arith.constant 0 : i32
      %dma_start3A_288 = arith.constant 0 : i32
      %dma_start3A_289 = tpu.memref_slice %arg2[%dma_start3A_287, %dma_start3A_288] : memref<10240x128xf32, #tpu.memory_space<hbm>> -> memref<10240x128xf32, #tpu.memory_space<hbm>>
      tpu.enqueue_indirect_dma source(%dma_start3A_289 : memref<10240x128xf32, #tpu.memory_space<hbm>>) target(%arg26 : memref<80x128xf32, #tpu.memory_space<vmem>>) offsets(%arg10 : memref<80xi32, #tpu.memory_space<vmem>>) semaphore(%arg38 : memref<!tpu.dma_semaphore, #tpu.memory_space<semaphore_mem>>)
      %ge3A_290 = arith.constant 3 : i32
      %ge3A_291 = arith.cmpi sge, %add3A_266, %ge3A_290 : i32
      %convert_element_type3A_292 = arith.extui %ge3A_291 : i1 to i32
      %cond3A_293 = arith.constant 0 : i32
      %cond3A_294 = arith.cmpi ne, %convert_element_type3A_292, %cond3A_293 : i32
      scf.if %cond3A_294 {
        %dma_wait3A_416 = arith.constant 0 : i32
        %dma_wait3A_417 = arith.constant 0 : i32
        %dma_wait3A_418 = tpu.memref_slice %arg2[%dma_wait3A_416, %dma_wait3A_417] : memref<10240x128xf32, #tpu.memory_space<hbm>> -> memref<80x128xf32, #tpu.memory_space<hbm>>
        %dma_wait3A_419 = arith.constant 0 : i32
        %dma_wait3A_420 = arith.constant 0 : i32
        %dma_wait3A_421 = tpu.memref_slice %arg2[%dma_wait3A_419, %dma_wait3A_420] : memref<10240x128xf32, #tpu.memory_space<hbm>> -> memref<80x128xf32, #tpu.memory_space<hbm>>
        tpu.wait_dma2 semaphore(%arg35 : memref<!tpu.dma_semaphore, #tpu.memory_space<semaphore_mem>>) src(%dma_wait3A_421 : memref<80x128xf32, #tpu.memory_space<hbm>>) dst(%arg23 : memref<80x128xf32, #tpu.memory_space<vmem>>)
        %dma_start3A_422 = arith.constant 0 : i32
        %dma_start3A_423 = arith.constant 0 : i32
        %dma_start3A_424 = tpu.memref_slice %arg6[%dma_start3A_422, %dma_start3A_423] : memref<10240x128xf32, #tpu.memory_space<vmem_shared>> -> memref<10240x128xf32, #tpu.memory_space<vmem_shared>>
        tpu.enqueue_indirect_dma source(%arg23 : memref<80x128xf32, #tpu.memory_space<vmem>>) target(%dma_start3A_424 : memref<10240x128xf32, #tpu.memory_space<vmem_shared>>) offsets(%arg15 : memref<80xi32, #tpu.memory_space<vmem>>) semaphore(%arg39 : memref<!tpu.dma_semaphore, #tpu.memory_space<semaphore_mem>>) {add = true}
      } else {
      }
      %add3A_295 = arith.constant 4 : i32
      %add3A_296 = arith.addi %mul3A_178, %add3A_295 : i32
      %dma_wait3A_297 = arith.constant 0 : i32
      %dma_wait3A_298 = tpu.memref_slice %arg3[%dma_wait3A_297] : memref<327680xi32, #tpu.memory_space<hbm>> -> memref<80xi32, #tpu.memory_space<hbm>>
      %dma_wait3A_299 = arith.constant 0 : i32
      %dma_wait3A_300 = tpu.memref_slice %arg3[%dma_wait3A_299] : memref<327680xi32, #tpu.memory_space<hbm>> -> memref<80xi32, #tpu.memory_space<hbm>>
      tpu.wait_dma2 semaphore(%arg31 : memref<!tpu.dma_semaphore, #tpu.memory_space<semaphore_mem>>) src(%dma_wait3A_300 : memref<80xi32, #tpu.memory_space<hbm>>) dst(%arg11 : memref<80xi32, #tpu.memory_space<vmem>>)
      %dma_wait3A_301 = arith.constant 0 : i32
      %dma_wait3A_302 = tpu.memref_slice %arg4[%dma_wait3A_301] : memref<327680xi32, #tpu.memory_space<hbm>> -> memref<80xi32, #tpu.memory_space<hbm>>
      %dma_wait3A_303 = arith.constant 0 : i32
      %dma_wait3A_304 = tpu.memref_slice %arg4[%dma_wait3A_303] : memref<327680xi32, #tpu.memory_space<hbm>> -> memref<80xi32, #tpu.memory_space<hbm>>
      tpu.wait_dma2 semaphore(%arg31 : memref<!tpu.dma_semaphore, #tpu.memory_space<semaphore_mem>>) src(%dma_wait3A_304 : memref<80xi32, #tpu.memory_space<hbm>>) dst(%arg19 : memref<80xi32, #tpu.memory_space<vmem>>)
      %ge3A_305 = arith.constant 4 : i32
      %ge3A_306 = arith.cmpi sge, %add3A_296, %ge3A_305 : i32
      %convert_element_type3A_307 = arith.extui %ge3A_306 : i1 to i32
      %cond3A_308 = arith.constant 0 : i32
      %cond3A_309 = arith.cmpi ne, %convert_element_type3A_307, %cond3A_308 : i32
      scf.if %cond3A_309 {
        %dma_wait3A_416 = arith.constant 0 : i32
        %dma_wait3A_417 = arith.constant 0 : i32
        %dma_wait3A_418 = tpu.memref_slice %arg2[%dma_wait3A_416, %dma_wait3A_417] : memref<10240x128xf32, #tpu.memory_space<hbm>> -> memref<80x128xf32, #tpu.memory_space<hbm>>
        %dma_wait3A_419 = arith.constant 0 : i32
        %dma_wait3A_420 = arith.constant 0 : i32
        %dma_wait3A_421 = tpu.memref_slice %arg2[%dma_wait3A_419, %dma_wait3A_420] : memref<10240x128xf32, #tpu.memory_space<hbm>> -> memref<80x128xf32, #tpu.memory_space<hbm>>
        tpu.wait_dma2 semaphore(%arg39 : memref<!tpu.dma_semaphore, #tpu.memory_space<semaphore_mem>>) src(%dma_wait3A_421 : memref<80x128xf32, #tpu.memory_space<hbm>>) dst(%arg23 : memref<80x128xf32, #tpu.memory_space<vmem>>)
      } else {
      }
      %add3A_310 = arith.constant 4 : i32
      %add3A_311 = arith.addi %add3A_296, %add3A_310 : i32
      %lt3A_312 = arith.constant 128 : i32
      %lt3A_313 = arith.cmpi slt, %add3A_311, %lt3A_312 : i32
      %convert_element_type3A_314 = arith.extui %lt3A_313 : i1 to i32
      %cond3A_315 = arith.constant 0 : i32
      %cond3A_316 = arith.cmpi ne, %convert_element_type3A_314, %cond3A_315 : i32
      scf.if %cond3A_316 {
        %add3A_416 = arith.constant 4 : i32
        %add3A_417 = arith.addi %add3A_296, %add3A_416 : i32
        %mul3A_418 = arith.constant 80 : i32
        %mul3A_419 = arith.muli %add3A_417, %mul3A_418 : i32
        %add3A_420 = arith.addi %mul3A_88, %mul3A_419 : i32
        %multiple_of3A_421 = tpu.assume_multiple %add3A_420, 8 : i32
        %dma_start3A_422 = tpu.memref_slice %arg3[%multiple_of3A_421] : memref<327680xi32, #tpu.memory_space<hbm>> -> memref<80xi32, #tpu.memory_space<hbm>>
        %dma_start3A_423 = tpu.memref_slice %arg3[%multiple_of3A_421] : memref<327680xi32, #tpu.memory_space<hbm>> -> memref<80xi32, #tpu.memory_space<hbm>>
        tpu.enqueue_dma source(%dma_start3A_423 : memref<80xi32, #tpu.memory_space<hbm>>) target(%arg7 : memref<80xi32, #tpu.memory_space<vmem>>) target_semaphore(%arg27 : memref<!tpu.dma_semaphore, #tpu.memory_space<semaphore_mem>>)
        %dma_start3A_424 = tpu.memref_slice %arg4[%multiple_of3A_421] : memref<327680xi32, #tpu.memory_space<hbm>> -> memref<80xi32, #tpu.memory_space<hbm>>
        %dma_start3A_425 = tpu.memref_slice %arg4[%multiple_of3A_421] : memref<327680xi32, #tpu.memory_space<hbm>> -> memref<80xi32, #tpu.memory_space<hbm>>
        tpu.enqueue_dma source(%dma_start3A_425 : memref<80xi32, #tpu.memory_space<hbm>>) target(%arg15 : memref<80xi32, #tpu.memory_space<vmem>>) target_semaphore(%arg27 : memref<!tpu.dma_semaphore, #tpu.memory_space<semaphore_mem>>)
      } else {
      }
      %dma_start3A_317 = arith.constant 0 : i32
      %dma_start3A_318 = arith.constant 0 : i32
      %dma_start3A_319 = tpu.memref_slice %arg2[%dma_start3A_317, %dma_start3A_318] : memref<10240x128xf32, #tpu.memory_space<hbm>> -> memref<10240x128xf32, #tpu.memory_space<hbm>>
      tpu.enqueue_indirect_dma source(%dma_start3A_319 : memref<10240x128xf32, #tpu.memory_space<hbm>>) target(%arg23 : memref<80x128xf32, #tpu.memory_space<vmem>>) offsets(%arg11 : memref<80xi32, #tpu.memory_space<vmem>>) semaphore(%arg35 : memref<!tpu.dma_semaphore, #tpu.memory_space<semaphore_mem>>)
      %ge3A_320 = arith.constant 3 : i32
      %ge3A_321 = arith.cmpi sge, %add3A_296, %ge3A_320 : i32
      %convert_element_type3A_322 = arith.extui %ge3A_321 : i1 to i32
      %cond3A_323 = arith.constant 0 : i32
      %cond3A_324 = arith.cmpi ne, %convert_element_type3A_322, %cond3A_323 : i32
      scf.if %cond3A_324 {
        %dma_wait3A_416 = arith.constant 0 : i32
        %dma_wait3A_417 = arith.constant 0 : i32
        %dma_wait3A_418 = tpu.memref_slice %arg2[%dma_wait3A_416, %dma_wait3A_417] : memref<10240x128xf32, #tpu.memory_space<hbm>> -> memref<80x128xf32, #tpu.memory_space<hbm>>
        %dma_wait3A_419 = arith.constant 0 : i32
        %dma_wait3A_420 = arith.constant 0 : i32
        %dma_wait3A_421 = tpu.memref_slice %arg2[%dma_wait3A_419, %dma_wait3A_420] : memref<10240x128xf32, #tpu.memory_space<hbm>> -> memref<80x128xf32, #tpu.memory_space<hbm>>
        tpu.wait_dma2 semaphore(%arg36 : memref<!tpu.dma_semaphore, #tpu.memory_space<semaphore_mem>>) src(%dma_wait3A_421 : memref<80x128xf32, #tpu.memory_space<hbm>>) dst(%arg24 : memref<80x128xf32, #tpu.memory_space<vmem>>)
        %dma_start3A_422 = arith.constant 0 : i32
        %dma_start3A_423 = arith.constant 0 : i32
        %dma_start3A_424 = tpu.memref_slice %arg6[%dma_start3A_422, %dma_start3A_423] : memref<10240x128xf32, #tpu.memory_space<vmem_shared>> -> memref<10240x128xf32, #tpu.memory_space<vmem_shared>>
        tpu.enqueue_indirect_dma source(%arg24 : memref<80x128xf32, #tpu.memory_space<vmem>>) target(%dma_start3A_424 : memref<10240x128xf32, #tpu.memory_space<vmem_shared>>) offsets(%arg16 : memref<80xi32, #tpu.memory_space<vmem>>) semaphore(%arg40 : memref<!tpu.dma_semaphore, #tpu.memory_space<semaphore_mem>>) {add = true}
      } else {
      }
      %add3A_325 = arith.constant 5 : i32
      %add3A_326 = arith.addi %mul3A_178, %add3A_325 : i32
      %dma_wait3A_327 = arith.constant 0 : i32
      %dma_wait3A_328 = tpu.memref_slice %arg3[%dma_wait3A_327] : memref<327680xi32, #tpu.memory_space<hbm>> -> memref<80xi32, #tpu.memory_space<hbm>>
      %dma_wait3A_329 = arith.constant 0 : i32
      %dma_wait3A_330 = tpu.memref_slice %arg3[%dma_wait3A_329] : memref<327680xi32, #tpu.memory_space<hbm>> -> memref<80xi32, #tpu.memory_space<hbm>>
      tpu.wait_dma2 semaphore(%arg32 : memref<!tpu.dma_semaphore, #tpu.memory_space<semaphore_mem>>) src(%dma_wait3A_330 : memref<80xi32, #tpu.memory_space<hbm>>) dst(%arg12 : memref<80xi32, #tpu.memory_space<vmem>>)
      %dma_wait3A_331 = arith.constant 0 : i32
      %dma_wait3A_332 = tpu.memref_slice %arg4[%dma_wait3A_331] : memref<327680xi32, #tpu.memory_space<hbm>> -> memref<80xi32, #tpu.memory_space<hbm>>
      %dma_wait3A_333 = arith.constant 0 : i32
      %dma_wait3A_334 = tpu.memref_slice %arg4[%dma_wait3A_333] : memref<327680xi32, #tpu.memory_space<hbm>> -> memref<80xi32, #tpu.memory_space<hbm>>
      tpu.wait_dma2 semaphore(%arg32 : memref<!tpu.dma_semaphore, #tpu.memory_space<semaphore_mem>>) src(%dma_wait3A_334 : memref<80xi32, #tpu.memory_space<hbm>>) dst(%arg20 : memref<80xi32, #tpu.memory_space<vmem>>)
      %ge3A_335 = arith.constant 4 : i32
      %ge3A_336 = arith.cmpi sge, %add3A_326, %ge3A_335 : i32
      %convert_element_type3A_337 = arith.extui %ge3A_336 : i1 to i32
      %cond3A_338 = arith.constant 0 : i32
      %cond3A_339 = arith.cmpi ne, %convert_element_type3A_337, %cond3A_338 : i32
      scf.if %cond3A_339 {
        %dma_wait3A_416 = arith.constant 0 : i32
        %dma_wait3A_417 = arith.constant 0 : i32
        %dma_wait3A_418 = tpu.memref_slice %arg2[%dma_wait3A_416, %dma_wait3A_417] : memref<10240x128xf32, #tpu.memory_space<hbm>> -> memref<80x128xf32, #tpu.memory_space<hbm>>
        %dma_wait3A_419 = arith.constant 0 : i32
        %dma_wait3A_420 = arith.constant 0 : i32
        %dma_wait3A_421 = tpu.memref_slice %arg2[%dma_wait3A_419, %dma_wait3A_420] : memref<10240x128xf32, #tpu.memory_space<hbm>> -> memref<80x128xf32, #tpu.memory_space<hbm>>
        tpu.wait_dma2 semaphore(%arg40 : memref<!tpu.dma_semaphore, #tpu.memory_space<semaphore_mem>>) src(%dma_wait3A_421 : memref<80x128xf32, #tpu.memory_space<hbm>>) dst(%arg24 : memref<80x128xf32, #tpu.memory_space<vmem>>)
      } else {
      }
      %add3A_340 = arith.constant 4 : i32
      %add3A_341 = arith.addi %add3A_326, %add3A_340 : i32
      %lt3A_342 = arith.constant 128 : i32
      %lt3A_343 = arith.cmpi slt, %add3A_341, %lt3A_342 : i32
      %convert_element_type3A_344 = arith.extui %lt3A_343 : i1 to i32
      %cond3A_345 = arith.constant 0 : i32
      %cond3A_346 = arith.cmpi ne, %convert_element_type3A_344, %cond3A_345 : i32
      scf.if %cond3A_346 {
        %add3A_416 = arith.constant 4 : i32
        %add3A_417 = arith.addi %add3A_326, %add3A_416 : i32
        %mul3A_418 = arith.constant 80 : i32
        %mul3A_419 = arith.muli %add3A_417, %mul3A_418 : i32
        %add3A_420 = arith.addi %mul3A_88, %mul3A_419 : i32
        %multiple_of3A_421 = tpu.assume_multiple %add3A_420, 8 : i32
        %dma_start3A_422 = tpu.memref_slice %arg3[%multiple_of3A_421] : memref<327680xi32, #tpu.memory_space<hbm>> -> memref<80xi32, #tpu.memory_space<hbm>>
        %dma_start3A_423 = tpu.memref_slice %arg3[%multiple_of3A_421] : memref<327680xi32, #tpu.memory_space<hbm>> -> memref<80xi32, #tpu.memory_space<hbm>>
        tpu.enqueue_dma source(%dma_start3A_423 : memref<80xi32, #tpu.memory_space<hbm>>) target(%arg8 : memref<80xi32, #tpu.memory_space<vmem>>) target_semaphore(%arg28 : memref<!tpu.dma_semaphore, #tpu.memory_space<semaphore_mem>>)
        %dma_start3A_424 = tpu.memref_slice %arg4[%multiple_of3A_421] : memref<327680xi32, #tpu.memory_space<hbm>> -> memref<80xi32, #tpu.memory_space<hbm>>
        %dma_start3A_425 = tpu.memref_slice %arg4[%multiple_of3A_421] : memref<327680xi32, #tpu.memory_space<hbm>> -> memref<80xi32, #tpu.memory_space<hbm>>
        tpu.enqueue_dma source(%dma_start3A_425 : memref<80xi32, #tpu.memory_space<hbm>>) target(%arg16 : memref<80xi32, #tpu.memory_space<vmem>>) target_semaphore(%arg28 : memref<!tpu.dma_semaphore, #tpu.memory_space<semaphore_mem>>)
      } else {
      }
      %dma_start3A_347 = arith.constant 0 : i32
      %dma_start3A_348 = arith.constant 0 : i32
      %dma_start3A_349 = tpu.memref_slice %arg2[%dma_start3A_347, %dma_start3A_348] : memref<10240x128xf32, #tpu.memory_space<hbm>> -> memref<10240x128xf32, #tpu.memory_space<hbm>>
      tpu.enqueue_indirect_dma source(%dma_start3A_349 : memref<10240x128xf32, #tpu.memory_space<hbm>>) target(%arg24 : memref<80x128xf32, #tpu.memory_space<vmem>>) offsets(%arg12 : memref<80xi32, #tpu.memory_space<vmem>>) semaphore(%arg36 : memref<!tpu.dma_semaphore, #tpu.memory_space<semaphore_mem>>)
      %ge3A_350 = arith.constant 3 : i32
      %ge3A_351 = arith.cmpi sge, %add3A_326, %ge3A_350 : i32
      %convert_element_type3A_352 = arith.extui %ge3A_351 : i1 to i32
      %cond3A_353 = arith.constant 0 : i32
      %cond3A_354 = arith.cmpi ne, %convert_element_type3A_352, %cond3A_353 : i32
      scf.if %cond3A_354 {
        %dma_wait3A_416 = arith.constant 0 : i32
        %dma_wait3A_417 = arith.constant 0 : i32
        %dma_wait3A_418 = tpu.memref_slice %arg2[%dma_wait3A_416, %dma_wait3A_417] : memref<10240x128xf32, #tpu.memory_space<hbm>> -> memref<80x128xf32, #tpu.memory_space<hbm>>
        %dma_wait3A_419 = arith.constant 0 : i32
        %dma_wait3A_420 = arith.constant 0 : i32
        %dma_wait3A_421 = tpu.memref_slice %arg2[%dma_wait3A_419, %dma_wait3A_420] : memref<10240x128xf32, #tpu.memory_space<hbm>> -> memref<80x128xf32, #tpu.memory_space<hbm>>
        tpu.wait_dma2 semaphore(%arg37 : memref<!tpu.dma_semaphore, #tpu.memory_space<semaphore_mem>>) src(%dma_wait3A_421 : memref<80x128xf32, #tpu.memory_space<hbm>>) dst(%arg25 : memref<80x128xf32, #tpu.memory_space<vmem>>)
        %dma_start3A_422 = arith.constant 0 : i32
        %dma_start3A_423 = arith.constant 0 : i32
        %dma_start3A_424 = tpu.memref_slice %arg6[%dma_start3A_422, %dma_start3A_423] : memref<10240x128xf32, #tpu.memory_space<vmem_shared>> -> memref<10240x128xf32, #tpu.memory_space<vmem_shared>>
        tpu.enqueue_indirect_dma source(%arg25 : memref<80x128xf32, #tpu.memory_space<vmem>>) target(%dma_start3A_424 : memref<10240x128xf32, #tpu.memory_space<vmem_shared>>) offsets(%arg17 : memref<80xi32, #tpu.memory_space<vmem>>) semaphore(%arg41 : memref<!tpu.dma_semaphore, #tpu.memory_space<semaphore_mem>>) {add = true}
      } else {
      }
      %add3A_355 = arith.constant 6 : i32
      %add3A_356 = arith.addi %mul3A_178, %add3A_355 : i32
      %dma_wait3A_357 = arith.constant 0 : i32
      %dma_wait3A_358 = tpu.memref_slice %arg3[%dma_wait3A_357] : memref<327680xi32, #tpu.memory_space<hbm>> -> memref<80xi32, #tpu.memory_space<hbm>>
      %dma_wait3A_359 = arith.constant 0 : i32
      %dma_wait3A_360 = tpu.memref_slice %arg3[%dma_wait3A_359] : memref<327680xi32, #tpu.memory_space<hbm>> -> memref<80xi32, #tpu.memory_space<hbm>>
      tpu.wait_dma2 semaphore(%arg33 : memref<!tpu.dma_semaphore, #tpu.memory_space<semaphore_mem>>) src(%dma_wait3A_360 : memref<80xi32, #tpu.memory_space<hbm>>) dst(%arg13 : memref<80xi32, #tpu.memory_space<vmem>>)
      %dma_wait3A_361 = arith.constant 0 : i32
      %dma_wait3A_362 = tpu.memref_slice %arg4[%dma_wait3A_361] : memref<327680xi32, #tpu.memory_space<hbm>> -> memref<80xi32, #tpu.memory_space<hbm>>
      %dma_wait3A_363 = arith.constant 0 : i32
      %dma_wait3A_364 = tpu.memref_slice %arg4[%dma_wait3A_363] : memref<327680xi32, #tpu.memory_space<hbm>> -> memref<80xi32, #tpu.memory_space<hbm>>
      tpu.wait_dma2 semaphore(%arg33 : memref<!tpu.dma_semaphore, #tpu.memory_space<semaphore_mem>>) src(%dma_wait3A_364 : memref<80xi32, #tpu.memory_space<hbm>>) dst(%arg21 : memref<80xi32, #tpu.memory_space<vmem>>)
      %ge3A_365 = arith.constant 4 : i32
      %ge3A_366 = arith.cmpi sge, %add3A_356, %ge3A_365 : i32
      %convert_element_type3A_367 = arith.extui %ge3A_366 : i1 to i32
      %cond3A_368 = arith.constant 0 : i32
      %cond3A_369 = arith.cmpi ne, %convert_element_type3A_367, %cond3A_368 : i32
      scf.if %cond3A_369 {
        %dma_wait3A_416 = arith.constant 0 : i32
        %dma_wait3A_417 = arith.constant 0 : i32
        %dma_wait3A_418 = tpu.memref_slice %arg2[%dma_wait3A_416, %dma_wait3A_417] : memref<10240x128xf32, #tpu.memory_space<hbm>> -> memref<80x128xf32, #tpu.memory_space<hbm>>
        %dma_wait3A_419 = arith.constant 0 : i32
        %dma_wait3A_420 = arith.constant 0 : i32
        %dma_wait3A_421 = tpu.memref_slice %arg2[%dma_wait3A_419, %dma_wait3A_420] : memref<10240x128xf32, #tpu.memory_space<hbm>> -> memref<80x128xf32, #tpu.memory_space<hbm>>
        tpu.wait_dma2 semaphore(%arg41 : memref<!tpu.dma_semaphore, #tpu.memory_space<semaphore_mem>>) src(%dma_wait3A_421 : memref<80x128xf32, #tpu.memory_space<hbm>>) dst(%arg25 : memref<80x128xf32, #tpu.memory_space<vmem>>)
      } else {
      }
      %add3A_370 = arith.constant 4 : i32
      %add3A_371 = arith.addi %add3A_356, %add3A_370 : i32
      %lt3A_372 = arith.constant 128 : i32
      %lt3A_373 = arith.cmpi slt, %add3A_371, %lt3A_372 : i32
      %convert_element_type3A_374 = arith.extui %lt3A_373 : i1 to i32
      %cond3A_375 = arith.constant 0 : i32
      %cond3A_376 = arith.cmpi ne, %convert_element_type3A_374, %cond3A_375 : i32
      scf.if %cond3A_376 {
        %add3A_416 = arith.constant 4 : i32
        %add3A_417 = arith.addi %add3A_356, %add3A_416 : i32
        %mul3A_418 = arith.constant 80 : i32
        %mul3A_419 = arith.muli %add3A_417, %mul3A_418 : i32
        %add3A_420 = arith.addi %mul3A_88, %mul3A_419 : i32
        %multiple_of3A_421 = tpu.assume_multiple %add3A_420, 8 : i32
        %dma_start3A_422 = tpu.memref_slice %arg3[%multiple_of3A_421] : memref<327680xi32, #tpu.memory_space<hbm>> -> memref<80xi32, #tpu.memory_space<hbm>>
        %dma_start3A_423 = tpu.memref_slice %arg3[%multiple_of3A_421] : memref<327680xi32, #tpu.memory_space<hbm>> -> memref<80xi32, #tpu.memory_space<hbm>>
        tpu.enqueue_dma source(%dma_start3A_423 : memref<80xi32, #tpu.memory_space<hbm>>) target(%arg9 : memref<80xi32, #tpu.memory_space<vmem>>) target_semaphore(%arg29 : memref<!tpu.dma_semaphore, #tpu.memory_space<semaphore_mem>>)
        %dma_start3A_424 = tpu.memref_slice %arg4[%multiple_of3A_421] : memref<327680xi32, #tpu.memory_space<hbm>> -> memref<80xi32, #tpu.memory_space<hbm>>
        %dma_start3A_425 = tpu.memref_slice %arg4[%multiple_of3A_421] : memref<327680xi32, #tpu.memory_space<hbm>> -> memref<80xi32, #tpu.memory_space<hbm>>
        tpu.enqueue_dma source(%dma_start3A_425 : memref<80xi32, #tpu.memory_space<hbm>>) target(%arg17 : memref<80xi32, #tpu.memory_space<vmem>>) target_semaphore(%arg29 : memref<!tpu.dma_semaphore, #tpu.memory_space<semaphore_mem>>)
      } else {
      }
      %dma_start3A_377 = arith.constant 0 : i32
      %dma_start3A_378 = arith.constant 0 : i32
      %dma_start3A_379 = tpu.memref_slice %arg2[%dma_start3A_377, %dma_start3A_378] : memref<10240x128xf32, #tpu.memory_space<hbm>> -> memref<10240x128xf32, #tpu.memory_space<hbm>>
      tpu.enqueue_indirect_dma source(%dma_start3A_379 : memref<10240x128xf32, #tpu.memory_space<hbm>>) target(%arg25 : memref<80x128xf32, #tpu.memory_space<vmem>>) offsets(%arg13 : memref<80xi32, #tpu.memory_space<vmem>>) semaphore(%arg37 : memref<!tpu.dma_semaphore, #tpu.memory_space<semaphore_mem>>)
      %ge3A_380 = arith.constant 3 : i32
      %ge3A_381 = arith.cmpi sge, %add3A_356, %ge3A_380 : i32
      %convert_element_type3A_382 = arith.extui %ge3A_381 : i1 to i32
      %cond3A_383 = arith.constant 0 : i32
      %cond3A_384 = arith.cmpi ne, %convert_element_type3A_382, %cond3A_383 : i32
      scf.if %cond3A_384 {
        %dma_wait3A_416 = arith.constant 0 : i32
        %dma_wait3A_417 = arith.constant 0 : i32
        %dma_wait3A_418 = tpu.memref_slice %arg2[%dma_wait3A_416, %dma_wait3A_417] : memref<10240x128xf32, #tpu.memory_space<hbm>> -> memref<80x128xf32, #tpu.memory_space<hbm>>
        %dma_wait3A_419 = arith.constant 0 : i32
        %dma_wait3A_420 = arith.constant 0 : i32
        %dma_wait3A_421 = tpu.memref_slice %arg2[%dma_wait3A_419, %dma_wait3A_420] : memref<10240x128xf32, #tpu.memory_space<hbm>> -> memref<80x128xf32, #tpu.memory_space<hbm>>
        tpu.wait_dma2 semaphore(%arg38 : memref<!tpu.dma_semaphore, #tpu.memory_space<semaphore_mem>>) src(%dma_wait3A_421 : memref<80x128xf32, #tpu.memory_space<hbm>>) dst(%arg26 : memref<80x128xf32, #tpu.memory_space<vmem>>)
        %dma_start3A_422 = arith.constant 0 : i32
        %dma_start3A_423 = arith.constant 0 : i32
        %dma_start3A_424 = tpu.memref_slice %arg6[%dma_start3A_422, %dma_start3A_423] : memref<10240x128xf32, #tpu.memory_space<vmem_shared>> -> memref<10240x128xf32, #tpu.memory_space<vmem_shared>>
        tpu.enqueue_indirect_dma source(%arg26 : memref<80x128xf32, #tpu.memory_space<vmem>>) target(%dma_start3A_424 : memref<10240x128xf32, #tpu.memory_space<vmem_shared>>) offsets(%arg18 : memref<80xi32, #tpu.memory_space<vmem>>) semaphore(%arg42 : memref<!tpu.dma_semaphore, #tpu.memory_space<semaphore_mem>>) {add = true}
      } else {
      }
      %add3A_385 = arith.constant 7 : i32
      %add3A_386 = arith.addi %mul3A_178, %add3A_385 : i32
      %dma_wait3A_387 = arith.constant 0 : i32
      %dma_wait3A_388 = tpu.memref_slice %arg3[%dma_wait3A_387] : memref<327680xi32, #tpu.memory_space<hbm>> -> memref<80xi32, #tpu.memory_space<hbm>>
      %dma_wait3A_389 = arith.constant 0 : i32
      %dma_wait3A_390 = tpu.memref_slice %arg3[%dma_wait3A_389] : memref<327680xi32, #tpu.memory_space<hbm>> -> memref<80xi32, #tpu.memory_space<hbm>>
      tpu.wait_dma2 semaphore(%arg34 : memref<!tpu.dma_semaphore, #tpu.memory_space<semaphore_mem>>) src(%dma_wait3A_390 : memref<80xi32, #tpu.memory_space<hbm>>) dst(%arg14 : memref<80xi32, #tpu.memory_space<vmem>>)
      %dma_wait3A_391 = arith.constant 0 : i32
      %dma_wait3A_392 = tpu.memref_slice %arg4[%dma_wait3A_391] : memref<327680xi32, #tpu.memory_space<hbm>> -> memref<80xi32, #tpu.memory_space<hbm>>
      %dma_wait3A_393 = arith.constant 0 : i32
      %dma_wait3A_394 = tpu.memref_slice %arg4[%dma_wait3A_393] : memref<327680xi32, #tpu.memory_space<hbm>> -> memref<80xi32, #tpu.memory_space<hbm>>
      tpu.wait_dma2 semaphore(%arg34 : memref<!tpu.dma_semaphore, #tpu.memory_space<semaphore_mem>>) src(%dma_wait3A_394 : memref<80xi32, #tpu.memory_space<hbm>>) dst(%arg22 : memref<80xi32, #tpu.memory_space<vmem>>)
      %ge3A_395 = arith.constant 4 : i32
      %ge3A_396 = arith.cmpi sge, %add3A_386, %ge3A_395 : i32
      %convert_element_type3A_397 = arith.extui %ge3A_396 : i1 to i32
      %cond3A_398 = arith.constant 0 : i32
      %cond3A_399 = arith.cmpi ne, %convert_element_type3A_397, %cond3A_398 : i32
      scf.if %cond3A_399 {
        %dma_wait3A_416 = arith.constant 0 : i32
        %dma_wait3A_417 = arith.constant 0 : i32
        %dma_wait3A_418 = tpu.memref_slice %arg2[%dma_wait3A_416, %dma_wait3A_417] : memref<10240x128xf32, #tpu.memory_space<hbm>> -> memref<80x128xf32, #tpu.memory_space<hbm>>
        %dma_wait3A_419 = arith.constant 0 : i32
        %dma_wait3A_420 = arith.constant 0 : i32
        %dma_wait3A_421 = tpu.memref_slice %arg2[%dma_wait3A_419, %dma_wait3A_420] : memref<10240x128xf32, #tpu.memory_space<hbm>> -> memref<80x128xf32, #tpu.memory_space<hbm>>
        tpu.wait_dma2 semaphore(%arg42 : memref<!tpu.dma_semaphore, #tpu.memory_space<semaphore_mem>>) src(%dma_wait3A_421 : memref<80x128xf32, #tpu.memory_space<hbm>>) dst(%arg26 : memref<80x128xf32, #tpu.memory_space<vmem>>)
      } else {
      }
      %add3A_400 = arith.constant 4 : i32
      %add3A_401 = arith.addi %add3A_386, %add3A_400 : i32
      %lt3A_402 = arith.constant 128 : i32
      %lt3A_403 = arith.cmpi slt, %add3A_401, %lt3A_402 : i32
      %convert_element_type3A_404 = arith.extui %lt3A_403 : i1 to i32
      %cond3A_405 = arith.constant 0 : i32
      %cond3A_406 = arith.cmpi ne, %convert_element_type3A_404, %cond3A_405 : i32
      scf.if %cond3A_406 {
        %add3A_416 = arith.constant 4 : i32
        %add3A_417 = arith.addi %add3A_386, %add3A_416 : i32
        %mul3A_418 = arith.constant 80 : i32
        %mul3A_419 = arith.muli %add3A_417, %mul3A_418 : i32
        %add3A_420 = arith.addi %mul3A_88, %mul3A_419 : i32
        %multiple_of3A_421 = tpu.assume_multiple %add3A_420, 8 : i32
        %dma_start3A_422 = tpu.memref_slice %arg3[%multiple_of3A_421] : memref<327680xi32, #tpu.memory_space<hbm>> -> memref<80xi32, #tpu.memory_space<hbm>>
        %dma_start3A_423 = tpu.memref_slice %arg3[%multiple_of3A_421] : memref<327680xi32, #tpu.memory_space<hbm>> -> memref<80xi32, #tpu.memory_space<hbm>>
        tpu.enqueue_dma source(%dma_start3A_423 : memref<80xi32, #tpu.memory_space<hbm>>) target(%arg10 : memref<80xi32, #tpu.memory_space<vmem>>) target_semaphore(%arg30 : memref<!tpu.dma_semaphore, #tpu.memory_space<semaphore_mem>>)
        %dma_start3A_424 = tpu.memref_slice %arg4[%multiple_of3A_421] : memref<327680xi32, #tpu.memory_space<hbm>> -> memref<80xi32, #tpu.memory_space<hbm>>
        %dma_start3A_425 = tpu.memref_slice %arg4[%multiple_of3A_421] : memref<327680xi32, #tpu.memory_space<hbm>> -> memref<80xi32, #tpu.memory_space<hbm>>
        tpu.enqueue_dma source(%dma_start3A_425 : memref<80xi32, #tpu.memory_space<hbm>>) target(%arg18 : memref<80xi32, #tpu.memory_space<vmem>>) target_semaphore(%arg30 : memref<!tpu.dma_semaphore, #tpu.memory_space<semaphore_mem>>)
      } else {
      }
      %dma_start3A_407 = arith.constant 0 : i32
      %dma_start3A_408 = arith.constant 0 : i32
      %dma_start3A_409 = tpu.memref_slice %arg2[%dma_start3A_407, %dma_start3A_408] : memref<10240x128xf32, #tpu.memory_space<hbm>> -> memref<10240x128xf32, #tpu.memory_space<hbm>>
      tpu.enqueue_indirect_dma source(%dma_start3A_409 : memref<10240x128xf32, #tpu.memory_space<hbm>>) target(%arg26 : memref<80x128xf32, #tpu.memory_space<vmem>>) offsets(%arg14 : memref<80xi32, #tpu.memory_space<vmem>>) semaphore(%arg38 : memref<!tpu.dma_semaphore, #tpu.memory_space<semaphore_mem>>)
      %ge3A_410 = arith.constant 3 : i32
      %ge3A_411 = arith.cmpi sge, %add3A_386, %ge3A_410 : i32
      %convert_element_type3A_412 = arith.extui %ge3A_411 : i1 to i32
      %cond3A_413 = arith.constant 0 : i32
      %cond3A_414 = arith.cmpi ne, %convert_element_type3A_412, %cond3A_413 : i32
      scf.if %cond3A_414 {
        %dma_wait3A_416 = arith.constant 0 : i32
        %dma_wait3A_417 = arith.constant 0 : i32
        %dma_wait3A_418 = tpu.memref_slice %arg2[%dma_wait3A_416, %dma_wait3A_417] : memref<10240x128xf32, #tpu.memory_space<hbm>> -> memref<80x128xf32, #tpu.memory_space<hbm>>
        %dma_wait3A_419 = arith.constant 0 : i32
        %dma_wait3A_420 = arith.constant 0 : i32
        %dma_wait3A_421 = tpu.memref_slice %arg2[%dma_wait3A_419, %dma_wait3A_420] : memref<10240x128xf32, #tpu.memory_space<hbm>> -> memref<80x128xf32, #tpu.memory_space<hbm>>
        tpu.wait_dma2 semaphore(%arg35 : memref<!tpu.dma_semaphore, #tpu.memory_space<semaphore_mem>>) src(%dma_wait3A_421 : memref<80x128xf32, #tpu.memory_space<hbm>>) dst(%arg23 : memref<80x128xf32, #tpu.memory_space<vmem>>)
        %dma_start3A_422 = arith.constant 0 : i32
        %dma_start3A_423 = arith.constant 0 : i32
        %dma_start3A_424 = tpu.memref_slice %arg6[%dma_start3A_422, %dma_start3A_423] : memref<10240x128xf32, #tpu.memory_space<vmem_shared>> -> memref<10240x128xf32, #tpu.memory_space<vmem_shared>>
        tpu.enqueue_indirect_dma source(%arg23 : memref<80x128xf32, #tpu.memory_space<vmem>>) target(%dma_start3A_424 : memref<10240x128xf32, #tpu.memory_space<vmem_shared>>) offsets(%arg19 : memref<80xi32, #tpu.memory_space<vmem>>) semaphore(%arg39 : memref<!tpu.dma_semaphore, #tpu.memory_space<semaphore_mem>>) {add = true}
      } else {
      }
      %scan3A_415 = arith.constant 0 : i32
      scf.yield %scan3A_415 : i32
    }
    %scan3A_122 = arith.constant 16 : i32
    %dma_wait3A_123 = arith.constant 0 : i32
    %dma_wait3A_124 = arith.constant 0 : i32
    %dma_wait3A_125 = tpu.memref_slice %arg2[%dma_wait3A_123, %dma_wait3A_124] : memref<10240x128xf32, #tpu.memory_space<hbm>> -> memref<80x128xf32, #tpu.memory_space<hbm>>
    %dma_wait3A_126 = arith.constant 0 : i32
    %dma_wait3A_127 = arith.constant 0 : i32
    %dma_wait3A_128 = tpu.memref_slice %arg2[%dma_wait3A_126, %dma_wait3A_127] : memref<10240x128xf32, #tpu.memory_space<hbm>> -> memref<80x128xf32, #tpu.memory_space<hbm>>
    tpu.wait_dma2 semaphore(%arg36 : memref<!tpu.dma_semaphore, #tpu.memory_space<semaphore_mem>>) src(%dma_wait3A_128 : memref<80x128xf32, #tpu.memory_space<hbm>>) dst(%arg24 : memref<80x128xf32, #tpu.memory_space<vmem>>)
    %dma_start3A_129 = arith.constant 0 : i32
    %dma_start3A_130 = arith.constant 0 : i32
    %dma_start3A_131 = tpu.memref_slice %arg6[%dma_start3A_129, %dma_start3A_130] : memref<10240x128xf32, #tpu.memory_space<vmem_shared>> -> memref<10240x128xf32, #tpu.memory_space<vmem_shared>>
    tpu.enqueue_indirect_dma source(%arg24 : memref<80x128xf32, #tpu.memory_space<vmem>>) target(%dma_start3A_131 : memref<10240x128xf32, #tpu.memory_space<vmem_shared>>) offsets(%arg20 : memref<80xi32, #tpu.memory_space<vmem>>) semaphore(%arg40 : memref<!tpu.dma_semaphore, #tpu.memory_space<semaphore_mem>>) {add = true}
    %dma_wait3A_132 = arith.constant 0 : i32
    %dma_wait3A_133 = arith.constant 0 : i32
    %dma_wait3A_134 = tpu.memref_slice %arg2[%dma_wait3A_132, %dma_wait3A_133] : memref<10240x128xf32, #tpu.memory_space<hbm>> -> memref<80x128xf32, #tpu.memory_space<hbm>>
    %dma_wait3A_135 = arith.constant 0 : i32
    %dma_wait3A_136 = arith.constant 0 : i32
    %dma_wait3A_137 = tpu.memref_slice %arg2[%dma_wait3A_135, %dma_wait3A_136] : memref<10240x128xf32, #tpu.memory_space<hbm>> -> memref<80x128xf32, #tpu.memory_space<hbm>>
    tpu.wait_dma2 semaphore(%arg37 : memref<!tpu.dma_semaphore, #tpu.memory_space<semaphore_mem>>) src(%dma_wait3A_137 : memref<80x128xf32, #tpu.memory_space<hbm>>) dst(%arg25 : memref<80x128xf32, #tpu.memory_space<vmem>>)
    %dma_start3A_138 = arith.constant 0 : i32
    %dma_start3A_139 = arith.constant 0 : i32
    %dma_start3A_140 = tpu.memref_slice %arg6[%dma_start3A_138, %dma_start3A_139] : memref<10240x128xf32, #tpu.memory_space<vmem_shared>> -> memref<10240x128xf32, #tpu.memory_space<vmem_shared>>
    tpu.enqueue_indirect_dma source(%arg25 : memref<80x128xf32, #tpu.memory_space<vmem>>) target(%dma_start3A_140 : memref<10240x128xf32, #tpu.memory_space<vmem_shared>>) offsets(%arg21 : memref<80xi32, #tpu.memory_space<vmem>>) semaphore(%arg41 : memref<!tpu.dma_semaphore, #tpu.memory_space<semaphore_mem>>) {add = true}
    %dma_wait3A_141 = arith.constant 0 : i32
    %dma_wait3A_142 = arith.constant 0 : i32
    %dma_wait3A_143 = tpu.memref_slice %arg2[%dma_wait3A_141, %dma_wait3A_142] : memref<10240x128xf32, #tpu.memory_space<hbm>> -> memref<80x128xf32, #tpu.memory_space<hbm>>
    %dma_wait3A_144 = arith.constant 0 : i32
    %dma_wait3A_145 = arith.constant 0 : i32
    %dma_wait3A_146 = tpu.memref_slice %arg2[%dma_wait3A_144, %dma_wait3A_145] : memref<10240x128xf32, #tpu.memory_space<hbm>> -> memref<80x128xf32, #tpu.memory_space<hbm>>
    tpu.wait_dma2 semaphore(%arg38 : memref<!tpu.dma_semaphore, #tpu.memory_space<semaphore_mem>>) src(%dma_wait3A_146 : memref<80x128xf32, #tpu.memory_space<hbm>>) dst(%arg26 : memref<80x128xf32, #tpu.memory_space<vmem>>)
    %dma_start3A_147 = arith.constant 0 : i32
    %dma_start3A_148 = arith.constant 0 : i32
    %dma_start3A_149 = tpu.memref_slice %arg6[%dma_start3A_147, %dma_start3A_148] : memref<10240x128xf32, #tpu.memory_space<vmem_shared>> -> memref<10240x128xf32, #tpu.memory_space<vmem_shared>>
    tpu.enqueue_indirect_dma source(%arg26 : memref<80x128xf32, #tpu.memory_space<vmem>>) target(%dma_start3A_149 : memref<10240x128xf32, #tpu.memory_space<vmem_shared>>) offsets(%arg22 : memref<80xi32, #tpu.memory_space<vmem>>) semaphore(%arg42 : memref<!tpu.dma_semaphore, #tpu.memory_space<semaphore_mem>>) {add = true}
    %dma_wait3A_150 = arith.constant 0 : i32
    %dma_wait3A_151 = arith.constant 0 : i32
    %dma_wait3A_152 = tpu.memref_slice %arg2[%dma_wait3A_150, %dma_wait3A_151] : memref<10240x128xf32, #tpu.memory_space<hbm>> -> memref<80x128xf32, #tpu.memory_space<hbm>>
    %dma_wait3A_153 = arith.constant 0 : i32
    %dma_wait3A_154 = arith.constant 0 : i32
    %dma_wait3A_155 = tpu.memref_slice %arg2[%dma_wait3A_153, %dma_wait3A_154] : memref<10240x128xf32, #tpu.memory_space<hbm>> -> memref<80x128xf32, #tpu.memory_space<hbm>>
    tpu.wait_dma2 semaphore(%arg39 : memref<!tpu.dma_semaphore, #tpu.memory_space<semaphore_mem>>) src(%dma_wait3A_155 : memref<80x128xf32, #tpu.memory_space<hbm>>) dst(%arg23 : memref<80x128xf32, #tpu.memory_space<vmem>>)
    %dma_wait3A_156 = arith.constant 0 : i32
    %dma_wait3A_157 = arith.constant 0 : i32
    %dma_wait3A_158 = tpu.memref_slice %arg2[%dma_wait3A_156, %dma_wait3A_157] : memref<10240x128xf32, #tpu.memory_space<hbm>> -> memref<80x128xf32, #tpu.memory_space<hbm>>
    %dma_wait3A_159 = arith.constant 0 : i32
    %dma_wait3A_160 = arith.constant 0 : i32
    %dma_wait3A_161 = tpu.memref_slice %arg2[%dma_wait3A_159, %dma_wait3A_160] : memref<10240x128xf32, #tpu.memory_space<hbm>> -> memref<80x128xf32, #tpu.memory_space<hbm>>
    tpu.wait_dma2 semaphore(%arg40 : memref<!tpu.dma_semaphore, #tpu.memory_space<semaphore_mem>>) src(%dma_wait3A_161 : memref<80x128xf32, #tpu.memory_space<hbm>>) dst(%arg24 : memref<80x128xf32, #tpu.memory_space<vmem>>)
    %dma_wait3A_162 = arith.constant 0 : i32
    %dma_wait3A_163 = arith.constant 0 : i32
    %dma_wait3A_164 = tpu.memref_slice %arg2[%dma_wait3A_162, %dma_wait3A_163] : memref<10240x128xf32, #tpu.memory_space<hbm>> -> memref<80x128xf32, #tpu.memory_space<hbm>>
    %dma_wait3A_165 = arith.constant 0 : i32
    %dma_wait3A_166 = arith.constant 0 : i32
    %dma_wait3A_167 = tpu.memref_slice %arg2[%dma_wait3A_165, %dma_wait3A_166] : memref<10240x128xf32, #tpu.memory_space<hbm>> -> memref<80x128xf32, #tpu.memory_space<hbm>>
    tpu.wait_dma2 semaphore(%arg41 : memref<!tpu.dma_semaphore, #tpu.memory_space<semaphore_mem>>) src(%dma_wait3A_167 : memref<80x128xf32, #tpu.memory_space<hbm>>) dst(%arg25 : memref<80x128xf32, #tpu.memory_space<vmem>>)
    %dma_wait3A_168 = arith.constant 0 : i32
    %dma_wait3A_169 = arith.constant 0 : i32
    %dma_wait3A_170 = tpu.memref_slice %arg2[%dma_wait3A_168, %dma_wait3A_169] : memref<10240x128xf32, #tpu.memory_space<hbm>> -> memref<80x128xf32, #tpu.memory_space<hbm>>
    %dma_wait3A_171 = arith.constant 0 : i32
    %dma_wait3A_172 = arith.constant 0 : i32
    %dma_wait3A_173 = tpu.memref_slice %arg2[%dma_wait3A_171, %dma_wait3A_172] : memref<10240x128xf32, #tpu.memory_space<hbm>> -> memref<80x128xf32, #tpu.memory_space<hbm>>
    tpu.wait_dma2 semaphore(%arg42 : memref<!tpu.dma_semaphore, #tpu.memory_space<semaphore_mem>>) src(%dma_wait3A_173 : memref<80x128xf32, #tpu.memory_space<hbm>>) dst(%arg26 : memref<80x128xf32, #tpu.memory_space<vmem>>)
    %barrier3A_174 = arith.constant 0 : index
    tpu.barrier barrier_id(%barrier3A_174)
    "tpu.region"() ({
      %run_scoped3A = tpu.sem_alloc : memref<!tpu.dma_semaphore, #tpu.memory_space<semaphore_mem>>
      %dma_start3A_175 = arith.constant 0 : i32
      %dma_start3A_176 = tpu.memref_slice %arg5[%arg0, %mul3A_6, %dma_start3A_175] : memref<2x10240x128xf32, #tpu.memory_space<hbm>> -> memref<1x640x128xf32, #tpu.memory_space<hbm>>
      %dma_start3A_177 = tpu.memref_squeeze %dma_start3A_176 : memref<1x640x128xf32, #tpu.memory_space<hbm>> -> memref<640x128xf32, #tpu.memory_space<hbm>>
      %dma_start3A_178 = arith.constant 0 : i32
      %dma_start3A_179 = tpu.memref_slice %arg6[%mul3A_6, %dma_start3A_178] : memref<10240x128xf32, #tpu.memory_space<vmem_shared>> -> memref<640x128xf32, #tpu.memory_space<vmem_shared>>
      tpu.enqueue_dma source(%dma_start3A_179 : memref<640x128xf32, #tpu.memory_space<vmem_shared>>) target(%dma_start3A_177 : memref<640x128xf32, #tpu.memory_space<hbm>>) target_semaphore(%run_scoped3A : memref<!tpu.dma_semaphore, #tpu.memory_space<semaphore_mem>>)
      %dma_wait3A_180 = arith.constant 0 : i32
      %dma_wait3A_181 = tpu.memref_slice %arg5[%arg0, %mul3A_6, %dma_wait3A_180] : memref<2x10240x128xf32, #tpu.memory_space<hbm>> -> memref<1x640x128xf32, #tpu.memory_space<hbm>>
      %dma_wait3A_182 = tpu.memref_squeeze %dma_wait3A_181 : memref<1x640x128xf32, #tpu.memory_space<hbm>> -> memref<640x128xf32, #tpu.memory_space<hbm>>
      %dma_wait3A_183 = arith.constant 0 : i32
      %dma_wait3A_184 = tpu.memref_slice %arg6[%mul3A_6, %dma_wait3A_183] : memref<10240x128xf32, #tpu.memory_space<vmem_shared>> -> memref<640x128xf32, #tpu.memory_space<vmem_shared>>
      tpu.wait_dma2 semaphore(%run_scoped3A : memref<!tpu.dma_semaphore, #tpu.memory_space<semaphore_mem>>) src(%dma_wait3A_184 : memref<640x128xf32, #tpu.memory_space<vmem_shared>>) dst(%dma_wait3A_182 : memref<640x128xf32, #tpu.memory_space<hbm>>)
      tpu.yield
    }) : () -> ()
    return
  }
}

module attributes {stable_mosaic.version = 14 : i64} {
  func.func @_tc_first_body(%arg0: memref<10000x128xf32, #tpu.memory_space<vmem>>, %arg1: memref<128x128xf32, #tpu.memory_space<vmem>>, %arg2: memref<2x10240x1xf32, #tpu.memory_space<vmem>>, %arg3: memref<10240x128xf32, #tpu.memory_space<vmem>>, %arg4: memref<10240x1xf32, #tpu.memory_space<vmem>>) attributes {dimension_semantics = [], scalar_prefetch = 0 : i64, scratch_operands = 0 : i64, tpu.core_type = #tpu.core_type<tc>} {
    %get3A = arith.constant 0 : index
    %get3A_0 = arith.constant 0 : index
    %get3A_1 = arith.constant 0 : index
    %get3A_2 = vector.load %arg2[%get3A, %get3A_0, %get3A_1] : memref<2x10240x1xf32, #tpu.memory_space<vmem>>, vector<1x10240x1xf32>
    %get3A_3 = vector.shape_cast %get3A_2 : vector<1x10240x1xf32> to vector<10240x1xf32>
    %get3A_4 = arith.constant 1 : index
    %get3A_5 = arith.constant 0 : index
    %get3A_6 = arith.constant 0 : index
    %get3A_7 = vector.load %arg2[%get3A_4, %get3A_5, %get3A_6] : memref<2x10240x1xf32, #tpu.memory_space<vmem>>, vector<1x10240x1xf32>
    %get3A_8 = vector.shape_cast %get3A_7 : vector<1x10240x1xf32> to vector<10240x1xf32>
    %add3A = arith.addf %get3A_3, %get3A_8 : vector<10240x1xf32>
    %add3A_9 = arith.constant 1.000000e+00 : f32
    %add3A_10 = vector.broadcast %add3A_9 : f32 to vector<10240x1xf32>
    %add3A_11 = arith.addf %add3A, %add3A_10 : vector<10240x1xf32>
    %rsqrt3A = math.rsqrt %add3A_11 : vector<10240x1xf32>
    %get3A_12 = arith.constant 0 : index
    %get3A_13 = arith.constant 0 : index
    %get3A_14 = vector.load %arg0[%get3A_12, %get3A_13] : memref<10000x128xf32, #tpu.memory_space<vmem>>, vector<10000x128xf32>
    %get3A_15 = arith.constant 0 : index
    %get3A_16 = arith.constant 0 : index
    %get3A_17 = vector.load %arg1[%get3A_15, %get3A_16] : memref<128x128xf32, #tpu.memory_space<vmem>>, vector<128x128xf32>
    %dot_general3A = arith.constant dense<0.000000e+00> : vector<10000x128xf32>
    %dot_general3A_18 = tpu.matmul %get3A_14, %get3A_17, %dot_general3A {dimension_numbers = #tpu.dot_dimension_numbers<[1], [0], [0], [1], [0, 0, 1, 1], [], []>, transpose_lhs_hint = false} : vector<10000x128xf32>, vector<128x128xf32>, vector<10000x128xf32> -> vector<10000x128xf32>
    %slice3A = vector.extract_strided_slice %rsqrt3A {offsets = [0, 0], sizes = [10000, 1], strides = [1, 1]} : vector<10240x1xf32> to vector<10000x1xf32>
    %mul3A = vector.broadcast %slice3A : vector<10000x1xf32> to vector<10000x128xf32>
    %mul3A_19 = arith.mulf %dot_general3A_18, %mul3A : vector<10000x128xf32>
    %swap3A = arith.constant 0 : index
    %swap3A_20 = arith.constant 0 : index
    %swap3A_21 = vector.load %arg3[%swap3A, %swap3A_20] : memref<10240x128xf32, #tpu.memory_space<vmem>>, vector<10000x128xf32>
    tpu.vector_store %arg3[%swap3A, %swap3A_20], %mul3A_19 {strides = array<i32>} : memref<10240x128xf32, #tpu.memory_space<vmem>>, vector<10000x128xf32>,
    %broadcast_in_dim3A = arith.constant 0.000000e+00 : f32
    %broadcast_in_dim3A_22 = vector.broadcast %broadcast_in_dim3A : f32 to vector<240x128xf32>
    %swap3A_23 = arith.constant 10000 : index
    %swap3A_24 = arith.constant 0 : index
    %swap3A_25 = vector.load %arg3[%swap3A_23, %swap3A_24] : memref<10240x128xf32, #tpu.memory_space<vmem>>, vector<240x128xf32>
    tpu.vector_store %arg3[%swap3A_23, %swap3A_24], %broadcast_in_dim3A_22 {strides = array<i32>} : memref<10240x128xf32, #tpu.memory_space<vmem>>, vector<240x128xf32>,
    %swap3A_26 = arith.constant 0 : index
    %swap3A_27 = arith.constant 0 : index
    %swap3A_28 = vector.load %arg4[%swap3A_26, %swap3A_27] : memref<10240x1xf32, #tpu.memory_space<vmem>>, vector<10240x1xf32>
    tpu.vector_store %arg4[%swap3A_26, %swap3A_27], %rsqrt3A {strides = array<i32>} : memref<10240x1xf32, #tpu.memory_space<vmem>>, vector<10240x1xf32>,
    return
  }
}

module attributes {stable_mosaic.version = 14 : i64} {
  func.func @_tc_mid_body(%arg0: memref<2x10240x128xf32, #tpu.memory_space<vmem>>, %arg1: memref<10240x128xf32, #tpu.memory_space<vmem>>, %arg2: memref<10240x1xf32, #tpu.memory_space<vmem>>, %arg3: memref<128x128xf32, #tpu.memory_space<vmem>>, %arg4: memref<1x128xf32, #tpu.memory_space<vmem>>, %arg5: memref<10240x128xf32, #tpu.memory_space<vmem>>) attributes {dimension_semantics = [], scalar_prefetch = 0 : i64, scratch_operands = 0 : i64, tpu.core_type = #tpu.core_type<tc>} {
    %get3A = arith.constant 0 : index
    %get3A_0 = arith.constant 0 : index
    %get3A_1 = vector.load %arg2[%get3A, %get3A_0] : memref<10240x1xf32, #tpu.memory_space<vmem>>, vector<10240x1xf32>
    %get3A_2 = arith.constant 0 : index
    %get3A_3 = arith.constant 0 : index
    %get3A_4 = arith.constant 0 : index
    %get3A_5 = vector.load %arg0[%get3A_2, %get3A_3, %get3A_4] : memref<2x10240x128xf32, #tpu.memory_space<vmem>>, vector<1x10000x128xf32>
    %get3A_6 = vector.shape_cast %get3A_5 : vector<1x10000x128xf32> to vector<10000x128xf32>
    %get3A_7 = arith.constant 1 : index
    %get3A_8 = arith.constant 0 : index
    %get3A_9 = arith.constant 0 : index
    %get3A_10 = vector.load %arg0[%get3A_7, %get3A_8, %get3A_9] : memref<2x10240x128xf32, #tpu.memory_space<vmem>>, vector<1x10000x128xf32>
    %get3A_11 = vector.shape_cast %get3A_10 : vector<1x10000x128xf32> to vector<10000x128xf32>
    %add3A = arith.addf %get3A_6, %get3A_11 : vector<10000x128xf32>
    %get3A_12 = arith.constant 0 : index
    %get3A_13 = arith.constant 0 : index
    %get3A_14 = vector.load %arg1[%get3A_12, %get3A_13] : memref<10240x128xf32, #tpu.memory_space<vmem>>, vector<10000x128xf32>
    %add3A_15 = arith.addf %add3A, %get3A_14 : vector<10000x128xf32>
    %slice3A = vector.extract_strided_slice %get3A_1 {offsets = [0, 0], sizes = [10000, 1], strides = [1, 1]} : vector<10240x1xf32> to vector<10000x1xf32>
    %mul3A = vector.broadcast %slice3A : vector<10000x1xf32> to vector<10000x128xf32>
    %mul3A_16 = arith.mulf %mul3A, %add3A_15 : vector<10000x128xf32>
    %get3A_17 = arith.constant 0 : index
    %get3A_18 = arith.constant 0 : index
    %get3A_19 = vector.load %arg4[%get3A_17, %get3A_18] : memref<1x128xf32, #tpu.memory_space<vmem>>, vector<1x128xf32>
    %add3A_20 = vector.broadcast %get3A_19 : vector<1x128xf32> to vector<10000x128xf32>
    %add3A_21 = arith.addf %mul3A_16, %add3A_20 : vector<10000x128xf32>
    %max3A = arith.constant 0.000000e+00 : f32
    %max3A_22 = vector.broadcast %max3A : f32 to vector<10000x128xf32>
    %max3A_23 = arith.maximumf %add3A_21, %max3A_22 : vector<10000x128xf32>
    %get3A_24 = arith.constant 0 : index
    %get3A_25 = arith.constant 0 : index
    %get3A_26 = vector.load %arg3[%get3A_24, %get3A_25] : memref<128x128xf32, #tpu.memory_space<vmem>>, vector<128x128xf32>
    %dot_general3A = arith.constant dense<0.000000e+00> : vector<10000x128xf32>
    %dot_general3A_27 = tpu.matmul %max3A_23, %get3A_26, %dot_general3A {dimension_numbers = #tpu.dot_dimension_numbers<[1], [0], [0], [1], [0, 0, 1, 1], [], []>, transpose_lhs_hint = false} : vector<10000x128xf32>, vector<128x128xf32>, vector<10000x128xf32> -> vector<10000x128xf32>
    %slice3A_28 = vector.extract_strided_slice %get3A_1 {offsets = [0, 0], sizes = [10000, 1], strides = [1, 1]} : vector<10240x1xf32> to vector<10000x1xf32>
    %mul3A_29 = vector.broadcast %slice3A_28 : vector<10000x1xf32> to vector<10000x128xf32>
    %mul3A_30 = arith.mulf %dot_general3A_27, %mul3A_29 : vector<10000x128xf32>
    %swap3A = arith.constant 0 : index
    %swap3A_31 = arith.constant 0 : index
    %swap3A_32 = vector.load %arg5[%swap3A, %swap3A_31] : memref<10240x128xf32, #tpu.memory_space<vmem>>, vector<10000x128xf32>
    tpu.vector_store %arg5[%swap3A, %swap3A_31], %mul3A_30 {strides = array<i32>} : memref<10240x128xf32, #tpu.memory_space<vmem>>, vector<10000x128xf32>,
    %broadcast_in_dim3A = arith.constant 0.000000e+00 : f32
    %broadcast_in_dim3A_33 = vector.broadcast %broadcast_in_dim3A : f32 to vector<240x128xf32>
    %swap3A_34 = arith.constant 10000 : index
    %swap3A_35 = arith.constant 0 : index
    %swap3A_36 = vector.load %arg5[%swap3A_34, %swap3A_35] : memref<10240x128xf32, #tpu.memory_space<vmem>>, vector<240x128xf32>
    tpu.vector_store %arg5[%swap3A_34, %swap3A_35], %broadcast_in_dim3A_33 {strides = array<i32>} : memref<10240x128xf32, #tpu.memory_space<vmem>>, vector<240x128xf32>,
    return
  }
}

module attributes {stable_mosaic.version = 14 : i64} {
  func.func @_tc_last_body(%arg0: memref<2x10240x128xf32, #tpu.memory_space<vmem>>, %arg1: memref<10240x128xf32, #tpu.memory_space<vmem>>, %arg2: memref<10240x1xf32, #tpu.memory_space<vmem>>, %arg3: memref<1x128xf32, #tpu.memory_space<vmem>>, %arg4: memref<10000x128xf32, #tpu.memory_space<vmem>>) attributes {dimension_semantics = [], scalar_prefetch = 0 : i64, scratch_operands = 0 : i64, tpu.core_type = #tpu.core_type<tc>} {
    %get3A = arith.constant 0 : index
    %get3A_0 = arith.constant 0 : index
    %get3A_1 = vector.load %arg2[%get3A, %get3A_0] : memref<10240x1xf32, #tpu.memory_space<vmem>>, vector<10240x1xf32>
    %get3A_2 = arith.constant 0 : index
    %get3A_3 = arith.constant 0 : index
    %get3A_4 = arith.constant 0 : index
    %get3A_5 = vector.load %arg0[%get3A_2, %get3A_3, %get3A_4] : memref<2x10240x128xf32, #tpu.memory_space<vmem>>, vector<1x10000x128xf32>
    %get3A_6 = vector.shape_cast %get3A_5 : vector<1x10000x128xf32> to vector<10000x128xf32>
    %get3A_7 = arith.constant 1 : index
    %get3A_8 = arith.constant 0 : index
    %get3A_9 = arith.constant 0 : index
    %get3A_10 = vector.load %arg0[%get3A_7, %get3A_8, %get3A_9] : memref<2x10240x128xf32, #tpu.memory_space<vmem>>, vector<1x10000x128xf32>
    %get3A_11 = vector.shape_cast %get3A_10 : vector<1x10000x128xf32> to vector<10000x128xf32>
    %add3A = arith.addf %get3A_6, %get3A_11 : vector<10000x128xf32>
    %get3A_12 = arith.constant 0 : index
    %get3A_13 = arith.constant 0 : index
    %get3A_14 = vector.load %arg1[%get3A_12, %get3A_13] : memref<10240x128xf32, #tpu.memory_space<vmem>>, vector<10000x128xf32>
    %add3A_15 = arith.addf %add3A, %get3A_14 : vector<10000x128xf32>
    %slice3A = vector.extract_strided_slice %get3A_1 {offsets = [0, 0], sizes = [10000, 1], strides = [1, 1]} : vector<10240x1xf32> to vector<10000x1xf32>
    %mul3A = vector.broadcast %slice3A : vector<10000x1xf32> to vector<10000x128xf32>
    %mul3A_16 = arith.mulf %mul3A, %add3A_15 : vector<10000x128xf32>
    %get3A_17 = arith.constant 0 : index
    %get3A_18 = arith.constant 0 : index
    %get3A_19 = vector.load %arg3[%get3A_17, %get3A_18] : memref<1x128xf32, #tpu.memory_space<vmem>>, vector<1x128xf32>
    %add3A_20 = vector.broadcast %get3A_19 : vector<1x128xf32> to vector<10000x128xf32>
    %add3A_21 = arith.addf %mul3A_16, %add3A_20 : vector<10000x128xf32>
    %swap3A = arith.constant 0 : index
    %swap3A_22 = arith.constant 0 : index
    %swap3A_23 = vector.load %arg4[%swap3A, %swap3A_22] : memref<10000x128xf32, #tpu.memory_space<vmem>>, vector<10000x128xf32>
    tpu.vector_store %arg4[%swap3A, %swap3A_22], %add3A_21 {strides = array<i32>} : memref<10000x128xf32, #tpu.memory_space<vmem>>, vector<10000x128xf32>,
    return
  }
}

</mosaic_0001>

<sc_bundles>
// kernel: kernel.10.cloned.1.call-start
scs
__scs_entry_jumppad:
0x0: {  	(pc) =	sbr.rel $0x88, $3  }
0x1: {  	(tag) =	ssettag $0x0;
	lr =	simm.s32 $0x1  }
0x2: {  	[smem:$0x3F99] =	sst lr;
	_ =	strace $0xD0000000  }
0x3: {  	_ = 	snop  }
0x4: {  	_ = 	snop  }
0x5: {  	_ = 	snop  }
0x6: {  	_ = 	snop  }
0x7: {  	_ = 	snop  }
__scs_overlays_trampoline_lowered:
0x8: {  	[smem:$0x3FA8] =	sst s0  }
0x9: {  	[smem:$0x3FA9] =	sst s1  }
0xa: {  	[smem:$0x3FAA] =	sst s2  }
0xb: {  	[smem:$0x3FAB] =	sst s3  }
0xc: {  	[smem:$0x3FAC] =	sst s4  }
0xd: {  	[smem:$0x3FAD] =	sst s5  }
0xe: {  	[smem:$0x3FAE] =	sst s6  }
0xf: {  	[smem:$0x3FAF] =	sst s7  }
0x10: {  	[smem:$0x3FB0] =	sst s8  }
0x11: {  	[smem:$0x3FB1] =	sst s9;
	s0 =	simm.s32 @!p0 $0x0  }
0x12: {  	s1 =	sld [smem:$0x3F97];
	s0 =	simm.s32 @p0 $0x1  }
0x13: {  	[smem:$0x3FB2] =	sst s0;
	s0 =	simm.s32 @!p1 $0x0  }
0x14: {  	s2 =	sld [smem:$0x3F96];
	s0 =	simm.s32 @p1 $0x1  }
0x15: {  	[smem:$0x3FB3] =	sst s0;
	s0 =	simm.s32 @!p2 $0x0  }
0x16: {  	s3 =	sld [smem:$0x3FDB];
	s0 =	simm.s32 @p2 $0x1  }
0x17: {  	s4 =	simm.s32 $0x1BF5;
	[smem:$0x3FB5] =	sst s0  }
0x18: {  	s0 =	sld [smem:$0x3F98];
	_ =	swait.ge [sflag:s4], $0x0  }
0x19: {  	s7 =	sld [smem:$0x3F99]  }
0x1a: {  	s8 =	sadd.s32 $0xFFFFE003, lr  }
0x1b: {  	s9 =	sadd.s32 $0xFFFFFEF7, lr;
	s5 =	simm.s32 $0xFFFFFFFF;
	p2 =	slt.u32 s8, $0xFFFFF086  }
0x1c: {  	p1 =	slt.u32 s9, $0xF7A;
	s5 =	simm.s32 @!p2 $0x0  }
0x1d: {  	s5 =	simm.s32 @p1 $0x1;
	p0 =	seq.s32 s7, s2  }
0x1e: {  	s7 =	smul.u32 @!p0 $0xF7A, s2;
	p2 =	seq.s32 @!p0 s5, $0x0  }
0x1f: {  	s9 =	smul.u32 $0xF7A, s1;
	s8 =	simm.s32 @!p0 $0x1BF5;
	p2 =	por !p2, p0  }
0x20: {  	[sflag:s8] =	ssyncset.s32 @!p0 $0xFFFFF086;
	s6 =	sadd.s32 @!p0 s3, s7;
	s7 =	simm.s32 @!p0 $0x108  }
0x21: {  	s3 =	sadd.s32 s3, s9;
	s6 =	sadd.s32 @!p0 $0x88, s6;
	s7 =	simm.s32 @p2 $0x1082  }
0x22: {  	[simem:s7], [sflag:s8] =	dma.local @!p0 [hbm:s6], $0xF7A  }
0x23: {  	s9 =	sor.u32 $0xD0000000, s2;
	s6 =	simm.s32 $0x108;
	_ =	swait.ge @!p0 [sflag:s8], $0x0  }
0x24: {  	s3 =	sadd.s32 $0x88, s3;
	s6 =	simm.s32 @!p1 $0x1082;
	[sflag:s4] =	ssyncset.s32 $0xFFFFF086  }
0x25: {  	[simem:s6], [sflag:s4] =	dma.local [hbm:s3], $0xF7A  }
0x26: {  	[smem:$0x3F99] =	sst s1;
	(tag) =	ssettag s2;
	_ =	strace s9  }
0x27: {  	s1 =	sld [smem:$0x3FA9]  }
0x28: {  	s2 =	sld [smem:$0x3FAA]  }
0x29: {  	s4 =	sld [smem:$0x3FAC]  }
0x2a: {  	p0 =	seq.s32 s5, $0x0;
	s5 =	sld [smem:$0x3FAD]  }
0x2b: {  	s6 =	sld [smem:$0x3FAE]  }
0x2c: {  	s7 =	sld [smem:$0x3FAF]  }
0x2d: {  	s3 =	simm.s32 $0x108;
	s8 =	sld [smem:$0x3FB0]  }
0x2e: {  	s3 =	simm.s32 @!p0 $0x1082;
	s9 =	sld [smem:$0x3FB1]  }
0x2f: {  	lr =	sadd.s32 s0, s3;
	s0 =	sld [smem:$0x3FA8]  }
0x30: {  	s3 =	sld [smem:$0x3FAB]  }
0x31: {  	[smem:$0x3FB4] =	sst s10  }
0x32: {  	s10 =	sld [smem:$0x3FB2];
	_ =	sdelay $0x3  }
0x33: {  	p0 =	seq.s32 s10, $0x1;
	s10 =	sld [smem:$0x3FB4];
	_ =	sdelay $0x3  }
0x34: {  	[smem:$0x3FB4] =	sst s10  }
0x35: {  	s10 =	sld [smem:$0x3FB3];
	_ =	sdelay $0x3  }
0x36: {  	p1 =	seq.s32 s10, $0x1;
	s10 =	sld [smem:$0x3FB4];
	_ =	sdelay $0x3  }
0x37: {  	[smem:$0x3FB4] =	sst s10  }
0x38: {  	s10 =	sld [smem:$0x3FB5]  }
0x39: {  	_ = 	snop;
	(pc) =	sbr.ind lr, $3  }
0x3a: {  	_ = 	snop  }
0x3b: {  	_ = 	snop  }
0x3c: {  	p2 =	seq.s32 s10, $0x1;
	s10 =	sld [smem:$0x3FB4]  }
0x3d: {  	_ =	shalt  }
0x3e: {  	_ =	shalt  }
0x3f: {  	_ =	shalt  }
0x40: {  	_ =	shalt  }
0x41: {  	_ =	shalt  }
0x42: {  	_ =	shalt  }
0x43: {  	_ =	shalt  }
0x44: {  	_ =	shalt  }
0x45: {  	_ =	shalt  }
0x46: {  	_ =	shalt  }
0x47: {  	_ =	shalt  }
0x48: {  	_ =	shalt  }
0x49: {  	_ =	shalt  }
0x4a: {  	_ =	shalt  }
0x4b: {  	_ =	shalt  }
0x4c: {  	_ =	shalt  }
0x4d: {  	_ =	shalt  }
0x4e: {  	_ =	shalt  }
0x4f: {  	_ =	shalt  }
0x50: {  	_ =	shalt  }
0x51: {  	_ =	shalt  }
0x52: {  	_ =	shalt  }
0x53: {  	_ =	shalt  }
0x54: {  	_ =	shalt  }
0x55: {  	_ =	shalt  }
0x56: {  	_ =	shalt  }
0x57: {  	_ =	shalt  }
0x58: {  	_ =	shalt  }
0x59: {  	_ =	shalt  }
0x5a: {  	_ =	shalt  }
0x5b: {  	_ =	shalt  }
0x5c: {  	_ =	shalt  }
0x5d: {  	_ =	shalt  }
0x5e: {  	_ =	shalt  }
0x5f: {  	_ =	shalt  }
0x60: {  	_ =	shalt  }
0x61: {  	_ =	shalt  }
0x62: {  	_ =	shalt  }
0x63: {  	_ =	shalt  }
0x64: {  	_ =	shalt  }
0x65: {  	_ =	shalt  }
0x66: {  	_ =	shalt  }
0x67: {  	_ =	shalt  }
0x68: {  	_ =	shalt  }
0x69: {  	_ =	shalt  }
0x6a: {  	_ =	shalt  }
0x6b: {  	_ =	shalt  }
0x6c: {  	_ =	shalt  }
0x6d: {  	_ =	shalt  }
0x6e: {  	_ =	shalt  }
0x6f: {  	_ =	shalt  }
0x70: {  	_ =	shalt  }
0x71: {  	_ =	shalt  }
0x72: {  	_ =	shalt  }
0x73: {  	_ =	shalt  }
0x74: {  	_ =	shalt  }
0x75: {  	_ =	shalt  }
0x76: {  	_ =	shalt  }
0x77: {  	_ =	shalt  }
0x78: {  	_ =	shalt  }
0x79: {  	_ =	shalt  }
0x7a: {  	_ =	shalt  }
0x7b: {  	_ =	shalt  }
0x7c: {  	_ =	shalt  }
0x7d: {  	_ =	shalt  }
0x7e: {  	_ =	shalt  }
0x7f: {  	_ =	shalt  }
0x80: {  	_ =	shalt  }
0x81: {  	_ =	shalt  }
0x82: {  	_ =	shalt  }
0x83: {  	_ =	shalt  }
0x84: {  	_ =	shalt  }
0x85: {  	_ =	shalt  }
0x86: {  	_ =	shalt  }
0x87: {  	_ =	shalt  }
.Lfunc_end0:
.L_simem_size_0:
called_computation_lowered:
.L_overlay_start_0:
0x88: {  	s2 =	sld [smem:$0x3FD9]  }
0x89: {  	s3 =	sld [smem:$0x3FFE];
	_ =	sdelay $0x1  }
0x8a: {  	s1 =	srdreg.scid  }
0x8b: {  	s0 =	sand.u32 $0x1, s1  }
0x8c: {  	s16 =	sshll.u32 s0, $0xA;
	s2 =	sadd.s32 s3, s2  }
0x8d: {  	s2 =	sadd.s32 s2, s16  }
0x8e: {  	[smem:$0x3FC0] =	sst s2  }
0x8f: {  	_ = 	snop  }
0x90: {  	(tm) =	ssettm $0x1  }
0x91: {  	s17 =	sld [smem:$0x3FFB];
	_ =	sdelay $0x3  }
0x92: {  	_ =	strace s17  }
0x93: {  	s2 =	sld [smem:$0x3FFC];
	_ =	sdelay $0x3  }
0x94: {  	_ =	strace s2  }
0x95: {  	s2 =	sld [smem:$0x3FFD];
	_ =	sdelay $0x3  }
0x96: {  	_ =	strace s2  }
0x97: {  	_ =	strace $0x8FFFFFFF  }
0x98: {  	s18 =	sld [smem:$0x3FDB];
	_ =	sdelay $0x1  }
0x99: {  	s19 =	simm.s32 $_scs_section_size  }
0x9a: {  	s4 =	simm.s32 $_size__tile_overlayer_lowered;
	s5 =	simm.s32 $_tile_overlayer_lowered  }
0x9b: {  	s22 =	simm.s32 $0x1BFF;
	s21 =	sshll.u32 s5, $0x1;
	s2 =	sadd.s32 s19, s18  }
0x9c: {  	s6 =	simm.s32 $0x0;
	s20 =	sshll.u32 s4, $0x1;
	s4 =	sadd.s32 s21, s2  }
0x9d: {  	[timem:s6], [sflag:s22] =	dma.local [hbm:s4], s20  }
0x9e: {  	_ =	swait.ge [sflag:s22], s20  }
0x9f: {  	s3 =	ssub.s32 $0x0, s20;
	[sflag:s22] =	ssyncset.done $0x0  }
0xa0: {  	[sflag:s22] =	ssyncadd.s32 s3;
	_ =	sdelay $0x1  }
0xa1: {  	s23 =	simm.s32 $0x1B8B  }
0xa2: {  	_ =	swait.ge [sflag:s23], $0x1  }
0xa3: {  	[sflag:s23] =	ssyncset.done $0x0  }
0xa4: {  	s25 =	simm.s32 $0x1B8E;
	s24 =	sld [smem:$0x3FFE];
	[sflag:s23] =	ssyncadd.s32 $0xFFFFFFFF  }
0xa5: {  	s26 =	simm.s32 $execute0_lowered;
	[smem:$0x3FD2] =	sst s25  }
0xa6: {  	s4 =	sshll.u32 s26, $0x1;
	_ =	strace $0x80000046;
	[dreg:$0x1] =	wrdreg $0xFFFFFFFF  }
0xa7: {  	s28 =	simm.s32 $_size_execute0_lowered;
	s2 =	sadd.s32 s2, s4;
	[dreg:$0x0] =	wrdreg $0x0  }
0xa8: {  	s4 =	sshll.u32 s28, $0x1;
	[dreg:$0x2] =	wrdreg s2  }
0xa9: {  	[dreg:$0x3] =	wrdreg s4  }
0xaa: {  	[dreg:$0x4] =	wrdreg $0xC0  }
0xab: {  	_ =	task [dreg:s6], $0x5FFFF  }
0xac: {  	[dreg:$0x1] =	wrdreg $0xFFFFFFFF  }
0xad: {  	[dreg:$0x0] =	wrdreg $0x60  }
0xae: {  	[dreg:$0x2] =	wrdreg s24  }
0xaf: {  	[dreg:$0x3] =	wrdreg $0x0  }
0xb0: {  	[dreg:$0x4] =	wrdreg $0x9  }
0xb1: {  	_ =	task.clear_ibuf [dreg:s6], $0x5FFFF;
	_ =	strace $0x90000046  }
0xb2: {  	s29 =	simm.s32 $0x9;
	_ =	strace $0x80000048  }
0xb3: {  	_ =	swait.ge [sflag:s29], $0x1  }
0xb4: {  	[sflag:s29] =	ssyncadd.s32 $0xFFFFFFFF  }
0xb5: {  	_ =	strace $0x90000048  }
0xb6: {  	_ =	sfence  }
0xb7: {  	s30 =	sld [smem:$0x0];
	_ =	sdelay $0x2  }
0xb8: {  	s31 =	sshll.u32 s1, $0xD;
	s1 =	sshrl.u32 s1, $0x2  }
0xb9: {  	s3 =	sand.u32 $0x4000, s31;
	s1 =	sadd.s32 s1, s30  }
0xba: {  	s0 =	sor.u32 s3, s0;
	s1 =	sshll.u32 s1, $0x11  }
0xbb: {  	s0 =	sor.u32 s1, s0  }
0xbc: {  	s0 =	sadd.s32 $0x8F2B, s0  }
0xbd: {  	[sflag:s0] =	ssyncadd.remote.s32 $0x1  }
0xbe: {  	_ =	sfence.sel $0xFFFF  }
0xbf: {  	[dreg:$0x0] =	wrdreg $0xFFFFFFFF;
	(pc) =	sbr.abs _section_cstart, $3  }
0xc0: {  	[dreg:$0x1] =	wrdreg $0xFFFFFFFF  }
0xc1: {  	_ =	task.clear_ibuf [dreg:s6], $0x2FFFF;
	_ =	strace $0x9FFFFFFF  }
0xc2: {  	(tm) =	ssettm $0x7FFFFFFF  }
0xc3: {  	_ =	shalt  }
tec
execute0_lowered:
.L_overlay_start_1:
0x0: {  	(tag) =	ssettag $0x1  }
0x1: {  	s0 =	rddreg [dreg:$0x0]  }
0x2: {  	s2 =	rddreg [dreg:$0x1];
	s3 =	simm.s32 $0x0;
	s1 =	srdreg.scid  }
0x3: {  	s9 =	stileid.u32;
	s28 =	simm.s32 $0x50;
	s29 =	simm.s32 $0x280  }
0x4: {  	s30 =	simm.s32 $0x2;
	s31 =	simm.s32 $0x800;
	s4 =	smul.u32 $0x500, s9  }
0x5: {  	[smem:$0x7FF] =	sst s3;
	s1 =	sand.u32 $0x1, s1;
	s10 =	smul.u32 $0xA00, s9  }
0x6: {  	s7 =	sadd.s32 $0x3400, s0;
	_ =	strace $0x80000047;
	s5 =	sshll.u32 s1, $0x7  }
0x7: {  	s6 =	sshll.u32 s1, $0x4;
	s11 =	ssub.s32 $0x2, s1;
	s1 =	smul.u32 $0x28000, s1  }
0x8: {  	s4 =	sor.u32 s5, s4;
	s6 =	sor.u32 s9, s6;
	s8 =	sshrl.u32 s11, $0x1  }
0x9: {  	s9 =	smul.u32 $0x2800, s9;
	s5 =	sshrl.u32 s10, $0x2;
	s10 =	simm.s32 $0xB  }
0xa: {  	s4 =	sshrl.u32 s4, $0x3;
	s6 =	smul.u32 $0x2800, s6;
	s22 =	sadd.s32 s5, s2  }
0xb: {  	s5 =	simm.s32 $0xC;
	s0 =	sadd.s32 s4, s0;
	s4 =	ssub.s32 s11, s8  }
0xc: {  	s1 =	sadd.s32 s9, s1;
	s8 =	simm.s32 $0x9;
	s9 =	simm.s32 $0x7  }
0xd: {  	[dreg:$0x4] =	wrdreg s22;
	s6 =	sshrl.u32 s6, $0x3;
	s15 =	sor.u32 $0x370, s1  }
0xe: {  	s0 =	sadd.s32 $0xD400, s0;
	s17 =	sor.u32 $0x320, s1;
	s4 =	smax.u32 s4, $0x1  }
0xf: {  	s19 =	sor.u32 $0x2D0, s1;
	s20 =	sor.u32 $0x280, s1;
	s21 =	sor.u32 $0x230, s1  }
0x10: {  	s24 =	sor.u32 $0x1E0, s1;
	s25 =	sor.u32 $0x190, s1;
	s1 =	sor.u32 $0x140, s1  }
0x11: {  	s6 =	sadd.s32 s7, s6;
	[dreg:$0x8] =	wrdreg s0;
	s16 =	sshrl.u32 s15, $0x3  }
0x12: {  	[dreg:$0x9] =	wrdreg s4;
	s18 =	sshrl.u32 s17, $0x3;
	s4 =	sshrl.u32 s20, $0x3  }
0x13: {  	s23 =	sshrl.u32 s21, $0x3;
	s26 =	sshrl.u32 s1, $0x3;
	s20 =	simm.s32 $0xD  }
0x14: {  	s1 =	simm.s32 $0x880;
	s12 =	sadd.s32 $0xA, s6;
	[dreg:$0x3] =	wrdreg s6  }
0x15: {  	s21 =	simm.s32 $0x0;
	s13 =	sadd.s32 $0x14, s6;
	[dreg:$0x5] =	wrdreg s12  }
0x16: {  	s14 =	sadd.s32 $0x1E, s6;
	s0 =	sadd.s32 s16, s7;
	[dreg:$0x6] =	wrdreg s13  }
0x17: {  	s15 =	sadd.s32 s23, s7;
	s23 =	simm.s32 $0x680;
	[dreg:$0x7] =	wrdreg s14  }
0x18: {  	s6 =	simm.s32 $0x900;
	[dreg:$0xa] =	wrdreg s0;
	s12 =	sadd.s32 s18, s7  }
.Ltmp0:
0x19: {  	s0 =	sshrl.u32 s19, $0x3;
	s14 =	sadd.s32 s4, s7;
	(pc) =	sbr.rel .LBB2_1-.Ltmp0, $4  }
0x1a: {  	s4 =	sshrl.u32 s25, $0x3;
	s18 =	sadd.s32 s26, s7;
	s25 =	simm.s32 $0x1  }
0x1b: {  	s19 =	simm.s32 $0x4;
	s13 =	sadd.s32 s0, s7;
	s0 =	sshrl.u32 s24, $0x3  }
0x1c: {  	s17 =	sadd.s32 s4, s7;
	s24 =	simm.s32 $0x700;
	s4 =	simm.s32 $0x8  }
0x1d: {  	v0 =	vimm.f32 $1.000000000e+00;
	v1 =	vimm.f32 $0.0e+00;
	s16 =	sadd.s32 s0, s7;
	s0 =	simm.s32 $0x3;
	s7 =	simm.s32 $0x5  }
.LBB2_4:
0x1e: {  	[spmem:s2] =	stream.indirect.scatter.add.f32 [tilespmem:s29], [sflag:$0xB], $0x1, s1, s28, $0xb8;
	[tilespmem:$0x980] =	vst v63  }
0x1f: {  	_ =	swait.ge [sflag:s4], $0x50  }
0x20: {  	[sflag:s4] =	ssyncset.done $0x0  }
0x21: {  	[sflag:s4] =	ssyncadd.s32 $0xFFFFFFB0  }
0x22: {  	_ =	swait.ge [sflag:s5], $0x50  }
0x23: {  	[sflag:s5] =	ssyncset.done $0x0  }
0x24: {  	[sflag:s5] =	ssyncadd.s32 $0xFFFFFFB0  }
0x25: {  	[spmem:s2] =	stream.indirect.scatter.add.f32 [tilespmem:s29], [sflag:$0xC], $0x1, s6, s28, $0xb8;
	[tilespmem:$0x980] =	vst v63  }
0x26: {  	_ =	swait.ge [sflag:s8], $0x50  }
0x27: {  	[sflag:s8] =	ssyncset.done $0x0  }
0x28: {  	s11 =	simm.s32 $0xA;
	[sflag:s8] =	ssyncadd.s32 $0xFFFFFFB0  }
0x29: {  	_ =	swait.ge [sflag:s11], $0x50  }
0x2a: {  	[sflag:s11] =	ssyncset.done $0x0  }
0x2b: {  	[sflag:s11] =	ssyncadd.s32 $0xFFFFFFB0  }
0x2c: {  	_ =	swait.ge [sflag:s10], $0x50  }
0x2d: {  	[sflag:s10] =	ssyncset.done $0x0  }
0x2e: {  	[sflag:s10] =	ssyncadd.s32 $0xFFFFFFB0  }
0x2f: {  	_ =	swait.ge [sflag:s5], $0x50  }
0x30: {  	s22 =	stileid.u32;
	[sflag:s5] =	ssyncset.done $0x0  }
0x31: {  	s11 =	sshll.u32 s22, $0x6;
	[sflag:s5] =	ssyncadd.s32 $0xFFFFFFB0  }
0x32: {  	s11 =	sor.u32 $0x1C0D, s11;
	[bflag:$0x0] =	sbarrier.arrive $0xFFFF  }
0x33: {  	[dreg:$0xc] =	wrdreg s11  }
0x34: {  	s26 =	rddreg [dreg:$0x4]  }
0x35: {  	s21 =	simm.s32 $0x10;
	s22 =	rddreg [dreg:$0x8]  }
0x36: {  	s20 =	sshrl.u32 s26, $0x3;
	s26 =	simm.s32 $0x20;
	s11 =	rddreg [dreg:$0xc]  }
0x37: {  	[hbm:s22@s26], [sflag:s11] =	dma.strided [spmem:s20@s21], $0x50, s25, $0x10   }
0x38: {  	s20 =	simm.s32 $0xD  }
0x39: {  	s22 =	rddreg [dreg:$0x4];
	_ =	swait.ge [sflag:s20], $0x50  }
0x3a: {  	s11 =	rddreg [dreg:$0xb]  }
0x3b: {  	s26 =	rddreg [dreg:$0x9];
	s21 =	sadd.s32 $0x1, s11  }
0x3c: {  	p0 =	sne.s32 s21, s26  }
.Ltmp1:
0x3d: {  	_ = 	snop;
	(pc) =	sbr.rel @!p0 .LBB2_5-.Ltmp1, $3  }
0x3e: {  	_ =	sdelay $0x1  }
0x3f: {  	[sflag:s20] =	ssyncset.done $0x0  }
0x40: {  	[sflag:s20] =	ssyncadd.s32 $0xFFFFFFB0  }
.LBB2_1:
0x41: {  	[tilespmem:$0x280] =	vst v0  }
0x42: {  	[tilespmem:$0x290] =	vst v0  }
0x43: {  	[tilespmem:$0x2A0] =	vst v0  }
0x44: {  	[tilespmem:$0x2B0] =	vst v0  }
0x45: {  	[tilespmem:$0x2C0] =	vst v0  }
0x46: {  	[tilespmem:$0x300] =	vst v1  }
0x47: {  	[tilespmem:$0x310] =	vst v1  }
0x48: {  	[tilespmem:$0x320] =	vst v1  }
0x49: {  	[tilespmem:$0x330] =	vst v1  }
0x4a: {  	[tilespmem:$0x340] =	vst v1  }
0x4b: {  	[tilespmem:$0x350] =	vst v1  }
0x4c: {  	[tilespmem:$0x360] =	vst v1  }
0x4d: {  	[tilespmem:$0x370] =	vst v1  }
0x4e: {  	[tilespmem:$0x380] =	vst v1  }
0x4f: {  	[tilespmem:$0x390] =	vst v1  }
0x50: {  	[tilespmem:$0x3A0] =	vst v1  }
0x51: {  	[tilespmem:$0x3B0] =	vst v1  }
0x52: {  	[tilespmem:$0x3C0] =	vst v1  }
0x53: {  	[tilespmem:$0x3D0] =	vst v1  }
0x54: {  	[tilespmem:$0x3E0] =	vst v1  }
0x55: {  	[tilespmem:$0x3F0] =	vst v1  }
0x56: {  	[tilespmem:$0x400] =	vst v1  }
0x57: {  	[tilespmem:$0x410] =	vst v1  }
0x58: {  	[tilespmem:$0x420] =	vst v1  }
0x59: {  	[tilespmem:$0x430] =	vst v1  }
0x5a: {  	[tilespmem:$0x440] =	vst v1  }
0x5b: {  	[tilespmem:$0x450] =	vst v1  }
0x5c: {  	[tilespmem:$0x460] =	vst v1  }
0x5d: {  	[tilespmem:$0x470] =	vst v1  }
0x5e: {  	[tilespmem:$0x480] =	vst v1  }
0x5f: {  	[tilespmem:$0x490] =	vst v1  }
0x60: {  	[tilespmem:$0x4A0] =	vst v1  }
0x61: {  	[tilespmem:$0x4B0] =	vst v1  }
0x62: {  	[tilespmem:$0x4C0] =	vst v1  }
0x63: {  	[tilespmem:$0x4D0] =	vst v1  }
0x64: {  	[tilespmem:$0x4E0] =	vst v1  }
0x65: {  	[tilespmem:$0x4F0] =	vst v1  }
0x66: {  	[tilespmem:$0x500] =	vst v1  }
0x67: {  	[tilespmem:$0x510] =	vst v1  }
0x68: {  	[tilespmem:$0x520] =	vst v1  }
0x69: {  	[tilespmem:$0x530] =	vst v1  }
0x6a: {  	[tilespmem:$0x540] =	vst v1  }
0x6b: {  	[tilespmem:$0x550] =	vst v1  }
0x6c: {  	[tilespmem:$0x560] =	vst v1  }
0x6d: {  	[dreg:$0xb] =	wrdreg s21;
	[tilespmem:$0x570] =	vst v1;
	s11 =	simm.s32 $0x300  }
0x6e: {  	[spmem:s22] =	stream.linear.scatter [tilespmem:s11], [sflag:$0xD], $0x280, $0x38;
	[tilespmem:$0x980] =	vst v63  }
0x6f: {  	_ =	swait.ge [sflag:s20], $0x280  }
0x70: {  	[sflag:s20] =	ssyncset.done $0x0  }
0x71: {  	[sflag:s20] =	ssyncadd.s32 $0xFFFFFD80  }
0x72: {  	[bflag:$0x0] =	sbarrier.arrive $0xFFFF  }
0x73: {  	s26 =	simm.s32 $0x580;
	s22 =	rddreg [dreg:$0x3]  }
0x74: {  	[tilespmem:s26], [sflag:$0x1] =	stream.linear.gather [hbm4b:s22+s3], $0x50, $0x38;
	[tilespmem:$0x980] =	vst v63  }
0x75: {  	s21 =	simm.s32 $0x600;
	s20 =	rddreg [dreg:$0x5]  }
0x76: {  	[tilespmem:s21], [sflag:$0x2] =	stream.linear.gather [hbm4b:s20+s3], $0x50, $0x38;
	[tilespmem:$0x980] =	vst v63  }
0x77: {  	s22 =	rddreg [dreg:$0x6]  }
0x78: {  	[tilespmem:s23], [sflag:$0x3] =	stream.linear.gather [hbm4b:s22+s3], $0x50, $0x38;
	[tilespmem:$0x980] =	vst v63  }
0x79: {  	s26 =	rddreg [dreg:$0x7];
	s20 =	simm.s32 $0x0  }
0x7a: {  	[tilespmem:s24], [sflag:$0x4] =	stream.linear.gather [hbm4b:s26+s3], $0x50, $0x38;
	[tilespmem:$0x980] =	vst v63  }
.LBB2_2:
0x7b: {  	_ =	swait.ge [sflag:s25], $0x50  }
0x7c: {  	p0 =	seq.s32 s20, $0x0;
	[sflag:s25] =	ssyncset.done $0x0  }
0x7d: {  	s26 =	simm.s32 @!p0 $0x9;
	[sflag:s25] =	ssyncadd.s32 $0xFFFFFFB0  }
0x7e: {  	_ =	swait.ge @!p0 [sflag:s26], $0x50  }
0x7f: {  	[sflag:s26] =	ssyncset.done @!p0 $0x0  }
0x80: {  	s22 =	sadd.s32 s20, s18;
	s11 =	simm.s32 $0x780;
	[sflag:s26] =	ssyncadd.s32 @!p0 $0xFFFFFFB0  }
0x81: {  	[tilespmem:s11], [sflag:$0x5] =	stream.linear.gather [hbm4b:s22+s3], $0x50, $0x38;
	[tilespmem:$0x980] =	vst v63  }
0x82: {  	s21 =	simm.s32 $0x580  }
0x83: {  	[spmem:s2] =	stream.indirect.scatter.add.f32 [tilespmem:s29], [sflag:$0x9], $0x1, s21, s28, $0xb8;
	[tilespmem:$0x980] =	vst v63  }
0x84: {  	_ =	swait.ge [sflag:s30], $0x50  }
0x85: {  	[sflag:s30] =	ssyncset.done $0x0  }
0x86: {  	s26 =	simm.s32 @!p0 $0xA;
	[sflag:s30] =	ssyncadd.s32 $0xFFFFFFB0  }
0x87: {  	_ =	swait.ge @!p0 [sflag:s26], $0x50  }
0x88: {  	[sflag:s26] =	ssyncset.done @!p0 $0x0  }
0x89: {  	s22 =	sadd.s32 s20, s17;
	[sflag:s26] =	ssyncadd.s32 @!p0 $0xFFFFFFB0  }
0x8a: {  	[tilespmem:s31], [sflag:$0x6] =	stream.linear.gather [hbm4b:s22+s3], $0x50, $0x38;
	[tilespmem:$0x980] =	vst v63  }
0x8b: {  	s26 =	simm.s32 $0x600  }
0x8c: {  	[spmem:s2] =	stream.indirect.scatter.add.f32 [tilespmem:s29], [sflag:$0xA], $0x1, s26, s28, $0xb8;
	[tilespmem:$0x980] =	vst v63  }
0x8d: {  	_ =	swait.ge [sflag:s0], $0x50  }
0x8e: {  	[sflag:s0] =	ssyncset.done $0x0  }
0x8f: {  	s26 =	simm.s32 @!p0 $0xB;
	[sflag:s0] =	ssyncadd.s32 $0xFFFFFFB0  }
0x90: {  	_ =	swait.ge @!p0 [sflag:s26], $0x50  }
0x91: {  	[sflag:s26] =	ssyncset.done @!p0 $0x0  }
0x92: {  	s21 =	sadd.s32 s20, s16;
	[sflag:s26] =	ssyncadd.s32 @!p0 $0xFFFFFFB0  }
0x93: {  	[tilespmem:s1], [sflag:$0x7] =	stream.linear.gather [hbm4b:s21+s3], $0x50, $0x38;
	[tilespmem:$0x980] =	vst v63  }
0x94: {  	_ = 	snop  }
0x95: {  	[spmem:s2] =	stream.indirect.scatter.add.f32 [tilespmem:s29], [sflag:$0xB], $0x1, s23, s28, $0xb8;
	[tilespmem:$0x980] =	vst v63  }
0x96: {  	_ =	swait.ge [sflag:s19], $0x50  }
0x97: {  	[sflag:s19] =	ssyncset.done $0x0  }
0x98: {  	s26 =	simm.s32 @!p0 $0xC;
	[sflag:s19] =	ssyncadd.s32 $0xFFFFFFB0  }
0x99: {  	_ =	swait.ge @!p0 [sflag:s26], $0x50  }
0x9a: {  	[sflag:s26] =	ssyncset.done @!p0 $0x0  }
0x9b: {  	s22 =	sadd.s32 s20, s15;
	[sflag:s26] =	ssyncadd.s32 @!p0 $0xFFFFFFB0  }
0x9c: {  	[tilespmem:s6], [sflag:$0x8] =	stream.linear.gather [hbm4b:s22+s3], $0x50, $0x38;
	[tilespmem:$0x980] =	vst v63  }
0x9d: {  	_ = 	snop  }
0x9e: {  	[spmem:s2] =	stream.indirect.scatter.add.f32 [tilespmem:s29], [sflag:$0xC], $0x1, s24, s28, $0xb8;
	[tilespmem:$0x980] =	vst v63  }
0x9f: {  	_ =	swait.ge [sflag:s7], $0x50  }
0xa0: {  	[sflag:s7] =	ssyncset.done $0x0  }
0xa1: {  	[sflag:s7] =	ssyncadd.s32 $0xFFFFFFB0  }
0xa2: {  	p0 =	seq.s32 s20, $0x4B0;
	_ =	swait.ge [sflag:s8], $0x50  }
0xa3: {  	s26 =	simm.s32 @p0 $0x50;
	[sflag:s8] =	ssyncset.done $0x0  }
0xa4: {  	s21 =	simm.s32 @p0 $0x780;
	s22 =	simm.s32 @p0 $0x280;
	[sflag:s8] =	ssyncadd.s32 $0xFFFFFFB0  }
0xa5: {  	[spmem:s2] =	stream.indirect.scatter.add.f32 @p0 [tilespmem:s22], [sflag:$0x9], $0x1, s21, s26, $0xb8;
	[tilespmem:$0x980] =	vst v63  }
0xa6: {  	s21 =	simm.s32 @p0 $0x6  }
0xa7: {  	_ =	swait.ge @p0 [sflag:s21], $0x50  }
0xa8: {  	[sflag:s21] =	ssyncset.done @p0 $0x0  }
0xa9: {  	[sflag:s21] =	ssyncadd.s32 @p0 $0xFFFFFFB0;
	s21 =	simm.s32 @p0 $0xA  }
0xaa: {  	_ =	swait.ge @p0 [sflag:s21], $0x50  }
0xab: {  	s22 =	simm.s32 @!p0 $0x0;
	[sflag:s21] =	ssyncset.done @p0 $0x0  }
0xac: {  	s26 =	simm.s32 @!p0 $0x580;
	[sflag:s21] =	ssyncadd.s32 @p0 $0xFFFFFFB0;
	s21 =	sadd.s32 @!p0 s20, s14  }
0xad: {  	[tilespmem:s26], [sflag:$0x1] =	stream.linear.gather @!p0 [hbm4b:s21+s22], $0x50, $0x38;
	[tilespmem:$0x980] =	vst v63  }
0xae: {  	s11 =	simm.s32 @!p0 $0x280;
	s21 =	simm.s32 @!p0 $0x50;
	s26 =	simm.s32 @!p0 $0x780  }
0xaf: {  	[spmem:s2] =	stream.indirect.scatter.add.f32 @!p0 [tilespmem:s11], [sflag:$0x9], $0x1, s26, s21, $0xb8;
	[tilespmem:$0x980] =	vst v63  }
0xb0: {  	s11 =	simm.s32 @!p0 $0x6  }
0xb1: {  	_ =	swait.ge @!p0 [sflag:s11], $0x50  }
0xb2: {  	[sflag:s11] =	ssyncset.done @!p0 $0x0  }
0xb3: {  	[sflag:s11] =	ssyncadd.s32 @!p0 $0xFFFFFFB0;
	s11 =	simm.s32 @!p0 $0xA  }
0xb4: {  	_ =	swait.ge @!p0 [sflag:s11], $0x50  }
0xb5: {  	[sflag:s11] =	ssyncset.done @!p0 $0x0  }
0xb6: {  	s21 =	simm.s32 @!p0 $0x600;
	[sflag:s11] =	ssyncadd.s32 @!p0 $0xFFFFFFB0;
	s11 =	sadd.s32 @!p0 s20, s13  }
0xb7: {  	[tilespmem:s21], [sflag:$0x2] =	stream.linear.gather @!p0 [hbm4b:s11+s22], $0x50, $0x38;
	[tilespmem:$0x980] =	vst v63  }
0xb8: {  	_ = 	snop  }
0xb9: {  	[spmem:s2] =	stream.indirect.scatter.add.f32 [tilespmem:s29], [sflag:$0xA], $0x1, s31, s28, $0xb8;
	[tilespmem:$0x980] =	vst v63  }
0xba: {  	_ =	swait.ge [sflag:s9], $0x50  }
.Ltmp2:
0xbb: {  	[sflag:s9] =	ssyncset.done $0x0;
	(pc) =	sbr.rel @p0 .LBB2_4-.Ltmp2, $4  }
0xbc: {  	[sflag:s9] =	ssyncadd.s32 $0xFFFFFFB0  }
0xbd: {  	_ =	swait.ge [sflag:s10], $0x50  }
0xbe: {  	[sflag:s10] =	ssyncset.done $0x0  }
0xbf: {  	[sflag:s10] =	ssyncadd.s32 $0xFFFFFFB0  }
0xc0: {  	s11 =	sadd.s32 s20, s12  }
0xc1: {  	[tilespmem:s23], [sflag:$0x3] =	stream.linear.gather [hbm4b:s11+s3], $0x50, $0x38;
	[tilespmem:$0x980] =	vst v63  }
0xc2: {  	_ = 	snop  }
0xc3: {  	[spmem:s2] =	stream.indirect.scatter.add.f32 [tilespmem:s29], [sflag:$0xB], $0x1, s1, s28, $0xb8;
	[tilespmem:$0x980] =	vst v63  }
0xc4: {  	_ =	swait.ge [sflag:s4], $0x50  }
0xc5: {  	[sflag:s4] =	ssyncset.done $0x0  }
0xc6: {  	[sflag:s4] =	ssyncadd.s32 $0xFFFFFFB0  }
0xc7: {  	_ =	swait.ge [sflag:s5], $0x50  }
.Ltmp3:
0xc8: {  	[sflag:s5] =	ssyncset.done $0x0;
	s26 =	rddreg [dreg:$0xa];
	(pc) =	sbr.rel .LBB2_2-.Ltmp3, $4  }
0xc9: {  	[sflag:s5] =	ssyncadd.s32 $0xFFFFFFB0;
	s11 =	sadd.s32 s20, s26  }
0xca: {  	[tilespmem:s24], [sflag:$0x4] =	stream.linear.gather [hbm4b:s11+s3], $0x50, $0x38;
	[tilespmem:$0x980] =	vst v63  }
0xcb: {  	s20 =	sadd.s32 $0x50, s20  }
0xcc: {  	[spmem:s2] =	stream.indirect.scatter.add.f32 [tilespmem:s29], [sflag:$0xC], $0x1, s6, s28, $0xb8;
	[tilespmem:$0x980] =	vst v63  }
.LBB2_5:
0xcd: {  	_ =	sfence.sel $0x180000  }
0xce: {  	[bflag:$0x0] =	sbarrier.arrive $0xFFFF  }
0xcf: {  	_ =	strace $0x90000047  }
0xd0: {  	s0 =	stileid.u32;
	[bflag:$0x2] =	sbarrier.arrive $0xFFFF  }
0xd1: {  	p0 =	sne.s32 s0, $0x0;
	s0 =	rddreg [dreg:$0x2]  }
0xd2: {  	s0 =	sadd.s32 @!p0 $0x100000, s0  }
0xd3: {  	[sflag:s0] =	ssyncadd.tile.s32 @!p0 $0x1;
	_ =	shalt  }
.Lfunc_end2:
_tile_overlayer_lowered:
.L_overlay_start_2:
0xd4: {  	(tag) =	ssettag $0x2  }
0xd5: {  	s0 =	rddreg [dreg:$0x0];
	s2 =	stileid.u32  }
0xd6: {  	s1 =	rddreg [dreg:$0x1];
	p0 =	sne.s32 s2, $0x0  }
0xd7: {  	s3 =	rddreg [dreg:$0x2];
	[bflag:$0x3] =	sbarrier.arrive $0xFFFF;
	s2 =	simm.s32 @!p0 $0x1C0D  }
0xd8: {  	[timem:s3], [sflag:s2] =	dma.local @!p0 [hbm:s0], s1  }
0xd9: {  	s0 =	simm.s32 @!p0 $0xD  }
0xda: {  	_ =	swait.ge @!p0 [sflag:s0], s1  }
0xdb: {  	s1 =	ssub.s32 @!p0 $0x0, s1;
	[sflag:s0] =	ssyncset.done @!p0 $0x0  }
0xdc: {  	[sflag:s0] =	ssyncadd.s32 @!p0 s1  }
0xdd: {  	[bflag:$0x3] =	sbarrier.arrive $0xFFFF  }
0xde: {  	_ =	shalt  }

// kernel: kernel.13.cloned.1.call-start
scs
__scs_entry_jumppad:
0x0: {  	(pc) =	sbr.rel $0x88, $3  }
0x1: {  	(tag) =	ssettag $0x0;
	lr =	simm.s32 $0x1  }
0x2: {  	[smem:$0x3F99] =	sst lr;
	_ =	strace $0xD0000000  }
0x3: {  	_ = 	snop  }
0x4: {  	_ = 	snop  }
0x5: {  	_ = 	snop  }
0x6: {  	_ = 	snop  }
0x7: {  	_ = 	snop  }
__scs_overlays_trampoline_lowered:
0x8: {  	[smem:$0x3FA8] =	sst s0  }
0x9: {  	[smem:$0x3FA9] =	sst s1  }
0xa: {  	[smem:$0x3FAA] =	sst s2  }
0xb: {  	[smem:$0x3FAB] =	sst s3  }
0xc: {  	[smem:$0x3FAC] =	sst s4  }
0xd: {  	[smem:$0x3FAD] =	sst s5  }
0xe: {  	[smem:$0x3FAE] =	sst s6  }
0xf: {  	[smem:$0x3FAF] =	sst s7  }
0x10: {  	[smem:$0x3FB0] =	sst s8  }
0x11: {  	[smem:$0x3FB1] =	sst s9;
	s0 =	simm.s32 @!p0 $0x0  }
0x12: {  	s1 =	sld [smem:$0x3F97];
	s0 =	simm.s32 @p0 $0x1  }
0x13: {  	[smem:$0x3FB2] =	sst s0;
	s0 =	simm.s32 @!p1 $0x0  }
0x14: {  	s2 =	sld [smem:$0x3F96];
	s0 =	simm.s32 @p1 $0x1  }
0x15: {  	[smem:$0x3FB3] =	sst s0;
	s0 =	simm.s32 @!p2 $0x0  }
0x16: {  	s3 =	sld [smem:$0x3FDB];
	s0 =	simm.s32 @p2 $0x1  }
0x17: {  	s4 =	simm.s32 $0x1BF5;
	[smem:$0x3FB5] =	sst s0  }
0x18: {  	s0 =	sld [smem:$0x3F98];
	_ =	swait.ge [sflag:s4], $0x0  }
0x19: {  	s7 =	sld [smem:$0x3F99]  }
0x1a: {  	s8 =	sadd.s32 $0xFFFFE003, lr  }
0x1b: {  	s9 =	sadd.s32 $0xFFFFFEF7, lr;
	s5 =	simm.s32 $0xFFFFFFFF;
	p2 =	slt.u32 s8, $0xFFFFF086  }
0x1c: {  	p1 =	slt.u32 s9, $0xF7A;
	s5 =	simm.s32 @!p2 $0x0  }
0x1d: {  	s5 =	simm.s32 @p1 $0x1;
	p0 =	seq.s32 s7, s2  }
0x1e: {  	s7 =	smul.u32 @!p0 $0xF7A, s2;
	p2 =	seq.s32 @!p0 s5, $0x0  }
0x1f: {  	s9 =	smul.u32 $0xF7A, s1;
	s8 =	simm.s32 @!p0 $0x1BF5;
	p2 =	por !p2, p0  }
0x20: {  	[sflag:s8] =	ssyncset.s32 @!p0 $0xFFFFF086;
	s6 =	sadd.s32 @!p0 s3, s7;
	s7 =	simm.s32 @!p0 $0x108  }
0x21: {  	s3 =	sadd.s32 s3, s9;
	s6 =	sadd.s32 @!p0 $0x88, s6;
	s7 =	simm.s32 @p2 $0x1082  }
0x22: {  	[simem:s7], [sflag:s8] =	dma.local @!p0 [hbm:s6], $0xF7A  }
0x23: {  	s9 =	sor.u32 $0xD0000000, s2;
	s6 =	simm.s32 $0x108;
	_ =	swait.ge @!p0 [sflag:s8], $0x0  }
0x24: {  	s3 =	sadd.s32 $0x88, s3;
	s6 =	simm.s32 @!p1 $0x1082;
	[sflag:s4] =	ssyncset.s32 $0xFFFFF086  }
0x25: {  	[simem:s6], [sflag:s4] =	dma.local [hbm:s3], $0xF7A  }
0x26: {  	[smem:$0x3F99] =	sst s1;
	(tag) =	ssettag s2;
	_ =	strace s9  }
0x27: {  	s1 =	sld [smem:$0x3FA9]  }
0x28: {  	s2 =	sld [smem:$0x3FAA]  }
0x29: {  	s4 =	sld [smem:$0x3FAC]  }
0x2a: {  	p0 =	seq.s32 s5, $0x0;
	s5 =	sld [smem:$0x3FAD]  }
0x2b: {  	s6 =	sld [smem:$0x3FAE]  }
0x2c: {  	s7 =	sld [smem:$0x3FAF]  }
0x2d: {  	s3 =	simm.s32 $0x108;
	s8 =	sld [smem:$0x3FB0]  }
0x2e: {  	s3 =	simm.s32 @!p0 $0x1082;
	s9 =	sld [smem:$0x3FB1]  }
0x2f: {  	lr =	sadd.s32 s0, s3;
	s0 =	sld [smem:$0x3FA8]  }
0x30: {  	s3 =	sld [smem:$0x3FAB]  }
0x31: {  	[smem:$0x3FB4] =	sst s10  }
0x32: {  	s10 =	sld [smem:$0x3FB2];
	_ =	sdelay $0x3  }
0x33: {  	p0 =	seq.s32 s10, $0x1;
	s10 =	sld [smem:$0x3FB4];
	_ =	sdelay $0x3  }
0x34: {  	[smem:$0x3FB4] =	sst s10  }
0x35: {  	s10 =	sld [smem:$0x3FB3];
	_ =	sdelay $0x3  }
0x36: {  	p1 =	seq.s32 s10, $0x1;
	s10 =	sld [smem:$0x3FB4];
	_ =	sdelay $0x3  }
0x37: {  	[smem:$0x3FB4] =	sst s10  }
0x38: {  	s10 =	sld [smem:$0x3FB5]  }
0x39: {  	_ = 	snop;
	(pc) =	sbr.ind lr, $3  }
0x3a: {  	_ = 	snop  }
0x3b: {  	_ = 	snop  }
0x3c: {  	p2 =	seq.s32 s10, $0x1;
	s10 =	sld [smem:$0x3FB4]  }
0x3d: {  	_ =	shalt  }
0x3e: {  	_ =	shalt  }
0x3f: {  	_ =	shalt  }
0x40: {  	_ =	shalt  }
0x41: {  	_ =	shalt  }
0x42: {  	_ =	shalt  }
0x43: {  	_ =	shalt  }
0x44: {  	_ =	shalt  }
0x45: {  	_ =	shalt  }
0x46: {  	_ =	shalt  }
0x47: {  	_ =	shalt  }
0x48: {  	_ =	shalt  }
0x49: {  	_ =	shalt  }
0x4a: {  	_ =	shalt  }
0x4b: {  	_ =	shalt  }
0x4c: {  	_ =	shalt  }
0x4d: {  	_ =	shalt  }
0x4e: {  	_ =	shalt  }
0x4f: {  	_ =	shalt  }
0x50: {  	_ =	shalt  }
0x51: {  	_ =	shalt  }
0x52: {  	_ =	shalt  }
0x53: {  	_ =	shalt  }
0x54: {  	_ =	shalt  }
0x55: {  	_ =	shalt  }
0x56: {  	_ =	shalt  }
0x57: {  	_ =	shalt  }
0x58: {  	_ =	shalt  }
0x59: {  	_ =	shalt  }
0x5a: {  	_ =	shalt  }
0x5b: {  	_ =	shalt  }
0x5c: {  	_ =	shalt  }
0x5d: {  	_ =	shalt  }
0x5e: {  	_ =	shalt  }
0x5f: {  	_ =	shalt  }
0x60: {  	_ =	shalt  }
0x61: {  	_ =	shalt  }
0x62: {  	_ =	shalt  }
0x63: {  	_ =	shalt  }
0x64: {  	_ =	shalt  }
0x65: {  	_ =	shalt  }
0x66: {  	_ =	shalt  }
0x67: {  	_ =	shalt  }
0x68: {  	_ =	shalt  }
0x69: {  	_ =	shalt  }
0x6a: {  	_ =	shalt  }
0x6b: {  	_ =	shalt  }
0x6c: {  	_ =	shalt  }
0x6d: {  	_ =	shalt  }
0x6e: {  	_ =	shalt  }
0x6f: {  	_ =	shalt  }
0x70: {  	_ =	shalt  }
0x71: {  	_ =	shalt  }
0x72: {  	_ =	shalt  }
0x73: {  	_ =	shalt  }
0x74: {  	_ =	shalt  }
0x75: {  	_ =	shalt  }
0x76: {  	_ =	shalt  }
0x77: {  	_ =	shalt  }
0x78: {  	_ =	shalt  }
0x79: {  	_ =	shalt  }
0x7a: {  	_ =	shalt  }
0x7b: {  	_ =	shalt  }
0x7c: {  	_ =	shalt  }
0x7d: {  	_ =	shalt  }
0x7e: {  	_ =	shalt  }
0x7f: {  	_ =	shalt  }
0x80: {  	_ =	shalt  }
0x81: {  	_ =	shalt  }
0x82: {  	_ =	shalt  }
0x83: {  	_ =	shalt  }
0x84: {  	_ =	shalt  }
0x85: {  	_ =	shalt  }
0x86: {  	_ =	shalt  }
0x87: {  	_ =	shalt  }
.Lfunc_end0:
.L_simem_size_0:
called_computation.1_lowered:
.L_overlay_start_0:
0x88: {  	s2 =	sld [smem:$0x3FD9]  }
0x89: {  	s3 =	sld [smem:$0x3FFE];
	_ =	sdelay $0x1  }
0x8a: {  	s1 =	srdreg.scid  }
0x8b: {  	s0 =	sand.u32 $0x1, s1  }
0x8c: {  	s17 =	sshll.u32 s0, $0xA;
	s2 =	sadd.s32 s3, s2  }
0x8d: {  	s2 =	sadd.s32 s2, s17  }
0x8e: {  	[smem:$0x3FC0] =	sst s2  }
0x8f: {  	_ = 	snop  }
0x90: {  	s2 =	sld [smem:$0x3FD0];
	(tm) =	ssettm $0x1  }
0x91: {  	s18 =	sld [smem:$0x3FFB];
	_ =	sdelay $0x3  }
0x92: {  	_ =	strace s18  }
0x93: {  	s3 =	sld [smem:$0x3FFC];
	_ =	sdelay $0x3  }
0x94: {  	_ =	strace s3  }
0x95: {  	s3 =	sld [smem:$0x3FFD];
	_ =	sdelay $0x3  }
0x96: {  	_ =	strace s3  }
0x97: {  	_ =	strace $0x8FFFFFFF  }
0x98: {  	s19 =	sld [smem:$0x3FDB];
	_ =	sdelay $0x1  }
0x99: {  	s4 =	simm.s32 $_scs_section_size  }
0x9a: {  	s5 =	simm.s32 $_size__tile_overlayer_lowered;
	s6 =	simm.s32 $_tile_overlayer_lowered  }
0x9b: {  	s22 =	simm.s32 $0x1BFF;
	s21 =	sshll.u32 s6, $0x1;
	s3 =	sadd.s32 s4, s19  }
0x9c: {  	s7 =	simm.s32 $0x0;
	s20 =	sshll.u32 s5, $0x1;
	s5 =	sadd.s32 s21, s3  }
0x9d: {  	[timem:s7], [sflag:s22] =	dma.local [hbm:s5], s20  }
0x9e: {  	_ =	swait.ge [sflag:s22], s20  }
0x9f: {  	s4 =	ssub.s32 $0x0, s20;
	[sflag:s22] =	ssyncset.done $0x0  }
0xa0: {  	[sflag:s22] =	ssyncadd.s32 s4;
	_ =	sdelay $0x1  }
0xa1: {  	s23 =	simm.s32 $0x1B8B  }
0xa2: {  	_ =	swait.ge [sflag:s23], $0x1  }
0xa3: {  	[sflag:s23] =	ssyncset.done $0x0  }
0xa4: {  	s25 =	simm.s32 $0x1B8E;
	s24 =	sld [smem:$0x3FFE];
	[sflag:s23] =	ssyncadd.s32 $0xFFFFFFFF  }
0xa5: {  	s26 =	simm.s32 $execute0_lowered;
	[smem:$0x3FD2] =	sst s25  }
0xa6: {  	s5 =	sshll.u32 s26, $0x1;
	_ =	strace $0x80000049;
	[dreg:$0x1] =	wrdreg $0xFFFFFFFF  }
0xa7: {  	s28 =	simm.s32 $_size_execute0_lowered;
	s3 =	sadd.s32 s3, s5;
	[dreg:$0x0] =	wrdreg $0x0  }
0xa8: {  	s5 =	sshll.u32 s28, $0x1;
	[dreg:$0x2] =	wrdreg s3  }
0xa9: {  	[dreg:$0x3] =	wrdreg s5  }
0xaa: {  	[dreg:$0x4] =	wrdreg $0xC0  }
0xab: {  	_ =	task [dreg:s7], $0x5FFFF  }
0xac: {  	[dreg:$0x1] =	wrdreg $0xFFFFFFFF  }
0xad: {  	[dreg:$0x0] =	wrdreg $0x60  }
0xae: {  	[dreg:$0x2] =	wrdreg s24  }
0xaf: {  	[dreg:$0x3] =	wrdreg s2  }
0xb0: {  	[dreg:$0x4] =	wrdreg $0x0  }
0xb1: {  	[dreg:$0x5] =	wrdreg $0x9  }
0xb2: {  	_ =	task.clear_ibuf [dreg:s7], $0x6FFFF;
	_ =	strace $0x90000049  }
0xb3: {  	s29 =	simm.s32 $0x9;
	_ =	strace $0x8000004B  }
0xb4: {  	_ =	swait.ge [sflag:s29], $0x1  }
0xb5: {  	[sflag:s29] =	ssyncadd.s32 $0xFFFFFFFF  }
0xb6: {  	_ =	strace $0x9000004B  }
0xb7: {  	_ =	sfence  }
0xb8: {  	s30 =	sld [smem:$0x0];
	_ =	sdelay $0x2  }
0xb9: {  	s31 =	sshll.u32 s1, $0xD;
	s1 =	sshrl.u32 s1, $0x2  }
0xba: {  	s3 =	sand.u32 $0x4000, s31;
	s1 =	sadd.s32 s1, s30  }
0xbb: {  	s0 =	sor.u32 s3, s0;
	s1 =	sshll.u32 s1, $0x11  }
0xbc: {  	s0 =	sor.u32 s1, s0  }
0xbd: {  	s0 =	sadd.s32 $0x8F2B, s0  }
0xbe: {  	[sflag:s0] =	ssyncadd.remote.s32 $0x1  }
0xbf: {  	_ =	sfence.sel $0xFFFF  }
0xc0: {  	[dreg:$0x0] =	wrdreg $0xFFFFFFFF;
	(pc) =	sbr.abs _section_cstart, $3  }
0xc1: {  	[dreg:$0x1] =	wrdreg $0xFFFFFFFF  }
0xc2: {  	_ =	task.clear_ibuf [dreg:s7], $0x2FFFF;
	_ =	strace $0x9FFFFFFF  }
0xc3: {  	(tm) =	ssettm $0x7FFFFFFF  }
tec
execute0_lowered:
.L_overlay_start_1:
0x0: {  	(tag) =	ssettag $0x1  }
0x1: {  	s5 =	rddreg [dreg:$0x0]  }
0x2: {  	s0 =	rddreg [dreg:$0x1]  }
0x3: {  	s1 =	rddreg [dreg:$0x2];
	s11 =	stileid.u32  }
0x4: {  	s2 =	srdreg.scid;
	s8 =	smul.u32 $0x14000, s11  }
0x5: {  	s3 =	simm.s32 $0x0;
	s30 =	simm.s32 $0x6;
	s9 =	smul.u32 $0x50000, s11  }
0x6: {  	s7 =	sand.u32 $0x1, s2;
	[smem:$0x7FF] =	sst s3;
	s25 =	smul.u32 $0x2800, s11  }
0x7: {  	s4 =	sadd.s32 $0xD400, s5;
	s2 =	sadd.s32 $0x3400, s5;
	s6 =	smul.u32 $0x140000, s7  }
0x8: {  	_ =	strace $0x8000004A;
	s22 =	ssub.s32 $0x2, s7;
	s24 =	sshll.u32 s7, $0x4  }
0x9: {  	s7 =	smul.u32 $0x28000, s7;
	s10 =	sshrl.u32 s22, $0x1;
	s9 =	sshrl.u32 s9, $0x2  }
0xa: {  	s6 =	sadd.s32 s8, s6;
	s14 =	sadd.s32 s9, s1;
	s8 =	sor.u32 s11, s24  }
0xb: {  	s7 =	sadd.s32 s25, s7;
	s23 =	sadd.s32 $0x2800, s14;
	[dreg:$0x14] =	wrdreg s14  }
0xc: {  	s6 =	sshrl.u32 s6, $0x3;
	s9 =	sadd.s32 $0x5000, s14;
	[dreg:$0x15] =	wrdreg s23  }
0xd: {  	s26 =	sadd.s32 $0x7800, s14;
	s28 =	sadd.s32 $0xA000, s14;
	[dreg:$0x16] =	wrdreg s9  }
0xe: {  	s8 =	smul.u32 $0x2800, s8;
	s29 =	sadd.s32 $0xC800, s14;
	[dreg:$0x17] =	wrdreg s26  }
0xf: {  	s31 =	sadd.s32 $0xF000, s14;
	s11 =	sadd.s32 $0x11800, s14;
	[dreg:$0x18] =	wrdreg s28  }
0x10: {  	s12 =	sor.u32 $0x370, s7;
	s19 =	sor.u32 $0x2D0, s7;
	[dreg:$0x19] =	wrdreg s29  }
0x11: {  	s5 =	sadd.s32 s6, s5;
	s6 =	ssub.s32 s22, s10;
	[dreg:$0x1a] =	wrdreg s31  }
0x12: {  	[dreg:$0x1b] =	wrdreg s11;
	s9 =	sshrl.u32 s12, $0x3;
	s12 =	sor.u32 $0x320, s7  }
0x13: {  	s21 =	sshrl.u32 s19, $0x3;
	s23 =	sor.u32 $0x280, s7;
	s16 =	sadd.s32 s9, s2  }
0x14: {  	s28 =	sor.u32 $0x230, s7;
	s9 =	sadd.s32 s9, s0;
	[dreg:$0x4] =	wrdreg s16  }
0x15: {  	s11 =	simm.s32 $0x14000;
	s22 =	sadd.s32 s21, s2;
	[dreg:$0x5] =	wrdreg s9  }
0x16: {  	s8 =	sshrl.u32 s8, $0x3;
	s24 =	sadd.s32 s21, s0;
	[dreg:$0x8] =	wrdreg s22  }
0x17: {  	s17 =	sshrl.u32 s12, $0x3;
	s13 =	sadd.s32 s0, s8;
	[dreg:$0x9] =	wrdreg s24  }
0x18: {  	s25 =	sshrl.u32 s23, $0x3;
	s15 =	sadd.s32 s2, s8;
	[dreg:$0x1c] =	wrdreg s13  }
0x19: {  	s31 =	sshrl.u32 s28, $0x3;
	s18 =	sadd.s32 s17, s2;
	[dreg:$0x1d] =	wrdreg s15  }
0x1a: {  	s10 =	sor.u32 $0xA, s8;
	s20 =	sadd.s32 s17, s0;
	[dreg:$0x6] =	wrdreg s18  }
0x1b: {  	s26 =	sadd.s32 s25, s2;
	s29 =	sadd.s32 s25, s0;
	[dreg:$0x7] =	wrdreg s20  }
0x1c: {  	s12 =	sadd.s32 s31, s2;
	s23 =	sor.u32 $0x14, s8;
	[dreg:$0xa] =	wrdreg s26  }
0x1d: {  	s8 =	sor.u32 $0x1E, s8;
	s9 =	simm.s32 $0x1;
	[dreg:$0xb] =	wrdreg s29  }
0x1e: {  	s13 =	sor.u32 $0x1E0, s7;
	[dreg:$0xc] =	wrdreg s12;
	s15 =	sadd.s32 s31, s0  }
0x1f: {  	s18 =	sor.u32 $0x190, s7;
	s21 =	sadd.s32 s0, s10;
	[dreg:$0xd] =	wrdreg s15  }
0x20: {  	s10 =	sadd.s32 s2, s10;
	s24 =	sadd.s32 s0, s23;
	[dreg:$0x1e] =	wrdreg s21  }
0x21: {  	s25 =	sadd.s32 s2, s23;
	s7 =	sor.u32 $0x140, s7;
	[dreg:$0x1f] =	wrdreg s10  }
0x22: {  	s28 =	sadd.s32 s2, s8;
	s8 =	sadd.s32 s0, s8;
	[smem:$0x7F8] =	sst s24  }
0x23: {  	s29 =	sadd.s32 $0x35400, s5;
	s31 =	smax.u32 s6, $0x1;
	[smem:$0x7F9] =	sst s25  }
0x24: {  	s12 =	simm.s32 $0x50;
	s5 =	simm.s32 $0x5;
	[smem:$0x7FA] =	sst s28  }
0x25: {  	s23 =	simm.s32 $0xC;
	s6 =	simm.s32 $0x8;
	[smem:$0x7FB] =	sst s8  }
0x26: {  	s16 =	sshrl.u32 s13, $0x3;
	s20 =	sshrl.u32 s18, $0x3;
	[smem:$0x7FC] =	sst s29  }
0x27: {  	s7 =	sshrl.u32 s7, $0x3;
	[smem:$0x7FD] =	sst s31;
	s18 =	simm.s32 $0x14800  }
0x28: {  	s24 =	simm.s32 $0xD;
	s25 =	simm.s32 $0xF;
	s17 =	sadd.s32 s16, s2  }
0x29: {  	s15 =	simm.s32 $0x10;
	s19 =	sadd.s32 s16, s0;
	[dreg:$0xe] =	wrdreg s17  }
0x2a: {  	s10 =	simm.s32 $0x14400;
	s22 =	sadd.s32 s20, s2;
	[dreg:$0xf] =	wrdreg s19  }
0x2b: {  	s13 =	simm.s32 $0x0;
	s26 =	sadd.s32 s20, s0;
	[dreg:$0x10] =	wrdreg s22  }
0x2c: {  	s2 =	sadd.s32 s7, s2;
	s0 =	sadd.s32 s7, s0;
	[dreg:$0x11] =	wrdreg s26  }
0x2d: {  	s16 =	simm.s32 $0xE;
	s20 =	simm.s32 $0x14480;
	[dreg:$0x12] =	wrdreg s2  }
0x2e: {  	[dreg:$0x13] =	wrdreg s0;
	s17 =	simm.s32 $0x14080;
	s22 =	simm.s32 $0x9  }
0x2f: {  	v0 =	vimm.f32 $0.0e+00;
	s26 =	simm.s32 $0xA;
	s2 =	simm.s32 $0xB;
	s0 =	simm.s32 $0x7  }
.LBB2_1:
0x30: {  	[smem:$0x7F7] =	sst s13;
	s7 =	simm.s32 $0x0;
	s8 =	simm.s32 $0x200  }
.LBB2_2:
0x31: {  	p0 =	sne.s32 s8, $0x9E00;
	[tilespmem:s7+$0x14870] =	vst v0  }
0x32: {  	[tilespmem:s7+$0x14800] =	vst v0  }
0x33: {  	[tilespmem:s7+$0x14810] =	vst v0  }
.Ltmp0:
0x34: {  	[tilespmem:s7+$0x14820] =	vst v0;
	(pc) =	sbr.rel @p0 .LBB2_2-.Ltmp0, $4  }
0x35: {  	[tilespmem:s7+$0x14830] =	vst v0  }
0x36: {  	[tilespmem:s7+$0x14840] =	vst v0  }
0x37: {  	[tilespmem:s7+$0x14850] =	vst v0  }
0x38: {  	[tilespmem:s7+$0x14860] =	vst v0;
	s7 =	sshra.s32 s8, $0x2;
	s8 =	sadd.s32 $0x200, s8  }
0x39: {  	[tilespmem:s7+$0x14870] =	vst v0  }
0x3a: {  	[tilespmem:s7+$0x14800] =	vst v0  }
0x3b: {  	[tilespmem:s7+$0x14810] =	vst v0  }
0x3c: {  	[tilespmem:s7+$0x14820] =	vst v0  }
0x3d: {  	[tilespmem:s7+$0x14830] =	vst v0  }
0x3e: {  	[tilespmem:s7+$0x14840] =	vst v0  }
0x3f: {  	[tilespmem:s7+$0x14850] =	vst v0  }
0x40: {  	[tilespmem:s7+$0x14860] =	vst v0  }
0x41: {  	[spmem:s14] =	stream.linear.scatter [tilespmem:s18], [sflag:$0xD], $0x2800, $0x38;
	[tilespmem:$0x1E800] =	vst v63  }
0x42: {  	s29 =	rddreg [dreg:$0x15]  }
0x43: {  	[spmem:s29] =	stream.linear.scatter [tilespmem:s18], [sflag:$0xE], $0x2800, $0x38;
	[tilespmem:$0x1E800] =	vst v63  }
0x44: {  	s8 =	rddreg [dreg:$0x16]  }
0x45: {  	[spmem:s8] =	stream.linear.scatter [tilespmem:s18], [sflag:$0xF], $0x2800, $0x38;
	[tilespmem:$0x1E800] =	vst v63  }
0x46: {  	s13 =	rddreg [dreg:$0x17]  }
0x47: {  	[spmem:s13] =	stream.linear.scatter [tilespmem:s18], [sflag:$0x10], $0x2800, $0x38;
	[tilespmem:$0x1E800] =	vst v63  }
0x48: {  	s14 =	rddreg [dreg:$0x18]  }
0x49: {  	[spmem:s14] =	stream.linear.scatter [tilespmem:s18], [sflag:$0xD], $0x2800, $0x38;
	[tilespmem:$0x1E800] =	vst v63  }
0x4a: {  	s19 =	rddreg [dreg:$0x19]  }
0x4b: {  	[spmem:s19] =	stream.linear.scatter [tilespmem:s18], [sflag:$0xE], $0x2800, $0x38;
	[tilespmem:$0x1E800] =	vst v63  }
0x4c: {  	s21 =	rddreg [dreg:$0x1a]  }
0x4d: {  	[spmem:s21] =	stream.linear.scatter [tilespmem:s18], [sflag:$0xF], $0x2800, $0x38;
	[tilespmem:$0x1E800] =	vst v63  }
0x4e: {  	s28 =	rddreg [dreg:$0x1b]  }
0x4f: {  	[spmem:s28] =	stream.linear.scatter [tilespmem:s18], [sflag:$0x10], $0x2800, $0x38;
	[tilespmem:$0x1E800] =	vst v63  }
0x50: {  	_ =	swait.ge [sflag:s24], $0x2800  }
0x51: {  	[sflag:s24] =	ssyncset.done $0x0  }
0x52: {  	[sflag:s24] =	ssyncadd.s32 $0xFFFFD800  }
0x53: {  	_ =	swait.ge [sflag:s16], $0x2800  }
0x54: {  	[sflag:s16] =	ssyncset.done $0x0  }
0x55: {  	[sflag:s16] =	ssyncadd.s32 $0xFFFFD800  }
0x56: {  	_ =	swait.ge [sflag:s25], $0x2800  }
0x57: {  	[sflag:s25] =	ssyncset.done $0x0  }
0x58: {  	[sflag:s25] =	ssyncadd.s32 $0xFFFFD800  }
0x59: {  	_ =	swait.ge [sflag:s15], $0x2800  }
0x5a: {  	[sflag:s15] =	ssyncset.done $0x0  }
0x5b: {  	[sflag:s15] =	ssyncadd.s32 $0xFFFFD800  }
0x5c: {  	_ =	swait.ge [sflag:s24], $0x2800  }
0x5d: {  	[sflag:s24] =	ssyncset.done $0x0  }
0x5e: {  	[sflag:s24] =	ssyncadd.s32 $0xFFFFD800  }
0x5f: {  	_ =	swait.ge [sflag:s16], $0x2800  }
0x60: {  	[sflag:s16] =	ssyncset.done $0x0  }
0x61: {  	[sflag:s16] =	ssyncadd.s32 $0xFFFFD800  }
0x62: {  	_ =	swait.ge [sflag:s25], $0x2800  }
0x63: {  	[sflag:s25] =	ssyncset.done $0x0  }
0x64: {  	[sflag:s25] =	ssyncadd.s32 $0xFFFFD800  }
0x65: {  	_ =	swait.ge [sflag:s15], $0x2800  }
0x66: {  	[sflag:s15] =	ssyncset.done $0x0  }
0x67: {  	[sflag:s15] =	ssyncadd.s32 $0xFFFFD800  }
0x68: {  	[bflag:$0x0] =	sbarrier.arrive $0xFFFF  }
0x69: {  	s8 =	rddreg [dreg:$0x1c]  }
0x6a: {  	s7 =	simm.s32 $0x0;
	s29 =	rddreg [dreg:$0x1d]  }
0x6b: {  	[tilespmem:s11], [sflag:$0x1] =	stream.linear.gather [hbm4b:s8+s7], $0x50, $0x38;
	[tilespmem:$0x1E800] =	vst v63  }
0x6c: {  	s13 =	rddreg [dreg:$0x1e]  }
0x6d: {  	[tilespmem:s10], [sflag:$0x1] =	stream.linear.gather [hbm4b:s29+s7], $0x50, $0x38;
	[tilespmem:$0x1E800] =	vst v63  }
0x6e: {  	s14 =	rddreg [dreg:$0x1f]  }
0x6f: {  	[tilespmem:s17], [sflag:$0x2] =	stream.linear.gather [hbm4b:s13+s7], $0x50, $0x38;
	[tilespmem:$0x1E800] =	vst v63  }
0x70: {  	s16 =	sld [smem:$0x7F8]  }
0x71: {  	[tilespmem:s20], [sflag:$0x2] =	stream.linear.gather [hbm4b:s14+s7], $0x50, $0x38;
	[tilespmem:$0x1E800] =	vst v63  }
0x72: {  	s19 =	sld [smem:$0x7F9];
	s13 =	simm.s32 $0x14100  }
0x73: {  	[tilespmem:s13], [sflag:$0x3] =	stream.linear.gather [hbm4b:s16+s7], $0x50, $0x38;
	[tilespmem:$0x1E800] =	vst v63  }
0x74: {  	s21 =	simm.s32 $0x14500;
	s28 =	sld [smem:$0x7FB]  }
0x75: {  	[tilespmem:s21], [sflag:$0x3] =	stream.linear.gather [hbm4b:s19+s7], $0x50, $0x38;
	[tilespmem:$0x1E800] =	vst v63  }
0x76: {  	s29 =	simm.s32 $0x14180;
	s16 =	sld [smem:$0x7FA]  }
0x77: {  	[tilespmem:s29], [sflag:$0x4] =	stream.linear.gather [hbm4b:s28+s7], $0x50, $0x38;
	[tilespmem:$0x1E800] =	vst v63  }
0x78: {  	s19 =	simm.s32 $0x14580  }
0x79: {  	[tilespmem:s19], [sflag:$0x4] =	stream.linear.gather [hbm4b:s16+s7], $0x50, $0x38;
	[tilespmem:$0x1E800] =	vst v63  }
0x7a: {  	_ =	swait.ge [sflag:s9], $0x50  }
0x7b: {  	[sflag:s9] =	ssyncset.done $0x0  }
0x7c: {  	[sflag:s9] =	ssyncadd.s32 $0xFFFFFFB0  }
0x7d: {  	_ =	swait.ge [sflag:s9], $0x50  }
0x7e: {  	p0 =	por $0x1, $0x1;
	[sflag:s9] =	ssyncset.done $0x0  }
0x7f: {  	s7 =	simm.s32 @!p0 $0xD;
	[sflag:s9] =	ssyncadd.s32 $0xFFFFFFB0  }
0x80: {  	_ =	swait.ge @!p0 [sflag:s7], $0x2800  }
0x81: {  	s16 =	simm.s32 $0x14200;
	s21 =	rddreg [dreg:$0x13];
	[sflag:s7] =	ssyncset.done @!p0 $0x0  }
0x82: {  	s28 =	rddreg [dreg:$0x12];
	[sflag:s7] =	ssyncadd.s32 @!p0 $0xFFFFD800;
	s29 =	sadd.s32 $0x0, s21  }
0x83: {  	[tilespmem:s16], [sflag:$0x5] =	stream.linear.gather [hbm4b:s29+s3], $0x50, $0x38;
	[tilespmem:$0x1E800] =	vst v63  }
0x84: {  	s14 =	simm.s32 $0x14600;
	s8 =	sadd.s32 $0x0, s28  }
0x85: {  	[tilespmem:s14], [sflag:$0x5] =	stream.linear.gather [hbm4b:s8+s3], $0x50, $0x38;
	[tilespmem:$0x1E800] =	vst v63  }
0x86: {  	s7 =	simm.s32 @p0 $0x2  }
0x87: {  	[tilespmem:s18], [sflag:$0x9] =	stream.indirect.gather [hbm4b:s4+s12], $0x80, s11, s12, $0xb8;
	[tilespmem:$0x1E800] =	vst v63  }
0x88: {  	_ =	swait.ge @p0 [sflag:s7], $0x50  }
0x89: {  	[sflag:s7] =	ssyncset.done @p0 $0x0  }
0x8a: {  	[sflag:s7] =	ssyncadd.s32 @p0 $0xFFFFFFB0  }
0x8b: {  	_ =	swait.ge @p0 [sflag:s7], $0x50  }
0x8c: {  	[sflag:s7] =	ssyncset.done @p0 $0x0  }
0x8d: {  	[sflag:s7] =	ssyncadd.s32 @p0 $0xFFFFFFB0;
	s7 =	simm.s32 @!p0 $0xA  }
0x8e: {  	_ =	swait.ge @!p0 [sflag:s7], $0x2800  }
0x8f: {  	s29 =	simm.s32 @!p0 $0x50;
	s8 =	simm.s32 @!p0 $0x17000;
	[sflag:s7] =	ssyncset.done @!p0 $0x0  }
0x90: {  	s14 =	simm.s32 @!p0 $0x2;
	[sflag:s7] =	ssyncadd.s32 @!p0 $0xFFFFD800;
	s7 =	simm.s32 @!p0 $0x14680  }
0x91: {  	[spmem:s1] =	stream.indirect.scatter.add.f32 @!p0 [tilespmem:s8], [sflag:$0xE], $0x80, s7, s29, $0xb8;
	[tilespmem:$0x1E800] =	vst v63  }
0x92: {  	_ =	swait.ge @!p0 [sflag:s14], $0x50  }
0x93: {  	[sflag:s14] =	ssyncset.done @!p0 $0x0  }
0x94: {  	[sflag:s14] =	ssyncadd.s32 @!p0 $0xFFFFFFB0  }
0x95: {  	_ =	swait.ge @!p0 [sflag:s14], $0x50  }
0x96: {  	[sflag:s14] =	ssyncset.done @!p0 $0x0  }
0x97: {  	s7 =	simm.s32 @!p0 $0xE;
	[sflag:s14] =	ssyncadd.s32 @!p0 $0xFFFFFFB0  }
0x98: {  	_ =	swait.ge @!p0 [sflag:s7], $0x2800  }
0x99: {  	s19 =	rddreg [dreg:$0x11]  }
0x9a: {  	[sflag:s7] =	ssyncset.done @!p0 $0x0;
	s21 =	rddreg [dreg:$0x10]  }
0x9b: {  	[sflag:s7] =	ssyncadd.s32 @!p0 $0xFFFFD800;
	s28 =	sadd.s32 $0x0, s19;
	s19 =	simm.s32 $0x14280  }
0x9c: {  	[tilespmem:s19], [sflag:$0x6] =	stream.linear.gather [hbm4b:s28+s3], $0x50, $0x38;
	[tilespmem:$0x1E800] =	vst v63  }
0x9d: {  	s14 =	simm.s32 $0x14680;
	s8 =	sadd.s32 $0x0, s21  }
0x9e: {  	[tilespmem:s14], [sflag:$0x6] =	stream.linear.gather [hbm4b:s8+s3], $0x50, $0x38;
	[tilespmem:$0x1E800] =	vst v63  }
0x9f: {  	s7 =	simm.s32 @p0 $0x3;
	s21 =	simm.s32 $0x17000  }
0xa0: {  	[tilespmem:s21], [sflag:$0xA] =	stream.indirect.gather [hbm4b:s4+s12], $0x80, s17, s12, $0xb8;
	[tilespmem:$0x1E800] =	vst v63  }
0xa1: {  	_ =	swait.ge @p0 [sflag:s7], $0x50  }
0xa2: {  	[sflag:s7] =	ssyncset.done @p0 $0x0  }
0xa3: {  	[sflag:s7] =	ssyncadd.s32 @p0 $0xFFFFFFB0  }
0xa4: {  	_ =	swait.ge @p0 [sflag:s7], $0x50  }
0xa5: {  	[sflag:s7] =	ssyncset.done @p0 $0x0  }
0xa6: {  	[sflag:s7] =	ssyncadd.s32 @p0 $0xFFFFFFB0;
	s7 =	simm.s32 @!p0 $0xB  }
0xa7: {  	_ =	swait.ge @!p0 [sflag:s7], $0x2800  }
0xa8: {  	s8 =	simm.s32 @!p0 $0x3;
	[sflag:s7] =	ssyncset.done @!p0 $0x0  }
0xa9: {  	s14 =	simm.s32 @!p0 $0x19800;
	[sflag:s7] =	ssyncadd.s32 @!p0 $0xFFFFD800;
	s7 =	simm.s32 @!p0 $0x14700  }
0xaa: {  	[spmem:s1] =	stream.indirect.scatter.add.f32 @!p0 [tilespmem:s14], [sflag:$0xF], $0x80, s7, s29, $0xb8;
	[tilespmem:$0x1E800] =	vst v63  }
0xab: {  	_ =	swait.ge @!p0 [sflag:s8], $0x50  }
0xac: {  	[sflag:s8] =	ssyncset.done @!p0 $0x0  }
0xad: {  	[sflag:s8] =	ssyncadd.s32 @!p0 $0xFFFFFFB0  }
0xae: {  	_ =	swait.ge @!p0 [sflag:s8], $0x50  }
0xaf: {  	[sflag:s8] =	ssyncset.done @!p0 $0x0  }
0xb0: {  	s7 =	simm.s32 @!p0 $0xF;
	[sflag:s8] =	ssyncadd.s32 @!p0 $0xFFFFFFB0  }
0xb1: {  	_ =	swait.ge @!p0 [sflag:s7], $0x2800  }
0xb2: {  	s17 =	rddreg [dreg:$0xf]  }
0xb3: {  	[sflag:s7] =	ssyncset.done @!p0 $0x0;
	s28 =	rddreg [dreg:$0xe]  }
0xb4: {  	[sflag:s7] =	ssyncadd.s32 @!p0 $0xFFFFD800;
	s8 =	sadd.s32 $0x0, s17;
	s17 =	simm.s32 $0x14300  }
0xb5: {  	[tilespmem:s17], [sflag:$0x7] =	stream.linear.gather [hbm4b:s8+s3], $0x50, $0x38;
	[tilespmem:$0x1E800] =	vst v63  }
0xb6: {  	s14 =	sadd.s32 $0x0, s28;
	s28 =	simm.s32 $0x14700  }
0xb7: {  	[tilespmem:s28], [sflag:$0x7] =	stream.linear.gather [hbm4b:s14+s3], $0x50, $0x38;
	[tilespmem:$0x1E800] =	vst v63  }
0xb8: {  	s7 =	simm.s32 @p0 $0x4;
	s28 =	simm.s32 $0x19800  }
0xb9: {  	[tilespmem:s28], [sflag:$0xB] =	stream.indirect.gather [hbm4b:s4+s12], $0x80, s13, s12, $0xb8;
	[tilespmem:$0x1E800] =	vst v63  }
0xba: {  	_ =	swait.ge @p0 [sflag:s7], $0x50  }
0xbb: {  	[sflag:s7] =	ssyncset.done @p0 $0x0  }
0xbc: {  	[sflag:s7] =	ssyncadd.s32 @p0 $0xFFFFFFB0  }
0xbd: {  	_ =	swait.ge @p0 [sflag:s7], $0x50  }
0xbe: {  	[sflag:s7] =	ssyncset.done @p0 $0x0  }
0xbf: {  	[sflag:s7] =	ssyncadd.s32 @p0 $0xFFFFFFB0;
	s7 =	simm.s32 @!p0 $0xC  }
0xc0: {  	_ =	swait.ge @!p0 [sflag:s7], $0x2800  }
0xc1: {  	s8 =	simm.s32 @!p0 $0x4;
	[sflag:s7] =	ssyncset.done @!p0 $0x0  }
0xc2: {  	s14 =	simm.s32 @!p0 $0x1C000;
	[sflag:s7] =	ssyncadd.s32 @!p0 $0xFFFFD800;
	s7 =	simm.s32 @!p0 $0x14780  }
0xc3: {  	[spmem:s1] =	stream.indirect.scatter.add.f32 @!p0 [tilespmem:s14], [sflag:$0x10], $0x80, s7, s29, $0xb8;
	[tilespmem:$0x1E800] =	vst v63  }
0xc4: {  	_ =	swait.ge @!p0 [sflag:s8], $0x50  }
0xc5: {  	[sflag:s8] =	ssyncset.done @!p0 $0x0  }
0xc6: {  	[sflag:s8] =	ssyncadd.s32 @!p0 $0xFFFFFFB0  }
0xc7: {  	_ =	swait.ge @!p0 [sflag:s8], $0x50  }
0xc8: {  	[sflag:s8] =	ssyncset.done @!p0 $0x0  }
0xc9: {  	s7 =	simm.s32 @!p0 $0x10;
	[sflag:s8] =	ssyncadd.s32 @!p0 $0xFFFFFFB0  }
0xca: {  	_ =	swait.ge @!p0 [sflag:s7], $0x2800  }
0xcb: {  	s13 =	rddreg [dreg:$0xd]  }
0xcc: {  	[sflag:s7] =	ssyncset.done @!p0 $0x0;
	s14 =	rddreg [dreg:$0xc]  }
0xcd: {  	[sflag:s7] =	ssyncadd.s32 @!p0 $0xFFFFD800;
	s29 =	sadd.s32 $0x0, s13;
	s13 =	simm.s32 $0x14380  }
0xce: {  	[tilespmem:s13], [sflag:$0x8] =	stream.linear.gather [hbm4b:s29+s3], $0x50, $0x38;
	[tilespmem:$0x1E800] =	vst v63  }
0xcf: {  	s8 =	sadd.s32 $0x0, s14;
	s14 =	simm.s32 $0x14780  }
0xd0: {  	[tilespmem:s14], [sflag:$0x8] =	stream.linear.gather [hbm4b:s8+s3], $0x50, $0x38;
	[tilespmem:$0x1E800] =	vst v63  }
0xd1: {  	s31 =	simm.s32 $0x14180;
	s29 =	simm.s32 $0x1C000  }
0xd2: {  	[tilespmem:s29], [sflag:$0xC] =	stream.indirect.gather [hbm4b:s4+s12], $0x80, s31, s12, $0xb8;
	[tilespmem:$0x1E800] =	vst v63  }
0xd3: {  	_ =	swait.ge [sflag:s22], $0x2800  }
0xd4: {  	[sflag:s22] =	ssyncset.done $0x0  }
0xd5: {  	s18 =	simm.s32 $0x14800;
	[sflag:s22] =	ssyncadd.s32 $0xFFFFD800  }
0xd6: {  	[spmem:s1] =	stream.indirect.scatter.add.f32 [tilespmem:s18], [sflag:$0xD], $0x80, s10, s12, $0xb8;
	[tilespmem:$0x1E800] =	vst v63  }
0xd7: {  	_ =	swait.ge [sflag:s5], $0x50  }
0xd8: {  	[sflag:s5] =	ssyncset.done $0x0  }
0xd9: {  	[sflag:s5] =	ssyncadd.s32 $0xFFFFFFB0  }
0xda: {  	_ =	swait.ge [sflag:s5], $0x50  }
0xdb: {  	[sflag:s5] =	ssyncset.done $0x0  }
0xdc: {  	[sflag:s5] =	ssyncadd.s32 $0xFFFFFFB0  }
0xdd: {  	_ =	swait.ge [sflag:s24], $0x2800  }
0xde: {  	s7 =	rddreg [dreg:$0xb];
	[sflag:s24] =	ssyncset.done $0x0  }
0xdf: {  	p0 =	por $0x0, $0x0;
	s8 =	rddreg [dreg:$0xa];
	[sflag:s24] =	ssyncadd.s32 $0xFFFFD800  }
0xe0: {  	s14 =	sadd.s32 @!p0 $0x0, s7;
	s24 =	simm.s32 @!p0 $0x0;
	s7 =	simm.s32 @!p0 $0x14000  }
0xe1: {  	[tilespmem:s7], [sflag:$0x1] =	stream.linear.gather @!p0 [hbm4b:s14+s24], $0x50, $0x38;
	[tilespmem:$0x1E800] =	vst v63  }
0xe2: {  	s8 =	sadd.s32 @!p0 $0x0, s8;
	s7 =	simm.s32 @!p0 $0x14400  }
0xe3: {  	[tilespmem:s7], [sflag:$0x1] =	stream.linear.gather @!p0 [hbm4b:s8+s24], $0x50, $0x38;
	[tilespmem:$0x1E800] =	vst v63  }
0xe4: {  	_ = 	snop  }
0xe5: {  	[tilespmem:s18], [sflag:$0x9] =	stream.indirect.gather [hbm4b:s4+s12], $0x80, s16, s12, $0xb8;
	[tilespmem:$0x1E800] =	vst v63  }
0xe6: {  	_ =	swait.ge [sflag:s26], $0x2800  }
0xe7: {  	[sflag:s26] =	ssyncset.done $0x0  }
0xe8: {  	[sflag:s26] =	ssyncadd.s32 $0xFFFFD800  }
0xe9: {  	[spmem:s1] =	stream.indirect.scatter.add.f32 [tilespmem:s21], [sflag:$0xE], $0x80, s20, s12, $0xb8;
	[tilespmem:$0x1E800] =	vst v63  }
0xea: {  	_ =	swait.ge [sflag:s30], $0x50  }
0xeb: {  	[sflag:s30] =	ssyncset.done $0x0  }
0xec: {  	[sflag:s30] =	ssyncadd.s32 $0xFFFFFFB0  }
0xed: {  	_ =	swait.ge [sflag:s30], $0x50  }
0xee: {  	[sflag:s30] =	ssyncset.done $0x0  }
0xef: {  	s16 =	simm.s32 $0xE;
	[sflag:s30] =	ssyncadd.s32 $0xFFFFFFB0  }
0xf0: {  	_ =	swait.ge [sflag:s16], $0x2800  }
0xf1: {  	s14 =	simm.s32 @!p0 $0x14080;
	s7 =	rddreg [dreg:$0x9];
	[sflag:s16] =	ssyncset.done $0x0  }
0xf2: {  	s8 =	rddreg [dreg:$0x8];
	[sflag:s16] =	ssyncadd.s32 $0xFFFFD800;
	s7 =	sadd.s32 @!p0 $0x0, s7  }
0xf3: {  	[tilespmem:s14], [sflag:$0x2] =	stream.linear.gather @!p0 [hbm4b:s7+s24], $0x50, $0x38;
	[tilespmem:$0x1E800] =	vst v63  }
0xf4: {  	s8 =	sadd.s32 @!p0 $0x0, s8;
	s7 =	simm.s32 @!p0 $0x14480  }
0xf5: {  	[tilespmem:s7], [sflag:$0x2] =	stream.linear.gather @!p0 [hbm4b:s8+s24], $0x50, $0x38;
	[tilespmem:$0x1E800] =	vst v63  }
0xf6: {  	_ = 	snop  }
0xf7: {  	[tilespmem:s21], [sflag:$0xA] =	stream.indirect.gather [hbm4b:s4+s12], $0x80, s19, s12, $0xb8;
	[tilespmem:$0x1E800] =	vst v63  }
0xf8: {  	_ =	swait.ge [sflag:s2], $0x2800  }
0xf9: {  	[sflag:s2] =	ssyncset.done $0x0  }
0xfa: {  	s26 =	simm.s32 $0x14500;
	[sflag:s2] =	ssyncadd.s32 $0xFFFFD800  }
0xfb: {  	[spmem:s1] =	stream.indirect.scatter.add.f32 [tilespmem:s28], [sflag:$0xF], $0x80, s26, s12, $0xb8;
	[tilespmem:$0x1E800] =	vst v63  }
0xfc: {  	_ =	swait.ge [sflag:s0], $0x50  }
0xfd: {  	[sflag:s0] =	ssyncset.done $0x0  }
0xfe: {  	[sflag:s0] =	ssyncadd.s32 $0xFFFFFFB0  }
0xff: {  	_ =	swait.ge [sflag:s0], $0x50  }
0x100: {  	[sflag:s0] =	ssyncset.done $0x0  }
0x101: {  	[sflag:s0] =	ssyncadd.s32 $0xFFFFFFB0  }
0x102: {  	_ =	swait.ge [sflag:s25], $0x2800  }
0x103: {  	s14 =	simm.s32 @!p0 $0x14100;
	s7 =	rddreg [dreg:$0x7];
	[sflag:s25] =	ssyncset.done $0x0  }
0x104: {  	s8 =	rddreg [dreg:$0x6];
	[sflag:s25] =	ssyncadd.s32 $0xFFFFD800;
	s7 =	sadd.s32 @!p0 $0x0, s7  }
0x105: {  	[tilespmem:s14], [sflag:$0x3] =	stream.linear.gather @!p0 [hbm4b:s7+s24], $0x50, $0x38;
	[tilespmem:$0x1E800] =	vst v63  }
0x106: {  	s8 =	sadd.s32 @!p0 $0x0, s8;
	s7 =	simm.s32 @!p0 $0x14500  }
0x107: {  	[tilespmem:s7], [sflag:$0x3] =	stream.linear.gather @!p0 [hbm4b:s8+s24], $0x50, $0x38;
	[tilespmem:$0x1E800] =	vst v63  }
0x108: {  	_ = 	snop  }
0x109: {  	[tilespmem:s28], [sflag:$0xB] =	stream.indirect.gather [hbm4b:s4+s12], $0x80, s17, s12, $0xb8;
	[tilespmem:$0x1E800] =	vst v63  }
0x10a: {  	_ =	swait.ge [sflag:s23], $0x2800  }
0x10b: {  	[sflag:s23] =	ssyncset.done $0x0  }
0x10c: {  	s28 =	simm.s32 $0x14580;
	[sflag:s23] =	ssyncadd.s32 $0xFFFFD800  }
0x10d: {  	[spmem:s1] =	stream.indirect.scatter.add.f32 [tilespmem:s29], [sflag:$0x10], $0x80, s28, s12, $0xb8;
	[tilespmem:$0x1E800] =	vst v63  }
0x10e: {  	_ =	swait.ge [sflag:s6], $0x50  }
0x10f: {  	[sflag:s6] =	ssyncset.done $0x0  }
0x110: {  	[sflag:s6] =	ssyncadd.s32 $0xFFFFFFB0  }
0x111: {  	_ =	swait.ge [sflag:s6], $0x50  }
0x112: {  	[sflag:s6] =	ssyncset.done $0x0  }
0x113: {  	[sflag:s6] =	ssyncadd.s32 $0xFFFFFFB0  }
0x114: {  	_ =	swait.ge [sflag:s15], $0x2800  }
0x115: {  	s14 =	simm.s32 @!p0 $0x14180;
	s7 =	rddreg [dreg:$0x5];
	[sflag:s15] =	ssyncset.done $0x0  }
0x116: {  	s8 =	rddreg [dreg:$0x4];
	[sflag:s15] =	ssyncadd.s32 $0xFFFFD800;
	s7 =	sadd.s32 @!p0 $0x0, s7  }
0x117: {  	[tilespmem:s14], [sflag:$0x4] =	stream.linear.gather @!p0 [hbm4b:s7+s24], $0x50, $0x38;
	[tilespmem:$0x1E800] =	vst v63  }
0x118: {  	s8 =	sadd.s32 @!p0 $0x0, s8;
	s7 =	simm.s32 @!p0 $0x14580  }
0x119: {  	[tilespmem:s7], [sflag:$0x4] =	stream.linear.gather @!p0 [hbm4b:s8+s24], $0x50, $0x38;
	[tilespmem:$0x1E800] =	vst v63  }
0x11a: {  	s31 =	simm.s32 $0xA  }
0x11b: {  	[tilespmem:s29], [sflag:$0xC] =	stream.indirect.gather [hbm4b:s4+s12], $0x80, s13, s12, $0xb8;
	[tilespmem:$0x1E800] =	vst v63  }
0x11c: {  	s2 =	simm.s32 $0xB;
	s25 =	simm.s32 $0xD;
	_ =	swait.ge [sflag:s22], $0x2800  }
0x11d: {  	s23 =	simm.s32 $0xC;
	s7 =	simm.s32 $0x50;
	[sflag:s22] =	ssyncset.done $0x0  }
.LBB2_4:
0x11e: {  	[sflag:s22] =	ssyncadd.s32 $0xFFFFD800;
	s10 =	simm.s32 $0x14600  }
0x11f: {  	[spmem:s1] =	stream.indirect.scatter.add.f32 [tilespmem:s18], [sflag:$0xD], $0x80, s10, s12, $0xb8;
	[tilespmem:$0x1E800] =	vst v63  }
0x120: {  	_ =	swait.ge [sflag:s9], $0x50  }
0x121: {  	[sflag:s9] =	ssyncset.done $0x0  }
0x122: {  	[sflag:s9] =	ssyncadd.s32 $0xFFFFFFB0  }
0x123: {  	s8 =	smov.u32 s7;
	_ =	swait.ge [sflag:s9], $0x50  }
0x124: {  	p1 =	seq.s32 s8, $0x0;
	[sflag:s9] =	ssyncset.done $0x0  }
0x125: {  	s14 =	simm.s32 @!p1 $0xD;
	[sflag:s9] =	ssyncadd.s32 $0xFFFFFFB0  }
0x126: {  	_ =	swait.ge @!p1 [sflag:s14], $0x2800  }
0x127: {  	s16 =	simm.s32 $0x14200;
	s17 =	rddreg [dreg:$0x13];
	[sflag:s14] =	ssyncset.done @!p1 $0x0  }
0x128: {  	s20 =	rddreg [dreg:$0x12];
	[sflag:s14] =	ssyncadd.s32 @!p1 $0xFFFFD800;
	s26 =	sadd.s32 s8, s17  }
0x129: {  	[tilespmem:s16], [sflag:$0x5] =	stream.linear.gather [hbm4b:s26+s3], $0x50, $0x38;
	[tilespmem:$0x1E800] =	vst v63  }
0x12a: {  	s28 =	sadd.s32 s8, s20  }
0x12b: {  	[tilespmem:s10], [sflag:$0x5] =	stream.linear.gather [hbm4b:s28+s3], $0x50, $0x38;
	[tilespmem:$0x1E800] =	vst v63  }
0x12c: {  	s14 =	simm.s32 @p1 $0x2  }
0x12d: {  	[tilespmem:s18], [sflag:$0x9] =	stream.indirect.gather [hbm4b:s4+s12], $0x80, s11, s12, $0xb8;
	[tilespmem:$0x1E800] =	vst v63  }
0x12e: {  	_ =	swait.ge @p1 [sflag:s14], $0x50  }
0x12f: {  	[sflag:s14] =	ssyncset.done @p1 $0x0  }
0x130: {  	[sflag:s14] =	ssyncadd.s32 @p1 $0xFFFFFFB0  }
0x131: {  	_ =	swait.ge @p1 [sflag:s14], $0x50  }
0x132: {  	[sflag:s14] =	ssyncset.done @p1 $0x0  }
0x133: {  	[sflag:s14] =	ssyncadd.s32 @p1 $0xFFFFFFB0;
	s14 =	simm.s32 @!p1 $0xA  }
0x134: {  	_ =	swait.ge @!p1 [sflag:s14], $0x2800  }
0x135: {  	s17 =	simm.s32 @!p1 $0x17000;
	s20 =	simm.s32 @!p1 $0x2;
	[sflag:s14] =	ssyncset.done @!p1 $0x0  }
0x136: {  	s10 =	simm.s32 @!p1 $0x14680;
	[sflag:s14] =	ssyncadd.s32 @!p1 $0xFFFFD800;
	s14 =	simm.s32 @!p1 $0x50  }
0x137: {  	[spmem:s1] =	stream.indirect.scatter.add.f32 @!p1 [tilespmem:s17], [sflag:$0xE], $0x80, s10, s14, $0xb8;
	[tilespmem:$0x1E800] =	vst v63  }
0x138: {  	_ =	swait.ge @!p1 [sflag:s20], $0x50  }
0x139: {  	[sflag:s20] =	ssyncset.done @!p1 $0x0  }
0x13a: {  	[sflag:s20] =	ssyncadd.s32 @!p1 $0xFFFFFFB0  }
0x13b: {  	_ =	swait.ge @!p1 [sflag:s20], $0x50  }
0x13c: {  	[sflag:s20] =	ssyncset.done @!p1 $0x0  }
0x13d: {  	s10 =	simm.s32 @!p1 $0xE;
	[sflag:s20] =	ssyncadd.s32 @!p1 $0xFFFFFFB0  }
0x13e: {  	_ =	swait.ge @!p1 [sflag:s10], $0x2800  }
0x13f: {  	s24 =	simm.s32 $0x14280;
	s13 =	rddreg [dreg:$0x11];
	[sflag:s10] =	ssyncset.done @!p1 $0x0  }
0x140: {  	s15 =	rddreg [dreg:$0x10];
	[sflag:s10] =	ssyncadd.s32 @!p1 $0xFFFFD800;
	s17 =	sadd.s32 s8, s13  }
0x141: {  	[tilespmem:s24], [sflag:$0x6] =	stream.linear.gather [hbm4b:s17+s3], $0x50, $0x38;
	[tilespmem:$0x1E800] =	vst v63  }
0x142: {  	s21 =	simm.s32 $0x14680;
	s20 =	sadd.s32 s8, s15  }
0x143: {  	[tilespmem:s21], [sflag:$0x6] =	stream.linear.gather [hbm4b:s20+s3], $0x50, $0x38;
	[tilespmem:$0x1E800] =	vst v63  }
0x144: {  	s26 =	simm.s32 $0x14080;
	s10 =	simm.s32 @p1 $0x3;
	s21 =	simm.s32 $0x17000  }
0x145: {  	[tilespmem:s21], [sflag:$0xA] =	stream.indirect.gather [hbm4b:s4+s12], $0x80, s26, s12, $0xb8;
	[tilespmem:$0x1E800] =	vst v63  }
0x146: {  	_ =	swait.ge @p1 [sflag:s10], $0x50  }
0x147: {  	[sflag:s10] =	ssyncset.done @p1 $0x0  }
0x148: {  	[sflag:s10] =	ssyncadd.s32 @p1 $0xFFFFFFB0  }
0x149: {  	_ =	swait.ge @p1 [sflag:s10], $0x50  }
0x14a: {  	[sflag:s10] =	ssyncset.done @p1 $0x0  }
0x14b: {  	[sflag:s10] =	ssyncadd.s32 @p1 $0xFFFFFFB0;
	s10 =	simm.s32 @!p1 $0xB  }
0x14c: {  	_ =	swait.ge @!p1 [sflag:s10], $0x2800  }
0x14d: {  	s17 =	simm.s32 @!p1 $0x3;
	[sflag:s10] =	ssyncset.done @!p1 $0x0  }
0x14e: {  	s20 =	simm.s32 @!p1 $0x19800;
	[sflag:s10] =	ssyncadd.s32 @!p1 $0xFFFFD800;
	s10 =	simm.s32 @!p1 $0x14700  }
0x14f: {  	[spmem:s1] =	stream.indirect.scatter.add.f32 @!p1 [tilespmem:s20], [sflag:$0xF], $0x80, s10, s14, $0xb8;
	[tilespmem:$0x1E800] =	vst v63  }
0x150: {  	_ =	swait.ge @!p1 [sflag:s17], $0x50  }
0x151: {  	[sflag:s17] =	ssyncset.done @!p1 $0x0  }
0x152: {  	[sflag:s17] =	ssyncadd.s32 @!p1 $0xFFFFFFB0  }
0x153: {  	_ =	swait.ge @!p1 [sflag:s17], $0x50  }
0x154: {  	[sflag:s17] =	ssyncset.done @!p1 $0x0  }
0x155: {  	s10 =	simm.s32 @!p1 $0xF;
	[sflag:s17] =	ssyncadd.s32 @!p1 $0xFFFFFFB0  }
0x156: {  	_ =	swait.ge @!p1 [sflag:s10], $0x2800  }
0x157: {  	s13 =	simm.s32 $0x14300;
	s28 =	rddreg [dreg:$0xf];
	[sflag:s10] =	ssyncset.done @!p1 $0x0  }
0x158: {  	s11 =	rddreg [dreg:$0xe];
	[sflag:s10] =	ssyncadd.s32 @!p1 $0xFFFFD800;
	s15 =	sadd.s32 s8, s28  }
0x159: {  	[tilespmem:s13], [sflag:$0x7] =	stream.linear.gather [hbm4b:s15+s3], $0x50, $0x38;
	[tilespmem:$0x1E800] =	vst v63  }
0x15a: {  	s20 =	simm.s32 $0x14700;
	s17 =	sadd.s32 s8, s11  }
0x15b: {  	[tilespmem:s20], [sflag:$0x7] =	stream.linear.gather [hbm4b:s17+s3], $0x50, $0x38;
	[tilespmem:$0x1E800] =	vst v63  }
0x15c: {  	s26 =	simm.s32 $0x14100;
	s10 =	simm.s32 @p1 $0x4;
	s15 =	simm.s32 $0x19800  }
0x15d: {  	[tilespmem:s15], [sflag:$0xB] =	stream.indirect.gather [hbm4b:s4+s12], $0x80, s26, s12, $0xb8;
	[tilespmem:$0x1E800] =	vst v63  }
0x15e: {  	_ =	swait.ge @p1 [sflag:s10], $0x50  }
0x15f: {  	[sflag:s10] =	ssyncset.done @p1 $0x0  }
0x160: {  	[sflag:s10] =	ssyncadd.s32 @p1 $0xFFFFFFB0  }
0x161: {  	_ =	swait.ge @p1 [sflag:s10], $0x50  }
0x162: {  	[sflag:s10] =	ssyncset.done @p1 $0x0  }
0x163: {  	[sflag:s10] =	ssyncadd.s32 @p1 $0xFFFFFFB0;
	s10 =	simm.s32 @!p1 $0xC  }
0x164: {  	_ =	swait.ge @!p1 [sflag:s10], $0x2800  }
0x165: {  	s17 =	simm.s32 @!p1 $0x4;
	[sflag:s10] =	ssyncset.done @!p1 $0x0  }
0x166: {  	s20 =	simm.s32 @!p1 $0x1C000;
	[sflag:s10] =	ssyncadd.s32 @!p1 $0xFFFFD800;
	s10 =	simm.s32 @!p1 $0x14780  }
0x167: {  	[spmem:s1] =	stream.indirect.scatter.add.f32 @!p1 [tilespmem:s20], [sflag:$0x10], $0x80, s10, s14, $0xb8;
	[tilespmem:$0x1E800] =	vst v63  }
0x168: {  	_ =	swait.ge @!p1 [sflag:s17], $0x50  }
0x169: {  	[sflag:s17] =	ssyncset.done @!p1 $0x0  }
0x16a: {  	[sflag:s17] =	ssyncadd.s32 @!p1 $0xFFFFFFB0  }
0x16b: {  	_ =	swait.ge @!p1 [sflag:s17], $0x50  }
0x16c: {  	[sflag:s17] =	ssyncset.done @!p1 $0x0  }
0x16d: {  	s10 =	simm.s32 @!p1 $0x10;
	[sflag:s17] =	ssyncadd.s32 @!p1 $0xFFFFFFB0  }
0x16e: {  	_ =	swait.ge @!p1 [sflag:s10], $0x2800  }
0x16f: {  	s26 =	simm.s32 $0x14380;
	s28 =	rddreg [dreg:$0xd];
	[sflag:s10] =	ssyncset.done @!p1 $0x0  }
0x170: {  	s11 =	rddreg [dreg:$0xc];
	[sflag:s10] =	ssyncadd.s32 @!p1 $0xFFFFD800;
	s14 =	sadd.s32 s8, s28  }
0x171: {  	[tilespmem:s26], [sflag:$0x8] =	stream.linear.gather [hbm4b:s14+s3], $0x50, $0x38;
	[tilespmem:$0x1E800] =	vst v63  }
0x172: {  	s20 =	sadd.s32 s8, s11;
	s28 =	simm.s32 $0x14780  }
0x173: {  	[tilespmem:s28], [sflag:$0x8] =	stream.linear.gather [hbm4b:s20+s3], $0x50, $0x38;
	[tilespmem:$0x1E800] =	vst v63  }
0x174: {  	s14 =	simm.s32 $0x14180;
	s28 =	simm.s32 $0x1C000  }
0x175: {  	[tilespmem:s28], [sflag:$0xC] =	stream.indirect.gather [hbm4b:s4+s12], $0x80, s14, s12, $0xb8;
	[tilespmem:$0x1E800] =	vst v63  }
0x176: {  	_ =	swait.ge [sflag:s22], $0x2800  }
0x177: {  	[sflag:s22] =	ssyncset.done $0x0  }
0x178: {  	s17 =	simm.s32 $0x14400;
	[sflag:s22] =	ssyncadd.s32 $0xFFFFD800  }
0x179: {  	[spmem:s1] =	stream.indirect.scatter.add.f32 [tilespmem:s18], [sflag:$0xD], $0x80, s17, s12, $0xb8;
	[tilespmem:$0x1E800] =	vst v63  }
0x17a: {  	_ =	swait.ge [sflag:s5], $0x50  }
0x17b: {  	[sflag:s5] =	ssyncset.done $0x0  }
0x17c: {  	[sflag:s5] =	ssyncadd.s32 $0xFFFFFFB0  }
0x17d: {  	_ =	swait.ge [sflag:s5], $0x50  }
0x17e: {  	[sflag:s5] =	ssyncset.done $0x0  }
0x17f: {  	p1 =	seq.s32 s8, $0x4B0;
	[sflag:s5] =	ssyncadd.s32 $0xFFFFFFB0  }
0x180: {  	s20 =	simm.s32 @!p1 $0x14000;
	_ =	swait.ge [sflag:s25], $0x2800  }
0x181: {  	s14 =	simm.s32 @!p1 $0x0;
	s10 =	rddreg [dreg:$0xb];
	[sflag:s25] =	ssyncset.done $0x0  }
0x182: {  	s17 =	rddreg [dreg:$0xa];
	[sflag:s25] =	ssyncadd.s32 $0xFFFFD800;
	s10 =	sadd.s32 @!p1 s8, s10  }
0x183: {  	[tilespmem:s20], [sflag:$0x1] =	stream.linear.gather @!p1 [hbm4b:s10+s14], $0x50, $0x38;
	[tilespmem:$0x1E800] =	vst v63  }
0x184: {  	s11 =	simm.s32 @!p1 $0x14400;
	s10 =	sadd.s32 @!p1 s8, s17  }
0x185: {  	[tilespmem:s11], [sflag:$0x1] =	stream.linear.gather @!p1 [hbm4b:s10+s14], $0x50, $0x38;
	[tilespmem:$0x1E800] =	vst v63  }
0x186: {  	_ = 	snop  }
0x187: {  	[tilespmem:s18], [sflag:$0x9] =	stream.indirect.gather [hbm4b:s4+s12], $0x80, s16, s12, $0xb8;
	[tilespmem:$0x1E800] =	vst v63  }
0x188: {  	_ =	swait.ge [sflag:s31], $0x2800  }
0x189: {  	[sflag:s31] =	ssyncset.done $0x0  }
0x18a: {  	s20 =	simm.s32 $0x14480;
	[sflag:s31] =	ssyncadd.s32 $0xFFFFD800  }
0x18b: {  	[spmem:s1] =	stream.indirect.scatter.add.f32 [tilespmem:s21], [sflag:$0xE], $0x80, s20, s12, $0xb8;
	[tilespmem:$0x1E800] =	vst v63  }
0x18c: {  	_ =	swait.ge [sflag:s30], $0x50  }
0x18d: {  	[sflag:s30] =	ssyncset.done $0x0  }
0x18e: {  	[sflag:s30] =	ssyncadd.s32 $0xFFFFFFB0  }
0x18f: {  	_ =	swait.ge [sflag:s30], $0x50  }
0x190: {  	[sflag:s30] =	ssyncset.done $0x0  }
0x191: {  	s16 =	simm.s32 $0xE;
	[sflag:s30] =	ssyncadd.s32 $0xFFFFFFB0  }
0x192: {  	_ =	swait.ge [sflag:s16], $0x2800  }
0x193: {  	s17 =	simm.s32 @!p1 $0x14080;
	s10 =	rddreg [dreg:$0x9];
	[sflag:s16] =	ssyncset.done $0x0  }
0x194: {  	s11 =	rddreg [dreg:$0x8];
	[sflag:s16] =	ssyncadd.s32 $0xFFFFD800;
	s10 =	sadd.s32 @!p1 s8, s10  }
0x195: {  	[tilespmem:s17], [sflag:$0x2] =	stream.linear.gather @!p1 [hbm4b:s10+s14], $0x50, $0x38;
	[tilespmem:$0x1E800] =	vst v63  }
0x196: {  	s20 =	simm.s32 @!p1 $0x14480;
	s10 =	sadd.s32 @!p1 s8, s11  }
0x197: {  	[tilespmem:s20], [sflag:$0x2] =	stream.linear.gather @!p1 [hbm4b:s10+s14], $0x50, $0x38;
	[tilespmem:$0x1E800] =	vst v63  }
0x198: {  	_ = 	snop  }
0x199: {  	[tilespmem:s21], [sflag:$0xA] =	stream.indirect.gather [hbm4b:s4+s12], $0x80, s24, s12, $0xb8;
	[tilespmem:$0x1E800] =	vst v63  }
0x19a: {  	_ =	swait.ge [sflag:s2], $0x2800  }
0x19b: {  	[sflag:s2] =	ssyncset.done $0x0  }
0x19c: {  	s21 =	simm.s32 $0x14500;
	[sflag:s2] =	ssyncadd.s32 $0xFFFFD800  }
0x19d: {  	[spmem:s1] =	stream.indirect.scatter.add.f32 [tilespmem:s15], [sflag:$0xF], $0x80, s21, s12, $0xb8;
	[tilespmem:$0x1E800] =	vst v63  }
0x19e: {  	_ =	swait.ge [sflag:s0], $0x50  }
0x19f: {  	[sflag:s0] =	ssyncset.done $0x0  }
0x1a0: {  	[sflag:s0] =	ssyncadd.s32 $0xFFFFFFB0  }
0x1a1: {  	_ =	swait.ge [sflag:s0], $0x50  }
0x1a2: {  	[sflag:s0] =	ssyncset.done $0x0  }
0x1a3: {  	s24 =	simm.s32 $0xF;
	[sflag:s0] =	ssyncadd.s32 $0xFFFFFFB0  }
0x1a4: {  	_ =	swait.ge [sflag:s24], $0x2800  }
0x1a5: {  	s17 =	simm.s32 @!p1 $0x14100;
	s10 =	rddreg [dreg:$0x7];
	[sflag:s24] =	ssyncset.done $0x0  }
0x1a6: {  	s11 =	rddreg [dreg:$0x6];
	[sflag:s24] =	ssyncadd.s32 $0xFFFFD800;
	s10 =	sadd.s32 @!p1 s8, s10  }
0x1a7: {  	[tilespmem:s17], [sflag:$0x3] =	stream.linear.gather @!p1 [hbm4b:s10+s14], $0x50, $0x38;
	[tilespmem:$0x1E800] =	vst v63  }
0x1a8: {  	s20 =	simm.s32 @!p1 $0x14500;
	s10 =	sadd.s32 @!p1 s8, s11  }
0x1a9: {  	[tilespmem:s20], [sflag:$0x3] =	stream.linear.gather @!p1 [hbm4b:s10+s14], $0x50, $0x38;
	[tilespmem:$0x1E800] =	vst v63  }
0x1aa: {  	_ = 	snop  }
0x1ab: {  	[tilespmem:s15], [sflag:$0xB] =	stream.indirect.gather [hbm4b:s4+s12], $0x80, s13, s12, $0xb8;
	[tilespmem:$0x1E800] =	vst v63  }
0x1ac: {  	_ =	swait.ge [sflag:s23], $0x2800  }
0x1ad: {  	[sflag:s23] =	ssyncset.done $0x0  }
0x1ae: {  	s20 =	simm.s32 $0x14580;
	[sflag:s23] =	ssyncadd.s32 $0xFFFFD800  }
0x1af: {  	[spmem:s1] =	stream.indirect.scatter.add.f32 [tilespmem:s28], [sflag:$0x10], $0x80, s20, s12, $0xb8;
	[tilespmem:$0x1E800] =	vst v63  }
0x1b0: {  	_ =	swait.ge [sflag:s6], $0x50  }
0x1b1: {  	[sflag:s6] =	ssyncset.done $0x0  }
0x1b2: {  	[sflag:s6] =	ssyncadd.s32 $0xFFFFFFB0  }
0x1b3: {  	_ =	swait.ge [sflag:s6], $0x50  }
0x1b4: {  	[sflag:s6] =	ssyncset.done $0x0  }
0x1b5: {  	s24 =	simm.s32 $0x10;
	[sflag:s6] =	ssyncadd.s32 $0xFFFFFFB0  }
0x1b6: {  	s7 =	sadd.s32 $0x50, s7;
	_ =	swait.ge [sflag:s24], $0x2800  }
0x1b7: {  	s17 =	simm.s32 @!p1 $0x14180;
	s10 =	rddreg [dreg:$0x5];
	[sflag:s24] =	ssyncset.done $0x0  }
0x1b8: {  	s11 =	rddreg [dreg:$0x4];
	[sflag:s24] =	ssyncadd.s32 $0xFFFFD800;
	s10 =	sadd.s32 @!p1 s8, s10  }
0x1b9: {  	[tilespmem:s17], [sflag:$0x4] =	stream.linear.gather @!p1 [hbm4b:s10+s14], $0x50, $0x38;
	[tilespmem:$0x1E800] =	vst v63  }
0x1ba: {  	p0 =	sne.s32 s7, $0x500;
	s20 =	simm.s32 @!p1 $0x14580;
	s8 =	sadd.s32 @!p1 s8, s11  }
0x1bb: {  	[tilespmem:s20], [sflag:$0x4] =	stream.linear.gather @!p1 [hbm4b:s8+s14], $0x50, $0x38;
	[tilespmem:$0x1E800] =	vst v63  }
.Ltmp1:
0x1bc: {  	_ = 	snop;
	(pc) =	sbr.rel @p0 .LBB2_4-.Ltmp1, $4  }
0x1bd: {  	s19 =	simm.s32 $0x14600  }
0x1be: {  	[tilespmem:s28], [sflag:$0xC] =	stream.indirect.gather [hbm4b:s4+s12], $0x80, s26, s12, $0xb8;
	[tilespmem:$0x1E800] =	vst v63  }
0x1bf: {  	s29 =	simm.s32 $0x17000;
	s21 =	simm.s32 $0x19800;
	_ =	swait.ge [sflag:s22], $0x2800  }
0x1c0: {  	s11 =	simm.s32 $0x14000;
	s8 =	simm.s32 $0x1C000;
	[sflag:s22] =	ssyncset.done $0x0  }
0x1c1: {  	[sflag:s22] =	ssyncadd.s32 $0xFFFFD800  }
0x1c2: {  	[spmem:s1] =	stream.indirect.scatter.add.f32 [tilespmem:s18], [sflag:$0xD], $0x80, s19, s12, $0xb8;
	[tilespmem:$0x1E800] =	vst v63  }
0x1c3: {  	_ =	swait.ge [sflag:s31], $0x2800  }
0x1c4: {  	[sflag:s31] =	ssyncset.done $0x0  }
0x1c5: {  	s7 =	simm.s32 $0x14680;
	[sflag:s31] =	ssyncadd.s32 $0xFFFFD800  }
0x1c6: {  	[spmem:s1] =	stream.indirect.scatter.add.f32 [tilespmem:s29], [sflag:$0xE], $0x80, s7, s12, $0xb8;
	[tilespmem:$0x1E800] =	vst v63  }
0x1c7: {  	_ =	swait.ge [sflag:s2], $0x2800  }
0x1c8: {  	[sflag:s2] =	ssyncset.done $0x0  }
0x1c9: {  	s20 =	simm.s32 $0x14700;
	[sflag:s2] =	ssyncadd.s32 $0xFFFFD800  }
0x1ca: {  	[spmem:s1] =	stream.indirect.scatter.add.f32 [tilespmem:s21], [sflag:$0xF], $0x80, s20, s12, $0xb8;
	[tilespmem:$0x1E800] =	vst v63  }
0x1cb: {  	_ =	swait.ge [sflag:s23], $0x2800  }
0x1cc: {  	[sflag:s23] =	ssyncset.done $0x0  }
0x1cd: {  	[sflag:s23] =	ssyncadd.s32 $0xFFFFD800;
	s23 =	simm.s32 $0x14780  }
0x1ce: {  	[spmem:s1] =	stream.indirect.scatter.add.f32 [tilespmem:s8], [sflag:$0x10], $0x80, s23, s12, $0xb8;
	[tilespmem:$0x1E800] =	vst v63  }
0x1cf: {  	_ =	swait.ge [sflag:s25], $0x2800  }
0x1d0: {  	[sflag:s25] =	ssyncset.done $0x0  }
0x1d1: {  	[sflag:s25] =	ssyncadd.s32 $0xFFFFD800  }
0x1d2: {  	_ =	swait.ge [sflag:s16], $0x2800  }
0x1d3: {  	[sflag:s16] =	ssyncset.done $0x0  }
0x1d4: {  	s24 =	simm.s32 $0xF;
	[sflag:s16] =	ssyncadd.s32 $0xFFFFD800  }
0x1d5: {  	_ =	swait.ge [sflag:s24], $0x2800  }
0x1d6: {  	[sflag:s24] =	ssyncset.done $0x0  }
0x1d7: {  	s25 =	simm.s32 $0x10;
	[sflag:s24] =	ssyncadd.s32 $0xFFFFD800  }
0x1d8: {  	_ =	swait.ge [sflag:s25], $0x2800  }
0x1d9: {  	[sflag:s25] =	ssyncset.done $0x0  }
0x1da: {  	[sflag:s25] =	ssyncadd.s32 $0xFFFFD800  }
0x1db: {  	[bflag:$0x0] =	sbarrier.arrive $0xFFFF  }
0x1dc: {  	s26 =	stileid.u32;
	s10 =	sld [smem:$0x7FC]  }
0x1dd: {  	s7 =	sshll.u32 s26, $0x6;
	s14 =	rddreg [dreg:$0x14]  }
0x1de: {  	s29 =	simm.s32 $0x11;
	s7 =	sor.u32 $0x1C11, s7;
	s28 =	sshrl.u32 s14, $0x3  }
0x1df: {  	[hbm:s10], [sflag:s7] =	dma.local [spmem:s28], $0x2800  }
0x1e0: {  	_ =	swait.ge [sflag:s29], $0x2800  }
0x1e1: {  	s13 =	sld [smem:$0x7F7]  }
0x1e2: {  	s31 =	sld [smem:$0x7FD];
	_ =	sdelay $0x1  }
0x1e3: {  	s13 =	sadd.s32 $0x1, s13  }
0x1e4: {  	p0 =	sne.s32 s13, s31  }
.Ltmp2:
0x1e5: {  	_ = 	snop;
	(pc) =	sbr.rel @p0 .LBB2_1-.Ltmp2, $4  }
0x1e6: {  	s17 =	simm.s32 $0x14080;
	s15 =	simm.s32 $0x10;
	s18 =	simm.s32 $0x14800  }
0x1e7: {  	s26 =	simm.s32 $0xA;
	s2 =	simm.s32 $0xB;
	s20 =	simm.s32 $0x14480  }
0x1e8: {  	s23 =	simm.s32 $0xC;
	s24 =	simm.s32 $0xD;
	[sflag:s29] =	ssyncset.done $0x0  }
0x1e9: {  	s25 =	simm.s32 $0xF;
	s10 =	simm.s32 $0x14400;
	[sflag:s29] =	ssyncadd.s32 $0xFFFFD800  }
0x1ea: {  	_ =	sfence.sel $0x180000  }
0x1eb: {  	[bflag:$0x0] =	sbarrier.arrive $0xFFFF  }
0x1ec: {  	_ =	strace $0x9000004A  }
0x1ed: {  	s0 =	stileid.u32;
	[bflag:$0x2] =	sbarrier.arrive $0xFFFF  }
0x1ee: {  	p0 =	sne.s32 s0, $0x0;
	s0 =	rddreg [dreg:$0x3]  }
0x1ef: {  	s0 =	sadd.s32 @!p0 $0x100000, s0  }
0x1f0: {  	[sflag:s0] =	ssyncadd.tile.s32 @!p0 $0x1;
	_ =	shalt  }
.Lfunc_end2:
_tile_overlayer_lowered:
.L_overlay_start_2:
0x1f1: {  	(tag) =	ssettag $0x2  }
0x1f2: {  	s0 =	rddreg [dreg:$0x0];
	s2 =	stileid.u32  }
0x1f3: {  	s1 =	rddreg [dreg:$0x1];
	p0 =	sne.s32 s2, $0x0  }
0x1f4: {  	s3 =	rddreg [dreg:$0x2];
	[bflag:$0x3] =	sbarrier.arrive $0xFFFF;
	s2 =	simm.s32 @!p0 $0x1C11  }
0x1f5: {  	[timem:s3], [sflag:s2] =	dma.local @!p0 [hbm:s0], s1  }
0x1f6: {  	s0 =	simm.s32 @!p0 $0x11  }
0x1f7: {  	_ =	swait.ge @!p0 [sflag:s0], s1  }
0x1f8: {  	s1 =	ssub.s32 @!p0 $0x0, s1;
	[sflag:s0] =	ssyncset.done @!p0 $0x0  }
0x1f9: {  	[sflag:s0] =	ssyncadd.s32 @!p0 s1  }
0x1fa: {  	[bflag:$0x3] =	sbarrier.arrive $0xFFFF  }
0x1fb: {  	_ =	shalt  }

// kernel: kernel.16.cloned.1.call-start
scs
__scs_entry_jumppad:
0x0: {  	(pc) =	sbr.rel $0x88, $3  }
0x1: {  	(tag) =	ssettag $0x0;
	lr =	simm.s32 $0x1  }
0x2: {  	[smem:$0x3F99] =	sst lr;
	_ =	strace $0xD0000000  }
0x3: {  	_ = 	snop  }
0x4: {  	_ = 	snop  }
0x5: {  	_ = 	snop  }
0x6: {  	_ = 	snop  }
0x7: {  	_ = 	snop  }
__scs_overlays_trampoline_lowered:
0x8: {  	[smem:$0x3FA8] =	sst s0  }
0x9: {  	[smem:$0x3FA9] =	sst s1  }
0xa: {  	[smem:$0x3FAA] =	sst s2  }
0xb: {  	[smem:$0x3FAB] =	sst s3  }
0xc: {  	[smem:$0x3FAC] =	sst s4  }
0xd: {  	[smem:$0x3FAD] =	sst s5  }
0xe: {  	[smem:$0x3FAE] =	sst s6  }
0xf: {  	[smem:$0x3FAF] =	sst s7  }
0x10: {  	[smem:$0x3FB0] =	sst s8  }
0x11: {  	[smem:$0x3FB1] =	sst s9;
	s0 =	simm.s32 @!p0 $0x0  }
0x12: {  	s1 =	sld [smem:$0x3F97];
	s0 =	simm.s32 @p0 $0x1  }
0x13: {  	[smem:$0x3FB2] =	sst s0;
	s0 =	simm.s32 @!p1 $0x0  }
0x14: {  	s2 =	sld [smem:$0x3F96];
	s0 =	simm.s32 @p1 $0x1  }
0x15: {  	[smem:$0x3FB3] =	sst s0;
	s0 =	simm.s32 @!p2 $0x0  }
0x16: {  	s3 =	sld [smem:$0x3FDB];
	s0 =	simm.s32 @p2 $0x1  }
0x17: {  	s4 =	simm.s32 $0x1BF5;
	[smem:$0x3FB5] =	sst s0  }
0x18: {  	s0 =	sld [smem:$0x3F98];
	_ =	swait.ge [sflag:s4], $0x0  }
0x19: {  	s7 =	sld [smem:$0x3F99]  }
0x1a: {  	s8 =	sadd.s32 $0xFFFFE003, lr  }
0x1b: {  	s9 =	sadd.s32 $0xFFFFFEF7, lr;
	s5 =	simm.s32 $0xFFFFFFFF;
	p2 =	slt.u32 s8, $0xFFFFF086  }
0x1c: {  	p1 =	slt.u32 s9, $0xF7A;
	s5 =	simm.s32 @!p2 $0x0  }
0x1d: {  	s5 =	simm.s32 @p1 $0x1;
	p0 =	seq.s32 s7, s2  }
0x1e: {  	s7 =	smul.u32 @!p0 $0xF7A, s2;
	p2 =	seq.s32 @!p0 s5, $0x0  }
0x1f: {  	s9 =	smul.u32 $0xF7A, s1;
	s8 =	simm.s32 @!p0 $0x1BF5;
	p2 =	por !p2, p0  }
0x20: {  	[sflag:s8] =	ssyncset.s32 @!p0 $0xFFFFF086;
	s6 =	sadd.s32 @!p0 s3, s7;
	s7 =	simm.s32 @!p0 $0x108  }
0x21: {  	s3 =	sadd.s32 s3, s9;
	s6 =	sadd.s32 @!p0 $0x88, s6;
	s7 =	simm.s32 @p2 $0x1082  }
0x22: {  	[simem:s7], [sflag:s8] =	dma.local @!p0 [hbm:s6], $0xF7A  }
0x23: {  	s9 =	sor.u32 $0xD0000000, s2;
	s6 =	simm.s32 $0x108;
	_ =	swait.ge @!p0 [sflag:s8], $0x0  }
0x24: {  	s3 =	sadd.s32 $0x88, s3;
	s6 =	simm.s32 @!p1 $0x1082;
	[sflag:s4] =	ssyncset.s32 $0xFFFFF086  }
0x25: {  	[simem:s6], [sflag:s4] =	dma.local [hbm:s3], $0xF7A  }
0x26: {  	[smem:$0x3F99] =	sst s1;
	(tag) =	ssettag s2;
	_ =	strace s9  }
0x27: {  	s1 =	sld [smem:$0x3FA9]  }
0x28: {  	s2 =	sld [smem:$0x3FAA]  }
0x29: {  	s4 =	sld [smem:$0x3FAC]  }
0x2a: {  	p0 =	seq.s32 s5, $0x0;
	s5 =	sld [smem:$0x3FAD]  }
0x2b: {  	s6 =	sld [smem:$0x3FAE]  }
0x2c: {  	s7 =	sld [smem:$0x3FAF]  }
0x2d: {  	s3 =	simm.s32 $0x108;
	s8 =	sld [smem:$0x3FB0]  }
0x2e: {  	s3 =	simm.s32 @!p0 $0x1082;
	s9 =	sld [smem:$0x3FB1]  }
0x2f: {  	lr =	sadd.s32 s0, s3;
	s0 =	sld [smem:$0x3FA8]  }
0x30: {  	s3 =	sld [smem:$0x3FAB]  }
0x31: {  	[smem:$0x3FB4] =	sst s10  }
0x32: {  	s10 =	sld [smem:$0x3FB2];
	_ =	sdelay $0x3  }
0x33: {  	p0 =	seq.s32 s10, $0x1;
	s10 =	sld [smem:$0x3FB4];
	_ =	sdelay $0x3  }
0x34: {  	[smem:$0x3FB4] =	sst s10  }
0x35: {  	s10 =	sld [smem:$0x3FB3];
	_ =	sdelay $0x3  }
0x36: {  	p1 =	seq.s32 s10, $0x1;
	s10 =	sld [smem:$0x3FB4];
	_ =	sdelay $0x3  }
0x37: {  	[smem:$0x3FB4] =	sst s10  }
0x38: {  	s10 =	sld [smem:$0x3FB5]  }
0x39: {  	_ = 	snop;
	(pc) =	sbr.ind lr, $3  }
0x3a: {  	_ = 	snop  }
0x3b: {  	_ = 	snop  }
0x3c: {  	p2 =	seq.s32 s10, $0x1;
	s10 =	sld [smem:$0x3FB4]  }
0x3d: {  	_ =	shalt  }
0x3e: {  	_ =	shalt  }
0x3f: {  	_ =	shalt  }
0x40: {  	_ =	shalt  }
0x41: {  	_ =	shalt  }
0x42: {  	_ =	shalt  }
0x43: {  	_ =	shalt  }
0x44: {  	_ =	shalt  }
0x45: {  	_ =	shalt  }
0x46: {  	_ =	shalt  }
0x47: {  	_ =	shalt  }
0x48: {  	_ =	shalt  }
0x49: {  	_ =	shalt  }
0x4a: {  	_ =	shalt  }
0x4b: {  	_ =	shalt  }
0x4c: {  	_ =	shalt  }
0x4d: {  	_ =	shalt  }
0x4e: {  	_ =	shalt  }
0x4f: {  	_ =	shalt  }
0x50: {  	_ =	shalt  }
0x51: {  	_ =	shalt  }
0x52: {  	_ =	shalt  }
0x53: {  	_ =	shalt  }
0x54: {  	_ =	shalt  }
0x55: {  	_ =	shalt  }
0x56: {  	_ =	shalt  }
0x57: {  	_ =	shalt  }
0x58: {  	_ =	shalt  }
0x59: {  	_ =	shalt  }
0x5a: {  	_ =	shalt  }
0x5b: {  	_ =	shalt  }
0x5c: {  	_ =	shalt  }
0x5d: {  	_ =	shalt  }
0x5e: {  	_ =	shalt  }
0x5f: {  	_ =	shalt  }
0x60: {  	_ =	shalt  }
0x61: {  	_ =	shalt  }
0x62: {  	_ =	shalt  }
0x63: {  	_ =	shalt  }
0x64: {  	_ =	shalt  }
0x65: {  	_ =	shalt  }
0x66: {  	_ =	shalt  }
0x67: {  	_ =	shalt  }
0x68: {  	_ =	shalt  }
0x69: {  	_ =	shalt  }
0x6a: {  	_ =	shalt  }
0x6b: {  	_ =	shalt  }
0x6c: {  	_ =	shalt  }
0x6d: {  	_ =	shalt  }
0x6e: {  	_ =	shalt  }
0x6f: {  	_ =	shalt  }
0x70: {  	_ =	shalt  }
0x71: {  	_ =	shalt  }
0x72: {  	_ =	shalt  }
0x73: {  	_ =	shalt  }
0x74: {  	_ =	shalt  }
0x75: {  	_ =	shalt  }
0x76: {  	_ =	shalt  }
0x77: {  	_ =	shalt  }
0x78: {  	_ =	shalt  }
0x79: {  	_ =	shalt  }
0x7a: {  	_ =	shalt  }
0x7b: {  	_ =	shalt  }
0x7c: {  	_ =	shalt  }
0x7d: {  	_ =	shalt  }
0x7e: {  	_ =	shalt  }
0x7f: {  	_ =	shalt  }
0x80: {  	_ =	shalt  }
0x81: {  	_ =	shalt  }
0x82: {  	_ =	shalt  }
0x83: {  	_ =	shalt  }
0x84: {  	_ =	shalt  }
0x85: {  	_ =	shalt  }
0x86: {  	_ =	shalt  }
0x87: {  	_ =	shalt  }
.Lfunc_end0:
.L_simem_size_0:
called_computation.2_lowered:
.L_overlay_start_0:
0x88: {  	s2 =	sld [smem:$0x3FD9]  }
0x89: {  	s3 =	sld [smem:$0x3FFE];
	_ =	sdelay $0x1  }
0x8a: {  	s1 =	srdreg.scid  }
0x8b: {  	s0 =	sand.u32 $0x1, s1  }
0x8c: {  	s17 =	sshll.u32 s0, $0xA;
	s2 =	sadd.s32 s3, s2  }
0x8d: {  	s2 =	sadd.s32 s2, s17  }
0x8e: {  	[smem:$0x3FC0] =	sst s2  }
0x8f: {  	_ = 	snop  }
0x90: {  	s2 =	sld [smem:$0x3FD0];
	(tm) =	ssettm $0x1  }
0x91: {  	s18 =	sld [smem:$0x3FFB];
	_ =	sdelay $0x3  }
0x92: {  	_ =	strace s18  }
0x93: {  	s3 =	sld [smem:$0x3FFC];
	_ =	sdelay $0x3  }
0x94: {  	_ =	strace s3  }
0x95: {  	s3 =	sld [smem:$0x3FFD];
	_ =	sdelay $0x3  }
0x96: {  	_ =	strace s3  }
0x97: {  	_ =	strace $0x8FFFFFFF  }
0x98: {  	s19 =	sld [smem:$0x3FDB];
	_ =	sdelay $0x1  }
0x99: {  	s4 =	simm.s32 $_scs_section_size  }
0x9a: {  	s5 =	simm.s32 $_size__tile_overlayer_lowered;
	s6 =	simm.s32 $_tile_overlayer_lowered  }
0x9b: {  	s22 =	simm.s32 $0x1BFF;
	s21 =	sshll.u32 s6, $0x1;
	s3 =	sadd.s32 s4, s19  }
0x9c: {  	s7 =	simm.s32 $0x0;
	s20 =	sshll.u32 s5, $0x1;
	s5 =	sadd.s32 s21, s3  }
0x9d: {  	[timem:s7], [sflag:s22] =	dma.local [hbm:s5], s20  }
0x9e: {  	_ =	swait.ge [sflag:s22], s20  }
0x9f: {  	s4 =	ssub.s32 $0x0, s20;
	[sflag:s22] =	ssyncset.done $0x0  }
0xa0: {  	[sflag:s22] =	ssyncadd.s32 s4;
	_ =	sdelay $0x1  }
0xa1: {  	s23 =	simm.s32 $0x1B8B  }
0xa2: {  	_ =	swait.ge [sflag:s23], $0x1  }
0xa3: {  	[sflag:s23] =	ssyncset.done $0x0  }
0xa4: {  	s25 =	simm.s32 $0x1B8E;
	s24 =	sld [smem:$0x3FFE];
	[sflag:s23] =	ssyncadd.s32 $0xFFFFFFFF  }
0xa5: {  	s26 =	simm.s32 $execute0_lowered;
	[smem:$0x3FD2] =	sst s25  }
0xa6: {  	s5 =	sshll.u32 s26, $0x1;
	_ =	strace $0x8000004C;
	[dreg:$0x1] =	wrdreg $0xFFFFFFFF  }
0xa7: {  	s28 =	simm.s32 $_size_execute0_lowered;
	s3 =	sadd.s32 s3, s5;
	[dreg:$0x0] =	wrdreg $0x0  }
0xa8: {  	s5 =	sshll.u32 s28, $0x1;
	[dreg:$0x2] =	wrdreg s3  }
0xa9: {  	[dreg:$0x3] =	wrdreg s5  }
0xaa: {  	[dreg:$0x4] =	wrdreg $0xC0  }
0xab: {  	_ =	task [dreg:s7], $0x5FFFF  }
0xac: {  	[dreg:$0x1] =	wrdreg $0xFFFFFFFF  }
0xad: {  	[dreg:$0x0] =	wrdreg $0x60  }
0xae: {  	[dreg:$0x2] =	wrdreg s24  }
0xaf: {  	[dreg:$0x3] =	wrdreg s2  }
0xb0: {  	[dreg:$0x4] =	wrdreg $0x0  }
0xb1: {  	[dreg:$0x5] =	wrdreg $0x9  }
0xb2: {  	_ =	task.clear_ibuf [dreg:s7], $0x6FFFF;
	_ =	strace $0x9000004C  }
0xb3: {  	s29 =	simm.s32 $0x9;
	_ =	strace $0x8000004E  }
0xb4: {  	_ =	swait.ge [sflag:s29], $0x1  }
0xb5: {  	[sflag:s29] =	ssyncadd.s32 $0xFFFFFFFF  }
0xb6: {  	_ =	strace $0x9000004E  }
0xb7: {  	_ =	sfence  }
0xb8: {  	s30 =	sld [smem:$0x0];
	_ =	sdelay $0x2  }
0xb9: {  	s31 =	sshll.u32 s1, $0xD;
	s1 =	sshrl.u32 s1, $0x2  }
0xba: {  	s3 =	sand.u32 $0x4000, s31;
	s1 =	sadd.s32 s1, s30  }
0xbb: {  	s0 =	sor.u32 s3, s0;
	s1 =	sshll.u32 s1, $0x11  }
0xbc: {  	s0 =	sor.u32 s1, s0  }
0xbd: {  	s0 =	sadd.s32 $0x8F2B, s0  }
0xbe: {  	[sflag:s0] =	ssyncadd.remote.s32 $0x1  }
0xbf: {  	_ =	sfence.sel $0xFFFF  }
0xc0: {  	[dreg:$0x0] =	wrdreg $0xFFFFFFFF;
	(pc) =	sbr.abs _section_cstart, $3  }
0xc1: {  	[dreg:$0x1] =	wrdreg $0xFFFFFFFF  }
0xc2: {  	_ =	task.clear_ibuf [dreg:s7], $0x2FFFF;
	_ =	strace $0x9FFFFFFF  }
0xc3: {  	(tm) =	ssettm $0x7FFFFFFF  }
tec
execute0_lowered:
.L_overlay_start_1:
0x0: {  	(tag) =	ssettag $0x1  }
0x1: {  	s5 =	rddreg [dreg:$0x0]  }
0x2: {  	s0 =	rddreg [dreg:$0x1]  }
0x3: {  	s1 =	rddreg [dreg:$0x2];
	s11 =	stileid.u32  }
0x4: {  	s2 =	srdreg.scid;
	s8 =	smul.u32 $0x14000, s11  }
0x5: {  	s3 =	simm.s32 $0x0;
	s30 =	simm.s32 $0x6;
	s9 =	smul.u32 $0x50000, s11  }
0x6: {  	s7 =	sand.u32 $0x1, s2;
	[smem:$0x7FF] =	sst s3;
	s25 =	smul.u32 $0x2800, s11  }
0x7: {  	s4 =	sadd.s32 $0xD400, s5;
	s2 =	sadd.s32 $0x3400, s5;
	s6 =	smul.u32 $0x140000, s7  }
0x8: {  	_ =	strace $0x8000004D;
	s22 =	ssub.s32 $0x2, s7;
	s24 =	sshll.u32 s7, $0x4  }
0x9: {  	s7 =	smul.u32 $0x28000, s7;
	s10 =	sshrl.u32 s22, $0x1;
	s9 =	sshrl.u32 s9, $0x2  }
0xa: {  	s6 =	sadd.s32 s8, s6;
	s14 =	sadd.s32 s9, s1;
	s8 =	sor.u32 s11, s24  }
0xb: {  	s7 =	sadd.s32 s25, s7;
	s23 =	sadd.s32 $0x2800, s14;
	[dreg:$0x14] =	wrdreg s14  }
0xc: {  	s6 =	sshrl.u32 s6, $0x3;
	s9 =	sadd.s32 $0x5000, s14;
	[dreg:$0x15] =	wrdreg s23  }
0xd: {  	s26 =	sadd.s32 $0x7800, s14;
	s28 =	sadd.s32 $0xA000, s14;
	[dreg:$0x16] =	wrdreg s9  }
0xe: {  	s8 =	smul.u32 $0x2800, s8;
	s29 =	sadd.s32 $0xC800, s14;
	[dreg:$0x17] =	wrdreg s26  }
0xf: {  	s31 =	sadd.s32 $0xF000, s14;
	s11 =	sadd.s32 $0x11800, s14;
	[dreg:$0x18] =	wrdreg s28  }
0x10: {  	s12 =	sor.u32 $0x370, s7;
	s19 =	sor.u32 $0x2D0, s7;
	[dreg:$0x19] =	wrdreg s29  }
0x11: {  	s5 =	sadd.s32 s6, s5;
	s6 =	ssub.s32 s22, s10;
	[dreg:$0x1a] =	wrdreg s31  }
0x12: {  	[dreg:$0x1b] =	wrdreg s11;
	s9 =	sshrl.u32 s12, $0x3;
	s12 =	sor.u32 $0x320, s7  }
0x13: {  	s21 =	sshrl.u32 s19, $0x3;
	s23 =	sor.u32 $0x280, s7;
	s16 =	sadd.s32 s9, s2  }
0x14: {  	s28 =	sor.u32 $0x230, s7;
	s9 =	sadd.s32 s9, s0;
	[dreg:$0x4] =	wrdreg s16  }
0x15: {  	s11 =	simm.s32 $0x14000;
	s22 =	sadd.s32 s21, s2;
	[dreg:$0x5] =	wrdreg s9  }
0x16: {  	s8 =	sshrl.u32 s8, $0x3;
	s24 =	sadd.s32 s21, s0;
	[dreg:$0x8] =	wrdreg s22  }
0x17: {  	s17 =	sshrl.u32 s12, $0x3;
	s13 =	sadd.s32 s0, s8;
	[dreg:$0x9] =	wrdreg s24  }
0x18: {  	s25 =	sshrl.u32 s23, $0x3;
	s15 =	sadd.s32 s2, s8;
	[dreg:$0x1c] =	wrdreg s13  }
0x19: {  	s31 =	sshrl.u32 s28, $0x3;
	s18 =	sadd.s32 s17, s2;
	[dreg:$0x1d] =	wrdreg s15  }
0x1a: {  	s10 =	sor.u32 $0xA, s8;
	s20 =	sadd.s32 s17, s0;
	[dreg:$0x6] =	wrdreg s18  }
0x1b: {  	s26 =	sadd.s32 s25, s2;
	s29 =	sadd.s32 s25, s0;
	[dreg:$0x7] =	wrdreg s20  }
0x1c: {  	s12 =	sadd.s32 s31, s2;
	s23 =	sor.u32 $0x14, s8;
	[dreg:$0xa] =	wrdreg s26  }
0x1d: {  	s8 =	sor.u32 $0x1E, s8;
	s9 =	simm.s32 $0x1;
	[dreg:$0xb] =	wrdreg s29  }
0x1e: {  	s13 =	sor.u32 $0x1E0, s7;
	[dreg:$0xc] =	wrdreg s12;
	s15 =	sadd.s32 s31, s0  }
0x1f: {  	s18 =	sor.u32 $0x190, s7;
	s21 =	sadd.s32 s0, s10;
	[dreg:$0xd] =	wrdreg s15  }
0x20: {  	s10 =	sadd.s32 s2, s10;
	s24 =	sadd.s32 s0, s23;
	[dreg:$0x1e] =	wrdreg s21  }
0x21: {  	s25 =	sadd.s32 s2, s23;
	s7 =	sor.u32 $0x140, s7;
	[dreg:$0x1f] =	wrdreg s10  }
0x22: {  	s28 =	sadd.s32 s2, s8;
	s8 =	sadd.s32 s0, s8;
	[smem:$0x7F8] =	sst s24  }
0x23: {  	s29 =	sadd.s32 $0x35400, s5;
	s31 =	smax.u32 s6, $0x1;
	[smem:$0x7F9] =	sst s25  }
0x24: {  	s12 =	simm.s32 $0x50;
	s5 =	simm.s32 $0x5;
	[smem:$0x7FA] =	sst s28  }
0x25: {  	s23 =	simm.s32 $0xC;
	s6 =	simm.s32 $0x8;
	[smem:$0x7FB] =	sst s8  }
0x26: {  	s16 =	sshrl.u32 s13, $0x3;
	s20 =	sshrl.u32 s18, $0x3;
	[smem:$0x7FC] =	sst s29  }
0x27: {  	s7 =	sshrl.u32 s7, $0x3;
	[smem:$0x7FD] =	sst s31;
	s18 =	simm.s32 $0x14800  }
0x28: {  	s24 =	simm.s32 $0xD;
	s25 =	simm.s32 $0xF;
	s17 =	sadd.s32 s16, s2  }
0x29: {  	s15 =	simm.s32 $0x10;
	s19 =	sadd.s32 s16, s0;
	[dreg:$0xe] =	wrdreg s17  }
0x2a: {  	s10 =	simm.s32 $0x14400;
	s22 =	sadd.s32 s20, s2;
	[dreg:$0xf] =	wrdreg s19  }
0x2b: {  	s13 =	simm.s32 $0x0;
	s26 =	sadd.s32 s20, s0;
	[dreg:$0x10] =	wrdreg s22  }
0x2c: {  	s2 =	sadd.s32 s7, s2;
	s0 =	sadd.s32 s7, s0;
	[dreg:$0x11] =	wrdreg s26  }
0x2d: {  	s16 =	simm.s32 $0xE;
	s20 =	simm.s32 $0x14480;
	[dreg:$0x12] =	wrdreg s2  }
0x2e: {  	[dreg:$0x13] =	wrdreg s0;
	s17 =	simm.s32 $0x14080;
	s22 =	simm.s32 $0x9  }
0x2f: {  	v0 =	vimm.f32 $0.0e+00;
	s26 =	simm.s32 $0xA;
	s2 =	simm.s32 $0xB;
	s0 =	simm.s32 $0x7  }
.LBB2_1:
0x30: {  	[smem:$0x7F7] =	sst s13;
	s7 =	simm.s32 $0x0;
	s8 =	simm.s32 $0x200  }
.LBB2_2:
0x31: {  	p0 =	sne.s32 s8, $0x9E00;
	[tilespmem:s7+$0x14870] =	vst v0  }
0x32: {  	[tilespmem:s7+$0x14800] =	vst v0  }
0x33: {  	[tilespmem:s7+$0x14810] =	vst v0  }
.Ltmp0:
0x34: {  	[tilespmem:s7+$0x14820] =	vst v0;
	(pc) =	sbr.rel @p0 .LBB2_2-.Ltmp0, $4  }
0x35: {  	[tilespmem:s7+$0x14830] =	vst v0  }
0x36: {  	[tilespmem:s7+$0x14840] =	vst v0  }
0x37: {  	[tilespmem:s7+$0x14850] =	vst v0  }
0x38: {  	[tilespmem:s7+$0x14860] =	vst v0;
	s7 =	sshra.s32 s8, $0x2;
	s8 =	sadd.s32 $0x200, s8  }
0x39: {  	[tilespmem:s7+$0x14870] =	vst v0  }
0x3a: {  	[tilespmem:s7+$0x14800] =	vst v0  }
0x3b: {  	[tilespmem:s7+$0x14810] =	vst v0  }
0x3c: {  	[tilespmem:s7+$0x14820] =	vst v0  }
0x3d: {  	[tilespmem:s7+$0x14830] =	vst v0  }
0x3e: {  	[tilespmem:s7+$0x14840] =	vst v0  }
0x3f: {  	[tilespmem:s7+$0x14850] =	vst v0  }
0x40: {  	[tilespmem:s7+$0x14860] =	vst v0  }
0x41: {  	[spmem:s14] =	stream.linear.scatter [tilespmem:s18], [sflag:$0xD], $0x2800, $0x38;
	[tilespmem:$0x1E800] =	vst v63  }
0x42: {  	s29 =	rddreg [dreg:$0x15]  }
0x43: {  	[spmem:s29] =	stream.linear.scatter [tilespmem:s18], [sflag:$0xE], $0x2800, $0x38;
	[tilespmem:$0x1E800] =	vst v63  }
0x44: {  	s8 =	rddreg [dreg:$0x16]  }
0x45: {  	[spmem:s8] =	stream.linear.scatter [tilespmem:s18], [sflag:$0xF], $0x2800, $0x38;
	[tilespmem:$0x1E800] =	vst v63  }
0x46: {  	s13 =	rddreg [dreg:$0x17]  }
0x47: {  	[spmem:s13] =	stream.linear.scatter [tilespmem:s18], [sflag:$0x10], $0x2800, $0x38;
	[tilespmem:$0x1E800] =	vst v63  }
0x48: {  	s14 =	rddreg [dreg:$0x18]  }
0x49: {  	[spmem:s14] =	stream.linear.scatter [tilespmem:s18], [sflag:$0xD], $0x2800, $0x38;
	[tilespmem:$0x1E800] =	vst v63  }
0x4a: {  	s19 =	rddreg [dreg:$0x19]  }
0x4b: {  	[spmem:s19] =	stream.linear.scatter [tilespmem:s18], [sflag:$0xE], $0x2800, $0x38;
	[tilespmem:$0x1E800] =	vst v63  }
0x4c: {  	s21 =	rddreg [dreg:$0x1a]  }
0x4d: {  	[spmem:s21] =	stream.linear.scatter [tilespmem:s18], [sflag:$0xF], $0x2800, $0x38;
	[tilespmem:$0x1E800] =	vst v63  }
0x4e: {  	s28 =	rddreg [dreg:$0x1b]  }
0x4f: {  	[spmem:s28] =	stream.linear.scatter [tilespmem:s18], [sflag:$0x10], $0x2800, $0x38;
	[tilespmem:$0x1E800] =	vst v63  }
0x50: {  	_ =	swait.ge [sflag:s24], $0x2800  }
0x51: {  	[sflag:s24] =	ssyncset.done $0x0  }
0x52: {  	[sflag:s24] =	ssyncadd.s32 $0xFFFFD800  }
0x53: {  	_ =	swait.ge [sflag:s16], $0x2800  }
0x54: {  	[sflag:s16] =	ssyncset.done $0x0  }
0x55: {  	[sflag:s16] =	ssyncadd.s32 $0xFFFFD800  }
0x56: {  	_ =	swait.ge [sflag:s25], $0x2800  }
0x57: {  	[sflag:s25] =	ssyncset.done $0x0  }
0x58: {  	[sflag:s25] =	ssyncadd.s32 $0xFFFFD800  }
0x59: {  	_ =	swait.ge [sflag:s15], $0x2800  }
0x5a: {  	[sflag:s15] =	ssyncset.done $0x0  }
0x5b: {  	[sflag:s15] =	ssyncadd.s32 $0xFFFFD800  }
0x5c: {  	_ =	swait.ge [sflag:s24], $0x2800  }
0x5d: {  	[sflag:s24] =	ssyncset.done $0x0  }
0x5e: {  	[sflag:s24] =	ssyncadd.s32 $0xFFFFD800  }
0x5f: {  	_ =	swait.ge [sflag:s16], $0x2800  }
0x60: {  	[sflag:s16] =	ssyncset.done $0x0  }
0x61: {  	[sflag:s16] =	ssyncadd.s32 $0xFFFFD800  }
0x62: {  	_ =	swait.ge [sflag:s25], $0x2800  }
0x63: {  	[sflag:s25] =	ssyncset.done $0x0  }
0x64: {  	[sflag:s25] =	ssyncadd.s32 $0xFFFFD800  }
0x65: {  	_ =	swait.ge [sflag:s15], $0x2800  }
0x66: {  	[sflag:s15] =	ssyncset.done $0x0  }
0x67: {  	[sflag:s15] =	ssyncadd.s32 $0xFFFFD800  }
0x68: {  	[bflag:$0x0] =	sbarrier.arrive $0xFFFF  }
0x69: {  	s8 =	rddreg [dreg:$0x1c]  }
0x6a: {  	s7 =	simm.s32 $0x0;
	s29 =	rddreg [dreg:$0x1d]  }
0x6b: {  	[tilespmem:s11], [sflag:$0x1] =	stream.linear.gather [hbm4b:s8+s7], $0x50, $0x38;
	[tilespmem:$0x1E800] =	vst v63  }
0x6c: {  	s13 =	rddreg [dreg:$0x1e]  }
0x6d: {  	[tilespmem:s10], [sflag:$0x1] =	stream.linear.gather [hbm4b:s29+s7], $0x50, $0x38;
	[tilespmem:$0x1E800] =	vst v63  }
0x6e: {  	s14 =	rddreg [dreg:$0x1f]  }
0x6f: {  	[tilespmem:s17], [sflag:$0x2] =	stream.linear.gather [hbm4b:s13+s7], $0x50, $0x38;
	[tilespmem:$0x1E800] =	vst v63  }
0x70: {  	s16 =	sld [smem:$0x7F8]  }
0x71: {  	[tilespmem:s20], [sflag:$0x2] =	stream.linear.gather [hbm4b:s14+s7], $0x50, $0x38;
	[tilespmem:$0x1E800] =	vst v63  }
0x72: {  	s19 =	sld [smem:$0x7F9];
	s13 =	simm.s32 $0x14100  }
0x73: {  	[tilespmem:s13], [sflag:$0x3] =	stream.linear.gather [hbm4b:s16+s7], $0x50, $0x38;
	[tilespmem:$0x1E800] =	vst v63  }
0x74: {  	s21 =	simm.s32 $0x14500;
	s28 =	sld [smem:$0x7FB]  }
0x75: {  	[tilespmem:s21], [sflag:$0x3] =	stream.linear.gather [hbm4b:s19+s7], $0x50, $0x38;
	[tilespmem:$0x1E800] =	vst v63  }
0x76: {  	s29 =	simm.s32 $0x14180;
	s16 =	sld [smem:$0x7FA]  }
0x77: {  	[tilespmem:s29], [sflag:$0x4] =	stream.linear.gather [hbm4b:s28+s7], $0x50, $0x38;
	[tilespmem:$0x1E800] =	vst v63  }
0x78: {  	s19 =	simm.s32 $0x14580  }
0x79: {  	[tilespmem:s19], [sflag:$0x4] =	stream.linear.gather [hbm4b:s16+s7], $0x50, $0x38;
	[tilespmem:$0x1E800] =	vst v63  }
0x7a: {  	_ =	swait.ge [sflag:s9], $0x50  }
0x7b: {  	[sflag:s9] =	ssyncset.done $0x0  }
0x7c: {  	[sflag:s9] =	ssyncadd.s32 $0xFFFFFFB0  }
0x7d: {  	_ =	swait.ge [sflag:s9], $0x50  }
0x7e: {  	p0 =	por $0x1, $0x1;
	[sflag:s9] =	ssyncset.done $0x0  }
0x7f: {  	s7 =	simm.s32 @!p0 $0xD;
	[sflag:s9] =	ssyncadd.s32 $0xFFFFFFB0  }
0x80: {  	_ =	swait.ge @!p0 [sflag:s7], $0x2800  }
0x81: {  	s16 =	simm.s32 $0x14200;
	s21 =	rddreg [dreg:$0x13];
	[sflag:s7] =	ssyncset.done @!p0 $0x0  }
0x82: {  	s28 =	rddreg [dreg:$0x12];
	[sflag:s7] =	ssyncadd.s32 @!p0 $0xFFFFD800;
	s29 =	sadd.s32 $0x0, s21  }
0x83: {  	[tilespmem:s16], [sflag:$0x5] =	stream.linear.gather [hbm4b:s29+s3], $0x50, $0x38;
	[tilespmem:$0x1E800] =	vst v63  }
0x84: {  	s14 =	simm.s32 $0x14600;
	s8 =	sadd.s32 $0x0, s28  }
0x85: {  	[tilespmem:s14], [sflag:$0x5] =	stream.linear.gather [hbm4b:s8+s3], $0x50, $0x38;
	[tilespmem:$0x1E800] =	vst v63  }
0x86: {  	s7 =	simm.s32 @p0 $0x2  }
0x87: {  	[tilespmem:s18], [sflag:$0x9] =	stream.indirect.gather [hbm4b:s4+s12], $0x80, s11, s12, $0xb8;
	[tilespmem:$0x1E800] =	vst v63  }
0x88: {  	_ =	swait.ge @p0 [sflag:s7], $0x50  }
0x89: {  	[sflag:s7] =	ssyncset.done @p0 $0x0  }
0x8a: {  	[sflag:s7] =	ssyncadd.s32 @p0 $0xFFFFFFB0  }
0x8b: {  	_ =	swait.ge @p0 [sflag:s7], $0x50  }
0x8c: {  	[sflag:s7] =	ssyncset.done @p0 $0x0  }
0x8d: {  	[sflag:s7] =	ssyncadd.s32 @p0 $0xFFFFFFB0;
	s7 =	simm.s32 @!p0 $0xA  }
0x8e: {  	_ =	swait.ge @!p0 [sflag:s7], $0x2800  }
0x8f: {  	s29 =	simm.s32 @!p0 $0x50;
	s8 =	simm.s32 @!p0 $0x17000;
	[sflag:s7] =	ssyncset.done @!p0 $0x0  }
0x90: {  	s14 =	simm.s32 @!p0 $0x2;
	[sflag:s7] =	ssyncadd.s32 @!p0 $0xFFFFD800;
	s7 =	simm.s32 @!p0 $0x14680  }
0x91: {  	[spmem:s1] =	stream.indirect.scatter.add.f32 @!p0 [tilespmem:s8], [sflag:$0xE], $0x80, s7, s29, $0xb8;
	[tilespmem:$0x1E800] =	vst v63  }
0x92: {  	_ =	swait.ge @!p0 [sflag:s14], $0x50  }
0x93: {  	[sflag:s14] =	ssyncset.done @!p0 $0x0  }
0x94: {  	[sflag:s14] =	ssyncadd.s32 @!p0 $0xFFFFFFB0  }
0x95: {  	_ =	swait.ge @!p0 [sflag:s14], $0x50  }
0x96: {  	[sflag:s14] =	ssyncset.done @!p0 $0x0  }
0x97: {  	s7 =	simm.s32 @!p0 $0xE;
	[sflag:s14] =	ssyncadd.s32 @!p0 $0xFFFFFFB0  }
0x98: {  	_ =	swait.ge @!p0 [sflag:s7], $0x2800  }
0x99: {  	s19 =	rddreg [dreg:$0x11]  }
0x9a: {  	[sflag:s7] =	ssyncset.done @!p0 $0x0;
	s21 =	rddreg [dreg:$0x10]  }
0x9b: {  	[sflag:s7] =	ssyncadd.s32 @!p0 $0xFFFFD800;
	s28 =	sadd.s32 $0x0, s19;
	s19 =	simm.s32 $0x14280  }
0x9c: {  	[tilespmem:s19], [sflag:$0x6] =	stream.linear.gather [hbm4b:s28+s3], $0x50, $0x38;
	[tilespmem:$0x1E800] =	vst v63  }
0x9d: {  	s14 =	simm.s32 $0x14680;
	s8 =	sadd.s32 $0x0, s21  }
0x9e: {  	[tilespmem:s14], [sflag:$0x6] =	stream.linear.gather [hbm4b:s8+s3], $0x50, $0x38;
	[tilespmem:$0x1E800] =	vst v63  }
0x9f: {  	s7 =	simm.s32 @p0 $0x3;
	s21 =	simm.s32 $0x17000  }
0xa0: {  	[tilespmem:s21], [sflag:$0xA] =	stream.indirect.gather [hbm4b:s4+s12], $0x80, s17, s12, $0xb8;
	[tilespmem:$0x1E800] =	vst v63  }
0xa1: {  	_ =	swait.ge @p0 [sflag:s7], $0x50  }
0xa2: {  	[sflag:s7] =	ssyncset.done @p0 $0x0  }
0xa3: {  	[sflag:s7] =	ssyncadd.s32 @p0 $0xFFFFFFB0  }
0xa4: {  	_ =	swait.ge @p0 [sflag:s7], $0x50  }
0xa5: {  	[sflag:s7] =	ssyncset.done @p0 $0x0  }
0xa6: {  	[sflag:s7] =	ssyncadd.s32 @p0 $0xFFFFFFB0;
	s7 =	simm.s32 @!p0 $0xB  }
0xa7: {  	_ =	swait.ge @!p0 [sflag:s7], $0x2800  }
0xa8: {  	s8 =	simm.s32 @!p0 $0x3;
	[sflag:s7] =	ssyncset.done @!p0 $0x0  }
0xa9: {  	s14 =	simm.s32 @!p0 $0x19800;
	[sflag:s7] =	ssyncadd.s32 @!p0 $0xFFFFD800;
	s7 =	simm.s32 @!p0 $0x14700  }
0xaa: {  	[spmem:s1] =	stream.indirect.scatter.add.f32 @!p0 [tilespmem:s14], [sflag:$0xF], $0x80, s7, s29, $0xb8;
	[tilespmem:$0x1E800] =	vst v63  }
0xab: {  	_ =	swait.ge @!p0 [sflag:s8], $0x50  }
0xac: {  	[sflag:s8] =	ssyncset.done @!p0 $0x0  }
0xad: {  	[sflag:s8] =	ssyncadd.s32 @!p0 $0xFFFFFFB0  }
0xae: {  	_ =	swait.ge @!p0 [sflag:s8], $0x50  }
0xaf: {  	[sflag:s8] =	ssyncset.done @!p0 $0x0  }
0xb0: {  	s7 =	simm.s32 @!p0 $0xF;
	[sflag:s8] =	ssyncadd.s32 @!p0 $0xFFFFFFB0  }
0xb1: {  	_ =	swait.ge @!p0 [sflag:s7], $0x2800  }
0xb2: {  	s17 =	rddreg [dreg:$0xf]  }
0xb3: {  	[sflag:s7] =	ssyncset.done @!p0 $0x0;
	s28 =	rddreg [dreg:$0xe]  }
0xb4: {  	[sflag:s7] =	ssyncadd.s32 @!p0 $0xFFFFD800;
	s8 =	sadd.s32 $0x0, s17;
	s17 =	simm.s32 $0x14300  }
0xb5: {  	[tilespmem:s17], [sflag:$0x7] =	stream.linear.gather [hbm4b:s8+s3], $0x50, $0x38;
	[tilespmem:$0x1E800] =	vst v63  }
0xb6: {  	s14 =	sadd.s32 $0x0, s28;
	s28 =	simm.s32 $0x14700  }
0xb7: {  	[tilespmem:s28], [sflag:$0x7] =	stream.linear.gather [hbm4b:s14+s3], $0x50, $0x38;
	[tilespmem:$0x1E800] =	vst v63  }
0xb8: {  	s7 =	simm.s32 @p0 $0x4;
	s28 =	simm.s32 $0x19800  }
0xb9: {  	[tilespmem:s28], [sflag:$0xB] =	stream.indirect.gather [hbm4b:s4+s12], $0x80, s13, s12, $0xb8;
	[tilespmem:$0x1E800] =	vst v63  }
0xba: {  	_ =	swait.ge @p0 [sflag:s7], $0x50  }
0xbb: {  	[sflag:s7] =	ssyncset.done @p0 $0x0  }
0xbc: {  	[sflag:s7] =	ssyncadd.s32 @p0 $0xFFFFFFB0  }
0xbd: {  	_ =	swait.ge @p0 [sflag:s7], $0x50  }
0xbe: {  	[sflag:s7] =	ssyncset.done @p0 $0x0  }
0xbf: {  	[sflag:s7] =	ssyncadd.s32 @p0 $0xFFFFFFB0;
	s7 =	simm.s32 @!p0 $0xC  }
0xc0: {  	_ =	swait.ge @!p0 [sflag:s7], $0x2800  }
0xc1: {  	s8 =	simm.s32 @!p0 $0x4;
	[sflag:s7] =	ssyncset.done @!p0 $0x0  }
0xc2: {  	s14 =	simm.s32 @!p0 $0x1C000;
	[sflag:s7] =	ssyncadd.s32 @!p0 $0xFFFFD800;
	s7 =	simm.s32 @!p0 $0x14780  }
0xc3: {  	[spmem:s1] =	stream.indirect.scatter.add.f32 @!p0 [tilespmem:s14], [sflag:$0x10], $0x80, s7, s29, $0xb8;
	[tilespmem:$0x1E800] =	vst v63  }
0xc4: {  	_ =	swait.ge @!p0 [sflag:s8], $0x50  }
0xc5: {  	[sflag:s8] =	ssyncset.done @!p0 $0x0  }
0xc6: {  	[sflag:s8] =	ssyncadd.s32 @!p0 $0xFFFFFFB0  }
0xc7: {  	_ =	swait.ge @!p0 [sflag:s8], $0x50  }
0xc8: {  	[sflag:s8] =	ssyncset.done @!p0 $0x0  }
0xc9: {  	s7 =	simm.s32 @!p0 $0x10;
	[sflag:s8] =	ssyncadd.s32 @!p0 $0xFFFFFFB0  }
0xca: {  	_ =	swait.ge @!p0 [sflag:s7], $0x2800  }
0xcb: {  	s13 =	rddreg [dreg:$0xd]  }
0xcc: {  	[sflag:s7] =	ssyncset.done @!p0 $0x0;
	s14 =	rddreg [dreg:$0xc]  }
0xcd: {  	[sflag:s7] =	ssyncadd.s32 @!p0 $0xFFFFD800;
	s29 =	sadd.s32 $0x0, s13;
	s13 =	simm.s32 $0x14380  }
0xce: {  	[tilespmem:s13], [sflag:$0x8] =	stream.linear.gather [hbm4b:s29+s3], $0x50, $0x38;
	[tilespmem:$0x1E800] =	vst v63  }
0xcf: {  	s8 =	sadd.s32 $0x0, s14;
	s14 =	simm.s32 $0x14780  }
0xd0: {  	[tilespmem:s14], [sflag:$0x8] =	stream.linear.gather [hbm4b:s8+s3], $0x50, $0x38;
	[tilespmem:$0x1E800] =	vst v63  }
0xd1: {  	s31 =	simm.s32 $0x14180;
	s29 =	simm.s32 $0x1C000  }
0xd2: {  	[tilespmem:s29], [sflag:$0xC] =	stream.indirect.gather [hbm4b:s4+s12], $0x80, s31, s12, $0xb8;
	[tilespmem:$0x1E800] =	vst v63  }
0xd3: {  	_ =	swait.ge [sflag:s22], $0x2800  }
0xd4: {  	[sflag:s22] =	ssyncset.done $0x0  }
0xd5: {  	s18 =	simm.s32 $0x14800;
	[sflag:s22] =	ssyncadd.s32 $0xFFFFD800  }
0xd6: {  	[spmem:s1] =	stream.indirect.scatter.add.f32 [tilespmem:s18], [sflag:$0xD], $0x80, s10, s12, $0xb8;
	[tilespmem:$0x1E800] =	vst v63  }
0xd7: {  	_ =	swait.ge [sflag:s5], $0x50  }
0xd8: {  	[sflag:s5] =	ssyncset.done $0x0  }
0xd9: {  	[sflag:s5] =	ssyncadd.s32 $0xFFFFFFB0  }
0xda: {  	_ =	swait.ge [sflag:s5], $0x50  }
0xdb: {  	[sflag:s5] =	ssyncset.done $0x0  }
0xdc: {  	[sflag:s5] =	ssyncadd.s32 $0xFFFFFFB0  }
0xdd: {  	_ =	swait.ge [sflag:s24], $0x2800  }
0xde: {  	s7 =	rddreg [dreg:$0xb];
	[sflag:s24] =	ssyncset.done $0x0  }
0xdf: {  	p0 =	por $0x0, $0x0;
	s8 =	rddreg [dreg:$0xa];
	[sflag:s24] =	ssyncadd.s32 $0xFFFFD800  }
0xe0: {  	s14 =	sadd.s32 @!p0 $0x0, s7;
	s24 =	simm.s32 @!p0 $0x0;
	s7 =	simm.s32 @!p0 $0x14000  }
0xe1: {  	[tilespmem:s7], [sflag:$0x1] =	stream.linear.gather @!p0 [hbm4b:s14+s24], $0x50, $0x38;
	[tilespmem:$0x1E800] =	vst v63  }
0xe2: {  	s8 =	sadd.s32 @!p0 $0x0, s8;
	s7 =	simm.s32 @!p0 $0x14400  }
0xe3: {  	[tilespmem:s7], [sflag:$0x1] =	stream.linear.gather @!p0 [hbm4b:s8+s24], $0x50, $0x38;
	[tilespmem:$0x1E800] =	vst v63  }
0xe4: {  	_ = 	snop  }
0xe5: {  	[tilespmem:s18], [sflag:$0x9] =	stream.indirect.gather [hbm4b:s4+s12], $0x80, s16, s12, $0xb8;
	[tilespmem:$0x1E800] =	vst v63  }
0xe6: {  	_ =	swait.ge [sflag:s26], $0x2800  }
0xe7: {  	[sflag:s26] =	ssyncset.done $0x0  }
0xe8: {  	[sflag:s26] =	ssyncadd.s32 $0xFFFFD800  }
0xe9: {  	[spmem:s1] =	stream.indirect.scatter.add.f32 [tilespmem:s21], [sflag:$0xE], $0x80, s20, s12, $0xb8;
	[tilespmem:$0x1E800] =	vst v63  }
0xea: {  	_ =	swait.ge [sflag:s30], $0x50  }
0xeb: {  	[sflag:s30] =	ssyncset.done $0x0  }
0xec: {  	[sflag:s30] =	ssyncadd.s32 $0xFFFFFFB0  }
0xed: {  	_ =	swait.ge [sflag:s30], $0x50  }
0xee: {  	[sflag:s30] =	ssyncset.done $0x0  }
0xef: {  	s16 =	simm.s32 $0xE;
	[sflag:s30] =	ssyncadd.s32 $0xFFFFFFB0  }
0xf0: {  	_ =	swait.ge [sflag:s16], $0x2800  }
0xf1: {  	s14 =	simm.s32 @!p0 $0x14080;
	s7 =	rddreg [dreg:$0x9];
	[sflag:s16] =	ssyncset.done $0x0  }
0xf2: {  	s8 =	rddreg [dreg:$0x8];
	[sflag:s16] =	ssyncadd.s32 $0xFFFFD800;
	s7 =	sadd.s32 @!p0 $0x0, s7  }
0xf3: {  	[tilespmem:s14], [sflag:$0x2] =	stream.linear.gather @!p0 [hbm4b:s7+s24], $0x50, $0x38;
	[tilespmem:$0x1E800] =	vst v63  }
0xf4: {  	s8 =	sadd.s32 @!p0 $0x0, s8;
	s7 =	simm.s32 @!p0 $0x14480  }
0xf5: {  	[tilespmem:s7], [sflag:$0x2] =	stream.linear.gather @!p0 [hbm4b:s8+s24], $0x50, $0x38;
	[tilespmem:$0x1E800] =	vst v63  }
0xf6: {  	_ = 	snop  }
0xf7: {  	[tilespmem:s21], [sflag:$0xA] =	stream.indirect.gather [hbm4b:s4+s12], $0x80, s19, s12, $0xb8;
	[tilespmem:$0x1E800] =	vst v63  }
0xf8: {  	_ =	swait.ge [sflag:s2], $0x2800  }
0xf9: {  	[sflag:s2] =	ssyncset.done $0x0  }
0xfa: {  	s26 =	simm.s32 $0x14500;
	[sflag:s2] =	ssyncadd.s32 $0xFFFFD800  }
0xfb: {  	[spmem:s1] =	stream.indirect.scatter.add.f32 [tilespmem:s28], [sflag:$0xF], $0x80, s26, s12, $0xb8;
	[tilespmem:$0x1E800] =	vst v63  }
0xfc: {  	_ =	swait.ge [sflag:s0], $0x50  }
0xfd: {  	[sflag:s0] =	ssyncset.done $0x0  }
0xfe: {  	[sflag:s0] =	ssyncadd.s32 $0xFFFFFFB0  }
0xff: {  	_ =	swait.ge [sflag:s0], $0x50  }
0x100: {  	[sflag:s0] =	ssyncset.done $0x0  }
0x101: {  	[sflag:s0] =	ssyncadd.s32 $0xFFFFFFB0  }
0x102: {  	_ =	swait.ge [sflag:s25], $0x2800  }
0x103: {  	s14 =	simm.s32 @!p0 $0x14100;
	s7 =	rddreg [dreg:$0x7];
	[sflag:s25] =	ssyncset.done $0x0  }
0x104: {  	s8 =	rddreg [dreg:$0x6];
	[sflag:s25] =	ssyncadd.s32 $0xFFFFD800;
	s7 =	sadd.s32 @!p0 $0x0, s7  }
0x105: {  	[tilespmem:s14], [sflag:$0x3] =	stream.linear.gather @!p0 [hbm4b:s7+s24], $0x50, $0x38;
	[tilespmem:$0x1E800] =	vst v63  }
0x106: {  	s8 =	sadd.s32 @!p0 $0x0, s8;
	s7 =	simm.s32 @!p0 $0x14500  }
0x107: {  	[tilespmem:s7], [sflag:$0x3] =	stream.linear.gather @!p0 [hbm4b:s8+s24], $0x50, $0x38;
	[tilespmem:$0x1E800] =	vst v63  }
0x108: {  	_ = 	snop  }
0x109: {  	[tilespmem:s28], [sflag:$0xB] =	stream.indirect.gather [hbm4b:s4+s12], $0x80, s17, s12, $0xb8;
	[tilespmem:$0x1E800] =	vst v63  }
0x10a: {  	_ =	swait.ge [sflag:s23], $0x2800  }
0x10b: {  	[sflag:s23] =	ssyncset.done $0x0  }
0x10c: {  	s28 =	simm.s32 $0x14580;
	[sflag:s23] =	ssyncadd.s32 $0xFFFFD800  }
0x10d: {  	[spmem:s1] =	stream.indirect.scatter.add.f32 [tilespmem:s29], [sflag:$0x10], $0x80, s28, s12, $0xb8;
	[tilespmem:$0x1E800] =	vst v63  }
0x10e: {  	_ =	swait.ge [sflag:s6], $0x50  }
0x10f: {  	[sflag:s6] =	ssyncset.done $0x0  }
0x110: {  	[sflag:s6] =	ssyncadd.s32 $0xFFFFFFB0  }
0x111: {  	_ =	swait.ge [sflag:s6], $0x50  }
0x112: {  	[sflag:s6] =	ssyncset.done $0x0  }
0x113: {  	[sflag:s6] =	ssyncadd.s32 $0xFFFFFFB0  }
0x114: {  	_ =	swait.ge [sflag:s15], $0x2800  }
0x115: {  	s14 =	simm.s32 @!p0 $0x14180;
	s7 =	rddreg [dreg:$0x5];
	[sflag:s15] =	ssyncset.done $0x0  }
0x116: {  	s8 =	rddreg [dreg:$0x4];
	[sflag:s15] =	ssyncadd.s32 $0xFFFFD800;
	s7 =	sadd.s32 @!p0 $0x0, s7  }
0x117: {  	[tilespmem:s14], [sflag:$0x4] =	stream.linear.gather @!p0 [hbm4b:s7+s24], $0x50, $0x38;
	[tilespmem:$0x1E800] =	vst v63  }
0x118: {  	s8 =	sadd.s32 @!p0 $0x0, s8;
	s7 =	simm.s32 @!p0 $0x14580  }
0x119: {  	[tilespmem:s7], [sflag:$0x4] =	stream.linear.gather @!p0 [hbm4b:s8+s24], $0x50, $0x38;
	[tilespmem:$0x1E800] =	vst v63  }
0x11a: {  	s31 =	simm.s32 $0xA  }
0x11b: {  	[tilespmem:s29], [sflag:$0xC] =	stream.indirect.gather [hbm4b:s4+s12], $0x80, s13, s12, $0xb8;
	[tilespmem:$0x1E800] =	vst v63  }
0x11c: {  	s2 =	simm.s32 $0xB;
	s25 =	simm.s32 $0xD;
	_ =	swait.ge [sflag:s22], $0x2800  }
0x11d: {  	s23 =	simm.s32 $0xC;
	s7 =	simm.s32 $0x50;
	[sflag:s22] =	ssyncset.done $0x0  }
.LBB2_4:
0x11e: {  	[sflag:s22] =	ssyncadd.s32 $0xFFFFD800;
	s10 =	simm.s32 $0x14600  }
0x11f: {  	[spmem:s1] =	stream.indirect.scatter.add.f32 [tilespmem:s18], [sflag:$0xD], $0x80, s10, s12, $0xb8;
	[tilespmem:$0x1E800] =	vst v63  }
0x120: {  	_ =	swait.ge [sflag:s9], $0x50  }
0x121: {  	[sflag:s9] =	ssyncset.done $0x0  }
0x122: {  	[sflag:s9] =	ssyncadd.s32 $0xFFFFFFB0  }
0x123: {  	s8 =	smov.u32 s7;
	_ =	swait.ge [sflag:s9], $0x50  }
0x124: {  	p1 =	seq.s32 s8, $0x0;
	[sflag:s9] =	ssyncset.done $0x0  }
0x125: {  	s14 =	simm.s32 @!p1 $0xD;
	[sflag:s9] =	ssyncadd.s32 $0xFFFFFFB0  }
0x126: {  	_ =	swait.ge @!p1 [sflag:s14], $0x2800  }
0x127: {  	s16 =	simm.s32 $0x14200;
	s17 =	rddreg [dreg:$0x13];
	[sflag:s14] =	ssyncset.done @!p1 $0x0  }
0x128: {  	s20 =	rddreg [dreg:$0x12];
	[sflag:s14] =	ssyncadd.s32 @!p1 $0xFFFFD800;
	s26 =	sadd.s32 s8, s17  }
0x129: {  	[tilespmem:s16], [sflag:$0x5] =	stream.linear.gather [hbm4b:s26+s3], $0x50, $0x38;
	[tilespmem:$0x1E800] =	vst v63  }
0x12a: {  	s28 =	sadd.s32 s8, s20  }
0x12b: {  	[tilespmem:s10], [sflag:$0x5] =	stream.linear.gather [hbm4b:s28+s3], $0x50, $0x38;
	[tilespmem:$0x1E800] =	vst v63  }
0x12c: {  	s14 =	simm.s32 @p1 $0x2  }
0x12d: {  	[tilespmem:s18], [sflag:$0x9] =	stream.indirect.gather [hbm4b:s4+s12], $0x80, s11, s12, $0xb8;
	[tilespmem:$0x1E800] =	vst v63  }
0x12e: {  	_ =	swait.ge @p1 [sflag:s14], $0x50  }
0x12f: {  	[sflag:s14] =	ssyncset.done @p1 $0x0  }
0x130: {  	[sflag:s14] =	ssyncadd.s32 @p1 $0xFFFFFFB0  }
0x131: {  	_ =	swait.ge @p1 [sflag:s14], $0x50  }
0x132: {  	[sflag:s14] =	ssyncset.done @p1 $0x0  }
0x133: {  	[sflag:s14] =	ssyncadd.s32 @p1 $0xFFFFFFB0;
	s14 =	simm.s32 @!p1 $0xA  }
0x134: {  	_ =	swait.ge @!p1 [sflag:s14], $0x2800  }
0x135: {  	s17 =	simm.s32 @!p1 $0x17000;
	s20 =	simm.s32 @!p1 $0x2;
	[sflag:s14] =	ssyncset.done @!p1 $0x0  }
0x136: {  	s10 =	simm.s32 @!p1 $0x14680;
	[sflag:s14] =	ssyncadd.s32 @!p1 $0xFFFFD800;
	s14 =	simm.s32 @!p1 $0x50  }
0x137: {  	[spmem:s1] =	stream.indirect.scatter.add.f32 @!p1 [tilespmem:s17], [sflag:$0xE], $0x80, s10, s14, $0xb8;
	[tilespmem:$0x1E800] =	vst v63  }
0x138: {  	_ =	swait.ge @!p1 [sflag:s20], $0x50  }
0x139: {  	[sflag:s20] =	ssyncset.done @!p1 $0x0  }
0x13a: {  	[sflag:s20] =	ssyncadd.s32 @!p1 $0xFFFFFFB0  }
0x13b: {  	_ =	swait.ge @!p1 [sflag:s20], $0x50  }
0x13c: {  	[sflag:s20] =	ssyncset.done @!p1 $0x0  }
0x13d: {  	s10 =	simm.s32 @!p1 $0xE;
	[sflag:s20] =	ssyncadd.s32 @!p1 $0xFFFFFFB0  }
0x13e: {  	_ =	swait.ge @!p1 [sflag:s10], $0x2800  }
0x13f: {  	s24 =	simm.s32 $0x14280;
	s13 =	rddreg [dreg:$0x11];
	[sflag:s10] =	ssyncset.done @!p1 $0x0  }
0x140: {  	s15 =	rddreg [dreg:$0x10];
	[sflag:s10] =	ssyncadd.s32 @!p1 $0xFFFFD800;
	s17 =	sadd.s32 s8, s13  }
0x141: {  	[tilespmem:s24], [sflag:$0x6] =	stream.linear.gather [hbm4b:s17+s3], $0x50, $0x38;
	[tilespmem:$0x1E800] =	vst v63  }
0x142: {  	s21 =	simm.s32 $0x14680;
	s20 =	sadd.s32 s8, s15  }
0x143: {  	[tilespmem:s21], [sflag:$0x6] =	stream.linear.gather [hbm4b:s20+s3], $0x50, $0x38;
	[tilespmem:$0x1E800] =	vst v63  }
0x144: {  	s26 =	simm.s32 $0x14080;
	s10 =	simm.s32 @p1 $0x3;
	s21 =	simm.s32 $0x17000  }
0x145: {  	[tilespmem:s21], [sflag:$0xA] =	stream.indirect.gather [hbm4b:s4+s12], $0x80, s26, s12, $0xb8;
	[tilespmem:$0x1E800] =	vst v63  }
0x146: {  	_ =	swait.ge @p1 [sflag:s10], $0x50  }
0x147: {  	[sflag:s10] =	ssyncset.done @p1 $0x0  }
0x148: {  	[sflag:s10] =	ssyncadd.s32 @p1 $0xFFFFFFB0  }
0x149: {  	_ =	swait.ge @p1 [sflag:s10], $0x50  }
0x14a: {  	[sflag:s10] =	ssyncset.done @p1 $0x0  }
0x14b: {  	[sflag:s10] =	ssyncadd.s32 @p1 $0xFFFFFFB0;
	s10 =	simm.s32 @!p1 $0xB  }
0x14c: {  	_ =	swait.ge @!p1 [sflag:s10], $0x2800  }
0x14d: {  	s17 =	simm.s32 @!p1 $0x3;
	[sflag:s10] =	ssyncset.done @!p1 $0x0  }
0x14e: {  	s20 =	simm.s32 @!p1 $0x19800;
	[sflag:s10] =	ssyncadd.s32 @!p1 $0xFFFFD800;
	s10 =	simm.s32 @!p1 $0x14700  }
0x14f: {  	[spmem:s1] =	stream.indirect.scatter.add.f32 @!p1 [tilespmem:s20], [sflag:$0xF], $0x80, s10, s14, $0xb8;
	[tilespmem:$0x1E800] =	vst v63  }
0x150: {  	_ =	swait.ge @!p1 [sflag:s17], $0x50  }
0x151: {  	[sflag:s17] =	ssyncset.done @!p1 $0x0  }
0x152: {  	[sflag:s17] =	ssyncadd.s32 @!p1 $0xFFFFFFB0  }
0x153: {  	_ =	swait.ge @!p1 [sflag:s17], $0x50  }
0x154: {  	[sflag:s17] =	ssyncset.done @!p1 $0x0  }
0x155: {  	s10 =	simm.s32 @!p1 $0xF;
	[sflag:s17] =	ssyncadd.s32 @!p1 $0xFFFFFFB0  }
0x156: {  	_ =	swait.ge @!p1 [sflag:s10], $0x2800  }
0x157: {  	s13 =	simm.s32 $0x14300;
	s28 =	rddreg [dreg:$0xf];
	[sflag:s10] =	ssyncset.done @!p1 $0x0  }
0x158: {  	s11 =	rddreg [dreg:$0xe];
	[sflag:s10] =	ssyncadd.s32 @!p1 $0xFFFFD800;
	s15 =	sadd.s32 s8, s28  }
0x159: {  	[tilespmem:s13], [sflag:$0x7] =	stream.linear.gather [hbm4b:s15+s3], $0x50, $0x38;
	[tilespmem:$0x1E800] =	vst v63  }
0x15a: {  	s20 =	simm.s32 $0x14700;
	s17 =	sadd.s32 s8, s11  }
0x15b: {  	[tilespmem:s20], [sflag:$0x7] =	stream.linear.gather [hbm4b:s17+s3], $0x50, $0x38;
	[tilespmem:$0x1E800] =	vst v63  }
0x15c: {  	s26 =	simm.s32 $0x14100;
	s10 =	simm.s32 @p1 $0x4;
	s15 =	simm.s32 $0x19800  }
0x15d: {  	[tilespmem:s15], [sflag:$0xB] =	stream.indirect.gather [hbm4b:s4+s12], $0x80, s26, s12, $0xb8;
	[tilespmem:$0x1E800] =	vst v63  }
0x15e: {  	_ =	swait.ge @p1 [sflag:s10], $0x50  }
0x15f: {  	[sflag:s10] =	ssyncset.done @p1 $0x0  }
0x160: {  	[sflag:s10] =	ssyncadd.s32 @p1 $0xFFFFFFB0  }
0x161: {  	_ =	swait.ge @p1 [sflag:s10], $0x50  }
0x162: {  	[sflag:s10] =	ssyncset.done @p1 $0x0  }
0x163: {  	[sflag:s10] =	ssyncadd.s32 @p1 $0xFFFFFFB0;
	s10 =	simm.s32 @!p1 $0xC  }
0x164: {  	_ =	swait.ge @!p1 [sflag:s10], $0x2800  }
0x165: {  	s17 =	simm.s32 @!p1 $0x4;
	[sflag:s10] =	ssyncset.done @!p1 $0x0  }
0x166: {  	s20 =	simm.s32 @!p1 $0x1C000;
	[sflag:s10] =	ssyncadd.s32 @!p1 $0xFFFFD800;
	s10 =	simm.s32 @!p1 $0x14780  }
0x167: {  	[spmem:s1] =	stream.indirect.scatter.add.f32 @!p1 [tilespmem:s20], [sflag:$0x10], $0x80, s10, s14, $0xb8;
	[tilespmem:$0x1E800] =	vst v63  }
0x168: {  	_ =	swait.ge @!p1 [sflag:s17], $0x50  }
0x169: {  	[sflag:s17] =	ssyncset.done @!p1 $0x0  }
0x16a: {  	[sflag:s17] =	ssyncadd.s32 @!p1 $0xFFFFFFB0  }
0x16b: {  	_ =	swait.ge @!p1 [sflag:s17], $0x50  }
0x16c: {  	[sflag:s17] =	ssyncset.done @!p1 $0x0  }
0x16d: {  	s10 =	simm.s32 @!p1 $0x10;
	[sflag:s17] =	ssyncadd.s32 @!p1 $0xFFFFFFB0  }
0x16e: {  	_ =	swait.ge @!p1 [sflag:s10], $0x2800  }
0x16f: {  	s26 =	simm.s32 $0x14380;
	s28 =	rddreg [dreg:$0xd];
	[sflag:s10] =	ssyncset.done @!p1 $0x0  }
0x170: {  	s11 =	rddreg [dreg:$0xc];
	[sflag:s10] =	ssyncadd.s32 @!p1 $0xFFFFD800;
	s14 =	sadd.s32 s8, s28  }
0x171: {  	[tilespmem:s26], [sflag:$0x8] =	stream.linear.gather [hbm4b:s14+s3], $0x50, $0x38;
	[tilespmem:$0x1E800] =	vst v63  }
0x172: {  	s20 =	sadd.s32 s8, s11;
	s28 =	simm.s32 $0x14780  }
0x173: {  	[tilespmem:s28], [sflag:$0x8] =	stream.linear.gather [hbm4b:s20+s3], $0x50, $0x38;
	[tilespmem:$0x1E800] =	vst v63  }
0x174: {  	s14 =	simm.s32 $0x14180;
	s28 =	simm.s32 $0x1C000  }
0x175: {  	[tilespmem:s28], [sflag:$0xC] =	stream.indirect.gather [hbm4b:s4+s12], $0x80, s14, s12, $0xb8;
	[tilespmem:$0x1E800] =	vst v63  }
0x176: {  	_ =	swait.ge [sflag:s22], $0x2800  }
0x177: {  	[sflag:s22] =	ssyncset.done $0x0  }
0x178: {  	s17 =	simm.s32 $0x14400;
	[sflag:s22] =	ssyncadd.s32 $0xFFFFD800  }
0x179: {  	[spmem:s1] =	stream.indirect.scatter.add.f32 [tilespmem:s18], [sflag:$0xD], $0x80, s17, s12, $0xb8;
	[tilespmem:$0x1E800] =	vst v63  }
0x17a: {  	_ =	swait.ge [sflag:s5], $0x50  }
0x17b: {  	[sflag:s5] =	ssyncset.done $0x0  }
0x17c: {  	[sflag:s5] =	ssyncadd.s32 $0xFFFFFFB0  }
0x17d: {  	_ =	swait.ge [sflag:s5], $0x50  }
0x17e: {  	[sflag:s5] =	ssyncset.done $0x0  }
0x17f: {  	p1 =	seq.s32 s8, $0x4B0;
	[sflag:s5] =	ssyncadd.s32 $0xFFFFFFB0  }
0x180: {  	s20 =	simm.s32 @!p1 $0x14000;
	_ =	swait.ge [sflag:s25], $0x2800  }
0x181: {  	s14 =	simm.s32 @!p1 $0x0;
	s10 =	rddreg [dreg:$0xb];
	[sflag:s25] =	ssyncset.done $0x0  }
0x182: {  	s17 =	rddreg [dreg:$0xa];
	[sflag:s25] =	ssyncadd.s32 $0xFFFFD800;
	s10 =	sadd.s32 @!p1 s8, s10  }
0x183: {  	[tilespmem:s20], [sflag:$0x1] =	stream.linear.gather @!p1 [hbm4b:s10+s14], $0x50, $0x38;
	[tilespmem:$0x1E800] =	vst v63  }
0x184: {  	s11 =	simm.s32 @!p1 $0x14400;
	s10 =	sadd.s32 @!p1 s8, s17  }
0x185: {  	[tilespmem:s11], [sflag:$0x1] =	stream.linear.gather @!p1 [hbm4b:s10+s14], $0x50, $0x38;
	[tilespmem:$0x1E800] =	vst v63  }
0x186: {  	_ = 	snop  }
0x187: {  	[tilespmem:s18], [sflag:$0x9] =	stream.indirect.gather [hbm4b:s4+s12], $0x80, s16, s12, $0xb8;
	[tilespmem:$0x1E800] =	vst v63  }
0x188: {  	_ =	swait.ge [sflag:s31], $0x2800  }
0x189: {  	[sflag:s31] =	ssyncset.done $0x0  }
0x18a: {  	s20 =	simm.s32 $0x14480;
	[sflag:s31] =	ssyncadd.s32 $0xFFFFD800  }
0x18b: {  	[spmem:s1] =	stream.indirect.scatter.add.f32 [tilespmem:s21], [sflag:$0xE], $0x80, s20, s12, $0xb8;
	[tilespmem:$0x1E800] =	vst v63  }
0x18c: {  	_ =	swait.ge [sflag:s30], $0x50  }
0x18d: {  	[sflag:s30] =	ssyncset.done $0x0  }
0x18e: {  	[sflag:s30] =	ssyncadd.s32 $0xFFFFFFB0  }
0x18f: {  	_ =	swait.ge [sflag:s30], $0x50  }
0x190: {  	[sflag:s30] =	ssyncset.done $0x0  }
0x191: {  	s16 =	simm.s32 $0xE;
	[sflag:s30] =	ssyncadd.s32 $0xFFFFFFB0  }
0x192: {  	_ =	swait.ge [sflag:s16], $0x2800  }
0x193: {  	s17 =	simm.s32 @!p1 $0x14080;
	s10 =	rddreg [dreg:$0x9];
	[sflag:s16] =	ssyncset.done $0x0  }
0x194: {  	s11 =	rddreg [dreg:$0x8];
	[sflag:s16] =	ssyncadd.s32 $0xFFFFD800;
	s10 =	sadd.s32 @!p1 s8, s10  }
0x195: {  	[tilespmem:s17], [sflag:$0x2] =	stream.linear.gather @!p1 [hbm4b:s10+s14], $0x50, $0x38;
	[tilespmem:$0x1E800] =	vst v63  }
0x196: {  	s20 =	simm.s32 @!p1 $0x14480;
	s10 =	sadd.s32 @!p1 s8, s11  }
0x197: {  	[tilespmem:s20], [sflag:$0x2] =	stream.linear.gather @!p1 [hbm4b:s10+s14], $0x50, $0x38;
	[tilespmem:$0x1E800] =	vst v63  }
0x198: {  	_ = 	snop  }
0x199: {  	[tilespmem:s21], [sflag:$0xA] =	stream.indirect.gather [hbm4b:s4+s12], $0x80, s24, s12, $0xb8;
	[tilespmem:$0x1E800] =	vst v63  }
0x19a: {  	_ =	swait.ge [sflag:s2], $0x2800  }
0x19b: {  	[sflag:s2] =	ssyncset.done $0x0  }
0x19c: {  	s21 =	simm.s32 $0x14500;
	[sflag:s2] =	ssyncadd.s32 $0xFFFFD800  }
0x19d: {  	[spmem:s1] =	stream.indirect.scatter.add.f32 [tilespmem:s15], [sflag:$0xF], $0x80, s21, s12, $0xb8;
	[tilespmem:$0x1E800] =	vst v63  }
0x19e: {  	_ =	swait.ge [sflag:s0], $0x50  }
0x19f: {  	[sflag:s0] =	ssyncset.done $0x0  }
0x1a0: {  	[sflag:s0] =	ssyncadd.s32 $0xFFFFFFB0  }
0x1a1: {  	_ =	swait.ge [sflag:s0], $0x50  }
0x1a2: {  	[sflag:s0] =	ssyncset.done $0x0  }
0x1a3: {  	s24 =	simm.s32 $0xF;
	[sflag:s0] =	ssyncadd.s32 $0xFFFFFFB0  }
0x1a4: {  	_ =	swait.ge [sflag:s24], $0x2800  }
0x1a5: {  	s17 =	simm.s32 @!p1 $0x14100;
	s10 =	rddreg [dreg:$0x7];
	[sflag:s24] =	ssyncset.done $0x0  }
0x1a6: {  	s11 =	rddreg [dreg:$0x6];
	[sflag:s24] =	ssyncadd.s32 $0xFFFFD800;
	s10 =	sadd.s32 @!p1 s8, s10  }
0x1a7: {  	[tilespmem:s17], [sflag:$0x3] =	stream.linear.gather @!p1 [hbm4b:s10+s14], $0x50, $0x38;
	[tilespmem:$0x1E800] =	vst v63  }
0x1a8: {  	s20 =	simm.s32 @!p1 $0x14500;
	s10 =	sadd.s32 @!p1 s8, s11  }
0x1a9: {  	[tilespmem:s20], [sflag:$0x3] =	stream.linear.gather @!p1 [hbm4b:s10+s14], $0x50, $0x38;
	[tilespmem:$0x1E800] =	vst v63  }
0x1aa: {  	_ = 	snop  }
0x1ab: {  	[tilespmem:s15], [sflag:$0xB] =	stream.indirect.gather [hbm4b:s4+s12], $0x80, s13, s12, $0xb8;
	[tilespmem:$0x1E800] =	vst v63  }
0x1ac: {  	_ =	swait.ge [sflag:s23], $0x2800  }
0x1ad: {  	[sflag:s23] =	ssyncset.done $0x0  }
0x1ae: {  	s20 =	simm.s32 $0x14580;
	[sflag:s23] =	ssyncadd.s32 $0xFFFFD800  }
0x1af: {  	[spmem:s1] =	stream.indirect.scatter.add.f32 [tilespmem:s28], [sflag:$0x10], $0x80, s20, s12, $0xb8;
	[tilespmem:$0x1E800] =	vst v63  }
0x1b0: {  	_ =	swait.ge [sflag:s6], $0x50  }
0x1b1: {  	[sflag:s6] =	ssyncset.done $0x0  }
0x1b2: {  	[sflag:s6] =	ssyncadd.s32 $0xFFFFFFB0  }
0x1b3: {  	_ =	swait.ge [sflag:s6], $0x50  }
0x1b4: {  	[sflag:s6] =	ssyncset.done $0x0  }
0x1b5: {  	s24 =	simm.s32 $0x10;
	[sflag:s6] =	ssyncadd.s32 $0xFFFFFFB0  }
0x1b6: {  	s7 =	sadd.s32 $0x50, s7;
	_ =	swait.ge [sflag:s24], $0x2800  }
0x1b7: {  	s17 =	simm.s32 @!p1 $0x14180;
	s10 =	rddreg [dreg:$0x5];
	[sflag:s24] =	ssyncset.done $0x0  }
0x1b8: {  	s11 =	rddreg [dreg:$0x4];
	[sflag:s24] =	ssyncadd.s32 $0xFFFFD800;
	s10 =	sadd.s32 @!p1 s8, s10  }
0x1b9: {  	[tilespmem:s17], [sflag:$0x4] =	stream.linear.gather @!p1 [hbm4b:s10+s14], $0x50, $0x38;
	[tilespmem:$0x1E800] =	vst v63  }
0x1ba: {  	p0 =	sne.s32 s7, $0x500;
	s20 =	simm.s32 @!p1 $0x14580;
	s8 =	sadd.s32 @!p1 s8, s11  }
0x1bb: {  	[tilespmem:s20], [sflag:$0x4] =	stream.linear.gather @!p1 [hbm4b:s8+s14], $0x50, $0x38;
	[tilespmem:$0x1E800] =	vst v63  }
.Ltmp1:
0x1bc: {  	_ = 	snop;
	(pc) =	sbr.rel @p0 .LBB2_4-.Ltmp1, $4  }
0x1bd: {  	s19 =	simm.s32 $0x14600  }
0x1be: {  	[tilespmem:s28], [sflag:$0xC] =	stream.indirect.gather [hbm4b:s4+s12], $0x80, s26, s12, $0xb8;
	[tilespmem:$0x1E800] =	vst v63  }
0x1bf: {  	s29 =	simm.s32 $0x17000;
	s21 =	simm.s32 $0x19800;
	_ =	swait.ge [sflag:s22], $0x2800  }
0x1c0: {  	s11 =	simm.s32 $0x14000;
	s8 =	simm.s32 $0x1C000;
	[sflag:s22] =	ssyncset.done $0x0  }
0x1c1: {  	[sflag:s22] =	ssyncadd.s32 $0xFFFFD800  }
0x1c2: {  	[spmem:s1] =	stream.indirect.scatter.add.f32 [tilespmem:s18], [sflag:$0xD], $0x80, s19, s12, $0xb8;
	[tilespmem:$0x1E800] =	vst v63  }
0x1c3: {  	_ =	swait.ge [sflag:s31], $0x2800  }
0x1c4: {  	[sflag:s31] =	ssyncset.done $0x0  }
0x1c5: {  	s7 =	simm.s32 $0x14680;
	[sflag:s31] =	ssyncadd.s32 $0xFFFFD800  }
0x1c6: {  	[spmem:s1] =	stream.indirect.scatter.add.f32 [tilespmem:s29], [sflag:$0xE], $0x80, s7, s12, $0xb8;
	[tilespmem:$0x1E800] =	vst v63  }
0x1c7: {  	_ =	swait.ge [sflag:s2], $0x2800  }
0x1c8: {  	[sflag:s2] =	ssyncset.done $0x0  }
0x1c9: {  	s20 =	simm.s32 $0x14700;
	[sflag:s2] =	ssyncadd.s32 $0xFFFFD800  }
0x1ca: {  	[spmem:s1] =	stream.indirect.scatter.add.f32 [tilespmem:s21], [sflag:$0xF], $0x80, s20, s12, $0xb8;
	[tilespmem:$0x1E800] =	vst v63  }
0x1cb: {  	_ =	swait.ge [sflag:s23], $0x2800  }
0x1cc: {  	[sflag:s23] =	ssyncset.done $0x0  }
0x1cd: {  	[sflag:s23] =	ssyncadd.s32 $0xFFFFD800;
	s23 =	simm.s32 $0x14780  }
0x1ce: {  	[spmem:s1] =	stream.indirect.scatter.add.f32 [tilespmem:s8], [sflag:$0x10], $0x80, s23, s12, $0xb8;
	[tilespmem:$0x1E800] =	vst v63  }
0x1cf: {  	_ =	swait.ge [sflag:s25], $0x2800  }
0x1d0: {  	[sflag:s25] =	ssyncset.done $0x0  }
0x1d1: {  	[sflag:s25] =	ssyncadd.s32 $0xFFFFD800  }
0x1d2: {  	_ =	swait.ge [sflag:s16], $0x2800  }
0x1d3: {  	[sflag:s16] =	ssyncset.done $0x0  }
0x1d4: {  	s24 =	simm.s32 $0xF;
	[sflag:s16] =	ssyncadd.s32 $0xFFFFD800  }
0x1d5: {  	_ =	swait.ge [sflag:s24], $0x2800  }
0x1d6: {  	[sflag:s24] =	ssyncset.done $0x0  }
0x1d7: {  	s25 =	simm.s32 $0x10;
	[sflag:s24] =	ssyncadd.s32 $0xFFFFD800  }
0x1d8: {  	_ =	swait.ge [sflag:s25], $0x2800  }
0x1d9: {  	[sflag:s25] =	ssyncset.done $0x0  }
0x1da: {  	[sflag:s25] =	ssyncadd.s32 $0xFFFFD800  }
0x1db: {  	[bflag:$0x0] =	sbarrier.arrive $0xFFFF  }
0x1dc: {  	s26 =	stileid.u32;
	s10 =	sld [smem:$0x7FC]  }
0x1dd: {  	s7 =	sshll.u32 s26, $0x6;
	s14 =	rddreg [dreg:$0x14]  }
0x1de: {  	s29 =	simm.s32 $0x11;
	s7 =	sor.u32 $0x1C11, s7;
	s28 =	sshrl.u32 s14, $0x3  }
0x1df: {  	[hbm:s10], [sflag:s7] =	dma.local [spmem:s28], $0x2800  }
0x1e0: {  	_ =	swait.ge [sflag:s29], $0x2800  }
0x1e1: {  	s13 =	sld [smem:$0x7F7]  }
0x1e2: {  	s31 =	sld [smem:$0x7FD];
	_ =	sdelay $0x1  }
0x1e3: {  	s13 =	sadd.s32 $0x1, s13  }
0x1e4: {  	p0 =	sne.s32 s13, s31  }
.Ltmp2:
0x1e5: {  	_ = 	snop;
	(pc) =	sbr.rel @p0 .LBB2_1-.Ltmp2, $4  }
0x1e6: {  	s17 =	simm.s32 $0x14080;
	s15 =	simm.s32 $0x10;
	s18 =	simm.s32 $0x14800  }
0x1e7: {  	s26 =	simm.s32 $0xA;
	s2 =	simm.s32 $0xB;
	s20 =	simm.s32 $0x14480  }
0x1e8: {  	s23 =	simm.s32 $0xC;
	s24 =	simm.s32 $0xD;
	[sflag:s29] =	ssyncset.done $0x0  }
0x1e9: {  	s25 =	simm.s32 $0xF;
	s10 =	simm.s32 $0x14400;
	[sflag:s29] =	ssyncadd.s32 $0xFFFFD800  }
0x1ea: {  	_ =	sfence.sel $0x180000  }
0x1eb: {  	[bflag:$0x0] =	sbarrier.arrive $0xFFFF  }
0x1ec: {  	_ =	strace $0x9000004D  }
0x1ed: {  	s0 =	stileid.u32;
	[bflag:$0x2] =	sbarrier.arrive $0xFFFF  }
0x1ee: {  	p0 =	sne.s32 s0, $0x0;
	s0 =	rddreg [dreg:$0x3]  }
0x1ef: {  	s0 =	sadd.s32 @!p0 $0x100000, s0  }
0x1f0: {  	[sflag:s0] =	ssyncadd.tile.s32 @!p0 $0x1;
	_ =	shalt  }
.Lfunc_end2:
_tile_overlayer_lowered:
.L_overlay_start_2:
0x1f1: {  	(tag) =	ssettag $0x2  }
0x1f2: {  	s0 =	rddreg [dreg:$0x0];
	s2 =	stileid.u32  }
0x1f3: {  	s1 =	rddreg [dreg:$0x1];
	p0 =	sne.s32 s2, $0x0  }
0x1f4: {  	s3 =	rddreg [dreg:$0x2];
	[bflag:$0x3] =	sbarrier.arrive $0xFFFF;
	s2 =	simm.s32 @!p0 $0x1C11  }
0x1f5: {  	[timem:s3], [sflag:s2] =	dma.local @!p0 [hbm:s0], s1  }
0x1f6: {  	s0 =	simm.s32 @!p0 $0x11  }
0x1f7: {  	_ =	swait.ge @!p0 [sflag:s0], s1  }
0x1f8: {  	s1 =	ssub.s32 @!p0 $0x0, s1;
	[sflag:s0] =	ssyncset.done @!p0 $0x0  }
0x1f9: {  	[sflag:s0] =	ssyncadd.s32 @!p0 s1  }
0x1fa: {  	[bflag:$0x3] =	sbarrier.arrive $0xFFFF  }
0x1fb: {  	_ =	shalt  }

// kernel: kernel.19.cloned.1.call-start
scs
__scs_entry_jumppad:
0x0: {  	(pc) =	sbr.rel $0x88, $3  }
0x1: {  	(tag) =	ssettag $0x0;
	lr =	simm.s32 $0x1  }
0x2: {  	[smem:$0x3F99] =	sst lr;
	_ =	strace $0xD0000000  }
0x3: {  	_ = 	snop  }
0x4: {  	_ = 	snop  }
0x5: {  	_ = 	snop  }
0x6: {  	_ = 	snop  }
0x7: {  	_ = 	snop  }
__scs_overlays_trampoline_lowered:
0x8: {  	[smem:$0x3FA8] =	sst s0  }
0x9: {  	[smem:$0x3FA9] =	sst s1  }
0xa: {  	[smem:$0x3FAA] =	sst s2  }
0xb: {  	[smem:$0x3FAB] =	sst s3  }
0xc: {  	[smem:$0x3FAC] =	sst s4  }
0xd: {  	[smem:$0x3FAD] =	sst s5  }
0xe: {  	[smem:$0x3FAE] =	sst s6  }
0xf: {  	[smem:$0x3FAF] =	sst s7  }
0x10: {  	[smem:$0x3FB0] =	sst s8  }
0x11: {  	[smem:$0x3FB1] =	sst s9;
	s0 =	simm.s32 @!p0 $0x0  }
0x12: {  	s1 =	sld [smem:$0x3F97];
	s0 =	simm.s32 @p0 $0x1  }
0x13: {  	[smem:$0x3FB2] =	sst s0;
	s0 =	simm.s32 @!p1 $0x0  }
0x14: {  	s2 =	sld [smem:$0x3F96];
	s0 =	simm.s32 @p1 $0x1  }
0x15: {  	[smem:$0x3FB3] =	sst s0;
	s0 =	simm.s32 @!p2 $0x0  }
0x16: {  	s3 =	sld [smem:$0x3FDB];
	s0 =	simm.s32 @p2 $0x1  }
0x17: {  	s4 =	simm.s32 $0x1BF5;
	[smem:$0x3FB5] =	sst s0  }
0x18: {  	s0 =	sld [smem:$0x3F98];
	_ =	swait.ge [sflag:s4], $0x0  }
0x19: {  	s7 =	sld [smem:$0x3F99]  }
0x1a: {  	s8 =	sadd.s32 $0xFFFFE003, lr  }
0x1b: {  	s9 =	sadd.s32 $0xFFFFFEF7, lr;
	s5 =	simm.s32 $0xFFFFFFFF;
	p2 =	slt.u32 s8, $0xFFFFF086  }
0x1c: {  	p1 =	slt.u32 s9, $0xF7A;
	s5 =	simm.s32 @!p2 $0x0  }
0x1d: {  	s5 =	simm.s32 @p1 $0x1;
	p0 =	seq.s32 s7, s2  }
0x1e: {  	s7 =	smul.u32 @!p0 $0xF7A, s2;
	p2 =	seq.s32 @!p0 s5, $0x0  }
0x1f: {  	s9 =	smul.u32 $0xF7A, s1;
	s8 =	simm.s32 @!p0 $0x1BF5;
	p2 =	por !p2, p0  }
0x20: {  	[sflag:s8] =	ssyncset.s32 @!p0 $0xFFFFF086;
	s6 =	sadd.s32 @!p0 s3, s7;
	s7 =	simm.s32 @!p0 $0x108  }
0x21: {  	s3 =	sadd.s32 s3, s9;
	s6 =	sadd.s32 @!p0 $0x88, s6;
	s7 =	simm.s32 @p2 $0x1082  }
0x22: {  	[simem:s7], [sflag:s8] =	dma.local @!p0 [hbm:s6], $0xF7A  }
0x23: {  	s9 =	sor.u32 $0xD0000000, s2;
	s6 =	simm.s32 $0x108;
	_ =	swait.ge @!p0 [sflag:s8], $0x0  }
0x24: {  	s3 =	sadd.s32 $0x88, s3;
	s6 =	simm.s32 @!p1 $0x1082;
	[sflag:s4] =	ssyncset.s32 $0xFFFFF086  }
0x25: {  	[simem:s6], [sflag:s4] =	dma.local [hbm:s3], $0xF7A  }
0x26: {  	[smem:$0x3F99] =	sst s1;
	(tag) =	ssettag s2;
	_ =	strace s9  }
0x27: {  	s1 =	sld [smem:$0x3FA9]  }
0x28: {  	s2 =	sld [smem:$0x3FAA]  }
0x29: {  	s4 =	sld [smem:$0x3FAC]  }
0x2a: {  	p0 =	seq.s32 s5, $0x0;
	s5 =	sld [smem:$0x3FAD]  }
0x2b: {  	s6 =	sld [smem:$0x3FAE]  }
0x2c: {  	s7 =	sld [smem:$0x3FAF]  }
0x2d: {  	s3 =	simm.s32 $0x108;
	s8 =	sld [smem:$0x3FB0]  }
0x2e: {  	s3 =	simm.s32 @!p0 $0x1082;
	s9 =	sld [smem:$0x3FB1]  }
0x2f: {  	lr =	sadd.s32 s0, s3;
	s0 =	sld [smem:$0x3FA8]  }
0x30: {  	s3 =	sld [smem:$0x3FAB]  }
0x31: {  	[smem:$0x3FB4] =	sst s10  }
0x32: {  	s10 =	sld [smem:$0x3FB2];
	_ =	sdelay $0x3  }
0x33: {  	p0 =	seq.s32 s10, $0x1;
	s10 =	sld [smem:$0x3FB4];
	_ =	sdelay $0x3  }
0x34: {  	[smem:$0x3FB4] =	sst s10  }
0x35: {  	s10 =	sld [smem:$0x3FB3];
	_ =	sdelay $0x3  }
0x36: {  	p1 =	seq.s32 s10, $0x1;
	s10 =	sld [smem:$0x3FB4];
	_ =	sdelay $0x3  }
0x37: {  	[smem:$0x3FB4] =	sst s10  }
0x38: {  	s10 =	sld [smem:$0x3FB5]  }
0x39: {  	_ = 	snop;
	(pc) =	sbr.ind lr, $3  }
0x3a: {  	_ = 	snop  }
0x3b: {  	_ = 	snop  }
0x3c: {  	p2 =	seq.s32 s10, $0x1;
	s10 =	sld [smem:$0x3FB4]  }
0x3d: {  	_ =	shalt  }
0x3e: {  	_ =	shalt  }
0x3f: {  	_ =	shalt  }
0x40: {  	_ =	shalt  }
0x41: {  	_ =	shalt  }
0x42: {  	_ =	shalt  }
0x43: {  	_ =	shalt  }
0x44: {  	_ =	shalt  }
0x45: {  	_ =	shalt  }
0x46: {  	_ =	shalt  }
0x47: {  	_ =	shalt  }
0x48: {  	_ =	shalt  }
0x49: {  	_ =	shalt  }
0x4a: {  	_ =	shalt  }
0x4b: {  	_ =	shalt  }
0x4c: {  	_ =	shalt  }
0x4d: {  	_ =	shalt  }
0x4e: {  	_ =	shalt  }
0x4f: {  	_ =	shalt  }
0x50: {  	_ =	shalt  }
0x51: {  	_ =	shalt  }
0x52: {  	_ =	shalt  }
0x53: {  	_ =	shalt  }
0x54: {  	_ =	shalt  }
0x55: {  	_ =	shalt  }
0x56: {  	_ =	shalt  }
0x57: {  	_ =	shalt  }
0x58: {  	_ =	shalt  }
0x59: {  	_ =	shalt  }
0x5a: {  	_ =	shalt  }
0x5b: {  	_ =	shalt  }
0x5c: {  	_ =	shalt  }
0x5d: {  	_ =	shalt  }
0x5e: {  	_ =	shalt  }
0x5f: {  	_ =	shalt  }
0x60: {  	_ =	shalt  }
0x61: {  	_ =	shalt  }
0x62: {  	_ =	shalt  }
0x63: {  	_ =	shalt  }
0x64: {  	_ =	shalt  }
0x65: {  	_ =	shalt  }
0x66: {  	_ =	shalt  }
0x67: {  	_ =	shalt  }
0x68: {  	_ =	shalt  }
0x69: {  	_ =	shalt  }
0x6a: {  	_ =	shalt  }
0x6b: {  	_ =	shalt  }
0x6c: {  	_ =	shalt  }
0x6d: {  	_ =	shalt  }
0x6e: {  	_ =	shalt  }
0x6f: {  	_ =	shalt  }
0x70: {  	_ =	shalt  }
0x71: {  	_ =	shalt  }
0x72: {  	_ =	shalt  }
0x73: {  	_ =	shalt  }
0x74: {  	_ =	shalt  }
0x75: {  	_ =	shalt  }
0x76: {  	_ =	shalt  }
0x77: {  	_ =	shalt  }
0x78: {  	_ =	shalt  }
0x79: {  	_ =	shalt  }
0x7a: {  	_ =	shalt  }
0x7b: {  	_ =	shalt  }
0x7c: {  	_ =	shalt  }
0x7d: {  	_ =	shalt  }
0x7e: {  	_ =	shalt  }
0x7f: {  	_ =	shalt  }
0x80: {  	_ =	shalt  }
0x81: {  	_ =	shalt  }
0x82: {  	_ =	shalt  }
0x83: {  	_ =	shalt  }
0x84: {  	_ =	shalt  }
0x85: {  	_ =	shalt  }
0x86: {  	_ =	shalt  }
0x87: {  	_ =	shalt  }
.Lfunc_end0:
.L_simem_size_0:
called_computation.3_lowered:
.L_overlay_start_0:
0x88: {  	s2 =	sld [smem:$0x3FD9]  }
0x89: {  	s3 =	sld [smem:$0x3FFE];
	_ =	sdelay $0x1  }
0x8a: {  	s1 =	srdreg.scid  }
0x8b: {  	s0 =	sand.u32 $0x1, s1  }
0x8c: {  	s17 =	sshll.u32 s0, $0xA;
	s2 =	sadd.s32 s3, s2  }
0x8d: {  	s2 =	sadd.s32 s2, s17  }
0x8e: {  	[smem:$0x3FC0] =	sst s2  }
0x8f: {  	_ = 	snop  }
0x90: {  	s2 =	sld [smem:$0x3FD0];
	(tm) =	ssettm $0x1  }
0x91: {  	s18 =	sld [smem:$0x3FFB];
	_ =	sdelay $0x3  }
0x92: {  	_ =	strace s18  }
0x93: {  	s3 =	sld [smem:$0x3FFC];
	_ =	sdelay $0x3  }
0x94: {  	_ =	strace s3  }
0x95: {  	s3 =	sld [smem:$0x3FFD];
	_ =	sdelay $0x3  }
0x96: {  	_ =	strace s3  }
0x97: {  	_ =	strace $0x8FFFFFFF  }
0x98: {  	s19 =	sld [smem:$0x3FDB];
	_ =	sdelay $0x1  }
0x99: {  	s4 =	simm.s32 $_scs_section_size  }
0x9a: {  	s5 =	simm.s32 $_size__tile_overlayer_lowered;
	s6 =	simm.s32 $_tile_overlayer_lowered  }
0x9b: {  	s22 =	simm.s32 $0x1BFF;
	s21 =	sshll.u32 s6, $0x1;
	s3 =	sadd.s32 s4, s19  }
0x9c: {  	s7 =	simm.s32 $0x0;
	s20 =	sshll.u32 s5, $0x1;
	s5 =	sadd.s32 s21, s3  }
0x9d: {  	[timem:s7], [sflag:s22] =	dma.local [hbm:s5], s20  }
0x9e: {  	_ =	swait.ge [sflag:s22], s20  }
0x9f: {  	s4 =	ssub.s32 $0x0, s20;
	[sflag:s22] =	ssyncset.done $0x0  }
0xa0: {  	[sflag:s22] =	ssyncadd.s32 s4;
	_ =	sdelay $0x1  }
0xa1: {  	s23 =	simm.s32 $0x1B8B  }
0xa2: {  	_ =	swait.ge [sflag:s23], $0x1  }
0xa3: {  	[sflag:s23] =	ssyncset.done $0x0  }
0xa4: {  	s25 =	simm.s32 $0x1B8E;
	s24 =	sld [smem:$0x3FFE];
	[sflag:s23] =	ssyncadd.s32 $0xFFFFFFFF  }
0xa5: {  	s26 =	simm.s32 $execute0_lowered;
	[smem:$0x3FD2] =	sst s25  }
0xa6: {  	s5 =	sshll.u32 s26, $0x1;
	_ =	strace $0x8000004F;
	[dreg:$0x1] =	wrdreg $0xFFFFFFFF  }
0xa7: {  	s28 =	simm.s32 $_size_execute0_lowered;
	s3 =	sadd.s32 s3, s5;
	[dreg:$0x0] =	wrdreg $0x0  }
0xa8: {  	s5 =	sshll.u32 s28, $0x1;
	[dreg:$0x2] =	wrdreg s3  }
0xa9: {  	[dreg:$0x3] =	wrdreg s5  }
0xaa: {  	[dreg:$0x4] =	wrdreg $0xC0  }
0xab: {  	_ =	task [dreg:s7], $0x5FFFF  }
0xac: {  	[dreg:$0x1] =	wrdreg $0xFFFFFFFF  }
0xad: {  	[dreg:$0x0] =	wrdreg $0x60  }
0xae: {  	[dreg:$0x2] =	wrdreg s24  }
0xaf: {  	[dreg:$0x3] =	wrdreg s2  }
0xb0: {  	[dreg:$0x4] =	wrdreg $0x0  }
0xb1: {  	[dreg:$0x5] =	wrdreg $0x9  }
0xb2: {  	_ =	task.clear_ibuf [dreg:s7], $0x6FFFF;
	_ =	strace $0x9000004F  }
0xb3: {  	s29 =	simm.s32 $0x9;
	_ =	strace $0x80000051  }
0xb4: {  	_ =	swait.ge [sflag:s29], $0x1  }
0xb5: {  	[sflag:s29] =	ssyncadd.s32 $0xFFFFFFFF  }
0xb6: {  	_ =	strace $0x90000051  }
0xb7: {  	_ =	sfence  }
0xb8: {  	s30 =	sld [smem:$0x0];
	_ =	sdelay $0x2  }
0xb9: {  	s31 =	sshll.u32 s1, $0xD;
	s1 =	sshrl.u32 s1, $0x2  }
0xba: {  	s3 =	sand.u32 $0x4000, s31;
	s1 =	sadd.s32 s1, s30  }
0xbb: {  	s0 =	sor.u32 s3, s0;
	s1 =	sshll.u32 s1, $0x11  }
0xbc: {  	s0 =	sor.u32 s1, s0  }
0xbd: {  	s0 =	sadd.s32 $0x8F2B, s0  }
0xbe: {  	[sflag:s0] =	ssyncadd.remote.s32 $0x1  }
0xbf: {  	_ =	sfence.sel $0xFFFF  }
0xc0: {  	[dreg:$0x0] =	wrdreg $0xFFFFFFFF;
	(pc) =	sbr.abs _section_cstart, $3  }
0xc1: {  	[dreg:$0x1] =	wrdreg $0xFFFFFFFF  }
0xc2: {  	_ =	task.clear_ibuf [dreg:s7], $0x2FFFF;
	_ =	strace $0x9FFFFFFF  }
0xc3: {  	(tm) =	ssettm $0x7FFFFFFF  }
tec
execute0_lowered:
.L_overlay_start_1:
0x0: {  	(tag) =	ssettag $0x1  }
0x1: {  	s5 =	rddreg [dreg:$0x0]  }
0x2: {  	s0 =	rddreg [dreg:$0x1]  }
0x3: {  	s1 =	rddreg [dreg:$0x2];
	s11 =	stileid.u32  }
0x4: {  	s2 =	srdreg.scid;
	s8 =	smul.u32 $0x14000, s11  }
0x5: {  	s3 =	simm.s32 $0x0;
	s30 =	simm.s32 $0x6;
	s9 =	smul.u32 $0x50000, s11  }
0x6: {  	s7 =	sand.u32 $0x1, s2;
	[smem:$0x7FF] =	sst s3;
	s25 =	smul.u32 $0x2800, s11  }
0x7: {  	s4 =	sadd.s32 $0xD400, s5;
	s2 =	sadd.s32 $0x3400, s5;
	s6 =	smul.u32 $0x140000, s7  }
0x8: {  	_ =	strace $0x80000050;
	s22 =	ssub.s32 $0x2, s7;
	s24 =	sshll.u32 s7, $0x4  }
0x9: {  	s7 =	smul.u32 $0x28000, s7;
	s10 =	sshrl.u32 s22, $0x1;
	s9 =	sshrl.u32 s9, $0x2  }
0xa: {  	s6 =	sadd.s32 s8, s6;
	s14 =	sadd.s32 s9, s1;
	s8 =	sor.u32 s11, s24  }
0xb: {  	s7 =	sadd.s32 s25, s7;
	s23 =	sadd.s32 $0x2800, s14;
	[dreg:$0x14] =	wrdreg s14  }
0xc: {  	s6 =	sshrl.u32 s6, $0x3;
	s9 =	sadd.s32 $0x5000, s14;
	[dreg:$0x15] =	wrdreg s23  }
0xd: {  	s26 =	sadd.s32 $0x7800, s14;
	s28 =	sadd.s32 $0xA000, s14;
	[dreg:$0x16] =	wrdreg s9  }
0xe: {  	s8 =	smul.u32 $0x2800, s8;
	s29 =	sadd.s32 $0xC800, s14;
	[dreg:$0x17] =	wrdreg s26  }
0xf: {  	s31 =	sadd.s32 $0xF000, s14;
	s11 =	sadd.s32 $0x11800, s14;
	[dreg:$0x18] =	wrdreg s28  }
0x10: {  	s12 =	sor.u32 $0x370, s7;
	s19 =	sor.u32 $0x2D0, s7;
	[dreg:$0x19] =	wrdreg s29  }
0x11: {  	s5 =	sadd.s32 s6, s5;
	s6 =	ssub.s32 s22, s10;
	[dreg:$0x1a] =	wrdreg s31  }
0x12: {  	[dreg:$0x1b] =	wrdreg s11;
	s9 =	sshrl.u32 s12, $0x3;
	s12 =	sor.u32 $0x320, s7  }
0x13: {  	s21 =	sshrl.u32 s19, $0x3;
	s23 =	sor.u32 $0x280, s7;
	s16 =	sadd.s32 s9, s2  }
0x14: {  	s28 =	sor.u32 $0x230, s7;
	s9 =	sadd.s32 s9, s0;
	[dreg:$0x4] =	wrdreg s16  }
0x15: {  	s11 =	simm.s32 $0x14000;
	s22 =	sadd.s32 s21, s2;
	[dreg:$0x5] =	wrdreg s9  }
0x16: {  	s8 =	sshrl.u32 s8, $0x3;
	s24 =	sadd.s32 s21, s0;
	[dreg:$0x8] =	wrdreg s22  }
0x17: {  	s17 =	sshrl.u32 s12, $0x3;
	s13 =	sadd.s32 s0, s8;
	[dreg:$0x9] =	wrdreg s24  }
0x18: {  	s25 =	sshrl.u32 s23, $0x3;
	s15 =	sadd.s32 s2, s8;
	[dreg:$0x1c] =	wrdreg s13  }
0x19: {  	s31 =	sshrl.u32 s28, $0x3;
	s18 =	sadd.s32 s17, s2;
	[dreg:$0x1d] =	wrdreg s15  }
0x1a: {  	s10 =	sor.u32 $0xA, s8;
	s20 =	sadd.s32 s17, s0;
	[dreg:$0x6] =	wrdreg s18  }
0x1b: {  	s26 =	sadd.s32 s25, s2;
	s29 =	sadd.s32 s25, s0;
	[dreg:$0x7] =	wrdreg s20  }
0x1c: {  	s12 =	sadd.s32 s31, s2;
	s23 =	sor.u32 $0x14, s8;
	[dreg:$0xa] =	wrdreg s26  }
0x1d: {  	s8 =	sor.u32 $0x1E, s8;
	s9 =	simm.s32 $0x1;
	[dreg:$0xb] =	wrdreg s29  }
0x1e: {  	s13 =	sor.u32 $0x1E0, s7;
	[dreg:$0xc] =	wrdreg s12;
	s15 =	sadd.s32 s31, s0  }
0x1f: {  	s18 =	sor.u32 $0x190, s7;
	s21 =	sadd.s32 s0, s10;
	[dreg:$0xd] =	wrdreg s15  }
0x20: {  	s10 =	sadd.s32 s2, s10;
	s24 =	sadd.s32 s0, s23;
	[dreg:$0x1e] =	wrdreg s21  }
0x21: {  	s25 =	sadd.s32 s2, s23;
	s7 =	sor.u32 $0x140, s7;
	[dreg:$0x1f] =	wrdreg s10  }
0x22: {  	s28 =	sadd.s32 s2, s8;
	s8 =	sadd.s32 s0, s8;
	[smem:$0x7F8] =	sst s24  }
0x23: {  	s29 =	sadd.s32 $0x35400, s5;
	s31 =	smax.u32 s6, $0x1;
	[smem:$0x7F9] =	sst s25  }
0x24: {  	s12 =	simm.s32 $0x50;
	s5 =	simm.s32 $0x5;
	[smem:$0x7FA] =	sst s28  }
0x25: {  	s23 =	simm.s32 $0xC;
	s6 =	simm.s32 $0x8;
	[smem:$0x7FB] =	sst s8  }
0x26: {  	s16 =	sshrl.u32 s13, $0x3;
	s20 =	sshrl.u32 s18, $0x3;
	[smem:$0x7FC] =	sst s29  }
0x27: {  	s7 =	sshrl.u32 s7, $0x3;
	[smem:$0x7FD] =	sst s31;
	s18 =	simm.s32 $0x14800  }
0x28: {  	s24 =	simm.s32 $0xD;
	s25 =	simm.s32 $0xF;
	s17 =	sadd.s32 s16, s2  }
0x29: {  	s15 =	simm.s32 $0x10;
	s19 =	sadd.s32 s16, s0;
	[dreg:$0xe] =	wrdreg s17  }
0x2a: {  	s10 =	simm.s32 $0x14400;
	s22 =	sadd.s32 s20, s2;
	[dreg:$0xf] =	wrdreg s19  }
0x2b: {  	s13 =	simm.s32 $0x0;
	s26 =	sadd.s32 s20, s0;
	[dreg:$0x10] =	wrdreg s22  }
0x2c: {  	s2 =	sadd.s32 s7, s2;
	s0 =	sadd.s32 s7, s0;
	[dreg:$0x11] =	wrdreg s26  }
0x2d: {  	s16 =	simm.s32 $0xE;
	s20 =	simm.s32 $0x14480;
	[dreg:$0x12] =	wrdreg s2  }
0x2e: {  	[dreg:$0x13] =	wrdreg s0;
	s17 =	simm.s32 $0x14080;
	s22 =	simm.s32 $0x9  }
0x2f: {  	v0 =	vimm.f32 $0.0e+00;
	s26 =	simm.s32 $0xA;
	s2 =	simm.s32 $0xB;
	s0 =	simm.s32 $0x7  }
.LBB2_1:
0x30: {  	[smem:$0x7F7] =	sst s13;
	s7 =	simm.s32 $0x0;
	s8 =	simm.s32 $0x200  }
.LBB2_2:
0x31: {  	p0 =	sne.s32 s8, $0x9E00;
	[tilespmem:s7+$0x14870] =	vst v0  }
0x32: {  	[tilespmem:s7+$0x14800] =	vst v0  }
0x33: {  	[tilespmem:s7+$0x14810] =	vst v0  }
.Ltmp0:
0x34: {  	[tilespmem:s7+$0x14820] =	vst v0;
	(pc) =	sbr.rel @p0 .LBB2_2-.Ltmp0, $4  }
0x35: {  	[tilespmem:s7+$0x14830] =	vst v0  }
0x36: {  	[tilespmem:s7+$0x14840] =	vst v0  }
0x37: {  	[tilespmem:s7+$0x14850] =	vst v0  }
0x38: {  	[tilespmem:s7+$0x14860] =	vst v0;
	s7 =	sshra.s32 s8, $0x2;
	s8 =	sadd.s32 $0x200, s8  }
0x39: {  	[tilespmem:s7+$0x14870] =	vst v0  }
0x3a: {  	[tilespmem:s7+$0x14800] =	vst v0  }
0x3b: {  	[tilespmem:s7+$0x14810] =	vst v0  }
0x3c: {  	[tilespmem:s7+$0x14820] =	vst v0  }
0x3d: {  	[tilespmem:s7+$0x14830] =	vst v0  }
0x3e: {  	[tilespmem:s7+$0x14840] =	vst v0  }
0x3f: {  	[tilespmem:s7+$0x14850] =	vst v0  }
0x40: {  	[tilespmem:s7+$0x14860] =	vst v0  }
0x41: {  	[spmem:s14] =	stream.linear.scatter [tilespmem:s18], [sflag:$0xD], $0x2800, $0x38;
	[tilespmem:$0x1E800] =	vst v63  }
0x42: {  	s29 =	rddreg [dreg:$0x15]  }
0x43: {  	[spmem:s29] =	stream.linear.scatter [tilespmem:s18], [sflag:$0xE], $0x2800, $0x38;
	[tilespmem:$0x1E800] =	vst v63  }
0x44: {  	s8 =	rddreg [dreg:$0x16]  }
0x45: {  	[spmem:s8] =	stream.linear.scatter [tilespmem:s18], [sflag:$0xF], $0x2800, $0x38;
	[tilespmem:$0x1E800] =	vst v63  }
0x46: {  	s13 =	rddreg [dreg:$0x17]  }
0x47: {  	[spmem:s13] =	stream.linear.scatter [tilespmem:s18], [sflag:$0x10], $0x2800, $0x38;
	[tilespmem:$0x1E800] =	vst v63  }
0x48: {  	s14 =	rddreg [dreg:$0x18]  }
0x49: {  	[spmem:s14] =	stream.linear.scatter [tilespmem:s18], [sflag:$0xD], $0x2800, $0x38;
	[tilespmem:$0x1E800] =	vst v63  }
0x4a: {  	s19 =	rddreg [dreg:$0x19]  }
0x4b: {  	[spmem:s19] =	stream.linear.scatter [tilespmem:s18], [sflag:$0xE], $0x2800, $0x38;
	[tilespmem:$0x1E800] =	vst v63  }
0x4c: {  	s21 =	rddreg [dreg:$0x1a]  }
0x4d: {  	[spmem:s21] =	stream.linear.scatter [tilespmem:s18], [sflag:$0xF], $0x2800, $0x38;
	[tilespmem:$0x1E800] =	vst v63  }
0x4e: {  	s28 =	rddreg [dreg:$0x1b]  }
0x4f: {  	[spmem:s28] =	stream.linear.scatter [tilespmem:s18], [sflag:$0x10], $0x2800, $0x38;
	[tilespmem:$0x1E800] =	vst v63  }
0x50: {  	_ =	swait.ge [sflag:s24], $0x2800  }
0x51: {  	[sflag:s24] =	ssyncset.done $0x0  }
0x52: {  	[sflag:s24] =	ssyncadd.s32 $0xFFFFD800  }
0x53: {  	_ =	swait.ge [sflag:s16], $0x2800  }
0x54: {  	[sflag:s16] =	ssyncset.done $0x0  }
0x55: {  	[sflag:s16] =	ssyncadd.s32 $0xFFFFD800  }
0x56: {  	_ =	swait.ge [sflag:s25], $0x2800  }
0x57: {  	[sflag:s25] =	ssyncset.done $0x0  }
0x58: {  	[sflag:s25] =	ssyncadd.s32 $0xFFFFD800  }
0x59: {  	_ =	swait.ge [sflag:s15], $0x2800  }
0x5a: {  	[sflag:s15] =	ssyncset.done $0x0  }
0x5b: {  	[sflag:s15] =	ssyncadd.s32 $0xFFFFD800  }
0x5c: {  	_ =	swait.ge [sflag:s24], $0x2800  }
0x5d: {  	[sflag:s24] =	ssyncset.done $0x0  }
0x5e: {  	[sflag:s24] =	ssyncadd.s32 $0xFFFFD800  }
0x5f: {  	_ =	swait.ge [sflag:s16], $0x2800  }
0x60: {  	[sflag:s16] =	ssyncset.done $0x0  }
0x61: {  	[sflag:s16] =	ssyncadd.s32 $0xFFFFD800  }
0x62: {  	_ =	swait.ge [sflag:s25], $0x2800  }
0x63: {  	[sflag:s25] =	ssyncset.done $0x0  }
0x64: {  	[sflag:s25] =	ssyncadd.s32 $0xFFFFD800  }
0x65: {  	_ =	swait.ge [sflag:s15], $0x2800  }
0x66: {  	[sflag:s15] =	ssyncset.done $0x0  }
0x67: {  	[sflag:s15] =	ssyncadd.s32 $0xFFFFD800  }
0x68: {  	[bflag:$0x0] =	sbarrier.arrive $0xFFFF  }
0x69: {  	s8 =	rddreg [dreg:$0x1c]  }
0x6a: {  	s7 =	simm.s32 $0x0;
	s29 =	rddreg [dreg:$0x1d]  }
0x6b: {  	[tilespmem:s11], [sflag:$0x1] =	stream.linear.gather [hbm4b:s8+s7], $0x50, $0x38;
	[tilespmem:$0x1E800] =	vst v63  }
0x6c: {  	s13 =	rddreg [dreg:$0x1e]  }
0x6d: {  	[tilespmem:s10], [sflag:$0x1] =	stream.linear.gather [hbm4b:s29+s7], $0x50, $0x38;
	[tilespmem:$0x1E800] =	vst v63  }
0x6e: {  	s14 =	rddreg [dreg:$0x1f]  }
0x6f: {  	[tilespmem:s17], [sflag:$0x2] =	stream.linear.gather [hbm4b:s13+s7], $0x50, $0x38;
	[tilespmem:$0x1E800] =	vst v63  }
0x70: {  	s16 =	sld [smem:$0x7F8]  }
0x71: {  	[tilespmem:s20], [sflag:$0x2] =	stream.linear.gather [hbm4b:s14+s7], $0x50, $0x38;
	[tilespmem:$0x1E800] =	vst v63  }
0x72: {  	s19 =	sld [smem:$0x7F9];
	s13 =	simm.s32 $0x14100  }
0x73: {  	[tilespmem:s13], [sflag:$0x3] =	stream.linear.gather [hbm4b:s16+s7], $0x50, $0x38;
	[tilespmem:$0x1E800] =	vst v63  }
0x74: {  	s21 =	simm.s32 $0x14500;
	s28 =	sld [smem:$0x7FB]  }
0x75: {  	[tilespmem:s21], [sflag:$0x3] =	stream.linear.gather [hbm4b:s19+s7], $0x50, $0x38;
	[tilespmem:$0x1E800] =	vst v63  }
0x76: {  	s29 =	simm.s32 $0x14180;
	s16 =	sld [smem:$0x7FA]  }
0x77: {  	[tilespmem:s29], [sflag:$0x4] =	stream.linear.gather [hbm4b:s28+s7], $0x50, $0x38;
	[tilespmem:$0x1E800] =	vst v63  }
0x78: {  	s19 =	simm.s32 $0x14580  }
0x79: {  	[tilespmem:s19], [sflag:$0x4] =	stream.linear.gather [hbm4b:s16+s7], $0x50, $0x38;
	[tilespmem:$0x1E800] =	vst v63  }
0x7a: {  	_ =	swait.ge [sflag:s9], $0x50  }
0x7b: {  	[sflag:s9] =	ssyncset.done $0x0  }
0x7c: {  	[sflag:s9] =	ssyncadd.s32 $0xFFFFFFB0  }
0x7d: {  	_ =	swait.ge [sflag:s9], $0x50  }
0x7e: {  	p0 =	por $0x1, $0x1;
	[sflag:s9] =	ssyncset.done $0x0  }
0x7f: {  	s7 =	simm.s32 @!p0 $0xD;
	[sflag:s9] =	ssyncadd.s32 $0xFFFFFFB0  }
0x80: {  	_ =	swait.ge @!p0 [sflag:s7], $0x2800  }
0x81: {  	s16 =	simm.s32 $0x14200;
	s21 =	rddreg [dreg:$0x13];
	[sflag:s7] =	ssyncset.done @!p0 $0x0  }
0x82: {  	s28 =	rddreg [dreg:$0x12];
	[sflag:s7] =	ssyncadd.s32 @!p0 $0xFFFFD800;
	s29 =	sadd.s32 $0x0, s21  }
0x83: {  	[tilespmem:s16], [sflag:$0x5] =	stream.linear.gather [hbm4b:s29+s3], $0x50, $0x38;
	[tilespmem:$0x1E800] =	vst v63  }
0x84: {  	s14 =	simm.s32 $0x14600;
	s8 =	sadd.s32 $0x0, s28  }
0x85: {  	[tilespmem:s14], [sflag:$0x5] =	stream.linear.gather [hbm4b:s8+s3], $0x50, $0x38;
	[tilespmem:$0x1E800] =	vst v63  }
0x86: {  	s7 =	simm.s32 @p0 $0x2  }
0x87: {  	[tilespmem:s18], [sflag:$0x9] =	stream.indirect.gather [hbm4b:s4+s12], $0x80, s11, s12, $0xb8;
	[tilespmem:$0x1E800] =	vst v63  }
0x88: {  	_ =	swait.ge @p0 [sflag:s7], $0x50  }
0x89: {  	[sflag:s7] =	ssyncset.done @p0 $0x0  }
0x8a: {  	[sflag:s7] =	ssyncadd.s32 @p0 $0xFFFFFFB0  }
0x8b: {  	_ =	swait.ge @p0 [sflag:s7], $0x50  }
0x8c: {  	[sflag:s7] =	ssyncset.done @p0 $0x0  }
0x8d: {  	[sflag:s7] =	ssyncadd.s32 @p0 $0xFFFFFFB0;
	s7 =	simm.s32 @!p0 $0xA  }
0x8e: {  	_ =	swait.ge @!p0 [sflag:s7], $0x2800  }
0x8f: {  	s29 =	simm.s32 @!p0 $0x50;
	s8 =	simm.s32 @!p0 $0x17000;
	[sflag:s7] =	ssyncset.done @!p0 $0x0  }
0x90: {  	s14 =	simm.s32 @!p0 $0x2;
	[sflag:s7] =	ssyncadd.s32 @!p0 $0xFFFFD800;
	s7 =	simm.s32 @!p0 $0x14680  }
0x91: {  	[spmem:s1] =	stream.indirect.scatter.add.f32 @!p0 [tilespmem:s8], [sflag:$0xE], $0x80, s7, s29, $0xb8;
	[tilespmem:$0x1E800] =	vst v63  }
0x92: {  	_ =	swait.ge @!p0 [sflag:s14], $0x50  }
0x93: {  	[sflag:s14] =	ssyncset.done @!p0 $0x0  }
0x94: {  	[sflag:s14] =	ssyncadd.s32 @!p0 $0xFFFFFFB0  }
0x95: {  	_ =	swait.ge @!p0 [sflag:s14], $0x50  }
0x96: {  	[sflag:s14] =	ssyncset.done @!p0 $0x0  }
0x97: {  	s7 =	simm.s32 @!p0 $0xE;
	[sflag:s14] =	ssyncadd.s32 @!p0 $0xFFFFFFB0  }
0x98: {  	_ =	swait.ge @!p0 [sflag:s7], $0x2800  }
0x99: {  	s19 =	rddreg [dreg:$0x11]  }
0x9a: {  	[sflag:s7] =	ssyncset.done @!p0 $0x0;
	s21 =	rddreg [dreg:$0x10]  }
0x9b: {  	[sflag:s7] =	ssyncadd.s32 @!p0 $0xFFFFD800;
	s28 =	sadd.s32 $0x0, s19;
	s19 =	simm.s32 $0x14280  }
0x9c: {  	[tilespmem:s19], [sflag:$0x6] =	stream.linear.gather [hbm4b:s28+s3], $0x50, $0x38;
	[tilespmem:$0x1E800] =	vst v63  }
0x9d: {  	s14 =	simm.s32 $0x14680;
	s8 =	sadd.s32 $0x0, s21  }
0x9e: {  	[tilespmem:s14], [sflag:$0x6] =	stream.linear.gather [hbm4b:s8+s3], $0x50, $0x38;
	[tilespmem:$0x1E800] =	vst v63  }
0x9f: {  	s7 =	simm.s32 @p0 $0x3;
	s21 =	simm.s32 $0x17000  }
0xa0: {  	[tilespmem:s21], [sflag:$0xA] =	stream.indirect.gather [hbm4b:s4+s12], $0x80, s17, s12, $0xb8;
	[tilespmem:$0x1E800] =	vst v63  }
0xa1: {  	_ =	swait.ge @p0 [sflag:s7], $0x50  }
0xa2: {  	[sflag:s7] =	ssyncset.done @p0 $0x0  }
0xa3: {  	[sflag:s7] =	ssyncadd.s32 @p0 $0xFFFFFFB0  }
0xa4: {  	_ =	swait.ge @p0 [sflag:s7], $0x50  }
0xa5: {  	[sflag:s7] =	ssyncset.done @p0 $0x0  }
0xa6: {  	[sflag:s7] =	ssyncadd.s32 @p0 $0xFFFFFFB0;
	s7 =	simm.s32 @!p0 $0xB  }
0xa7: {  	_ =	swait.ge @!p0 [sflag:s7], $0x2800  }
0xa8: {  	s8 =	simm.s32 @!p0 $0x3;
	[sflag:s7] =	ssyncset.done @!p0 $0x0  }
0xa9: {  	s14 =	simm.s32 @!p0 $0x19800;
	[sflag:s7] =	ssyncadd.s32 @!p0 $0xFFFFD800;
	s7 =	simm.s32 @!p0 $0x14700  }
0xaa: {  	[spmem:s1] =	stream.indirect.scatter.add.f32 @!p0 [tilespmem:s14], [sflag:$0xF], $0x80, s7, s29, $0xb8;
	[tilespmem:$0x1E800] =	vst v63  }
0xab: {  	_ =	swait.ge @!p0 [sflag:s8], $0x50  }
0xac: {  	[sflag:s8] =	ssyncset.done @!p0 $0x0  }
0xad: {  	[sflag:s8] =	ssyncadd.s32 @!p0 $0xFFFFFFB0  }
0xae: {  	_ =	swait.ge @!p0 [sflag:s8], $0x50  }
0xaf: {  	[sflag:s8] =	ssyncset.done @!p0 $0x0  }
0xb0: {  	s7 =	simm.s32 @!p0 $0xF;
	[sflag:s8] =	ssyncadd.s32 @!p0 $0xFFFFFFB0  }
0xb1: {  	_ =	swait.ge @!p0 [sflag:s7], $0x2800  }
0xb2: {  	s17 =	rddreg [dreg:$0xf]  }
0xb3: {  	[sflag:s7] =	ssyncset.done @!p0 $0x0;
	s28 =	rddreg [dreg:$0xe]  }
0xb4: {  	[sflag:s7] =	ssyncadd.s32 @!p0 $0xFFFFD800;
	s8 =	sadd.s32 $0x0, s17;
	s17 =	simm.s32 $0x14300  }
0xb5: {  	[tilespmem:s17], [sflag:$0x7] =	stream.linear.gather [hbm4b:s8+s3], $0x50, $0x38;
	[tilespmem:$0x1E800] =	vst v63  }
0xb6: {  	s14 =	sadd.s32 $0x0, s28;
	s28 =	simm.s32 $0x14700  }
0xb7: {  	[tilespmem:s28], [sflag:$0x7] =	stream.linear.gather [hbm4b:s14+s3], $0x50, $0x38;
	[tilespmem:$0x1E800] =	vst v63  }
0xb8: {  	s7 =	simm.s32 @p0 $0x4;
	s28 =	simm.s32 $0x19800  }
0xb9: {  	[tilespmem:s28], [sflag:$0xB] =	stream.indirect.gather [hbm4b:s4+s12], $0x80, s13, s12, $0xb8;
	[tilespmem:$0x1E800] =	vst v63  }
0xba: {  	_ =	swait.ge @p0 [sflag:s7], $0x50  }
0xbb: {  	[sflag:s7] =	ssyncset.done @p0 $0x0  }
0xbc: {  	[sflag:s7] =	ssyncadd.s32 @p0 $0xFFFFFFB0  }
0xbd: {  	_ =	swait.ge @p0 [sflag:s7], $0x50  }
0xbe: {  	[sflag:s7] =	ssyncset.done @p0 $0x0  }
0xbf: {  	[sflag:s7] =	ssyncadd.s32 @p0 $0xFFFFFFB0;
	s7 =	simm.s32 @!p0 $0xC  }
0xc0: {  	_ =	swait.ge @!p0 [sflag:s7], $0x2800  }
0xc1: {  	s8 =	simm.s32 @!p0 $0x4;
	[sflag:s7] =	ssyncset.done @!p0 $0x0  }
0xc2: {  	s14 =	simm.s32 @!p0 $0x1C000;
	[sflag:s7] =	ssyncadd.s32 @!p0 $0xFFFFD800;
	s7 =	simm.s32 @!p0 $0x14780  }
0xc3: {  	[spmem:s1] =	stream.indirect.scatter.add.f32 @!p0 [tilespmem:s14], [sflag:$0x10], $0x80, s7, s29, $0xb8;
	[tilespmem:$0x1E800] =	vst v63  }
0xc4: {  	_ =	swait.ge @!p0 [sflag:s8], $0x50  }
0xc5: {  	[sflag:s8] =	ssyncset.done @!p0 $0x0  }
0xc6: {  	[sflag:s8] =	ssyncadd.s32 @!p0 $0xFFFFFFB0  }
0xc7: {  	_ =	swait.ge @!p0 [sflag:s8], $0x50  }
0xc8: {  	[sflag:s8] =	ssyncset.done @!p0 $0x0  }
0xc9: {  	s7 =	simm.s32 @!p0 $0x10;
	[sflag:s8] =	ssyncadd.s32 @!p0 $0xFFFFFFB0  }
0xca: {  	_ =	swait.ge @!p0 [sflag:s7], $0x2800  }
0xcb: {  	s13 =	rddreg [dreg:$0xd]  }
0xcc: {  	[sflag:s7] =	ssyncset.done @!p0 $0x0;
	s14 =	rddreg [dreg:$0xc]  }
0xcd: {  	[sflag:s7] =	ssyncadd.s32 @!p0 $0xFFFFD800;
	s29 =	sadd.s32 $0x0, s13;
	s13 =	simm.s32 $0x14380  }
0xce: {  	[tilespmem:s13], [sflag:$0x8] =	stream.linear.gather [hbm4b:s29+s3], $0x50, $0x38;
	[tilespmem:$0x1E800] =	vst v63  }
0xcf: {  	s8 =	sadd.s32 $0x0, s14;
	s14 =	simm.s32 $0x14780  }
0xd0: {  	[tilespmem:s14], [sflag:$0x8] =	stream.linear.gather [hbm4b:s8+s3], $0x50, $0x38;
	[tilespmem:$0x1E800] =	vst v63  }
0xd1: {  	s31 =	simm.s32 $0x14180;
	s29 =	simm.s32 $0x1C000  }
0xd2: {  	[tilespmem:s29], [sflag:$0xC] =	stream.indirect.gather [hbm4b:s4+s12], $0x80, s31, s12, $0xb8;
	[tilespmem:$0x1E800] =	vst v63  }
0xd3: {  	_ =	swait.ge [sflag:s22], $0x2800  }
0xd4: {  	[sflag:s22] =	ssyncset.done $0x0  }
0xd5: {  	s18 =	simm.s32 $0x14800;
	[sflag:s22] =	ssyncadd.s32 $0xFFFFD800  }
0xd6: {  	[spmem:s1] =	stream.indirect.scatter.add.f32 [tilespmem:s18], [sflag:$0xD], $0x80, s10, s12, $0xb8;
	[tilespmem:$0x1E800] =	vst v63  }
0xd7: {  	_ =	swait.ge [sflag:s5], $0x50  }
0xd8: {  	[sflag:s5] =	ssyncset.done $0x0  }
0xd9: {  	[sflag:s5] =	ssyncadd.s32 $0xFFFFFFB0  }
0xda: {  	_ =	swait.ge [sflag:s5], $0x50  }
0xdb: {  	[sflag:s5] =	ssyncset.done $0x0  }
0xdc: {  	[sflag:s5] =	ssyncadd.s32 $0xFFFFFFB0  }
0xdd: {  	_ =	swait.ge [sflag:s24], $0x2800  }
0xde: {  	s7 =	rddreg [dreg:$0xb];
	[sflag:s24] =	ssyncset.done $0x0  }
0xdf: {  	p0 =	por $0x0, $0x0;
	s8 =	rddreg [dreg:$0xa];
	[sflag:s24] =	ssyncadd.s32 $0xFFFFD800  }
0xe0: {  	s14 =	sadd.s32 @!p0 $0x0, s7;
	s24 =	simm.s32 @!p0 $0x0;
	s7 =	simm.s32 @!p0 $0x14000  }
0xe1: {  	[tilespmem:s7], [sflag:$0x1] =	stream.linear.gather @!p0 [hbm4b:s14+s24], $0x50, $0x38;
	[tilespmem:$0x1E800] =	vst v63  }
0xe2: {  	s8 =	sadd.s32 @!p0 $0x0, s8;
	s7 =	simm.s32 @!p0 $0x14400  }
0xe3: {  	[tilespmem:s7], [sflag:$0x1] =	stream.linear.gather @!p0 [hbm4b:s8+s24], $0x50, $0x38;
	[tilespmem:$0x1E800] =	vst v63  }
0xe4: {  	_ = 	snop  }
0xe5: {  	[tilespmem:s18], [sflag:$0x9] =	stream.indirect.gather [hbm4b:s4+s12], $0x80, s16, s12, $0xb8;
	[tilespmem:$0x1E800] =	vst v63  }
0xe6: {  	_ =	swait.ge [sflag:s26], $0x2800  }
0xe7: {  	[sflag:s26] =	ssyncset.done $0x0  }
0xe8: {  	[sflag:s26] =	ssyncadd.s32 $0xFFFFD800  }
0xe9: {  	[spmem:s1] =	stream.indirect.scatter.add.f32 [tilespmem:s21], [sflag:$0xE], $0x80, s20, s12, $0xb8;
	[tilespmem:$0x1E800] =	vst v63  }
0xea: {  	_ =	swait.ge [sflag:s30], $0x50  }
0xeb: {  	[sflag:s30] =	ssyncset.done $0x0  }
0xec: {  	[sflag:s30] =	ssyncadd.s32 $0xFFFFFFB0  }
0xed: {  	_ =	swait.ge [sflag:s30], $0x50  }
0xee: {  	[sflag:s30] =	ssyncset.done $0x0  }
0xef: {  	s16 =	simm.s32 $0xE;
	[sflag:s30] =	ssyncadd.s32 $0xFFFFFFB0  }
0xf0: {  	_ =	swait.ge [sflag:s16], $0x2800  }
0xf1: {  	s14 =	simm.s32 @!p0 $0x14080;
	s7 =	rddreg [dreg:$0x9];
	[sflag:s16] =	ssyncset.done $0x0  }
0xf2: {  	s8 =	rddreg [dreg:$0x8];
	[sflag:s16] =	ssyncadd.s32 $0xFFFFD800;
	s7 =	sadd.s32 @!p0 $0x0, s7  }
0xf3: {  	[tilespmem:s14], [sflag:$0x2] =	stream.linear.gather @!p0 [hbm4b:s7+s24], $0x50, $0x38;
	[tilespmem:$0x1E800] =	vst v63  }
0xf4: {  	s8 =	sadd.s32 @!p0 $0x0, s8;
	s7 =	simm.s32 @!p0 $0x14480  }
0xf5: {  	[tilespmem:s7], [sflag:$0x2] =	stream.linear.gather @!p0 [hbm4b:s8+s24], $0x50, $0x38;
	[tilespmem:$0x1E800] =	vst v63  }
0xf6: {  	_ = 	snop  }
0xf7: {  	[tilespmem:s21], [sflag:$0xA] =	stream.indirect.gather [hbm4b:s4+s12], $0x80, s19, s12, $0xb8;
	[tilespmem:$0x1E800] =	vst v63  }
0xf8: {  	_ =	swait.ge [sflag:s2], $0x2800  }
0xf9: {  	[sflag:s2] =	ssyncset.done $0x0  }
0xfa: {  	s26 =	simm.s32 $0x14500;
	[sflag:s2] =	ssyncadd.s32 $0xFFFFD800  }
0xfb: {  	[spmem:s1] =	stream.indirect.scatter.add.f32 [tilespmem:s28], [sflag:$0xF], $0x80, s26, s12, $0xb8;
	[tilespmem:$0x1E800] =	vst v63  }
0xfc: {  	_ =	swait.ge [sflag:s0], $0x50  }
0xfd: {  	[sflag:s0] =	ssyncset.done $0x0  }
0xfe: {  	[sflag:s0] =	ssyncadd.s32 $0xFFFFFFB0  }
0xff: {  	_ =	swait.ge [sflag:s0], $0x50  }
0x100: {  	[sflag:s0] =	ssyncset.done $0x0  }
0x101: {  	[sflag:s0] =	ssyncadd.s32 $0xFFFFFFB0  }
0x102: {  	_ =	swait.ge [sflag:s25], $0x2800  }
0x103: {  	s14 =	simm.s32 @!p0 $0x14100;
	s7 =	rddreg [dreg:$0x7];
	[sflag:s25] =	ssyncset.done $0x0  }
0x104: {  	s8 =	rddreg [dreg:$0x6];
	[sflag:s25] =	ssyncadd.s32 $0xFFFFD800;
	s7 =	sadd.s32 @!p0 $0x0, s7  }
0x105: {  	[tilespmem:s14], [sflag:$0x3] =	stream.linear.gather @!p0 [hbm4b:s7+s24], $0x50, $0x38;
	[tilespmem:$0x1E800] =	vst v63  }
0x106: {  	s8 =	sadd.s32 @!p0 $0x0, s8;
	s7 =	simm.s32 @!p0 $0x14500  }
0x107: {  	[tilespmem:s7], [sflag:$0x3] =	stream.linear.gather @!p0 [hbm4b:s8+s24], $0x50, $0x38;
	[tilespmem:$0x1E800] =	vst v63  }
0x108: {  	_ = 	snop  }
0x109: {  	[tilespmem:s28], [sflag:$0xB] =	stream.indirect.gather [hbm4b:s4+s12], $0x80, s17, s12, $0xb8;
	[tilespmem:$0x1E800] =	vst v63  }
0x10a: {  	_ =	swait.ge [sflag:s23], $0x2800  }
0x10b: {  	[sflag:s23] =	ssyncset.done $0x0  }
0x10c: {  	s28 =	simm.s32 $0x14580;
	[sflag:s23] =	ssyncadd.s32 $0xFFFFD800  }
0x10d: {  	[spmem:s1] =	stream.indirect.scatter.add.f32 [tilespmem:s29], [sflag:$0x10], $0x80, s28, s12, $0xb8;
	[tilespmem:$0x1E800] =	vst v63  }
0x10e: {  	_ =	swait.ge [sflag:s6], $0x50  }
0x10f: {  	[sflag:s6] =	ssyncset.done $0x0  }
0x110: {  	[sflag:s6] =	ssyncadd.s32 $0xFFFFFFB0  }
0x111: {  	_ =	swait.ge [sflag:s6], $0x50  }
0x112: {  	[sflag:s6] =	ssyncset.done $0x0  }
0x113: {  	[sflag:s6] =	ssyncadd.s32 $0xFFFFFFB0  }
0x114: {  	_ =	swait.ge [sflag:s15], $0x2800  }
0x115: {  	s14 =	simm.s32 @!p0 $0x14180;
	s7 =	rddreg [dreg:$0x5];
	[sflag:s15] =	ssyncset.done $0x0  }
0x116: {  	s8 =	rddreg [dreg:$0x4];
	[sflag:s15] =	ssyncadd.s32 $0xFFFFD800;
	s7 =	sadd.s32 @!p0 $0x0, s7  }
0x117: {  	[tilespmem:s14], [sflag:$0x4] =	stream.linear.gather @!p0 [hbm4b:s7+s24], $0x50, $0x38;
	[tilespmem:$0x1E800] =	vst v63  }
0x118: {  	s8 =	sadd.s32 @!p0 $0x0, s8;
	s7 =	simm.s32 @!p0 $0x14580  }
0x119: {  	[tilespmem:s7], [sflag:$0x4] =	stream.linear.gather @!p0 [hbm4b:s8+s24], $0x50, $0x38;
	[tilespmem:$0x1E800] =	vst v63  }
0x11a: {  	s31 =	simm.s32 $0xA  }
0x11b: {  	[tilespmem:s29], [sflag:$0xC] =	stream.indirect.gather [hbm4b:s4+s12], $0x80, s13, s12, $0xb8;
	[tilespmem:$0x1E800] =	vst v63  }
0x11c: {  	s2 =	simm.s32 $0xB;
	s25 =	simm.s32 $0xD;
	_ =	swait.ge [sflag:s22], $0x2800  }
0x11d: {  	s23 =	simm.s32 $0xC;
	s7 =	simm.s32 $0x50;
	[sflag:s22] =	ssyncset.done $0x0  }
.LBB2_4:
0x11e: {  	[sflag:s22] =	ssyncadd.s32 $0xFFFFD800;
	s10 =	simm.s32 $0x14600  }
0x11f: {  	[spmem:s1] =	stream.indirect.scatter.add.f32 [tilespmem:s18], [sflag:$0xD], $0x80, s10, s12, $0xb8;
	[tilespmem:$0x1E800] =	vst v63  }
0x120: {  	_ =	swait.ge [sflag:s9], $0x50  }
0x121: {  	[sflag:s9] =	ssyncset.done $0x0  }
0x122: {  	[sflag:s9] =	ssyncadd.s32 $0xFFFFFFB0  }
0x123: {  	s8 =	smov.u32 s7;
	_ =	swait.ge [sflag:s9], $0x50  }
0x124: {  	p1 =	seq.s32 s8, $0x0;
	[sflag:s9] =	ssyncset.done $0x0  }
0x125: {  	s14 =	simm.s32 @!p1 $0xD;
	[sflag:s9] =	ssyncadd.s32 $0xFFFFFFB0  }
0x126: {  	_ =	swait.ge @!p1 [sflag:s14], $0x2800  }
0x127: {  	s16 =	simm.s32 $0x14200;
	s17 =	rddreg [dreg:$0x13];
	[sflag:s14] =	ssyncset.done @!p1 $0x0  }
0x128: {  	s20 =	rddreg [dreg:$0x12];
	[sflag:s14] =	ssyncadd.s32 @!p1 $0xFFFFD800;
	s26 =	sadd.s32 s8, s17  }
0x129: {  	[tilespmem:s16], [sflag:$0x5] =	stream.linear.gather [hbm4b:s26+s3], $0x50, $0x38;
	[tilespmem:$0x1E800] =	vst v63  }
0x12a: {  	s28 =	sadd.s32 s8, s20  }
0x12b: {  	[tilespmem:s10], [sflag:$0x5] =	stream.linear.gather [hbm4b:s28+s3], $0x50, $0x38;
	[tilespmem:$0x1E800] =	vst v63  }
0x12c: {  	s14 =	simm.s32 @p1 $0x2  }
0x12d: {  	[tilespmem:s18], [sflag:$0x9] =	stream.indirect.gather [hbm4b:s4+s12], $0x80, s11, s12, $0xb8;
	[tilespmem:$0x1E800] =	vst v63  }
0x12e: {  	_ =	swait.ge @p1 [sflag:s14], $0x50  }
0x12f: {  	[sflag:s14] =	ssyncset.done @p1 $0x0  }
0x130: {  	[sflag:s14] =	ssyncadd.s32 @p1 $0xFFFFFFB0  }
0x131: {  	_ =	swait.ge @p1 [sflag:s14], $0x50  }
0x132: {  	[sflag:s14] =	ssyncset.done @p1 $0x0  }
0x133: {  	[sflag:s14] =	ssyncadd.s32 @p1 $0xFFFFFFB0;
	s14 =	simm.s32 @!p1 $0xA  }
0x134: {  	_ =	swait.ge @!p1 [sflag:s14], $0x2800  }
0x135: {  	s17 =	simm.s32 @!p1 $0x17000;
	s20 =	simm.s32 @!p1 $0x2;
	[sflag:s14] =	ssyncset.done @!p1 $0x0  }
0x136: {  	s10 =	simm.s32 @!p1 $0x14680;
	[sflag:s14] =	ssyncadd.s32 @!p1 $0xFFFFD800;
	s14 =	simm.s32 @!p1 $0x50  }
0x137: {  	[spmem:s1] =	stream.indirect.scatter.add.f32 @!p1 [tilespmem:s17], [sflag:$0xE], $0x80, s10, s14, $0xb8;
	[tilespmem:$0x1E800] =	vst v63  }
0x138: {  	_ =	swait.ge @!p1 [sflag:s20], $0x50  }
0x139: {  	[sflag:s20] =	ssyncset.done @!p1 $0x0  }
0x13a: {  	[sflag:s20] =	ssyncadd.s32 @!p1 $0xFFFFFFB0  }
0x13b: {  	_ =	swait.ge @!p1 [sflag:s20], $0x50  }
0x13c: {  	[sflag:s20] =	ssyncset.done @!p1 $0x0  }
0x13d: {  	s10 =	simm.s32 @!p1 $0xE;
	[sflag:s20] =	ssyncadd.s32 @!p1 $0xFFFFFFB0  }
0x13e: {  	_ =	swait.ge @!p1 [sflag:s10], $0x2800  }
0x13f: {  	s24 =	simm.s32 $0x14280;
	s13 =	rddreg [dreg:$0x11];
	[sflag:s10] =	ssyncset.done @!p1 $0x0  }
0x140: {  	s15 =	rddreg [dreg:$0x10];
	[sflag:s10] =	ssyncadd.s32 @!p1 $0xFFFFD800;
	s17 =	sadd.s32 s8, s13  }
0x141: {  	[tilespmem:s24], [sflag:$0x6] =	stream.linear.gather [hbm4b:s17+s3], $0x50, $0x38;
	[tilespmem:$0x1E800] =	vst v63  }
0x142: {  	s21 =	simm.s32 $0x14680;
	s20 =	sadd.s32 s8, s15  }
0x143: {  	[tilespmem:s21], [sflag:$0x6] =	stream.linear.gather [hbm4b:s20+s3], $0x50, $0x38;
	[tilespmem:$0x1E800] =	vst v63  }
0x144: {  	s26 =	simm.s32 $0x14080;
	s10 =	simm.s32 @p1 $0x3;
	s21 =	simm.s32 $0x17000  }
0x145: {  	[tilespmem:s21], [sflag:$0xA] =	stream.indirect.gather [hbm4b:s4+s12], $0x80, s26, s12, $0xb8;
	[tilespmem:$0x1E800] =	vst v63  }
0x146: {  	_ =	swait.ge @p1 [sflag:s10], $0x50  }
0x147: {  	[sflag:s10] =	ssyncset.done @p1 $0x0  }
0x148: {  	[sflag:s10] =	ssyncadd.s32 @p1 $0xFFFFFFB0  }
0x149: {  	_ =	swait.ge @p1 [sflag:s10], $0x50  }
0x14a: {  	[sflag:s10] =	ssyncset.done @p1 $0x0  }
0x14b: {  	[sflag:s10] =	ssyncadd.s32 @p1 $0xFFFFFFB0;
	s10 =	simm.s32 @!p1 $0xB  }
0x14c: {  	_ =	swait.ge @!p1 [sflag:s10], $0x2800  }
0x14d: {  	s17 =	simm.s32 @!p1 $0x3;
	[sflag:s10] =	ssyncset.done @!p1 $0x0  }
0x14e: {  	s20 =	simm.s32 @!p1 $0x19800;
	[sflag:s10] =	ssyncadd.s32 @!p1 $0xFFFFD800;
	s10 =	simm.s32 @!p1 $0x14700  }
0x14f: {  	[spmem:s1] =	stream.indirect.scatter.add.f32 @!p1 [tilespmem:s20], [sflag:$0xF], $0x80, s10, s14, $0xb8;
	[tilespmem:$0x1E800] =	vst v63  }
0x150: {  	_ =	swait.ge @!p1 [sflag:s17], $0x50  }
0x151: {  	[sflag:s17] =	ssyncset.done @!p1 $0x0  }
0x152: {  	[sflag:s17] =	ssyncadd.s32 @!p1 $0xFFFFFFB0  }
0x153: {  	_ =	swait.ge @!p1 [sflag:s17], $0x50  }
0x154: {  	[sflag:s17] =	ssyncset.done @!p1 $0x0  }
0x155: {  	s10 =	simm.s32 @!p1 $0xF;
	[sflag:s17] =	ssyncadd.s32 @!p1 $0xFFFFFFB0  }
0x156: {  	_ =	swait.ge @!p1 [sflag:s10], $0x2800  }
0x157: {  	s13 =	simm.s32 $0x14300;
	s28 =	rddreg [dreg:$0xf];
	[sflag:s10] =	ssyncset.done @!p1 $0x0  }
0x158: {  	s11 =	rddreg [dreg:$0xe];
	[sflag:s10] =	ssyncadd.s32 @!p1 $0xFFFFD800;
	s15 =	sadd.s32 s8, s28  }
0x159: {  	[tilespmem:s13], [sflag:$0x7] =	stream.linear.gather [hbm4b:s15+s3], $0x50, $0x38;
	[tilespmem:$0x1E800] =	vst v63  }
0x15a: {  	s20 =	simm.s32 $0x14700;
	s17 =	sadd.s32 s8, s11  }
0x15b: {  	[tilespmem:s20], [sflag:$0x7] =	stream.linear.gather [hbm4b:s17+s3], $0x50, $0x38;
	[tilespmem:$0x1E800] =	vst v63  }
0x15c: {  	s26 =	simm.s32 $0x14100;
	s10 =	simm.s32 @p1 $0x4;
	s15 =	simm.s32 $0x19800  }
0x15d: {  	[tilespmem:s15], [sflag:$0xB] =	stream.indirect.gather [hbm4b:s4+s12], $0x80, s26, s12, $0xb8;
	[tilespmem:$0x1E800] =	vst v63  }
0x15e: {  	_ =	swait.ge @p1 [sflag:s10], $0x50  }
0x15f: {  	[sflag:s10] =	ssyncset.done @p1 $0x0  }
0x160: {  	[sflag:s10] =	ssyncadd.s32 @p1 $0xFFFFFFB0  }
0x161: {  	_ =	swait.ge @p1 [sflag:s10], $0x50  }
0x162: {  	[sflag:s10] =	ssyncset.done @p1 $0x0  }
0x163: {  	[sflag:s10] =	ssyncadd.s32 @p1 $0xFFFFFFB0;
	s10 =	simm.s32 @!p1 $0xC  }
0x164: {  	_ =	swait.ge @!p1 [sflag:s10], $0x2800  }
0x165: {  	s17 =	simm.s32 @!p1 $0x4;
	[sflag:s10] =	ssyncset.done @!p1 $0x0  }
0x166: {  	s20 =	simm.s32 @!p1 $0x1C000;
	[sflag:s10] =	ssyncadd.s32 @!p1 $0xFFFFD800;
	s10 =	simm.s32 @!p1 $0x14780  }
0x167: {  	[spmem:s1] =	stream.indirect.scatter.add.f32 @!p1 [tilespmem:s20], [sflag:$0x10], $0x80, s10, s14, $0xb8;
	[tilespmem:$0x1E800] =	vst v63  }
0x168: {  	_ =	swait.ge @!p1 [sflag:s17], $0x50  }
0x169: {  	[sflag:s17] =	ssyncset.done @!p1 $0x0  }
0x16a: {  	[sflag:s17] =	ssyncadd.s32 @!p1 $0xFFFFFFB0  }
0x16b: {  	_ =	swait.ge @!p1 [sflag:s17], $0x50  }
0x16c: {  	[sflag:s17] =	ssyncset.done @!p1 $0x0  }
0x16d: {  	s10 =	simm.s32 @!p1 $0x10;
	[sflag:s17] =	ssyncadd.s32 @!p1 $0xFFFFFFB0  }
0x16e: {  	_ =	swait.ge @!p1 [sflag:s10], $0x2800  }
0x16f: {  	s26 =	simm.s32 $0x14380;
	s28 =	rddreg [dreg:$0xd];
	[sflag:s10] =	ssyncset.done @!p1 $0x0  }
0x170: {  	s11 =	rddreg [dreg:$0xc];
	[sflag:s10] =	ssyncadd.s32 @!p1 $0xFFFFD800;
	s14 =	sadd.s32 s8, s28  }
0x171: {  	[tilespmem:s26], [sflag:$0x8] =	stream.linear.gather [hbm4b:s14+s3], $0x50, $0x38;
	[tilespmem:$0x1E800] =	vst v63  }
0x172: {  	s20 =	sadd.s32 s8, s11;
	s28 =	simm.s32 $0x14780  }
0x173: {  	[tilespmem:s28], [sflag:$0x8] =	stream.linear.gather [hbm4b:s20+s3], $0x50, $0x38;
	[tilespmem:$0x1E800] =	vst v63  }
0x174: {  	s14 =	simm.s32 $0x14180;
	s28 =	simm.s32 $0x1C000  }
0x175: {  	[tilespmem:s28], [sflag:$0xC] =	stream.indirect.gather [hbm4b:s4+s12], $0x80, s14, s12, $0xb8;
	[tilespmem:$0x1E800] =	vst v63  }
0x176: {  	_ =	swait.ge [sflag:s22], $0x2800  }
0x177: {  	[sflag:s22] =	ssyncset.done $0x0  }
0x178: {  	s17 =	simm.s32 $0x14400;
	[sflag:s22] =	ssyncadd.s32 $0xFFFFD800  }
0x179: {  	[spmem:s1] =	stream.indirect.scatter.add.f32 [tilespmem:s18], [sflag:$0xD], $0x80, s17, s12, $0xb8;
	[tilespmem:$0x1E800] =	vst v63  }
0x17a: {  	_ =	swait.ge [sflag:s5], $0x50  }
0x17b: {  	[sflag:s5] =	ssyncset.done $0x0  }
0x17c: {  	[sflag:s5] =	ssyncadd.s32 $0xFFFFFFB0  }
0x17d: {  	_ =	swait.ge [sflag:s5], $0x50  }
0x17e: {  	[sflag:s5] =	ssyncset.done $0x0  }
0x17f: {  	p1 =	seq.s32 s8, $0x4B0;
	[sflag:s5] =	ssyncadd.s32 $0xFFFFFFB0  }
0x180: {  	s20 =	simm.s32 @!p1 $0x14000;
	_ =	swait.ge [sflag:s25], $0x2800  }
0x181: {  	s14 =	simm.s32 @!p1 $0x0;
	s10 =	rddreg [dreg:$0xb];
	[sflag:s25] =	ssyncset.done $0x0  }
0x182: {  	s17 =	rddreg [dreg:$0xa];
	[sflag:s25] =	ssyncadd.s32 $0xFFFFD800;
	s10 =	sadd.s32 @!p1 s8, s10  }
0x183: {  	[tilespmem:s20], [sflag:$0x1] =	stream.linear.gather @!p1 [hbm4b:s10+s14], $0x50, $0x38;
	[tilespmem:$0x1E800] =	vst v63  }
0x184: {  	s11 =	simm.s32 @!p1 $0x14400;
	s10 =	sadd.s32 @!p1 s8, s17  }
0x185: {  	[tilespmem:s11], [sflag:$0x1] =	stream.linear.gather @!p1 [hbm4b:s10+s14], $0x50, $0x38;
	[tilespmem:$0x1E800] =	vst v63  }
0x186: {  	_ = 	snop  }
0x187: {  	[tilespmem:s18], [sflag:$0x9] =	stream.indirect.gather [hbm4b:s4+s12], $0x80, s16, s12, $0xb8;
	[tilespmem:$0x1E800] =	vst v63  }
0x188: {  	_ =	swait.ge [sflag:s31], $0x2800  }
0x189: {  	[sflag:s31] =	ssyncset.done $0x0  }
0x18a: {  	s20 =	simm.s32 $0x14480;
	[sflag:s31] =	ssyncadd.s32 $0xFFFFD800  }
0x18b: {  	[spmem:s1] =	stream.indirect.scatter.add.f32 [tilespmem:s21], [sflag:$0xE], $0x80, s20, s12, $0xb8;
	[tilespmem:$0x1E800] =	vst v63  }
0x18c: {  	_ =	swait.ge [sflag:s30], $0x50  }
0x18d: {  	[sflag:s30] =	ssyncset.done $0x0  }
0x18e: {  	[sflag:s30] =	ssyncadd.s32 $0xFFFFFFB0  }
0x18f: {  	_ =	swait.ge [sflag:s30], $0x50  }
0x190: {  	[sflag:s30] =	ssyncset.done $0x0  }
0x191: {  	s16 =	simm.s32 $0xE;
	[sflag:s30] =	ssyncadd.s32 $0xFFFFFFB0  }
0x192: {  	_ =	swait.ge [sflag:s16], $0x2800  }
0x193: {  	s17 =	simm.s32 @!p1 $0x14080;
	s10 =	rddreg [dreg:$0x9];
	[sflag:s16] =	ssyncset.done $0x0  }
0x194: {  	s11 =	rddreg [dreg:$0x8];
	[sflag:s16] =	ssyncadd.s32 $0xFFFFD800;
	s10 =	sadd.s32 @!p1 s8, s10  }
0x195: {  	[tilespmem:s17], [sflag:$0x2] =	stream.linear.gather @!p1 [hbm4b:s10+s14], $0x50, $0x38;
	[tilespmem:$0x1E800] =	vst v63  }
0x196: {  	s20 =	simm.s32 @!p1 $0x14480;
	s10 =	sadd.s32 @!p1 s8, s11  }
0x197: {  	[tilespmem:s20], [sflag:$0x2] =	stream.linear.gather @!p1 [hbm4b:s10+s14], $0x50, $0x38;
	[tilespmem:$0x1E800] =	vst v63  }
0x198: {  	_ = 	snop  }
0x199: {  	[tilespmem:s21], [sflag:$0xA] =	stream.indirect.gather [hbm4b:s4+s12], $0x80, s24, s12, $0xb8;
	[tilespmem:$0x1E800] =	vst v63  }
0x19a: {  	_ =	swait.ge [sflag:s2], $0x2800  }
0x19b: {  	[sflag:s2] =	ssyncset.done $0x0  }
0x19c: {  	s21 =	simm.s32 $0x14500;
	[sflag:s2] =	ssyncadd.s32 $0xFFFFD800  }
0x19d: {  	[spmem:s1] =	stream.indirect.scatter.add.f32 [tilespmem:s15], [sflag:$0xF], $0x80, s21, s12, $0xb8;
	[tilespmem:$0x1E800] =	vst v63  }
0x19e: {  	_ =	swait.ge [sflag:s0], $0x50  }
0x19f: {  	[sflag:s0] =	ssyncset.done $0x0  }
0x1a0: {  	[sflag:s0] =	ssyncadd.s32 $0xFFFFFFB0  }
0x1a1: {  	_ =	swait.ge [sflag:s0], $0x50  }
0x1a2: {  	[sflag:s0] =	ssyncset.done $0x0  }
0x1a3: {  	s24 =	simm.s32 $0xF;
	[sflag:s0] =	ssyncadd.s32 $0xFFFFFFB0  }
0x1a4: {  	_ =	swait.ge [sflag:s24], $0x2800  }
0x1a5: {  	s17 =	simm.s32 @!p1 $0x14100;
	s10 =	rddreg [dreg:$0x7];
	[sflag:s24] =	ssyncset.done $0x0  }
0x1a6: {  	s11 =	rddreg [dreg:$0x6];
	[sflag:s24] =	ssyncadd.s32 $0xFFFFD800;
	s10 =	sadd.s32 @!p1 s8, s10  }
0x1a7: {  	[tilespmem:s17], [sflag:$0x3] =	stream.linear.gather @!p1 [hbm4b:s10+s14], $0x50, $0x38;
	[tilespmem:$0x1E800] =	vst v63  }
0x1a8: {  	s20 =	simm.s32 @!p1 $0x14500;
	s10 =	sadd.s32 @!p1 s8, s11  }
0x1a9: {  	[tilespmem:s20], [sflag:$0x3] =	stream.linear.gather @!p1 [hbm4b:s10+s14], $0x50, $0x38;
	[tilespmem:$0x1E800] =	vst v63  }
0x1aa: {  	_ = 	snop  }
0x1ab: {  	[tilespmem:s15], [sflag:$0xB] =	stream.indirect.gather [hbm4b:s4+s12], $0x80, s13, s12, $0xb8;
	[tilespmem:$0x1E800] =	vst v63  }
0x1ac: {  	_ =	swait.ge [sflag:s23], $0x2800  }
0x1ad: {  	[sflag:s23] =	ssyncset.done $0x0  }
0x1ae: {  	s20 =	simm.s32 $0x14580;
	[sflag:s23] =	ssyncadd.s32 $0xFFFFD800  }
0x1af: {  	[spmem:s1] =	stream.indirect.scatter.add.f32 [tilespmem:s28], [sflag:$0x10], $0x80, s20, s12, $0xb8;
	[tilespmem:$0x1E800] =	vst v63  }
0x1b0: {  	_ =	swait.ge [sflag:s6], $0x50  }
0x1b1: {  	[sflag:s6] =	ssyncset.done $0x0  }
0x1b2: {  	[sflag:s6] =	ssyncadd.s32 $0xFFFFFFB0  }
0x1b3: {  	_ =	swait.ge [sflag:s6], $0x50  }
0x1b4: {  	[sflag:s6] =	ssyncset.done $0x0  }
0x1b5: {  	s24 =	simm.s32 $0x10;
	[sflag:s6] =	ssyncadd.s32 $0xFFFFFFB0  }
0x1b6: {  	s7 =	sadd.s32 $0x50, s7;
	_ =	swait.ge [sflag:s24], $0x2800  }
0x1b7: {  	s17 =	simm.s32 @!p1 $0x14180;
	s10 =	rddreg [dreg:$0x5];
	[sflag:s24] =	ssyncset.done $0x0  }
0x1b8: {  	s11 =	rddreg [dreg:$0x4];
	[sflag:s24] =	ssyncadd.s32 $0xFFFFD800;
	s10 =	sadd.s32 @!p1 s8, s10  }
0x1b9: {  	[tilespmem:s17], [sflag:$0x4] =	stream.linear.gather @!p1 [hbm4b:s10+s14], $0x50, $0x38;
	[tilespmem:$0x1E800] =	vst v63  }
0x1ba: {  	p0 =	sne.s32 s7, $0x500;
	s20 =	simm.s32 @!p1 $0x14580;
	s8 =	sadd.s32 @!p1 s8, s11  }
0x1bb: {  	[tilespmem:s20], [sflag:$0x4] =	stream.linear.gather @!p1 [hbm4b:s8+s14], $0x50, $0x38;
	[tilespmem:$0x1E800] =	vst v63  }
.Ltmp1:
0x1bc: {  	_ = 	snop;
	(pc) =	sbr.rel @p0 .LBB2_4-.Ltmp1, $4  }
0x1bd: {  	s19 =	simm.s32 $0x14600  }
0x1be: {  	[tilespmem:s28], [sflag:$0xC] =	stream.indirect.gather [hbm4b:s4+s12], $0x80, s26, s12, $0xb8;
	[tilespmem:$0x1E800] =	vst v63  }
0x1bf: {  	s29 =	simm.s32 $0x17000;
	s21 =	simm.s32 $0x19800;
	_ =	swait.ge [sflag:s22], $0x2800  }
0x1c0: {  	s11 =	simm.s32 $0x14000;
	s8 =	simm.s32 $0x1C000;
	[sflag:s22] =	ssyncset.done $0x0  }
0x1c1: {  	[sflag:s22] =	ssyncadd.s32 $0xFFFFD800  }
0x1c2: {  	[spmem:s1] =	stream.indirect.scatter.add.f32 [tilespmem:s18], [sflag:$0xD], $0x80, s19, s12, $0xb8;
	[tilespmem:$0x1E800] =	vst v63  }
0x1c3: {  	_ =	swait.ge [sflag:s31], $0x2800  }
0x1c4: {  	[sflag:s31] =	ssyncset.done $0x0  }
0x1c5: {  	s7 =	simm.s32 $0x14680;
	[sflag:s31] =	ssyncadd.s32 $0xFFFFD800  }
0x1c6: {  	[spmem:s1] =	stream.indirect.scatter.add.f32 [tilespmem:s29], [sflag:$0xE], $0x80, s7, s12, $0xb8;
	[tilespmem:$0x1E800] =	vst v63  }
0x1c7: {  	_ =	swait.ge [sflag:s2], $0x2800  }
0x1c8: {  	[sflag:s2] =	ssyncset.done $0x0  }
0x1c9: {  	s20 =	simm.s32 $0x14700;
	[sflag:s2] =	ssyncadd.s32 $0xFFFFD800  }
0x1ca: {  	[spmem:s1] =	stream.indirect.scatter.add.f32 [tilespmem:s21], [sflag:$0xF], $0x80, s20, s12, $0xb8;
	[tilespmem:$0x1E800] =	vst v63  }
0x1cb: {  	_ =	swait.ge [sflag:s23], $0x2800  }
0x1cc: {  	[sflag:s23] =	ssyncset.done $0x0  }
0x1cd: {  	[sflag:s23] =	ssyncadd.s32 $0xFFFFD800;
	s23 =	simm.s32 $0x14780  }
0x1ce: {  	[spmem:s1] =	stream.indirect.scatter.add.f32 [tilespmem:s8], [sflag:$0x10], $0x80, s23, s12, $0xb8;
	[tilespmem:$0x1E800] =	vst v63  }
0x1cf: {  	_ =	swait.ge [sflag:s25], $0x2800  }
0x1d0: {  	[sflag:s25] =	ssyncset.done $0x0  }
0x1d1: {  	[sflag:s25] =	ssyncadd.s32 $0xFFFFD800  }
0x1d2: {  	_ =	swait.ge [sflag:s16], $0x2800  }
0x1d3: {  	[sflag:s16] =	ssyncset.done $0x0  }
0x1d4: {  	s24 =	simm.s32 $0xF;
	[sflag:s16] =	ssyncadd.s32 $0xFFFFD800  }
0x1d5: {  	_ =	swait.ge [sflag:s24], $0x2800  }
0x1d6: {  	[sflag:s24] =	ssyncset.done $0x0  }
0x1d7: {  	s25 =	simm.s32 $0x10;
	[sflag:s24] =	ssyncadd.s32 $0xFFFFD800  }
0x1d8: {  	_ =	swait.ge [sflag:s25], $0x2800  }
0x1d9: {  	[sflag:s25] =	ssyncset.done $0x0  }
0x1da: {  	[sflag:s25] =	ssyncadd.s32 $0xFFFFD800  }
0x1db: {  	[bflag:$0x0] =	sbarrier.arrive $0xFFFF  }
0x1dc: {  	s26 =	stileid.u32;
	s10 =	sld [smem:$0x7FC]  }
0x1dd: {  	s7 =	sshll.u32 s26, $0x6;
	s14 =	rddreg [dreg:$0x14]  }
0x1de: {  	s29 =	simm.s32 $0x11;
	s7 =	sor.u32 $0x1C11, s7;
	s28 =	sshrl.u32 s14, $0x3  }
0x1df: {  	[hbm:s10], [sflag:s7] =	dma.local [spmem:s28], $0x2800  }
0x1e0: {  	_ =	swait.ge [sflag:s29], $0x2800  }
0x1e1: {  	s13 =	sld [smem:$0x7F7]  }
0x1e2: {  	s31 =	sld [smem:$0x7FD];
	_ =	sdelay $0x1  }
0x1e3: {  	s13 =	sadd.s32 $0x1, s13  }
0x1e4: {  	p0 =	sne.s32 s13, s31  }
.Ltmp2:
0x1e5: {  	_ = 	snop;
	(pc) =	sbr.rel @p0 .LBB2_1-.Ltmp2, $4  }
0x1e6: {  	s17 =	simm.s32 $0x14080;
	s15 =	simm.s32 $0x10;
	s18 =	simm.s32 $0x14800  }
0x1e7: {  	s26 =	simm.s32 $0xA;
	s2 =	simm.s32 $0xB;
	s20 =	simm.s32 $0x14480  }
0x1e8: {  	s23 =	simm.s32 $0xC;
	s24 =	simm.s32 $0xD;
	[sflag:s29] =	ssyncset.done $0x0  }
0x1e9: {  	s25 =	simm.s32 $0xF;
	s10 =	simm.s32 $0x14400;
	[sflag:s29] =	ssyncadd.s32 $0xFFFFD800  }
0x1ea: {  	_ =	sfence.sel $0x180000  }
0x1eb: {  	[bflag:$0x0] =	sbarrier.arrive $0xFFFF  }
0x1ec: {  	_ =	strace $0x90000050  }
0x1ed: {  	s0 =	stileid.u32;
	[bflag:$0x2] =	sbarrier.arrive $0xFFFF  }
0x1ee: {  	p0 =	sne.s32 s0, $0x0;
	s0 =	rddreg [dreg:$0x3]  }
0x1ef: {  	s0 =	sadd.s32 @!p0 $0x100000, s0  }
0x1f0: {  	[sflag:s0] =	ssyncadd.tile.s32 @!p0 $0x1;
	_ =	shalt  }
.Lfunc_end2:
_tile_overlayer_lowered:
.L_overlay_start_2:
0x1f1: {  	(tag) =	ssettag $0x2  }
0x1f2: {  	s0 =	rddreg [dreg:$0x0];
	s2 =	stileid.u32  }
0x1f3: {  	s1 =	rddreg [dreg:$0x1];
	p0 =	sne.s32 s2, $0x0  }
0x1f4: {  	s3 =	rddreg [dreg:$0x2];
	[bflag:$0x3] =	sbarrier.arrive $0xFFFF;
	s2 =	simm.s32 @!p0 $0x1C11  }
0x1f5: {  	[timem:s3], [sflag:s2] =	dma.local @!p0 [hbm:s0], s1  }
0x1f6: {  	s0 =	simm.s32 @!p0 $0x11  }
0x1f7: {  	_ =	swait.ge @!p0 [sflag:s0], s1  }
0x1f8: {  	s1 =	ssub.s32 @!p0 $0x0, s1;
	[sflag:s0] =	ssyncset.done @!p0 $0x0  }
0x1f9: {  	[sflag:s0] =	ssyncadd.s32 @!p0 s1  }
0x1fa: {  	[bflag:$0x3] =	sbarrier.arrive $0xFFFF  }
0x1fb: {  	_ =	shalt  }

</sc_bundles>
